<compile_context>
chip_gen: v7x
topology: tpu7x:2x2x1
jax: 0.10.2.dev20260603
libtpu: 0.0.44.dev20260713+nightly
codegen_flags: <defaults>
</compile_context>

<pallas_src>
import functools

import jax
import jax.numpy as jnp
from jax import lax
from jax.experimental import pallas as pl
from jax.experimental.pallas import tpu as pltpu
from jax.experimental.pallas import tpu_sc as plsc

_TRIM = 0.2

_ROWS = 8
_SC_ROWS = 32
_N = 512 * 512
_K_TRIM = int((1.0 - _TRIM) * _N)
_CH = 32768


def _tree_sum(x):
    ones8 = jnp.full((8, x.shape[0]), 0.125, jnp.float32)
    partial = jax.lax.dot_general(
        ones8, x, (((1,), (0,)), ((), ())),
        preferred_element_type=jnp.float32,
    )
    return jnp.sum(partial)


def _row_kernel(pred_ref, tgt_ref, out_ref, acc_ref):
    b = pl.program_id(0)
    nb = pl.num_programs(0)
    h = pred_ref.shape[1]
    w = pred_ref.shape[2]
    n = h * w

    @pl.when(b == 0)
    def _init():
        acc_ref[0] = 0.0

    loss_sum = acc_ref[0]
    for r in range(_ROWS):
        tgt = tgt_ref[r]

        cnt_neg = _tree_sum((tgt <= 0).astype(jnp.float32)).astype(jnp.int32)
        idx = jnp.minimum(cnt_neg + int((1.0 - _TRIM) * n), n - 1)

        base = pl.multiple_of((idx // w) & ~7, 8)
        p8 = pred_ref[r, pl.ds(base, 8), :]
        t8 = tgt_ref[r, pl.ds(base, 8), :]
        r8 = jnp.where(t8 > 0, jnp.abs(p8 - t8), jnp.zeros_like(p8))
        fl8 = (
            jax.lax.broadcasted_iota(jnp.int32, (8, w), 0) * w
            + jax.lax.broadcasted_iota(jnp.int32, (8, w), 1)
        )
        thr = jnp.sum(jnp.where(fl8 == idx - base * w, r8, jnp.zeros_like(r8)))

        pred = pred_ref[r]
        d = jnp.abs(pred - tgt)
        keep = jnp.logical_and(tgt > 0, d <= thr)
        s = _tree_sum(jnp.where(keep, d, jnp.zeros_like(d)))

        cnt_pos = n - cnt_neg
        valid = cnt_pos > 0
        denom = jnp.where(valid, 2 * cnt_pos, 1).astype(jnp.float32)
        loss_sum = loss_sum + jnp.where(valid, s / denom, 0.0)

    acc_ref[0] = loss_sum

    @pl.when(b == nb - 1)
    def _fin():
        out_ref[0] = loss_sum


def _tc_call(prediction, target, tc_rows):
    B, H, W = prediction.shape
    return pl.pallas_call(
        _row_kernel,
        grid=(tc_rows // _ROWS,),
        in_specs=[
            pl.BlockSpec((_ROWS, H, W), lambda b: (b, 0, 0)),
            pl.BlockSpec((_ROWS, H, W), lambda b: (b, 0, 0)),
        ],
        out_specs=pl.BlockSpec(memory_space=pltpu.SMEM),
        out_shape=jax.ShapeDtypeStruct((1,), jnp.float32),
        scratch_shapes=[pltpu.SMEM((1,), jnp.float32)],
    )(prediction, target)


def _sc_chunk_pass(buf_loads, n_vec, op):
    zero = jnp.zeros((16,), jnp.float32)

    def body(i, accs):
        base = pl.multiple_of(i * 64, 64)
        out = []
        for u in range(4):
            vals = [ld(pl.ds(base + u * 16, 16)) for ld in buf_loads]
            out.append(accs[u] + op(*vals))
        return tuple(out)

    accs = lax.fori_loop(0, n_vec // 4, body, (zero, zero, zero, zero))
    return accs[0] + accs[1] + accs[2] + accs[3]


def _lane_sum(vec, scratch):
    del scratch
    tot = vec[0]
    for i in range(1, 16):
        tot = tot + vec[i]
    return tot


def _sc_body(pred_hbm, tgt_hbm, out_hbm, tbuf, pbuf, obuf):
    cid = lax.axis_index("c")
    sid = lax.axis_index("s")
    wid = sid * 2 + cid
    row_off = (64 - _SC_ROWS + wid) * _N

    cnt16 = jnp.zeros((16,), jnp.float32)
    for c in range(_N // _CH):
        pltpu.sync_copy(tgt_hbm.at[pl.ds(row_off + c * _CH, _CH)], tbuf)
        cnt16 = cnt16 + _sc_chunk_pass(
            [lambda s: tbuf[s]],
            _CH // 16,
            lambda t: jnp.where(t <= 0.0, 1.0, 0.0).astype(jnp.float32),
        )
    cnt_neg = _lane_sum(cnt16, obuf).astype(jnp.int32)
    idx = jnp.minimum(cnt_neg + _K_TRIM, _N - 1)

    aligned = pl.multiple_of((row_off + idx) & ~15, 8)
    pltpu.sync_copy(pred_hbm.at[pl.ds(aligned, 16)], pbuf.at[pl.ds(0, 16)])
    pltpu.sync_copy(tgt_hbm.at[pl.ds(aligned, 16)], tbuf.at[pl.ds(0, 16)])
    p16 = pbuf[pl.ds(0, 16)]
    t16 = tbuf[pl.ds(0, 16)]
    d16 = jnp.where(t16 > 0.0, jnp.abs(p16 - t16), jnp.zeros_like(p16))
    lane = lax.iota(jnp.int32, 16)
    off = (row_off + idx) - aligned
    thr = _lane_sum(jnp.where(lane == off, d16, jnp.zeros_like(d16)), obuf)

    s16 = jnp.zeros((16,), jnp.float32)

    def keep_op(p, t):
        d = jnp.abs(p - t)
        k = jnp.logical_and(t > 0.0, d <= thr)
        return jnp.where(k, d, jnp.zeros_like(d))

    for c in range(_N // _CH):
        pltpu.sync_copy(pred_hbm.at[pl.ds(row_off + c * _CH, _CH)], pbuf)
        pltpu.sync_copy(tgt_hbm.at[pl.ds(row_off + c * _CH, _CH)], tbuf)
        s16 = s16 + _sc_chunk_pass(
            [lambda sl: pbuf[sl], lambda sl: tbuf[sl]], _CH // 16, keep_op
        )
    s = _lane_sum(s16, obuf)

    cnt_pos_v = jnp.zeros((16,), jnp.float32) + (_N - cnt_neg).astype(jnp.float32)
    s_v = jnp.zeros((16,), jnp.float32) + s
    denom_v = jnp.maximum(2.0 * cnt_pos_v, 1.0)
    gate_v = jnp.where(cnt_pos_v > 0.0, 1.0, 0.0).astype(jnp.float32)
    obuf[...] = (s_v / denom_v) * gate_v
    pltpu.sync_copy(obuf, out_hbm.at[pl.ds(wid * 16, 16)])


def _sc_call(pred_flat, tgt_flat):
    mesh = plsc.VectorSubcoreMesh(core_axis_name="c", subcore_axis_name="s")
    f = pl.kernel(
        _sc_body,
        mesh=mesh,
        out_type=jax.ShapeDtypeStruct((_SC_ROWS * 16,), jnp.float32),
        scratch_types=[
            pltpu.VMEM((_CH,), jnp.float32),
            pltpu.VMEM((_CH,), jnp.float32),
            pltpu.VMEM((16,), jnp.float32),
        ],
    )
    return f(pred_flat, tgt_flat)


@functools.partial(jax.jit, static_argnames=())
def kernel(prediction, target):
    B, H, W = prediction.shape
    tc_rows = B - _SC_ROWS
    tc_sum = _tc_call(prediction, target, tc_rows)[0]
    sc_out = _sc_call(prediction.reshape(-1), target.reshape(-1))
    sc_losses = sc_out.reshape(_SC_ROWS, 16)[:, 0]
    return (tc_sum + jnp.sum(sc_losses)) / B

# --- scband reference (transcript-rebuilt; emitter-appended) ---
"""Pipeline reference for scband-trimmed-maeloss-57183194579107 (READ-ONLY COPY).

The authoritative reference and input builder live on the scoring server;
editing this copy changes nothing except your own understanding.
"""

import jax, jax.numpy as jnp
import numpy as np

TRIM = 0.2

def setup_inputs(seed: int = 0) -> dict:
    key = jax.random.key(seed)
    k1, k2 = jax.random.split(key)
    prediction = jax.random.normal(k1, (64, 512, 512), dtype=jnp.float32)
    target = jax.random.normal(k2, (64, 512, 512), dtype=jnp.float32)
    return {"prediction": prediction, "target": target}

def reference(prediction, target):
    B = prediction.shape[0]
    pred = prediction.reshape(B, -1)
    tgt = target.reshape(B, -1)
    mask = tgt > 0
    # res[mask] = |pred - tgt| elsewhere 0 (matches torch masked assignment)
    res = jnp.where(mask, jnp.abs(pred - tgt), jnp.zeros_like(pred))
    # original torch code computes a full sort (result unused downstream)
    sorted_res = jnp.sort(res, axis=1)
    n = res.shape[1]
    max_index = jnp.sum(~mask, axis=1) + int((1.0 - TRIM) * n)
    max_index = jnp.where(max_index >= n, n - 1, max_index)
    max_res_per_target = res[jnp.arange(B), max_index]
    res = jnp.where(res > max_res_per_target[:, None], jnp.zeros_like(res), res)
    normalization = 2 * jnp.sum(mask, axis=1)
    valid = normalization > 0
    loss = jnp.sum(res, axis=1)
    loss = loss * valid.astype(loss.dtype)
    norm_safe = jnp.where(valid, normalization, 1).astype(loss.dtype)
    loss = jnp.where(valid, loss / norm_safe, loss)
    return jnp.mean(loss)

if __name__ == "__main__":
    import jax
    _d = setup_inputs()
    print(jax.jit(kernel)(*tuple(_d.values())))

</pallas_src>

<mosaic_0001>
#map = affine_map<(d0, d1) -> (0)>
module attributes {stable_mosaic.version = 14 : i64} {
  func.func @_sc_body(%arg0: i32, %arg1: i32, %arg2: memref<16777216xf32, #tpu.memory_space<hbm>>, %arg3: memref<16777216xf32, #tpu.memory_space<hbm>>, %arg4: memref<512xf32, #tpu.memory_space<hbm>>, %arg5: memref<32768xf32, #tpu.memory_space<vmem>>, %arg6: memref<32768xf32, #tpu.memory_space<vmem>>, %arg7: memref<16xf32, #tpu.memory_space<vmem>>) attributes {dimension_semantics = [#tpu.dimension_semantics<core_parallel>, #tpu.dimension_semantics<subcore_parallel>], iteration_bounds = array<i64: 2, 16>, scalar_prefetch = 0 : i64, scratch_operands = 3 : i64, tpu.core_type = #tpu.core_type<sc_vector_subcore>, window_params = [{transform_indices = #map}, {transform_indices = #map}, {transform_indices = #map}]} {
    %mul3A = arith.constant 2 : i32
    %mul3A_0 = arith.muli %arg1, %mul3A : i32
    %add3A = arith.addi %mul3A_0, %arg0 : i32
    %add3A_1 = arith.constant 32 : i32
    %add3A_2 = arith.addi %add3A_1, %add3A : i32
    %mul3A_3 = arith.constant 262144 : i32
    %mul3A_4 = arith.muli %add3A_2, %mul3A_3 : i32
    %broadcast_in_dim3A = arith.constant 0.000000e+00 : f32
    %broadcast_in_dim3A_5 = vector.broadcast %broadcast_in_dim3A : f32 to vector<16xf32>
    %add3A_6 = arith.constant 0 : i32
    %add3A_7 = arith.addi %mul3A_4, %add3A_6 : i32
    "tpu.region"() ({
      %run_scoped3A = tpu.sem_alloc : memref<!tpu.dma_semaphore, #tpu.memory_space<semaphore_mem>>
      %dma_start3A = tpu.memref_slice %arg3[%add3A_7] : memref<16777216xf32, #tpu.memory_space<hbm>> -> memref<32768xf32, #tpu.memory_space<hbm>>
      %dma_start3A_435 = tpu.memref_slice %arg3[%add3A_7] : memref<16777216xf32, #tpu.memory_space<hbm>> -> memref<32768xf32, #tpu.memory_space<hbm>>
      tpu.enqueue_dma source(%dma_start3A_435 : memref<32768xf32, #tpu.memory_space<hbm>>) target(%arg5 : memref<32768xf32, #tpu.memory_space<vmem>>) target_semaphore(%run_scoped3A : memref<!tpu.dma_semaphore, #tpu.memory_space<semaphore_mem>>)
      %dma_wait3A = tpu.memref_slice %arg3[%add3A_7] : memref<16777216xf32, #tpu.memory_space<hbm>> -> memref<32768xf32, #tpu.memory_space<hbm>>
      %dma_wait3A_436 = tpu.memref_slice %arg3[%add3A_7] : memref<16777216xf32, #tpu.memory_space<hbm>> -> memref<32768xf32, #tpu.memory_space<hbm>>
      tpu.wait_dma2 semaphore(%run_scoped3A : memref<!tpu.dma_semaphore, #tpu.memory_space<semaphore_mem>>) src(%dma_wait3A_436 : memref<32768xf32, #tpu.memory_space<hbm>>) dst(%arg5 : memref<32768xf32, #tpu.memory_space<vmem>>)
      tpu.yield
    }) : () -> ()
    %broadcast_in_dim3A_8 = arith.constant 0.000000e+00 : f32
    %broadcast_in_dim3A_9 = vector.broadcast %broadcast_in_dim3A_8 : f32 to vector<16xf32>
    %scan3A = arith.constant 0 : i32
    %scan3A_10 = arith.constant 512 : i32
    %scan3A_11 = arith.addi %scan3A, %scan3A_10 : i32
    %scan3A_12 = arith.constant 1 : i32
    %scan3A_13:4 = scf.for %scan3A_435 = %scan3A to %scan3A_11 step %scan3A_12 iter_args(%scan3A_436 = %broadcast_in_dim3A_9, %scan3A_437 = %broadcast_in_dim3A_9, %scan3A_438 = %broadcast_in_dim3A_9, %scan3A_439 = %broadcast_in_dim3A_9) -> (vector<16xf32>, vector<16xf32>, vector<16xf32>, vector<16xf32>)  : i32 {
      %mul3A_440 = arith.constant 64 : i32
      %mul3A_441 = arith.muli %scan3A_435, %mul3A_440 : i32
      %multiple_of3A_442 = tpu.assume_multiple %mul3A_441, 64 : i32
      %add3A_443 = arith.constant 0 : i32
      %add3A_444 = arith.addi %multiple_of3A_442, %add3A_443 : i32
      %get3A_445 = arith.index_cast %add3A_444 : i32 to index
      %get3A_446 = tpu.vector_load %arg5[%get3A_445] {strides = array<i32>} : memref<32768xf32, #tpu.memory_space<vmem>>, vector<16xf32>,
      %get3A_447 = vector.shape_cast %get3A_446 : vector<16xf32> to vector<16xf32>
      %le3A = arith.constant 0.000000e+00 : f32
      %le3A_448 = vector.broadcast %le3A : f32 to vector<16xf32>
      %le3A_449 = arith.cmpf ole, %get3A_447, %le3A_448 : vector<16xf32>
      %jit3A_450 = arith.constant 1.000000e+00 : f32
      %jit3A_451 = arith.constant 0.000000e+00 : f32
      %broadcast_in_dim3A_452 = vector.broadcast %jit3A_450 : f32 to vector<16xf32>
      %broadcast_in_dim3A_453 = vector.broadcast %jit3A_451 : f32 to vector<16xf32>
      %select_n3A_454 = arith.select %le3A_449, %broadcast_in_dim3A_452, %broadcast_in_dim3A_453 : vector<16xi1>, vector<16xf32>
      %add3A_455 = arith.addf %scan3A_436, %select_n3A_454 : vector<16xf32>
      %add3A_456 = arith.constant 16 : i32
      %add3A_457 = arith.addi %multiple_of3A_442, %add3A_456 : i32
      %get3A_458 = arith.index_cast %add3A_457 : i32 to index
      %get3A_459 = tpu.vector_load %arg5[%get3A_458] {strides = array<i32>} : memref<32768xf32, #tpu.memory_space<vmem>>, vector<16xf32>,
      %get3A_460 = vector.shape_cast %get3A_459 : vector<16xf32> to vector<16xf32>
      %le3A_461 = arith.constant 0.000000e+00 : f32
      %le3A_462 = vector.broadcast %le3A_461 : f32 to vector<16xf32>
      %le3A_463 = arith.cmpf ole, %get3A_460, %le3A_462 : vector<16xf32>
      %jit3A_464 = arith.constant 1.000000e+00 : f32
      %jit3A_465 = arith.constant 0.000000e+00 : f32
      %broadcast_in_dim3A_466 = vector.broadcast %jit3A_464 : f32 to vector<16xf32>
      %broadcast_in_dim3A_467 = vector.broadcast %jit3A_465 : f32 to vector<16xf32>
      %select_n3A_468 = arith.select %le3A_463, %broadcast_in_dim3A_466, %broadcast_in_dim3A_467 : vector<16xi1>, vector<16xf32>
      %add3A_469 = arith.addf %scan3A_437, %select_n3A_468 : vector<16xf32>
      %add3A_470 = arith.constant 32 : i32
      %add3A_471 = arith.addi %multiple_of3A_442, %add3A_470 : i32
      %get3A_472 = arith.index_cast %add3A_471 : i32 to index
      %get3A_473 = tpu.vector_load %arg5[%get3A_472] {strides = array<i32>} : memref<32768xf32, #tpu.memory_space<vmem>>, vector<16xf32>,
      %get3A_474 = vector.shape_cast %get3A_473 : vector<16xf32> to vector<16xf32>
      %le3A_475 = arith.constant 0.000000e+00 : f32
      %le3A_476 = vector.broadcast %le3A_475 : f32 to vector<16xf32>
      %le3A_477 = arith.cmpf ole, %get3A_474, %le3A_476 : vector<16xf32>
      %jit3A_478 = arith.constant 1.000000e+00 : f32
      %jit3A_479 = arith.constant 0.000000e+00 : f32
      %broadcast_in_dim3A_480 = vector.broadcast %jit3A_478 : f32 to vector<16xf32>
      %broadcast_in_dim3A_481 = vector.broadcast %jit3A_479 : f32 to vector<16xf32>
      %select_n3A_482 = arith.select %le3A_477, %broadcast_in_dim3A_480, %broadcast_in_dim3A_481 : vector<16xi1>, vector<16xf32>
      %add3A_483 = arith.addf %scan3A_438, %select_n3A_482 : vector<16xf32>
      %add3A_484 = arith.constant 48 : i32
      %add3A_485 = arith.addi %multiple_of3A_442, %add3A_484 : i32
      %get3A_486 = arith.index_cast %add3A_485 : i32 to index
      %get3A_487 = tpu.vector_load %arg5[%get3A_486] {strides = array<i32>} : memref<32768xf32, #tpu.memory_space<vmem>>, vector<16xf32>,
      %get3A_488 = vector.shape_cast %get3A_487 : vector<16xf32> to vector<16xf32>
      %le3A_489 = arith.constant 0.000000e+00 : f32
      %le3A_490 = vector.broadcast %le3A_489 : f32 to vector<16xf32>
      %le3A_491 = arith.cmpf ole, %get3A_488, %le3A_490 : vector<16xf32>
      %jit3A_492 = arith.constant 1.000000e+00 : f32
      %jit3A_493 = arith.constant 0.000000e+00 : f32
      %broadcast_in_dim3A_494 = vector.broadcast %jit3A_492 : f32 to vector<16xf32>
      %broadcast_in_dim3A_495 = vector.broadcast %jit3A_493 : f32 to vector<16xf32>
      %select_n3A_496 = arith.select %le3A_491, %broadcast_in_dim3A_494, %broadcast_in_dim3A_495 : vector<16xi1>, vector<16xf32>
      %add3A_497 = arith.addf %scan3A_439, %select_n3A_496 : vector<16xf32>
      scf.yield %add3A_455, %add3A_469, %add3A_483, %add3A_497 : vector<16xf32>, vector<16xf32>, vector<16xf32>, vector<16xf32>
    }
    %scan3A_14 = arith.constant 512 : i32
    %add3A_15 = arith.addf %scan3A_13#0, %scan3A_13#1 : vector<16xf32>
    %add3A_16 = arith.addf %add3A_15, %scan3A_13#2 : vector<16xf32>
    %add3A_17 = arith.addf %add3A_16, %scan3A_13#3 : vector<16xf32>
    %add3A_18 = arith.addf %broadcast_in_dim3A_5, %add3A_17 : vector<16xf32>
    %add3A_19 = arith.constant 32768 : i32
    %add3A_20 = arith.addi %mul3A_4, %add3A_19 : i32
    "tpu.region"() ({
      %run_scoped3A = tpu.sem_alloc : memref<!tpu.dma_semaphore, #tpu.memory_space<semaphore_mem>>
      %dma_start3A = tpu.memref_slice %arg3[%add3A_20] : memref<16777216xf32, #tpu.memory_space<hbm>> -> memref<32768xf32, #tpu.memory_space<hbm>>
      %dma_start3A_435 = tpu.memref_slice %arg3[%add3A_20] : memref<16777216xf32, #tpu.memory_space<hbm>> -> memref<32768xf32, #tpu.memory_space<hbm>>
      tpu.enqueue_dma source(%dma_start3A_435 : memref<32768xf32, #tpu.memory_space<hbm>>) target(%arg5 : memref<32768xf32, #tpu.memory_space<vmem>>) target_semaphore(%run_scoped3A : memref<!tpu.dma_semaphore, #tpu.memory_space<semaphore_mem>>)
      %dma_wait3A = tpu.memref_slice %arg3[%add3A_20] : memref<16777216xf32, #tpu.memory_space<hbm>> -> memref<32768xf32, #tpu.memory_space<hbm>>
      %dma_wait3A_436 = tpu.memref_slice %arg3[%add3A_20] : memref<16777216xf32, #tpu.memory_space<hbm>> -> memref<32768xf32, #tpu.memory_space<hbm>>
      tpu.wait_dma2 semaphore(%run_scoped3A : memref<!tpu.dma_semaphore, #tpu.memory_space<semaphore_mem>>) src(%dma_wait3A_436 : memref<32768xf32, #tpu.memory_space<hbm>>) dst(%arg5 : memref<32768xf32, #tpu.memory_space<vmem>>)
      tpu.yield
    }) : () -> ()
    %broadcast_in_dim3A_21 = arith.constant 0.000000e+00 : f32
    %broadcast_in_dim3A_22 = vector.broadcast %broadcast_in_dim3A_21 : f32 to vector<16xf32>
    %scan3A_23 = arith.constant 0 : i32
    %scan3A_24 = arith.constant 512 : i32
    %scan3A_25 = arith.addi %scan3A_23, %scan3A_24 : i32
    %scan3A_26 = arith.constant 1 : i32
    %scan3A_27:4 = scf.for %scan3A_435 = %scan3A_23 to %scan3A_25 step %scan3A_26 iter_args(%scan3A_436 = %broadcast_in_dim3A_22, %scan3A_437 = %broadcast_in_dim3A_22, %scan3A_438 = %broadcast_in_dim3A_22, %scan3A_439 = %broadcast_in_dim3A_22) -> (vector<16xf32>, vector<16xf32>, vector<16xf32>, vector<16xf32>)  : i32 {
      %mul3A_440 = arith.constant 64 : i32
      %mul3A_441 = arith.muli %scan3A_435, %mul3A_440 : i32
      %multiple_of3A_442 = tpu.assume_multiple %mul3A_441, 64 : i32
      %add3A_443 = arith.constant 0 : i32
      %add3A_444 = arith.addi %multiple_of3A_442, %add3A_443 : i32
      %get3A_445 = arith.index_cast %add3A_444 : i32 to index
      %get3A_446 = tpu.vector_load %arg5[%get3A_445] {strides = array<i32>} : memref<32768xf32, #tpu.memory_space<vmem>>, vector<16xf32>,
      %get3A_447 = vector.shape_cast %get3A_446 : vector<16xf32> to vector<16xf32>
      %le3A = arith.constant 0.000000e+00 : f32
      %le3A_448 = vector.broadcast %le3A : f32 to vector<16xf32>
      %le3A_449 = arith.cmpf ole, %get3A_447, %le3A_448 : vector<16xf32>
      %jit3A_450 = arith.constant 1.000000e+00 : f32
      %jit3A_451 = arith.constant 0.000000e+00 : f32
      %broadcast_in_dim3A_452 = vector.broadcast %jit3A_450 : f32 to vector<16xf32>
      %broadcast_in_dim3A_453 = vector.broadcast %jit3A_451 : f32 to vector<16xf32>
      %select_n3A_454 = arith.select %le3A_449, %broadcast_in_dim3A_452, %broadcast_in_dim3A_453 : vector<16xi1>, vector<16xf32>
      %add3A_455 = arith.addf %scan3A_436, %select_n3A_454 : vector<16xf32>
      %add3A_456 = arith.constant 16 : i32
      %add3A_457 = arith.addi %multiple_of3A_442, %add3A_456 : i32
      %get3A_458 = arith.index_cast %add3A_457 : i32 to index
      %get3A_459 = tpu.vector_load %arg5[%get3A_458] {strides = array<i32>} : memref<32768xf32, #tpu.memory_space<vmem>>, vector<16xf32>,
      %get3A_460 = vector.shape_cast %get3A_459 : vector<16xf32> to vector<16xf32>
      %le3A_461 = arith.constant 0.000000e+00 : f32
      %le3A_462 = vector.broadcast %le3A_461 : f32 to vector<16xf32>
      %le3A_463 = arith.cmpf ole, %get3A_460, %le3A_462 : vector<16xf32>
      %jit3A_464 = arith.constant 1.000000e+00 : f32
      %jit3A_465 = arith.constant 0.000000e+00 : f32
      %broadcast_in_dim3A_466 = vector.broadcast %jit3A_464 : f32 to vector<16xf32>
      %broadcast_in_dim3A_467 = vector.broadcast %jit3A_465 : f32 to vector<16xf32>
      %select_n3A_468 = arith.select %le3A_463, %broadcast_in_dim3A_466, %broadcast_in_dim3A_467 : vector<16xi1>, vector<16xf32>
      %add3A_469 = arith.addf %scan3A_437, %select_n3A_468 : vector<16xf32>
      %add3A_470 = arith.constant 32 : i32
      %add3A_471 = arith.addi %multiple_of3A_442, %add3A_470 : i32
      %get3A_472 = arith.index_cast %add3A_471 : i32 to index
      %get3A_473 = tpu.vector_load %arg5[%get3A_472] {strides = array<i32>} : memref<32768xf32, #tpu.memory_space<vmem>>, vector<16xf32>,
      %get3A_474 = vector.shape_cast %get3A_473 : vector<16xf32> to vector<16xf32>
      %le3A_475 = arith.constant 0.000000e+00 : f32
      %le3A_476 = vector.broadcast %le3A_475 : f32 to vector<16xf32>
      %le3A_477 = arith.cmpf ole, %get3A_474, %le3A_476 : vector<16xf32>
      %jit3A_478 = arith.constant 1.000000e+00 : f32
      %jit3A_479 = arith.constant 0.000000e+00 : f32
      %broadcast_in_dim3A_480 = vector.broadcast %jit3A_478 : f32 to vector<16xf32>
      %broadcast_in_dim3A_481 = vector.broadcast %jit3A_479 : f32 to vector<16xf32>
      %select_n3A_482 = arith.select %le3A_477, %broadcast_in_dim3A_480, %broadcast_in_dim3A_481 : vector<16xi1>, vector<16xf32>
      %add3A_483 = arith.addf %scan3A_438, %select_n3A_482 : vector<16xf32>
      %add3A_484 = arith.constant 48 : i32
      %add3A_485 = arith.addi %multiple_of3A_442, %add3A_484 : i32
      %get3A_486 = arith.index_cast %add3A_485 : i32 to index
      %get3A_487 = tpu.vector_load %arg5[%get3A_486] {strides = array<i32>} : memref<32768xf32, #tpu.memory_space<vmem>>, vector<16xf32>,
      %get3A_488 = vector.shape_cast %get3A_487 : vector<16xf32> to vector<16xf32>
      %le3A_489 = arith.constant 0.000000e+00 : f32
      %le3A_490 = vector.broadcast %le3A_489 : f32 to vector<16xf32>
      %le3A_491 = arith.cmpf ole, %get3A_488, %le3A_490 : vector<16xf32>
      %jit3A_492 = arith.constant 1.000000e+00 : f32
      %jit3A_493 = arith.constant 0.000000e+00 : f32
      %broadcast_in_dim3A_494 = vector.broadcast %jit3A_492 : f32 to vector<16xf32>
      %broadcast_in_dim3A_495 = vector.broadcast %jit3A_493 : f32 to vector<16xf32>
      %select_n3A_496 = arith.select %le3A_491, %broadcast_in_dim3A_494, %broadcast_in_dim3A_495 : vector<16xi1>, vector<16xf32>
      %add3A_497 = arith.addf %scan3A_439, %select_n3A_496 : vector<16xf32>
      scf.yield %add3A_455, %add3A_469, %add3A_483, %add3A_497 : vector<16xf32>, vector<16xf32>, vector<16xf32>, vector<16xf32>
    }
    %scan3A_28 = arith.constant 512 : i32
    %add3A_29 = arith.addf %scan3A_27#0, %scan3A_27#1 : vector<16xf32>
    %add3A_30 = arith.addf %add3A_29, %scan3A_27#2 : vector<16xf32>
    %add3A_31 = arith.addf %add3A_30, %scan3A_27#3 : vector<16xf32>
    %add3A_32 = arith.addf %add3A_18, %add3A_31 : vector<16xf32>
    %add3A_33 = arith.constant 65536 : i32
    %add3A_34 = arith.addi %mul3A_4, %add3A_33 : i32
    "tpu.region"() ({
      %run_scoped3A = tpu.sem_alloc : memref<!tpu.dma_semaphore, #tpu.memory_space<semaphore_mem>>
      %dma_start3A = tpu.memref_slice %arg3[%add3A_34] : memref<16777216xf32, #tpu.memory_space<hbm>> -> memref<32768xf32, #tpu.memory_space<hbm>>
      %dma_start3A_435 = tpu.memref_slice %arg3[%add3A_34] : memref<16777216xf32, #tpu.memory_space<hbm>> -> memref<32768xf32, #tpu.memory_space<hbm>>
      tpu.enqueue_dma source(%dma_start3A_435 : memref<32768xf32, #tpu.memory_space<hbm>>) target(%arg5 : memref<32768xf32, #tpu.memory_space<vmem>>) target_semaphore(%run_scoped3A : memref<!tpu.dma_semaphore, #tpu.memory_space<semaphore_mem>>)
      %dma_wait3A = tpu.memref_slice %arg3[%add3A_34] : memref<16777216xf32, #tpu.memory_space<hbm>> -> memref<32768xf32, #tpu.memory_space<hbm>>
      %dma_wait3A_436 = tpu.memref_slice %arg3[%add3A_34] : memref<16777216xf32, #tpu.memory_space<hbm>> -> memref<32768xf32, #tpu.memory_space<hbm>>
      tpu.wait_dma2 semaphore(%run_scoped3A : memref<!tpu.dma_semaphore, #tpu.memory_space<semaphore_mem>>) src(%dma_wait3A_436 : memref<32768xf32, #tpu.memory_space<hbm>>) dst(%arg5 : memref<32768xf32, #tpu.memory_space<vmem>>)
      tpu.yield
    }) : () -> ()
    %broadcast_in_dim3A_35 = arith.constant 0.000000e+00 : f32
    %broadcast_in_dim3A_36 = vector.broadcast %broadcast_in_dim3A_35 : f32 to vector<16xf32>
    %scan3A_37 = arith.constant 0 : i32
    %scan3A_38 = arith.constant 512 : i32
    %scan3A_39 = arith.addi %scan3A_37, %scan3A_38 : i32
    %scan3A_40 = arith.constant 1 : i32
    %scan3A_41:4 = scf.for %scan3A_435 = %scan3A_37 to %scan3A_39 step %scan3A_40 iter_args(%scan3A_436 = %broadcast_in_dim3A_36, %scan3A_437 = %broadcast_in_dim3A_36, %scan3A_438 = %broadcast_in_dim3A_36, %scan3A_439 = %broadcast_in_dim3A_36) -> (vector<16xf32>, vector<16xf32>, vector<16xf32>, vector<16xf32>)  : i32 {
      %mul3A_440 = arith.constant 64 : i32
      %mul3A_441 = arith.muli %scan3A_435, %mul3A_440 : i32
      %multiple_of3A_442 = tpu.assume_multiple %mul3A_441, 64 : i32
      %add3A_443 = arith.constant 0 : i32
      %add3A_444 = arith.addi %multiple_of3A_442, %add3A_443 : i32
      %get3A_445 = arith.index_cast %add3A_444 : i32 to index
      %get3A_446 = tpu.vector_load %arg5[%get3A_445] {strides = array<i32>} : memref<32768xf32, #tpu.memory_space<vmem>>, vector<16xf32>,
      %get3A_447 = vector.shape_cast %get3A_446 : vector<16xf32> to vector<16xf32>
      %le3A = arith.constant 0.000000e+00 : f32
      %le3A_448 = vector.broadcast %le3A : f32 to vector<16xf32>
      %le3A_449 = arith.cmpf ole, %get3A_447, %le3A_448 : vector<16xf32>
      %jit3A_450 = arith.constant 1.000000e+00 : f32
      %jit3A_451 = arith.constant 0.000000e+00 : f32
      %broadcast_in_dim3A_452 = vector.broadcast %jit3A_450 : f32 to vector<16xf32>
      %broadcast_in_dim3A_453 = vector.broadcast %jit3A_451 : f32 to vector<16xf32>
      %select_n3A_454 = arith.select %le3A_449, %broadcast_in_dim3A_452, %broadcast_in_dim3A_453 : vector<16xi1>, vector<16xf32>
      %add3A_455 = arith.addf %scan3A_436, %select_n3A_454 : vector<16xf32>
      %add3A_456 = arith.constant 16 : i32
      %add3A_457 = arith.addi %multiple_of3A_442, %add3A_456 : i32
      %get3A_458 = arith.index_cast %add3A_457 : i32 to index
      %get3A_459 = tpu.vector_load %arg5[%get3A_458] {strides = array<i32>} : memref<32768xf32, #tpu.memory_space<vmem>>, vector<16xf32>,
      %get3A_460 = vector.shape_cast %get3A_459 : vector<16xf32> to vector<16xf32>
      %le3A_461 = arith.constant 0.000000e+00 : f32
      %le3A_462 = vector.broadcast %le3A_461 : f32 to vector<16xf32>
      %le3A_463 = arith.cmpf ole, %get3A_460, %le3A_462 : vector<16xf32>
      %jit3A_464 = arith.constant 1.000000e+00 : f32
      %jit3A_465 = arith.constant 0.000000e+00 : f32
      %broadcast_in_dim3A_466 = vector.broadcast %jit3A_464 : f32 to vector<16xf32>
      %broadcast_in_dim3A_467 = vector.broadcast %jit3A_465 : f32 to vector<16xf32>
      %select_n3A_468 = arith.select %le3A_463, %broadcast_in_dim3A_466, %broadcast_in_dim3A_467 : vector<16xi1>, vector<16xf32>
      %add3A_469 = arith.addf %scan3A_437, %select_n3A_468 : vector<16xf32>
      %add3A_470 = arith.constant 32 : i32
      %add3A_471 = arith.addi %multiple_of3A_442, %add3A_470 : i32
      %get3A_472 = arith.index_cast %add3A_471 : i32 to index
      %get3A_473 = tpu.vector_load %arg5[%get3A_472] {strides = array<i32>} : memref<32768xf32, #tpu.memory_space<vmem>>, vector<16xf32>,
      %get3A_474 = vector.shape_cast %get3A_473 : vector<16xf32> to vector<16xf32>
      %le3A_475 = arith.constant 0.000000e+00 : f32
      %le3A_476 = vector.broadcast %le3A_475 : f32 to vector<16xf32>
      %le3A_477 = arith.cmpf ole, %get3A_474, %le3A_476 : vector<16xf32>
      %jit3A_478 = arith.constant 1.000000e+00 : f32
      %jit3A_479 = arith.constant 0.000000e+00 : f32
      %broadcast_in_dim3A_480 = vector.broadcast %jit3A_478 : f32 to vector<16xf32>
      %broadcast_in_dim3A_481 = vector.broadcast %jit3A_479 : f32 to vector<16xf32>
      %select_n3A_482 = arith.select %le3A_477, %broadcast_in_dim3A_480, %broadcast_in_dim3A_481 : vector<16xi1>, vector<16xf32>
      %add3A_483 = arith.addf %scan3A_438, %select_n3A_482 : vector<16xf32>
      %add3A_484 = arith.constant 48 : i32
      %add3A_485 = arith.addi %multiple_of3A_442, %add3A_484 : i32
      %get3A_486 = arith.index_cast %add3A_485 : i32 to index
      %get3A_487 = tpu.vector_load %arg5[%get3A_486] {strides = array<i32>} : memref<32768xf32, #tpu.memory_space<vmem>>, vector<16xf32>,
      %get3A_488 = vector.shape_cast %get3A_487 : vector<16xf32> to vector<16xf32>
      %le3A_489 = arith.constant 0.000000e+00 : f32
      %le3A_490 = vector.broadcast %le3A_489 : f32 to vector<16xf32>
      %le3A_491 = arith.cmpf ole, %get3A_488, %le3A_490 : vector<16xf32>
      %jit3A_492 = arith.constant 1.000000e+00 : f32
      %jit3A_493 = arith.constant 0.000000e+00 : f32
      %broadcast_in_dim3A_494 = vector.broadcast %jit3A_492 : f32 to vector<16xf32>
      %broadcast_in_dim3A_495 = vector.broadcast %jit3A_493 : f32 to vector<16xf32>
      %select_n3A_496 = arith.select %le3A_491, %broadcast_in_dim3A_494, %broadcast_in_dim3A_495 : vector<16xi1>, vector<16xf32>
      %add3A_497 = arith.addf %scan3A_439, %select_n3A_496 : vector<16xf32>
      scf.yield %add3A_455, %add3A_469, %add3A_483, %add3A_497 : vector<16xf32>, vector<16xf32>, vector<16xf32>, vector<16xf32>
    }
    %scan3A_42 = arith.constant 512 : i32
    %add3A_43 = arith.addf %scan3A_41#0, %scan3A_41#1 : vector<16xf32>
    %add3A_44 = arith.addf %add3A_43, %scan3A_41#2 : vector<16xf32>
    %add3A_45 = arith.addf %add3A_44, %scan3A_41#3 : vector<16xf32>
    %add3A_46 = arith.addf %add3A_32, %add3A_45 : vector<16xf32>
    %add3A_47 = arith.constant 98304 : i32
    %add3A_48 = arith.addi %mul3A_4, %add3A_47 : i32
    "tpu.region"() ({
      %run_scoped3A = tpu.sem_alloc : memref<!tpu.dma_semaphore, #tpu.memory_space<semaphore_mem>>
      %dma_start3A = tpu.memref_slice %arg3[%add3A_48] : memref<16777216xf32, #tpu.memory_space<hbm>> -> memref<32768xf32, #tpu.memory_space<hbm>>
      %dma_start3A_435 = tpu.memref_slice %arg3[%add3A_48] : memref<16777216xf32, #tpu.memory_space<hbm>> -> memref<32768xf32, #tpu.memory_space<hbm>>
      tpu.enqueue_dma source(%dma_start3A_435 : memref<32768xf32, #tpu.memory_space<hbm>>) target(%arg5 : memref<32768xf32, #tpu.memory_space<vmem>>) target_semaphore(%run_scoped3A : memref<!tpu.dma_semaphore, #tpu.memory_space<semaphore_mem>>)
      %dma_wait3A = tpu.memref_slice %arg3[%add3A_48] : memref<16777216xf32, #tpu.memory_space<hbm>> -> memref<32768xf32, #tpu.memory_space<hbm>>
      %dma_wait3A_436 = tpu.memref_slice %arg3[%add3A_48] : memref<16777216xf32, #tpu.memory_space<hbm>> -> memref<32768xf32, #tpu.memory_space<hbm>>
      tpu.wait_dma2 semaphore(%run_scoped3A : memref<!tpu.dma_semaphore, #tpu.memory_space<semaphore_mem>>) src(%dma_wait3A_436 : memref<32768xf32, #tpu.memory_space<hbm>>) dst(%arg5 : memref<32768xf32, #tpu.memory_space<vmem>>)
      tpu.yield
    }) : () -> ()
    %broadcast_in_dim3A_49 = arith.constant 0.000000e+00 : f32
    %broadcast_in_dim3A_50 = vector.broadcast %broadcast_in_dim3A_49 : f32 to vector<16xf32>
    %scan3A_51 = arith.constant 0 : i32
    %scan3A_52 = arith.constant 512 : i32
    %scan3A_53 = arith.addi %scan3A_51, %scan3A_52 : i32
    %scan3A_54 = arith.constant 1 : i32
    %scan3A_55:4 = scf.for %scan3A_435 = %scan3A_51 to %scan3A_53 step %scan3A_54 iter_args(%scan3A_436 = %broadcast_in_dim3A_50, %scan3A_437 = %broadcast_in_dim3A_50, %scan3A_438 = %broadcast_in_dim3A_50, %scan3A_439 = %broadcast_in_dim3A_50) -> (vector<16xf32>, vector<16xf32>, vector<16xf32>, vector<16xf32>)  : i32 {
      %mul3A_440 = arith.constant 64 : i32
      %mul3A_441 = arith.muli %scan3A_435, %mul3A_440 : i32
      %multiple_of3A_442 = tpu.assume_multiple %mul3A_441, 64 : i32
      %add3A_443 = arith.constant 0 : i32
      %add3A_444 = arith.addi %multiple_of3A_442, %add3A_443 : i32
      %get3A_445 = arith.index_cast %add3A_444 : i32 to index
      %get3A_446 = tpu.vector_load %arg5[%get3A_445] {strides = array<i32>} : memref<32768xf32, #tpu.memory_space<vmem>>, vector<16xf32>,
      %get3A_447 = vector.shape_cast %get3A_446 : vector<16xf32> to vector<16xf32>
      %le3A = arith.constant 0.000000e+00 : f32
      %le3A_448 = vector.broadcast %le3A : f32 to vector<16xf32>
      %le3A_449 = arith.cmpf ole, %get3A_447, %le3A_448 : vector<16xf32>
      %jit3A_450 = arith.constant 1.000000e+00 : f32
      %jit3A_451 = arith.constant 0.000000e+00 : f32
      %broadcast_in_dim3A_452 = vector.broadcast %jit3A_450 : f32 to vector<16xf32>
      %broadcast_in_dim3A_453 = vector.broadcast %jit3A_451 : f32 to vector<16xf32>
      %select_n3A_454 = arith.select %le3A_449, %broadcast_in_dim3A_452, %broadcast_in_dim3A_453 : vector<16xi1>, vector<16xf32>
      %add3A_455 = arith.addf %scan3A_436, %select_n3A_454 : vector<16xf32>
      %add3A_456 = arith.constant 16 : i32
      %add3A_457 = arith.addi %multiple_of3A_442, %add3A_456 : i32
      %get3A_458 = arith.index_cast %add3A_457 : i32 to index
      %get3A_459 = tpu.vector_load %arg5[%get3A_458] {strides = array<i32>} : memref<32768xf32, #tpu.memory_space<vmem>>, vector<16xf32>,
      %get3A_460 = vector.shape_cast %get3A_459 : vector<16xf32> to vector<16xf32>
      %le3A_461 = arith.constant 0.000000e+00 : f32
      %le3A_462 = vector.broadcast %le3A_461 : f32 to vector<16xf32>
      %le3A_463 = arith.cmpf ole, %get3A_460, %le3A_462 : vector<16xf32>
      %jit3A_464 = arith.constant 1.000000e+00 : f32
      %jit3A_465 = arith.constant 0.000000e+00 : f32
      %broadcast_in_dim3A_466 = vector.broadcast %jit3A_464 : f32 to vector<16xf32>
      %broadcast_in_dim3A_467 = vector.broadcast %jit3A_465 : f32 to vector<16xf32>
      %select_n3A_468 = arith.select %le3A_463, %broadcast_in_dim3A_466, %broadcast_in_dim3A_467 : vector<16xi1>, vector<16xf32>
      %add3A_469 = arith.addf %scan3A_437, %select_n3A_468 : vector<16xf32>
      %add3A_470 = arith.constant 32 : i32
      %add3A_471 = arith.addi %multiple_of3A_442, %add3A_470 : i32
      %get3A_472 = arith.index_cast %add3A_471 : i32 to index
      %get3A_473 = tpu.vector_load %arg5[%get3A_472] {strides = array<i32>} : memref<32768xf32, #tpu.memory_space<vmem>>, vector<16xf32>,
      %get3A_474 = vector.shape_cast %get3A_473 : vector<16xf32> to vector<16xf32>
      %le3A_475 = arith.constant 0.000000e+00 : f32
      %le3A_476 = vector.broadcast %le3A_475 : f32 to vector<16xf32>
      %le3A_477 = arith.cmpf ole, %get3A_474, %le3A_476 : vector<16xf32>
      %jit3A_478 = arith.constant 1.000000e+00 : f32
      %jit3A_479 = arith.constant 0.000000e+00 : f32
      %broadcast_in_dim3A_480 = vector.broadcast %jit3A_478 : f32 to vector<16xf32>
      %broadcast_in_dim3A_481 = vector.broadcast %jit3A_479 : f32 to vector<16xf32>
      %select_n3A_482 = arith.select %le3A_477, %broadcast_in_dim3A_480, %broadcast_in_dim3A_481 : vector<16xi1>, vector<16xf32>
      %add3A_483 = arith.addf %scan3A_438, %select_n3A_482 : vector<16xf32>
      %add3A_484 = arith.constant 48 : i32
      %add3A_485 = arith.addi %multiple_of3A_442, %add3A_484 : i32
      %get3A_486 = arith.index_cast %add3A_485 : i32 to index
      %get3A_487 = tpu.vector_load %arg5[%get3A_486] {strides = array<i32>} : memref<32768xf32, #tpu.memory_space<vmem>>, vector<16xf32>,
      %get3A_488 = vector.shape_cast %get3A_487 : vector<16xf32> to vector<16xf32>
      %le3A_489 = arith.constant 0.000000e+00 : f32
      %le3A_490 = vector.broadcast %le3A_489 : f32 to vector<16xf32>
      %le3A_491 = arith.cmpf ole, %get3A_488, %le3A_490 : vector<16xf32>
      %jit3A_492 = arith.constant 1.000000e+00 : f32
      %jit3A_493 = arith.constant 0.000000e+00 : f32
      %broadcast_in_dim3A_494 = vector.broadcast %jit3A_492 : f32 to vector<16xf32>
      %broadcast_in_dim3A_495 = vector.broadcast %jit3A_493 : f32 to vector<16xf32>
      %select_n3A_496 = arith.select %le3A_491, %broadcast_in_dim3A_494, %broadcast_in_dim3A_495 : vector<16xi1>, vector<16xf32>
      %add3A_497 = arith.addf %scan3A_439, %select_n3A_496 : vector<16xf32>
      scf.yield %add3A_455, %add3A_469, %add3A_483, %add3A_497 : vector<16xf32>, vector<16xf32>, vector<16xf32>, vector<16xf32>
    }
    %scan3A_56 = arith.constant 512 : i32
    %add3A_57 = arith.addf %scan3A_55#0, %scan3A_55#1 : vector<16xf32>
    %add3A_58 = arith.addf %add3A_57, %scan3A_55#2 : vector<16xf32>
    %add3A_59 = arith.addf %add3A_58, %scan3A_55#3 : vector<16xf32>
    %add3A_60 = arith.addf %add3A_46, %add3A_59 : vector<16xf32>
    %add3A_61 = arith.constant 131072 : i32
    %add3A_62 = arith.addi %mul3A_4, %add3A_61 : i32
    "tpu.region"() ({
      %run_scoped3A = tpu.sem_alloc : memref<!tpu.dma_semaphore, #tpu.memory_space<semaphore_mem>>
      %dma_start3A = tpu.memref_slice %arg3[%add3A_62] : memref<16777216xf32, #tpu.memory_space<hbm>> -> memref<32768xf32, #tpu.memory_space<hbm>>
      %dma_start3A_435 = tpu.memref_slice %arg3[%add3A_62] : memref<16777216xf32, #tpu.memory_space<hbm>> -> memref<32768xf32, #tpu.memory_space<hbm>>
      tpu.enqueue_dma source(%dma_start3A_435 : memref<32768xf32, #tpu.memory_space<hbm>>) target(%arg5 : memref<32768xf32, #tpu.memory_space<vmem>>) target_semaphore(%run_scoped3A : memref<!tpu.dma_semaphore, #tpu.memory_space<semaphore_mem>>)
      %dma_wait3A = tpu.memref_slice %arg3[%add3A_62] : memref<16777216xf32, #tpu.memory_space<hbm>> -> memref<32768xf32, #tpu.memory_space<hbm>>
      %dma_wait3A_436 = tpu.memref_slice %arg3[%add3A_62] : memref<16777216xf32, #tpu.memory_space<hbm>> -> memref<32768xf32, #tpu.memory_space<hbm>>
      tpu.wait_dma2 semaphore(%run_scoped3A : memref<!tpu.dma_semaphore, #tpu.memory_space<semaphore_mem>>) src(%dma_wait3A_436 : memref<32768xf32, #tpu.memory_space<hbm>>) dst(%arg5 : memref<32768xf32, #tpu.memory_space<vmem>>)
      tpu.yield
    }) : () -> ()
    %broadcast_in_dim3A_63 = arith.constant 0.000000e+00 : f32
    %broadcast_in_dim3A_64 = vector.broadcast %broadcast_in_dim3A_63 : f32 to vector<16xf32>
    %scan3A_65 = arith.constant 0 : i32
    %scan3A_66 = arith.constant 512 : i32
    %scan3A_67 = arith.addi %scan3A_65, %scan3A_66 : i32
    %scan3A_68 = arith.constant 1 : i32
    %scan3A_69:4 = scf.for %scan3A_435 = %scan3A_65 to %scan3A_67 step %scan3A_68 iter_args(%scan3A_436 = %broadcast_in_dim3A_64, %scan3A_437 = %broadcast_in_dim3A_64, %scan3A_438 = %broadcast_in_dim3A_64, %scan3A_439 = %broadcast_in_dim3A_64) -> (vector<16xf32>, vector<16xf32>, vector<16xf32>, vector<16xf32>)  : i32 {
      %mul3A_440 = arith.constant 64 : i32
      %mul3A_441 = arith.muli %scan3A_435, %mul3A_440 : i32
      %multiple_of3A_442 = tpu.assume_multiple %mul3A_441, 64 : i32
      %add3A_443 = arith.constant 0 : i32
      %add3A_444 = arith.addi %multiple_of3A_442, %add3A_443 : i32
      %get3A_445 = arith.index_cast %add3A_444 : i32 to index
      %get3A_446 = tpu.vector_load %arg5[%get3A_445] {strides = array<i32>} : memref<32768xf32, #tpu.memory_space<vmem>>, vector<16xf32>,
      %get3A_447 = vector.shape_cast %get3A_446 : vector<16xf32> to vector<16xf32>
      %le3A = arith.constant 0.000000e+00 : f32
      %le3A_448 = vector.broadcast %le3A : f32 to vector<16xf32>
      %le3A_449 = arith.cmpf ole, %get3A_447, %le3A_448 : vector<16xf32>
      %jit3A_450 = arith.constant 1.000000e+00 : f32
      %jit3A_451 = arith.constant 0.000000e+00 : f32
      %broadcast_in_dim3A_452 = vector.broadcast %jit3A_450 : f32 to vector<16xf32>
      %broadcast_in_dim3A_453 = vector.broadcast %jit3A_451 : f32 to vector<16xf32>
      %select_n3A_454 = arith.select %le3A_449, %broadcast_in_dim3A_452, %broadcast_in_dim3A_453 : vector<16xi1>, vector<16xf32>
      %add3A_455 = arith.addf %scan3A_436, %select_n3A_454 : vector<16xf32>
      %add3A_456 = arith.constant 16 : i32
      %add3A_457 = arith.addi %multiple_of3A_442, %add3A_456 : i32
      %get3A_458 = arith.index_cast %add3A_457 : i32 to index
      %get3A_459 = tpu.vector_load %arg5[%get3A_458] {strides = array<i32>} : memref<32768xf32, #tpu.memory_space<vmem>>, vector<16xf32>,
      %get3A_460 = vector.shape_cast %get3A_459 : vector<16xf32> to vector<16xf32>
      %le3A_461 = arith.constant 0.000000e+00 : f32
      %le3A_462 = vector.broadcast %le3A_461 : f32 to vector<16xf32>
      %le3A_463 = arith.cmpf ole, %get3A_460, %le3A_462 : vector<16xf32>
      %jit3A_464 = arith.constant 1.000000e+00 : f32
      %jit3A_465 = arith.constant 0.000000e+00 : f32
      %broadcast_in_dim3A_466 = vector.broadcast %jit3A_464 : f32 to vector<16xf32>
      %broadcast_in_dim3A_467 = vector.broadcast %jit3A_465 : f32 to vector<16xf32>
      %select_n3A_468 = arith.select %le3A_463, %broadcast_in_dim3A_466, %broadcast_in_dim3A_467 : vector<16xi1>, vector<16xf32>
      %add3A_469 = arith.addf %scan3A_437, %select_n3A_468 : vector<16xf32>
      %add3A_470 = arith.constant 32 : i32
      %add3A_471 = arith.addi %multiple_of3A_442, %add3A_470 : i32
      %get3A_472 = arith.index_cast %add3A_471 : i32 to index
      %get3A_473 = tpu.vector_load %arg5[%get3A_472] {strides = array<i32>} : memref<32768xf32, #tpu.memory_space<vmem>>, vector<16xf32>,
      %get3A_474 = vector.shape_cast %get3A_473 : vector<16xf32> to vector<16xf32>
      %le3A_475 = arith.constant 0.000000e+00 : f32
      %le3A_476 = vector.broadcast %le3A_475 : f32 to vector<16xf32>
      %le3A_477 = arith.cmpf ole, %get3A_474, %le3A_476 : vector<16xf32>
      %jit3A_478 = arith.constant 1.000000e+00 : f32
      %jit3A_479 = arith.constant 0.000000e+00 : f32
      %broadcast_in_dim3A_480 = vector.broadcast %jit3A_478 : f32 to vector<16xf32>
      %broadcast_in_dim3A_481 = vector.broadcast %jit3A_479 : f32 to vector<16xf32>
      %select_n3A_482 = arith.select %le3A_477, %broadcast_in_dim3A_480, %broadcast_in_dim3A_481 : vector<16xi1>, vector<16xf32>
      %add3A_483 = arith.addf %scan3A_438, %select_n3A_482 : vector<16xf32>
      %add3A_484 = arith.constant 48 : i32
      %add3A_485 = arith.addi %multiple_of3A_442, %add3A_484 : i32
      %get3A_486 = arith.index_cast %add3A_485 : i32 to index
      %get3A_487 = tpu.vector_load %arg5[%get3A_486] {strides = array<i32>} : memref<32768xf32, #tpu.memory_space<vmem>>, vector<16xf32>,
      %get3A_488 = vector.shape_cast %get3A_487 : vector<16xf32> to vector<16xf32>
      %le3A_489 = arith.constant 0.000000e+00 : f32
      %le3A_490 = vector.broadcast %le3A_489 : f32 to vector<16xf32>
      %le3A_491 = arith.cmpf ole, %get3A_488, %le3A_490 : vector<16xf32>
      %jit3A_492 = arith.constant 1.000000e+00 : f32
      %jit3A_493 = arith.constant 0.000000e+00 : f32
      %broadcast_in_dim3A_494 = vector.broadcast %jit3A_492 : f32 to vector<16xf32>
      %broadcast_in_dim3A_495 = vector.broadcast %jit3A_493 : f32 to vector<16xf32>
      %select_n3A_496 = arith.select %le3A_491, %broadcast_in_dim3A_494, %broadcast_in_dim3A_495 : vector<16xi1>, vector<16xf32>
      %add3A_497 = arith.addf %scan3A_439, %select_n3A_496 : vector<16xf32>
      scf.yield %add3A_455, %add3A_469, %add3A_483, %add3A_497 : vector<16xf32>, vector<16xf32>, vector<16xf32>, vector<16xf32>
    }
    %scan3A_70 = arith.constant 512 : i32
    %add3A_71 = arith.addf %scan3A_69#0, %scan3A_69#1 : vector<16xf32>
    %add3A_72 = arith.addf %add3A_71, %scan3A_69#2 : vector<16xf32>
    %add3A_73 = arith.addf %add3A_72, %scan3A_69#3 : vector<16xf32>
    %add3A_74 = arith.addf %add3A_60, %add3A_73 : vector<16xf32>
    %add3A_75 = arith.constant 163840 : i32
    %add3A_76 = arith.addi %mul3A_4, %add3A_75 : i32
    "tpu.region"() ({
      %run_scoped3A = tpu.sem_alloc : memref<!tpu.dma_semaphore, #tpu.memory_space<semaphore_mem>>
      %dma_start3A = tpu.memref_slice %arg3[%add3A_76] : memref<16777216xf32, #tpu.memory_space<hbm>> -> memref<32768xf32, #tpu.memory_space<hbm>>
      %dma_start3A_435 = tpu.memref_slice %arg3[%add3A_76] : memref<16777216xf32, #tpu.memory_space<hbm>> -> memref<32768xf32, #tpu.memory_space<hbm>>
      tpu.enqueue_dma source(%dma_start3A_435 : memref<32768xf32, #tpu.memory_space<hbm>>) target(%arg5 : memref<32768xf32, #tpu.memory_space<vmem>>) target_semaphore(%run_scoped3A : memref<!tpu.dma_semaphore, #tpu.memory_space<semaphore_mem>>)
      %dma_wait3A = tpu.memref_slice %arg3[%add3A_76] : memref<16777216xf32, #tpu.memory_space<hbm>> -> memref<32768xf32, #tpu.memory_space<hbm>>
      %dma_wait3A_436 = tpu.memref_slice %arg3[%add3A_76] : memref<16777216xf32, #tpu.memory_space<hbm>> -> memref<32768xf32, #tpu.memory_space<hbm>>
      tpu.wait_dma2 semaphore(%run_scoped3A : memref<!tpu.dma_semaphore, #tpu.memory_space<semaphore_mem>>) src(%dma_wait3A_436 : memref<32768xf32, #tpu.memory_space<hbm>>) dst(%arg5 : memref<32768xf32, #tpu.memory_space<vmem>>)
      tpu.yield
    }) : () -> ()
    %broadcast_in_dim3A_77 = arith.constant 0.000000e+00 : f32
    %broadcast_in_dim3A_78 = vector.broadcast %broadcast_in_dim3A_77 : f32 to vector<16xf32>
    %scan3A_79 = arith.constant 0 : i32
    %scan3A_80 = arith.constant 512 : i32
    %scan3A_81 = arith.addi %scan3A_79, %scan3A_80 : i32
    %scan3A_82 = arith.constant 1 : i32
    %scan3A_83:4 = scf.for %scan3A_435 = %scan3A_79 to %scan3A_81 step %scan3A_82 iter_args(%scan3A_436 = %broadcast_in_dim3A_78, %scan3A_437 = %broadcast_in_dim3A_78, %scan3A_438 = %broadcast_in_dim3A_78, %scan3A_439 = %broadcast_in_dim3A_78) -> (vector<16xf32>, vector<16xf32>, vector<16xf32>, vector<16xf32>)  : i32 {
      %mul3A_440 = arith.constant 64 : i32
      %mul3A_441 = arith.muli %scan3A_435, %mul3A_440 : i32
      %multiple_of3A_442 = tpu.assume_multiple %mul3A_441, 64 : i32
      %add3A_443 = arith.constant 0 : i32
      %add3A_444 = arith.addi %multiple_of3A_442, %add3A_443 : i32
      %get3A_445 = arith.index_cast %add3A_444 : i32 to index
      %get3A_446 = tpu.vector_load %arg5[%get3A_445] {strides = array<i32>} : memref<32768xf32, #tpu.memory_space<vmem>>, vector<16xf32>,
      %get3A_447 = vector.shape_cast %get3A_446 : vector<16xf32> to vector<16xf32>
      %le3A = arith.constant 0.000000e+00 : f32
      %le3A_448 = vector.broadcast %le3A : f32 to vector<16xf32>
      %le3A_449 = arith.cmpf ole, %get3A_447, %le3A_448 : vector<16xf32>
      %jit3A_450 = arith.constant 1.000000e+00 : f32
      %jit3A_451 = arith.constant 0.000000e+00 : f32
      %broadcast_in_dim3A_452 = vector.broadcast %jit3A_450 : f32 to vector<16xf32>
      %broadcast_in_dim3A_453 = vector.broadcast %jit3A_451 : f32 to vector<16xf32>
      %select_n3A_454 = arith.select %le3A_449, %broadcast_in_dim3A_452, %broadcast_in_dim3A_453 : vector<16xi1>, vector<16xf32>
      %add3A_455 = arith.addf %scan3A_436, %select_n3A_454 : vector<16xf32>
      %add3A_456 = arith.constant 16 : i32
      %add3A_457 = arith.addi %multiple_of3A_442, %add3A_456 : i32
      %get3A_458 = arith.index_cast %add3A_457 : i32 to index
      %get3A_459 = tpu.vector_load %arg5[%get3A_458] {strides = array<i32>} : memref<32768xf32, #tpu.memory_space<vmem>>, vector<16xf32>,
      %get3A_460 = vector.shape_cast %get3A_459 : vector<16xf32> to vector<16xf32>
      %le3A_461 = arith.constant 0.000000e+00 : f32
      %le3A_462 = vector.broadcast %le3A_461 : f32 to vector<16xf32>
      %le3A_463 = arith.cmpf ole, %get3A_460, %le3A_462 : vector<16xf32>
      %jit3A_464 = arith.constant 1.000000e+00 : f32
      %jit3A_465 = arith.constant 0.000000e+00 : f32
      %broadcast_in_dim3A_466 = vector.broadcast %jit3A_464 : f32 to vector<16xf32>
      %broadcast_in_dim3A_467 = vector.broadcast %jit3A_465 : f32 to vector<16xf32>
      %select_n3A_468 = arith.select %le3A_463, %broadcast_in_dim3A_466, %broadcast_in_dim3A_467 : vector<16xi1>, vector<16xf32>
      %add3A_469 = arith.addf %scan3A_437, %select_n3A_468 : vector<16xf32>
      %add3A_470 = arith.constant 32 : i32
      %add3A_471 = arith.addi %multiple_of3A_442, %add3A_470 : i32
      %get3A_472 = arith.index_cast %add3A_471 : i32 to index
      %get3A_473 = tpu.vector_load %arg5[%get3A_472] {strides = array<i32>} : memref<32768xf32, #tpu.memory_space<vmem>>, vector<16xf32>,
      %get3A_474 = vector.shape_cast %get3A_473 : vector<16xf32> to vector<16xf32>
      %le3A_475 = arith.constant 0.000000e+00 : f32
      %le3A_476 = vector.broadcast %le3A_475 : f32 to vector<16xf32>
      %le3A_477 = arith.cmpf ole, %get3A_474, %le3A_476 : vector<16xf32>
      %jit3A_478 = arith.constant 1.000000e+00 : f32
      %jit3A_479 = arith.constant 0.000000e+00 : f32
      %broadcast_in_dim3A_480 = vector.broadcast %jit3A_478 : f32 to vector<16xf32>
      %broadcast_in_dim3A_481 = vector.broadcast %jit3A_479 : f32 to vector<16xf32>
      %select_n3A_482 = arith.select %le3A_477, %broadcast_in_dim3A_480, %broadcast_in_dim3A_481 : vector<16xi1>, vector<16xf32>
      %add3A_483 = arith.addf %scan3A_438, %select_n3A_482 : vector<16xf32>
      %add3A_484 = arith.constant 48 : i32
      %add3A_485 = arith.addi %multiple_of3A_442, %add3A_484 : i32
      %get3A_486 = arith.index_cast %add3A_485 : i32 to index
      %get3A_487 = tpu.vector_load %arg5[%get3A_486] {strides = array<i32>} : memref<32768xf32, #tpu.memory_space<vmem>>, vector<16xf32>,
      %get3A_488 = vector.shape_cast %get3A_487 : vector<16xf32> to vector<16xf32>
      %le3A_489 = arith.constant 0.000000e+00 : f32
      %le3A_490 = vector.broadcast %le3A_489 : f32 to vector<16xf32>
      %le3A_491 = arith.cmpf ole, %get3A_488, %le3A_490 : vector<16xf32>
      %jit3A_492 = arith.constant 1.000000e+00 : f32
      %jit3A_493 = arith.constant 0.000000e+00 : f32
      %broadcast_in_dim3A_494 = vector.broadcast %jit3A_492 : f32 to vector<16xf32>
      %broadcast_in_dim3A_495 = vector.broadcast %jit3A_493 : f32 to vector<16xf32>
      %select_n3A_496 = arith.select %le3A_491, %broadcast_in_dim3A_494, %broadcast_in_dim3A_495 : vector<16xi1>, vector<16xf32>
      %add3A_497 = arith.addf %scan3A_439, %select_n3A_496 : vector<16xf32>
      scf.yield %add3A_455, %add3A_469, %add3A_483, %add3A_497 : vector<16xf32>, vector<16xf32>, vector<16xf32>, vector<16xf32>
    }
    %scan3A_84 = arith.constant 512 : i32
    %add3A_85 = arith.addf %scan3A_83#0, %scan3A_83#1 : vector<16xf32>
    %add3A_86 = arith.addf %add3A_85, %scan3A_83#2 : vector<16xf32>
    %add3A_87 = arith.addf %add3A_86, %scan3A_83#3 : vector<16xf32>
    %add3A_88 = arith.addf %add3A_74, %add3A_87 : vector<16xf32>
    %add3A_89 = arith.constant 196608 : i32
    %add3A_90 = arith.addi %mul3A_4, %add3A_89 : i32
    "tpu.region"() ({
      %run_scoped3A = tpu.sem_alloc : memref<!tpu.dma_semaphore, #tpu.memory_space<semaphore_mem>>
      %dma_start3A = tpu.memref_slice %arg3[%add3A_90] : memref<16777216xf32, #tpu.memory_space<hbm>> -> memref<32768xf32, #tpu.memory_space<hbm>>
      %dma_start3A_435 = tpu.memref_slice %arg3[%add3A_90] : memref<16777216xf32, #tpu.memory_space<hbm>> -> memref<32768xf32, #tpu.memory_space<hbm>>
      tpu.enqueue_dma source(%dma_start3A_435 : memref<32768xf32, #tpu.memory_space<hbm>>) target(%arg5 : memref<32768xf32, #tpu.memory_space<vmem>>) target_semaphore(%run_scoped3A : memref<!tpu.dma_semaphore, #tpu.memory_space<semaphore_mem>>)
      %dma_wait3A = tpu.memref_slice %arg3[%add3A_90] : memref<16777216xf32, #tpu.memory_space<hbm>> -> memref<32768xf32, #tpu.memory_space<hbm>>
      %dma_wait3A_436 = tpu.memref_slice %arg3[%add3A_90] : memref<16777216xf32, #tpu.memory_space<hbm>> -> memref<32768xf32, #tpu.memory_space<hbm>>
      tpu.wait_dma2 semaphore(%run_scoped3A : memref<!tpu.dma_semaphore, #tpu.memory_space<semaphore_mem>>) src(%dma_wait3A_436 : memref<32768xf32, #tpu.memory_space<hbm>>) dst(%arg5 : memref<32768xf32, #tpu.memory_space<vmem>>)
      tpu.yield
    }) : () -> ()
    %broadcast_in_dim3A_91 = arith.constant 0.000000e+00 : f32
    %broadcast_in_dim3A_92 = vector.broadcast %broadcast_in_dim3A_91 : f32 to vector<16xf32>
    %scan3A_93 = arith.constant 0 : i32
    %scan3A_94 = arith.constant 512 : i32
    %scan3A_95 = arith.addi %scan3A_93, %scan3A_94 : i32
    %scan3A_96 = arith.constant 1 : i32
    %scan3A_97:4 = scf.for %scan3A_435 = %scan3A_93 to %scan3A_95 step %scan3A_96 iter_args(%scan3A_436 = %broadcast_in_dim3A_92, %scan3A_437 = %broadcast_in_dim3A_92, %scan3A_438 = %broadcast_in_dim3A_92, %scan3A_439 = %broadcast_in_dim3A_92) -> (vector<16xf32>, vector<16xf32>, vector<16xf32>, vector<16xf32>)  : i32 {
      %mul3A_440 = arith.constant 64 : i32
      %mul3A_441 = arith.muli %scan3A_435, %mul3A_440 : i32
      %multiple_of3A_442 = tpu.assume_multiple %mul3A_441, 64 : i32
      %add3A_443 = arith.constant 0 : i32
      %add3A_444 = arith.addi %multiple_of3A_442, %add3A_443 : i32
      %get3A_445 = arith.index_cast %add3A_444 : i32 to index
      %get3A_446 = tpu.vector_load %arg5[%get3A_445] {strides = array<i32>} : memref<32768xf32, #tpu.memory_space<vmem>>, vector<16xf32>,
      %get3A_447 = vector.shape_cast %get3A_446 : vector<16xf32> to vector<16xf32>
      %le3A = arith.constant 0.000000e+00 : f32
      %le3A_448 = vector.broadcast %le3A : f32 to vector<16xf32>
      %le3A_449 = arith.cmpf ole, %get3A_447, %le3A_448 : vector<16xf32>
      %jit3A_450 = arith.constant 1.000000e+00 : f32
      %jit3A_451 = arith.constant 0.000000e+00 : f32
      %broadcast_in_dim3A_452 = vector.broadcast %jit3A_450 : f32 to vector<16xf32>
      %broadcast_in_dim3A_453 = vector.broadcast %jit3A_451 : f32 to vector<16xf32>
      %select_n3A_454 = arith.select %le3A_449, %broadcast_in_dim3A_452, %broadcast_in_dim3A_453 : vector<16xi1>, vector<16xf32>
      %add3A_455 = arith.addf %scan3A_436, %select_n3A_454 : vector<16xf32>
      %add3A_456 = arith.constant 16 : i32
      %add3A_457 = arith.addi %multiple_of3A_442, %add3A_456 : i32
      %get3A_458 = arith.index_cast %add3A_457 : i32 to index
      %get3A_459 = tpu.vector_load %arg5[%get3A_458] {strides = array<i32>} : memref<32768xf32, #tpu.memory_space<vmem>>, vector<16xf32>,
      %get3A_460 = vector.shape_cast %get3A_459 : vector<16xf32> to vector<16xf32>
      %le3A_461 = arith.constant 0.000000e+00 : f32
      %le3A_462 = vector.broadcast %le3A_461 : f32 to vector<16xf32>
      %le3A_463 = arith.cmpf ole, %get3A_460, %le3A_462 : vector<16xf32>
      %jit3A_464 = arith.constant 1.000000e+00 : f32
      %jit3A_465 = arith.constant 0.000000e+00 : f32
      %broadcast_in_dim3A_466 = vector.broadcast %jit3A_464 : f32 to vector<16xf32>
      %broadcast_in_dim3A_467 = vector.broadcast %jit3A_465 : f32 to vector<16xf32>
      %select_n3A_468 = arith.select %le3A_463, %broadcast_in_dim3A_466, %broadcast_in_dim3A_467 : vector<16xi1>, vector<16xf32>
      %add3A_469 = arith.addf %scan3A_437, %select_n3A_468 : vector<16xf32>
      %add3A_470 = arith.constant 32 : i32
      %add3A_471 = arith.addi %multiple_of3A_442, %add3A_470 : i32
      %get3A_472 = arith.index_cast %add3A_471 : i32 to index
      %get3A_473 = tpu.vector_load %arg5[%get3A_472] {strides = array<i32>} : memref<32768xf32, #tpu.memory_space<vmem>>, vector<16xf32>,
      %get3A_474 = vector.shape_cast %get3A_473 : vector<16xf32> to vector<16xf32>
      %le3A_475 = arith.constant 0.000000e+00 : f32
      %le3A_476 = vector.broadcast %le3A_475 : f32 to vector<16xf32>
      %le3A_477 = arith.cmpf ole, %get3A_474, %le3A_476 : vector<16xf32>
      %jit3A_478 = arith.constant 1.000000e+00 : f32
      %jit3A_479 = arith.constant 0.000000e+00 : f32
      %broadcast_in_dim3A_480 = vector.broadcast %jit3A_478 : f32 to vector<16xf32>
      %broadcast_in_dim3A_481 = vector.broadcast %jit3A_479 : f32 to vector<16xf32>
      %select_n3A_482 = arith.select %le3A_477, %broadcast_in_dim3A_480, %broadcast_in_dim3A_481 : vector<16xi1>, vector<16xf32>
      %add3A_483 = arith.addf %scan3A_438, %select_n3A_482 : vector<16xf32>
      %add3A_484 = arith.constant 48 : i32
      %add3A_485 = arith.addi %multiple_of3A_442, %add3A_484 : i32
      %get3A_486 = arith.index_cast %add3A_485 : i32 to index
      %get3A_487 = tpu.vector_load %arg5[%get3A_486] {strides = array<i32>} : memref<32768xf32, #tpu.memory_space<vmem>>, vector<16xf32>,
      %get3A_488 = vector.shape_cast %get3A_487 : vector<16xf32> to vector<16xf32>
      %le3A_489 = arith.constant 0.000000e+00 : f32
      %le3A_490 = vector.broadcast %le3A_489 : f32 to vector<16xf32>
      %le3A_491 = arith.cmpf ole, %get3A_488, %le3A_490 : vector<16xf32>
      %jit3A_492 = arith.constant 1.000000e+00 : f32
      %jit3A_493 = arith.constant 0.000000e+00 : f32
      %broadcast_in_dim3A_494 = vector.broadcast %jit3A_492 : f32 to vector<16xf32>
      %broadcast_in_dim3A_495 = vector.broadcast %jit3A_493 : f32 to vector<16xf32>
      %select_n3A_496 = arith.select %le3A_491, %broadcast_in_dim3A_494, %broadcast_in_dim3A_495 : vector<16xi1>, vector<16xf32>
      %add3A_497 = arith.addf %scan3A_439, %select_n3A_496 : vector<16xf32>
      scf.yield %add3A_455, %add3A_469, %add3A_483, %add3A_497 : vector<16xf32>, vector<16xf32>, vector<16xf32>, vector<16xf32>
    }
    %scan3A_98 = arith.constant 512 : i32
    %add3A_99 = arith.addf %scan3A_97#0, %scan3A_97#1 : vector<16xf32>
    %add3A_100 = arith.addf %add3A_99, %scan3A_97#2 : vector<16xf32>
    %add3A_101 = arith.addf %add3A_100, %scan3A_97#3 : vector<16xf32>
    %add3A_102 = arith.addf %add3A_88, %add3A_101 : vector<16xf32>
    %add3A_103 = arith.constant 229376 : i32
    %add3A_104 = arith.addi %mul3A_4, %add3A_103 : i32
    "tpu.region"() ({
      %run_scoped3A = tpu.sem_alloc : memref<!tpu.dma_semaphore, #tpu.memory_space<semaphore_mem>>
      %dma_start3A = tpu.memref_slice %arg3[%add3A_104] : memref<16777216xf32, #tpu.memory_space<hbm>> -> memref<32768xf32, #tpu.memory_space<hbm>>
      %dma_start3A_435 = tpu.memref_slice %arg3[%add3A_104] : memref<16777216xf32, #tpu.memory_space<hbm>> -> memref<32768xf32, #tpu.memory_space<hbm>>
      tpu.enqueue_dma source(%dma_start3A_435 : memref<32768xf32, #tpu.memory_space<hbm>>) target(%arg5 : memref<32768xf32, #tpu.memory_space<vmem>>) target_semaphore(%run_scoped3A : memref<!tpu.dma_semaphore, #tpu.memory_space<semaphore_mem>>)
      %dma_wait3A = tpu.memref_slice %arg3[%add3A_104] : memref<16777216xf32, #tpu.memory_space<hbm>> -> memref<32768xf32, #tpu.memory_space<hbm>>
      %dma_wait3A_436 = tpu.memref_slice %arg3[%add3A_104] : memref<16777216xf32, #tpu.memory_space<hbm>> -> memref<32768xf32, #tpu.memory_space<hbm>>
      tpu.wait_dma2 semaphore(%run_scoped3A : memref<!tpu.dma_semaphore, #tpu.memory_space<semaphore_mem>>) src(%dma_wait3A_436 : memref<32768xf32, #tpu.memory_space<hbm>>) dst(%arg5 : memref<32768xf32, #tpu.memory_space<vmem>>)
      tpu.yield
    }) : () -> ()
    %broadcast_in_dim3A_105 = arith.constant 0.000000e+00 : f32
    %broadcast_in_dim3A_106 = vector.broadcast %broadcast_in_dim3A_105 : f32 to vector<16xf32>
    %scan3A_107 = arith.constant 0 : i32
    %scan3A_108 = arith.constant 512 : i32
    %scan3A_109 = arith.addi %scan3A_107, %scan3A_108 : i32
    %scan3A_110 = arith.constant 1 : i32
    %scan3A_111:4 = scf.for %scan3A_435 = %scan3A_107 to %scan3A_109 step %scan3A_110 iter_args(%scan3A_436 = %broadcast_in_dim3A_106, %scan3A_437 = %broadcast_in_dim3A_106, %scan3A_438 = %broadcast_in_dim3A_106, %scan3A_439 = %broadcast_in_dim3A_106) -> (vector<16xf32>, vector<16xf32>, vector<16xf32>, vector<16xf32>)  : i32 {
      %mul3A_440 = arith.constant 64 : i32
      %mul3A_441 = arith.muli %scan3A_435, %mul3A_440 : i32
      %multiple_of3A_442 = tpu.assume_multiple %mul3A_441, 64 : i32
      %add3A_443 = arith.constant 0 : i32
      %add3A_444 = arith.addi %multiple_of3A_442, %add3A_443 : i32
      %get3A_445 = arith.index_cast %add3A_444 : i32 to index
      %get3A_446 = tpu.vector_load %arg5[%get3A_445] {strides = array<i32>} : memref<32768xf32, #tpu.memory_space<vmem>>, vector<16xf32>,
      %get3A_447 = vector.shape_cast %get3A_446 : vector<16xf32> to vector<16xf32>
      %le3A = arith.constant 0.000000e+00 : f32
      %le3A_448 = vector.broadcast %le3A : f32 to vector<16xf32>
      %le3A_449 = arith.cmpf ole, %get3A_447, %le3A_448 : vector<16xf32>
      %jit3A_450 = arith.constant 1.000000e+00 : f32
      %jit3A_451 = arith.constant 0.000000e+00 : f32
      %broadcast_in_dim3A_452 = vector.broadcast %jit3A_450 : f32 to vector<16xf32>
      %broadcast_in_dim3A_453 = vector.broadcast %jit3A_451 : f32 to vector<16xf32>
      %select_n3A_454 = arith.select %le3A_449, %broadcast_in_dim3A_452, %broadcast_in_dim3A_453 : vector<16xi1>, vector<16xf32>
      %add3A_455 = arith.addf %scan3A_436, %select_n3A_454 : vector<16xf32>
      %add3A_456 = arith.constant 16 : i32
      %add3A_457 = arith.addi %multiple_of3A_442, %add3A_456 : i32
      %get3A_458 = arith.index_cast %add3A_457 : i32 to index
      %get3A_459 = tpu.vector_load %arg5[%get3A_458] {strides = array<i32>} : memref<32768xf32, #tpu.memory_space<vmem>>, vector<16xf32>,
      %get3A_460 = vector.shape_cast %get3A_459 : vector<16xf32> to vector<16xf32>
      %le3A_461 = arith.constant 0.000000e+00 : f32
      %le3A_462 = vector.broadcast %le3A_461 : f32 to vector<16xf32>
      %le3A_463 = arith.cmpf ole, %get3A_460, %le3A_462 : vector<16xf32>
      %jit3A_464 = arith.constant 1.000000e+00 : f32
      %jit3A_465 = arith.constant 0.000000e+00 : f32
      %broadcast_in_dim3A_466 = vector.broadcast %jit3A_464 : f32 to vector<16xf32>
      %broadcast_in_dim3A_467 = vector.broadcast %jit3A_465 : f32 to vector<16xf32>
      %select_n3A_468 = arith.select %le3A_463, %broadcast_in_dim3A_466, %broadcast_in_dim3A_467 : vector<16xi1>, vector<16xf32>
      %add3A_469 = arith.addf %scan3A_437, %select_n3A_468 : vector<16xf32>
      %add3A_470 = arith.constant 32 : i32
      %add3A_471 = arith.addi %multiple_of3A_442, %add3A_470 : i32
      %get3A_472 = arith.index_cast %add3A_471 : i32 to index
      %get3A_473 = tpu.vector_load %arg5[%get3A_472] {strides = array<i32>} : memref<32768xf32, #tpu.memory_space<vmem>>, vector<16xf32>,
      %get3A_474 = vector.shape_cast %get3A_473 : vector<16xf32> to vector<16xf32>
      %le3A_475 = arith.constant 0.000000e+00 : f32
      %le3A_476 = vector.broadcast %le3A_475 : f32 to vector<16xf32>
      %le3A_477 = arith.cmpf ole, %get3A_474, %le3A_476 : vector<16xf32>
      %jit3A_478 = arith.constant 1.000000e+00 : f32
      %jit3A_479 = arith.constant 0.000000e+00 : f32
      %broadcast_in_dim3A_480 = vector.broadcast %jit3A_478 : f32 to vector<16xf32>
      %broadcast_in_dim3A_481 = vector.broadcast %jit3A_479 : f32 to vector<16xf32>
      %select_n3A_482 = arith.select %le3A_477, %broadcast_in_dim3A_480, %broadcast_in_dim3A_481 : vector<16xi1>, vector<16xf32>
      %add3A_483 = arith.addf %scan3A_438, %select_n3A_482 : vector<16xf32>
      %add3A_484 = arith.constant 48 : i32
      %add3A_485 = arith.addi %multiple_of3A_442, %add3A_484 : i32
      %get3A_486 = arith.index_cast %add3A_485 : i32 to index
      %get3A_487 = tpu.vector_load %arg5[%get3A_486] {strides = array<i32>} : memref<32768xf32, #tpu.memory_space<vmem>>, vector<16xf32>,
      %get3A_488 = vector.shape_cast %get3A_487 : vector<16xf32> to vector<16xf32>
      %le3A_489 = arith.constant 0.000000e+00 : f32
      %le3A_490 = vector.broadcast %le3A_489 : f32 to vector<16xf32>
      %le3A_491 = arith.cmpf ole, %get3A_488, %le3A_490 : vector<16xf32>
      %jit3A_492 = arith.constant 1.000000e+00 : f32
      %jit3A_493 = arith.constant 0.000000e+00 : f32
      %broadcast_in_dim3A_494 = vector.broadcast %jit3A_492 : f32 to vector<16xf32>
      %broadcast_in_dim3A_495 = vector.broadcast %jit3A_493 : f32 to vector<16xf32>
      %select_n3A_496 = arith.select %le3A_491, %broadcast_in_dim3A_494, %broadcast_in_dim3A_495 : vector<16xi1>, vector<16xf32>
      %add3A_497 = arith.addf %scan3A_439, %select_n3A_496 : vector<16xf32>
      scf.yield %add3A_455, %add3A_469, %add3A_483, %add3A_497 : vector<16xf32>, vector<16xf32>, vector<16xf32>, vector<16xf32>
    }
    %scan3A_112 = arith.constant 512 : i32
    %add3A_113 = arith.addf %scan3A_111#0, %scan3A_111#1 : vector<16xf32>
    %add3A_114 = arith.addf %add3A_113, %scan3A_111#2 : vector<16xf32>
    %add3A_115 = arith.addf %add3A_114, %scan3A_111#3 : vector<16xf32>
    %add3A_116 = arith.addf %add3A_102, %add3A_115 : vector<16xf32>
    %slice3A = vector.extract_strided_slice %add3A_116 {offsets = [0], sizes = [1], strides = [1]} : vector<16xf32> to vector<1xf32>
    %squeeze3A = vector.extract %slice3A[0] : f32 from vector<1xf32>
    %slice3A_117 = vector.extract_strided_slice %add3A_116 {offsets = [1], sizes = [1], strides = [1]} : vector<16xf32> to vector<1xf32>
    %squeeze3A_118 = vector.extract %slice3A_117[0] : f32 from vector<1xf32>
    %add3A_119 = arith.addf %squeeze3A, %squeeze3A_118 : f32
    %slice3A_120 = vector.extract_strided_slice %add3A_116 {offsets = [2], sizes = [1], strides = [1]} : vector<16xf32> to vector<1xf32>
    %squeeze3A_121 = vector.extract %slice3A_120[0] : f32 from vector<1xf32>
    %add3A_122 = arith.addf %add3A_119, %squeeze3A_121 : f32
    %slice3A_123 = vector.extract_strided_slice %add3A_116 {offsets = [3], sizes = [1], strides = [1]} : vector<16xf32> to vector<1xf32>
    %squeeze3A_124 = vector.extract %slice3A_123[0] : f32 from vector<1xf32>
    %add3A_125 = arith.addf %add3A_122, %squeeze3A_124 : f32
    %slice3A_126 = vector.extract_strided_slice %add3A_116 {offsets = [4], sizes = [1], strides = [1]} : vector<16xf32> to vector<1xf32>
    %squeeze3A_127 = vector.extract %slice3A_126[0] : f32 from vector<1xf32>
    %add3A_128 = arith.addf %add3A_125, %squeeze3A_127 : f32
    %slice3A_129 = vector.extract_strided_slice %add3A_116 {offsets = [5], sizes = [1], strides = [1]} : vector<16xf32> to vector<1xf32>
    %squeeze3A_130 = vector.extract %slice3A_129[0] : f32 from vector<1xf32>
    %add3A_131 = arith.addf %add3A_128, %squeeze3A_130 : f32
    %slice3A_132 = vector.extract_strided_slice %add3A_116 {offsets = [6], sizes = [1], strides = [1]} : vector<16xf32> to vector<1xf32>
    %squeeze3A_133 = vector.extract %slice3A_132[0] : f32 from vector<1xf32>
    %add3A_134 = arith.addf %add3A_131, %squeeze3A_133 : f32
    %slice3A_135 = vector.extract_strided_slice %add3A_116 {offsets = [7], sizes = [1], strides = [1]} : vector<16xf32> to vector<1xf32>
    %squeeze3A_136 = vector.extract %slice3A_135[0] : f32 from vector<1xf32>
    %add3A_137 = arith.addf %add3A_134, %squeeze3A_136 : f32
    %slice3A_138 = vector.extract_strided_slice %add3A_116 {offsets = [8], sizes = [1], strides = [1]} : vector<16xf32> to vector<1xf32>
    %squeeze3A_139 = vector.extract %slice3A_138[0] : f32 from vector<1xf32>
    %add3A_140 = arith.addf %add3A_137, %squeeze3A_139 : f32
    %slice3A_141 = vector.extract_strided_slice %add3A_116 {offsets = [9], sizes = [1], strides = [1]} : vector<16xf32> to vector<1xf32>
    %squeeze3A_142 = vector.extract %slice3A_141[0] : f32 from vector<1xf32>
    %add3A_143 = arith.addf %add3A_140, %squeeze3A_142 : f32
    %slice3A_144 = vector.extract_strided_slice %add3A_116 {offsets = [10], sizes = [1], strides = [1]} : vector<16xf32> to vector<1xf32>
    %squeeze3A_145 = vector.extract %slice3A_144[0] : f32 from vector<1xf32>
    %add3A_146 = arith.addf %add3A_143, %squeeze3A_145 : f32
    %slice3A_147 = vector.extract_strided_slice %add3A_116 {offsets = [11], sizes = [1], strides = [1]} : vector<16xf32> to vector<1xf32>
    %squeeze3A_148 = vector.extract %slice3A_147[0] : f32 from vector<1xf32>
    %add3A_149 = arith.addf %add3A_146, %squeeze3A_148 : f32
    %slice3A_150 = vector.extract_strided_slice %add3A_116 {offsets = [12], sizes = [1], strides = [1]} : vector<16xf32> to vector<1xf32>
    %squeeze3A_151 = vector.extract %slice3A_150[0] : f32 from vector<1xf32>
    %add3A_152 = arith.addf %add3A_149, %squeeze3A_151 : f32
    %slice3A_153 = vector.extract_strided_slice %add3A_116 {offsets = [13], sizes = [1], strides = [1]} : vector<16xf32> to vector<1xf32>
    %squeeze3A_154 = vector.extract %slice3A_153[0] : f32 from vector<1xf32>
    %add3A_155 = arith.addf %add3A_152, %squeeze3A_154 : f32
    %slice3A_156 = vector.extract_strided_slice %add3A_116 {offsets = [14], sizes = [1], strides = [1]} : vector<16xf32> to vector<1xf32>
    %squeeze3A_157 = vector.extract %slice3A_156[0] : f32 from vector<1xf32>
    %add3A_158 = arith.addf %add3A_155, %squeeze3A_157 : f32
    %slice3A_159 = vector.extract_strided_slice %add3A_116 {offsets = [15], sizes = [1], strides = [1]} : vector<16xf32> to vector<1xf32>
    %squeeze3A_160 = vector.extract %slice3A_159[0] : f32 from vector<1xf32>
    %add3A_161 = arith.addf %add3A_158, %squeeze3A_160 : f32
    %convert_element_type3A = arith.fptosi %add3A_161 : f32 to i32
    %add3A_162 = arith.constant 209715 : i32
    %add3A_163 = arith.addi %convert_element_type3A, %add3A_162 : i32
    %min3A = arith.constant 262143 : i32
    %min3A_164 = arith.minsi %add3A_163, %min3A : i32
    %add3A_165 = arith.addi %mul3A_4, %min3A_164 : i32
    %and3A = arith.constant -16 : i32
    %and3A_166 = arith.andi %add3A_165, %and3A : i32
    %multiple_of3A = tpu.assume_multiple %and3A_166, 8 : i32
    "tpu.region"() ({
      %run_scoped3A = tpu.sem_alloc : memref<!tpu.dma_semaphore, #tpu.memory_space<semaphore_mem>>
      %dma_start3A = arith.constant 0 : i32
      %dma_start3A_435 = tpu.memref_slice %arg6[%dma_start3A] : memref<32768xf32, #tpu.memory_space<vmem>> -> memref<16xf32, #tpu.memory_space<vmem>>
      %dma_start3A_436 = tpu.memref_slice %arg2[%multiple_of3A] : memref<16777216xf32, #tpu.memory_space<hbm>> -> memref<16xf32, #tpu.memory_space<hbm>>
      %dma_start3A_437 = arith.constant 0 : i32
      %dma_start3A_438 = tpu.memref_slice %arg6[%dma_start3A_437] : memref<32768xf32, #tpu.memory_space<vmem>> -> memref<16xf32, #tpu.memory_space<vmem>>
      %dma_start3A_439 = tpu.memref_slice %arg2[%multiple_of3A] : memref<16777216xf32, #tpu.memory_space<hbm>> -> memref<16xf32, #tpu.memory_space<hbm>>
      tpu.enqueue_dma source(%dma_start3A_439 : memref<16xf32, #tpu.memory_space<hbm>>) target(%dma_start3A_438 : memref<16xf32, #tpu.memory_space<vmem>>) target_semaphore(%run_scoped3A : memref<!tpu.dma_semaphore, #tpu.memory_space<semaphore_mem>>)
      %dma_wait3A = arith.constant 0 : i32
      %dma_wait3A_440 = tpu.memref_slice %arg6[%dma_wait3A] : memref<32768xf32, #tpu.memory_space<vmem>> -> memref<16xf32, #tpu.memory_space<vmem>>
      %dma_wait3A_441 = tpu.memref_slice %arg2[%multiple_of3A] : memref<16777216xf32, #tpu.memory_space<hbm>> -> memref<16xf32, #tpu.memory_space<hbm>>
      %dma_wait3A_442 = arith.constant 0 : i32
      %dma_wait3A_443 = tpu.memref_slice %arg6[%dma_wait3A_442] : memref<32768xf32, #tpu.memory_space<vmem>> -> memref<16xf32, #tpu.memory_space<vmem>>
      %dma_wait3A_444 = tpu.memref_slice %arg2[%multiple_of3A] : memref<16777216xf32, #tpu.memory_space<hbm>> -> memref<16xf32, #tpu.memory_space<hbm>>
      tpu.wait_dma2 semaphore(%run_scoped3A : memref<!tpu.dma_semaphore, #tpu.memory_space<semaphore_mem>>) src(%dma_wait3A_444 : memref<16xf32, #tpu.memory_space<hbm>>) dst(%dma_wait3A_443 : memref<16xf32, #tpu.memory_space<vmem>>)
      tpu.yield
    }) : () -> ()
    "tpu.region"() ({
      %run_scoped3A = tpu.sem_alloc : memref<!tpu.dma_semaphore, #tpu.memory_space<semaphore_mem>>
      %dma_start3A = arith.constant 0 : i32
      %dma_start3A_435 = tpu.memref_slice %arg5[%dma_start3A] : memref<32768xf32, #tpu.memory_space<vmem>> -> memref<16xf32, #tpu.memory_space<vmem>>
      %dma_start3A_436 = tpu.memref_slice %arg3[%multiple_of3A] : memref<16777216xf32, #tpu.memory_space<hbm>> -> memref<16xf32, #tpu.memory_space<hbm>>
      %dma_start3A_437 = arith.constant 0 : i32
      %dma_start3A_438 = tpu.memref_slice %arg5[%dma_start3A_437] : memref<32768xf32, #tpu.memory_space<vmem>> -> memref<16xf32, #tpu.memory_space<vmem>>
      %dma_start3A_439 = tpu.memref_slice %arg3[%multiple_of3A] : memref<16777216xf32, #tpu.memory_space<hbm>> -> memref<16xf32, #tpu.memory_space<hbm>>
      tpu.enqueue_dma source(%dma_start3A_439 : memref<16xf32, #tpu.memory_space<hbm>>) target(%dma_start3A_438 : memref<16xf32, #tpu.memory_space<vmem>>) target_semaphore(%run_scoped3A : memref<!tpu.dma_semaphore, #tpu.memory_space<semaphore_mem>>)
      %dma_wait3A = arith.constant 0 : i32
      %dma_wait3A_440 = tpu.memref_slice %arg5[%dma_wait3A] : memref<32768xf32, #tpu.memory_space<vmem>> -> memref<16xf32, #tpu.memory_space<vmem>>
      %dma_wait3A_441 = tpu.memref_slice %arg3[%multiple_of3A] : memref<16777216xf32, #tpu.memory_space<hbm>> -> memref<16xf32, #tpu.memory_space<hbm>>
      %dma_wait3A_442 = arith.constant 0 : i32
      %dma_wait3A_443 = tpu.memref_slice %arg5[%dma_wait3A_442] : memref<32768xf32, #tpu.memory_space<vmem>> -> memref<16xf32, #tpu.memory_space<vmem>>
      %dma_wait3A_444 = tpu.memref_slice %arg3[%multiple_of3A] : memref<16777216xf32, #tpu.memory_space<hbm>> -> memref<16xf32, #tpu.memory_space<hbm>>
      tpu.wait_dma2 semaphore(%run_scoped3A : memref<!tpu.dma_semaphore, #tpu.memory_space<semaphore_mem>>) src(%dma_wait3A_444 : memref<16xf32, #tpu.memory_space<hbm>>) dst(%dma_wait3A_443 : memref<16xf32, #tpu.memory_space<vmem>>)
      tpu.yield
    }) : () -> ()
    %get3A = arith.constant 0 : index
    %get3A_167 = tpu.vector_load %arg6[%get3A] {strides = array<i32>} : memref<32768xf32, #tpu.memory_space<vmem>>, vector<16xf32>,
    %get3A_168 = vector.shape_cast %get3A_167 : vector<16xf32> to vector<16xf32>
    %get3A_169 = arith.constant 0 : index
    %get3A_170 = tpu.vector_load %arg5[%get3A_169] {strides = array<i32>} : memref<32768xf32, #tpu.memory_space<vmem>>, vector<16xf32>,
    %get3A_171 = vector.shape_cast %get3A_170 : vector<16xf32> to vector<16xf32>
    %gt3A = arith.constant 0.000000e+00 : f32
    %gt3A_172 = vector.broadcast %gt3A : f32 to vector<16xf32>
    %gt3A_173 = arith.cmpf ogt, %get3A_171, %gt3A_172 : vector<16xf32>
    %sub3A = arith.subf %get3A_168, %get3A_171 : vector<16xf32>
    %abs3A = math.absf %sub3A : vector<16xf32>
    %broadcast_in_dim3A_174 = arith.constant 0.000000e+00 : f32
    %broadcast_in_dim3A_175 = vector.broadcast %broadcast_in_dim3A_174 : f32 to vector<16xf32>
    %select_n3A = arith.select %gt3A_173, %abs3A, %broadcast_in_dim3A_175 : vector<16xi1>, vector<16xf32>
    %iota3A = tpu.iota {dimensions = array<i32: 0>} : vector<16xi32>
    %add3A_176 = arith.addi %mul3A_4, %min3A_164 : i32
    %sub3A_177 = arith.subi %add3A_176, %multiple_of3A : i32
    %eq3A = vector.broadcast %sub3A_177 : i32 to vector<16xi32>
    %eq3A_178 = arith.cmpi eq, %iota3A, %eq3A : vector<16xi32>
    %broadcast_in_dim3A_179 = arith.constant 0.000000e+00 : f32
    %broadcast_in_dim3A_180 = vector.broadcast %broadcast_in_dim3A_179 : f32 to vector<16xf32>
    %select_n3A_181 = arith.select %eq3A_178, %select_n3A, %broadcast_in_dim3A_180 : vector<16xi1>, vector<16xf32>
    %slice3A_182 = vector.extract_strided_slice %select_n3A_181 {offsets = [0], sizes = [1], strides = [1]} : vector<16xf32> to vector<1xf32>
    %squeeze3A_183 = vector.extract %slice3A_182[0] : f32 from vector<1xf32>
    %slice3A_184 = vector.extract_strided_slice %select_n3A_181 {offsets = [1], sizes = [1], strides = [1]} : vector<16xf32> to vector<1xf32>
    %squeeze3A_185 = vector.extract %slice3A_184[0] : f32 from vector<1xf32>
    %add3A_186 = arith.addf %squeeze3A_183, %squeeze3A_185 : f32
    %slice3A_187 = vector.extract_strided_slice %select_n3A_181 {offsets = [2], sizes = [1], strides = [1]} : vector<16xf32> to vector<1xf32>
    %squeeze3A_188 = vector.extract %slice3A_187[0] : f32 from vector<1xf32>
    %add3A_189 = arith.addf %add3A_186, %squeeze3A_188 : f32
    %slice3A_190 = vector.extract_strided_slice %select_n3A_181 {offsets = [3], sizes = [1], strides = [1]} : vector<16xf32> to vector<1xf32>
    %squeeze3A_191 = vector.extract %slice3A_190[0] : f32 from vector<1xf32>
    %add3A_192 = arith.addf %add3A_189, %squeeze3A_191 : f32
    %slice3A_193 = vector.extract_strided_slice %select_n3A_181 {offsets = [4], sizes = [1], strides = [1]} : vector<16xf32> to vector<1xf32>
    %squeeze3A_194 = vector.extract %slice3A_193[0] : f32 from vector<1xf32>
    %add3A_195 = arith.addf %add3A_192, %squeeze3A_194 : f32
    %slice3A_196 = vector.extract_strided_slice %select_n3A_181 {offsets = [5], sizes = [1], strides = [1]} : vector<16xf32> to vector<1xf32>
    %squeeze3A_197 = vector.extract %slice3A_196[0] : f32 from vector<1xf32>
    %add3A_198 = arith.addf %add3A_195, %squeeze3A_197 : f32
    %slice3A_199 = vector.extract_strided_slice %select_n3A_181 {offsets = [6], sizes = [1], strides = [1]} : vector<16xf32> to vector<1xf32>
    %squeeze3A_200 = vector.extract %slice3A_199[0] : f32 from vector<1xf32>
    %add3A_201 = arith.addf %add3A_198, %squeeze3A_200 : f32
    %slice3A_202 = vector.extract_strided_slice %select_n3A_181 {offsets = [7], sizes = [1], strides = [1]} : vector<16xf32> to vector<1xf32>
    %squeeze3A_203 = vector.extract %slice3A_202[0] : f32 from vector<1xf32>
    %add3A_204 = arith.addf %add3A_201, %squeeze3A_203 : f32
    %slice3A_205 = vector.extract_strided_slice %select_n3A_181 {offsets = [8], sizes = [1], strides = [1]} : vector<16xf32> to vector<1xf32>
    %squeeze3A_206 = vector.extract %slice3A_205[0] : f32 from vector<1xf32>
    %add3A_207 = arith.addf %add3A_204, %squeeze3A_206 : f32
    %slice3A_208 = vector.extract_strided_slice %select_n3A_181 {offsets = [9], sizes = [1], strides = [1]} : vector<16xf32> to vector<1xf32>
    %squeeze3A_209 = vector.extract %slice3A_208[0] : f32 from vector<1xf32>
    %add3A_210 = arith.addf %add3A_207, %squeeze3A_209 : f32
    %slice3A_211 = vector.extract_strided_slice %select_n3A_181 {offsets = [10], sizes = [1], strides = [1]} : vector<16xf32> to vector<1xf32>
    %squeeze3A_212 = vector.extract %slice3A_211[0] : f32 from vector<1xf32>
    %add3A_213 = arith.addf %add3A_210, %squeeze3A_212 : f32
    %slice3A_214 = vector.extract_strided_slice %select_n3A_181 {offsets = [11], sizes = [1], strides = [1]} : vector<16xf32> to vector<1xf32>
    %squeeze3A_215 = vector.extract %slice3A_214[0] : f32 from vector<1xf32>
    %add3A_216 = arith.addf %add3A_213, %squeeze3A_215 : f32
    %slice3A_217 = vector.extract_strided_slice %select_n3A_181 {offsets = [12], sizes = [1], strides = [1]} : vector<16xf32> to vector<1xf32>
    %squeeze3A_218 = vector.extract %slice3A_217[0] : f32 from vector<1xf32>
    %add3A_219 = arith.addf %add3A_216, %squeeze3A_218 : f32
    %slice3A_220 = vector.extract_strided_slice %select_n3A_181 {offsets = [13], sizes = [1], strides = [1]} : vector<16xf32> to vector<1xf32>
    %squeeze3A_221 = vector.extract %slice3A_220[0] : f32 from vector<1xf32>
    %add3A_222 = arith.addf %add3A_219, %squeeze3A_221 : f32
    %slice3A_223 = vector.extract_strided_slice %select_n3A_181 {offsets = [14], sizes = [1], strides = [1]} : vector<16xf32> to vector<1xf32>
    %squeeze3A_224 = vector.extract %slice3A_223[0] : f32 from vector<1xf32>
    %add3A_225 = arith.addf %add3A_222, %squeeze3A_224 : f32
    %slice3A_226 = vector.extract_strided_slice %select_n3A_181 {offsets = [15], sizes = [1], strides = [1]} : vector<16xf32> to vector<1xf32>
    %squeeze3A_227 = vector.extract %slice3A_226[0] : f32 from vector<1xf32>
    %add3A_228 = arith.addf %add3A_225, %squeeze3A_227 : f32
    %broadcast_in_dim3A_229 = arith.constant 0.000000e+00 : f32
    %broadcast_in_dim3A_230 = vector.broadcast %broadcast_in_dim3A_229 : f32 to vector<16xf32>
    %add3A_231 = arith.constant 0 : i32
    %add3A_232 = arith.addi %mul3A_4, %add3A_231 : i32
    "tpu.region"() ({
      %run_scoped3A = tpu.sem_alloc : memref<!tpu.dma_semaphore, #tpu.memory_space<semaphore_mem>>
      %dma_start3A = tpu.memref_slice %arg2[%add3A_232] : memref<16777216xf32, #tpu.memory_space<hbm>> -> memref<32768xf32, #tpu.memory_space<hbm>>
      %dma_start3A_435 = tpu.memref_slice %arg2[%add3A_232] : memref<16777216xf32, #tpu.memory_space<hbm>> -> memref<32768xf32, #tpu.memory_space<hbm>>
      tpu.enqueue_dma source(%dma_start3A_435 : memref<32768xf32, #tpu.memory_space<hbm>>) target(%arg6 : memref<32768xf32, #tpu.memory_space<vmem>>) target_semaphore(%run_scoped3A : memref<!tpu.dma_semaphore, #tpu.memory_space<semaphore_mem>>)
      %dma_wait3A = tpu.memref_slice %arg2[%add3A_232] : memref<16777216xf32, #tpu.memory_space<hbm>> -> memref<32768xf32, #tpu.memory_space<hbm>>
      %dma_wait3A_436 = tpu.memref_slice %arg2[%add3A_232] : memref<16777216xf32, #tpu.memory_space<hbm>> -> memref<32768xf32, #tpu.memory_space<hbm>>
      tpu.wait_dma2 semaphore(%run_scoped3A : memref<!tpu.dma_semaphore, #tpu.memory_space<semaphore_mem>>) src(%dma_wait3A_436 : memref<32768xf32, #tpu.memory_space<hbm>>) dst(%arg6 : memref<32768xf32, #tpu.memory_space<vmem>>)
      tpu.yield
    }) : () -> ()
    %add3A_233 = arith.constant 0 : i32
    %add3A_234 = arith.addi %mul3A_4, %add3A_233 : i32
    "tpu.region"() ({
      %run_scoped3A = tpu.sem_alloc : memref<!tpu.dma_semaphore, #tpu.memory_space<semaphore_mem>>
      %dma_start3A = tpu.memref_slice %arg3[%add3A_234] : memref<16777216xf32, #tpu.memory_space<hbm>> -> memref<32768xf32, #tpu.memory_space<hbm>>
      %dma_start3A_435 = tpu.memref_slice %arg3[%add3A_234] : memref<16777216xf32, #tpu.memory_space<hbm>> -> memref<32768xf32, #tpu.memory_space<hbm>>
      tpu.enqueue_dma source(%dma_start3A_435 : memref<32768xf32, #tpu.memory_space<hbm>>) target(%arg5 : memref<32768xf32, #tpu.memory_space<vmem>>) target_semaphore(%run_scoped3A : memref<!tpu.dma_semaphore, #tpu.memory_space<semaphore_mem>>)
      %dma_wait3A = tpu.memref_slice %arg3[%add3A_234] : memref<16777216xf32, #tpu.memory_space<hbm>> -> memref<32768xf32, #tpu.memory_space<hbm>>
      %dma_wait3A_436 = tpu.memref_slice %arg3[%add3A_234] : memref<16777216xf32, #tpu.memory_space<hbm>> -> memref<32768xf32, #tpu.memory_space<hbm>>
      tpu.wait_dma2 semaphore(%run_scoped3A : memref<!tpu.dma_semaphore, #tpu.memory_space<semaphore_mem>>) src(%dma_wait3A_436 : memref<32768xf32, #tpu.memory_space<hbm>>) dst(%arg5 : memref<32768xf32, #tpu.memory_space<vmem>>)
      tpu.yield
    }) : () -> ()
    %broadcast_in_dim3A_235 = arith.constant 0.000000e+00 : f32
    %broadcast_in_dim3A_236 = vector.broadcast %broadcast_in_dim3A_235 : f32 to vector<16xf32>
    %scan3A_237 = arith.constant 0 : i32
    %scan3A_238 = arith.constant 512 : i32
    %scan3A_239 = arith.addi %scan3A_237, %scan3A_238 : i32
    %scan3A_240 = arith.constant 1 : i32
    %scan3A_241:4 = scf.for %scan3A_435 = %scan3A_237 to %scan3A_239 step %scan3A_240 iter_args(%scan3A_436 = %broadcast_in_dim3A_236, %scan3A_437 = %broadcast_in_dim3A_236, %scan3A_438 = %broadcast_in_dim3A_236, %scan3A_439 = %broadcast_in_dim3A_236) -> (vector<16xf32>, vector<16xf32>, vector<16xf32>, vector<16xf32>)  : i32 {
      %mul3A_440 = arith.constant 64 : i32
      %mul3A_441 = arith.muli %scan3A_435, %mul3A_440 : i32
      %multiple_of3A_442 = tpu.assume_multiple %mul3A_441, 64 : i32
      %add3A_443 = arith.constant 0 : i32
      %add3A_444 = arith.addi %multiple_of3A_442, %add3A_443 : i32
      %get3A_445 = arith.index_cast %add3A_444 : i32 to index
      %get3A_446 = tpu.vector_load %arg6[%get3A_445] {strides = array<i32>} : memref<32768xf32, #tpu.memory_space<vmem>>, vector<16xf32>,
      %get3A_447 = vector.shape_cast %get3A_446 : vector<16xf32> to vector<16xf32>
      %add3A_448 = arith.constant 0 : i32
      %add3A_449 = arith.addi %multiple_of3A_442, %add3A_448 : i32
      %get3A_450 = arith.index_cast %add3A_449 : i32 to index
      %get3A_451 = tpu.vector_load %arg5[%get3A_450] {strides = array<i32>} : memref<32768xf32, #tpu.memory_space<vmem>>, vector<16xf32>,
      %get3A_452 = vector.shape_cast %get3A_451 : vector<16xf32> to vector<16xf32>
      %sub3A_453 = arith.subf %get3A_447, %get3A_452 : vector<16xf32>
      %abs3A_454 = math.absf %sub3A_453 : vector<16xf32>
      %gt3A_455 = arith.constant 0.000000e+00 : f32
      %gt3A_456 = vector.broadcast %gt3A_455 : f32 to vector<16xf32>
      %gt3A_457 = arith.cmpf ogt, %get3A_452, %gt3A_456 : vector<16xf32>
      %le3A = vector.broadcast %add3A_228 : f32 to vector<16xf32>
      %le3A_458 = arith.cmpf ole, %abs3A_454, %le3A : vector<16xf32>
      %and3A_459 = arith.andi %gt3A_457, %le3A_458 : vector<16xi1>
      %broadcast_in_dim3A_460 = arith.constant 0.000000e+00 : f32
      %broadcast_in_dim3A_461 = vector.broadcast %broadcast_in_dim3A_460 : f32 to vector<16xf32>
      %select_n3A_462 = arith.select %and3A_459, %abs3A_454, %broadcast_in_dim3A_461 : vector<16xi1>, vector<16xf32>
      %add3A_463 = arith.addf %scan3A_436, %select_n3A_462 : vector<16xf32>
      %add3A_464 = arith.constant 16 : i32
      %add3A_465 = arith.addi %multiple_of3A_442, %add3A_464 : i32
      %get3A_466 = arith.index_cast %add3A_465 : i32 to index
      %get3A_467 = tpu.vector_load %arg6[%get3A_466] {strides = array<i32>} : memref<32768xf32, #tpu.memory_space<vmem>>, vector<16xf32>,
      %get3A_468 = vector.shape_cast %get3A_467 : vector<16xf32> to vector<16xf32>
      %add3A_469 = arith.constant 16 : i32
      %add3A_470 = arith.addi %multiple_of3A_442, %add3A_469 : i32
      %get3A_471 = arith.index_cast %add3A_470 : i32 to index
      %get3A_472 = tpu.vector_load %arg5[%get3A_471] {strides = array<i32>} : memref<32768xf32, #tpu.memory_space<vmem>>, vector<16xf32>,
      %get3A_473 = vector.shape_cast %get3A_472 : vector<16xf32> to vector<16xf32>
      %sub3A_474 = arith.subf %get3A_468, %get3A_473 : vector<16xf32>
      %abs3A_475 = math.absf %sub3A_474 : vector<16xf32>
      %gt3A_476 = arith.constant 0.000000e+00 : f32
      %gt3A_477 = vector.broadcast %gt3A_476 : f32 to vector<16xf32>
      %gt3A_478 = arith.cmpf ogt, %get3A_473, %gt3A_477 : vector<16xf32>
      %le3A_479 = vector.broadcast %add3A_228 : f32 to vector<16xf32>
      %le3A_480 = arith.cmpf ole, %abs3A_475, %le3A_479 : vector<16xf32>
      %and3A_481 = arith.andi %gt3A_478, %le3A_480 : vector<16xi1>
      %broadcast_in_dim3A_482 = arith.constant 0.000000e+00 : f32
      %broadcast_in_dim3A_483 = vector.broadcast %broadcast_in_dim3A_482 : f32 to vector<16xf32>
      %select_n3A_484 = arith.select %and3A_481, %abs3A_475, %broadcast_in_dim3A_483 : vector<16xi1>, vector<16xf32>
      %add3A_485 = arith.addf %scan3A_437, %select_n3A_484 : vector<16xf32>
      %add3A_486 = arith.constant 32 : i32
      %add3A_487 = arith.addi %multiple_of3A_442, %add3A_486 : i32
      %get3A_488 = arith.index_cast %add3A_487 : i32 to index
      %get3A_489 = tpu.vector_load %arg6[%get3A_488] {strides = array<i32>} : memref<32768xf32, #tpu.memory_space<vmem>>, vector<16xf32>,
      %get3A_490 = vector.shape_cast %get3A_489 : vector<16xf32> to vector<16xf32>
      %add3A_491 = arith.constant 32 : i32
      %add3A_492 = arith.addi %multiple_of3A_442, %add3A_491 : i32
      %get3A_493 = arith.index_cast %add3A_492 : i32 to index
      %get3A_494 = tpu.vector_load %arg5[%get3A_493] {strides = array<i32>} : memref<32768xf32, #tpu.memory_space<vmem>>, vector<16xf32>,
      %get3A_495 = vector.shape_cast %get3A_494 : vector<16xf32> to vector<16xf32>
      %sub3A_496 = arith.subf %get3A_490, %get3A_495 : vector<16xf32>
      %abs3A_497 = math.absf %sub3A_496 : vector<16xf32>
      %gt3A_498 = arith.constant 0.000000e+00 : f32
      %gt3A_499 = vector.broadcast %gt3A_498 : f32 to vector<16xf32>
      %gt3A_500 = arith.cmpf ogt, %get3A_495, %gt3A_499 : vector<16xf32>
      %le3A_501 = vector.broadcast %add3A_228 : f32 to vector<16xf32>
      %le3A_502 = arith.cmpf ole, %abs3A_497, %le3A_501 : vector<16xf32>
      %and3A_503 = arith.andi %gt3A_500, %le3A_502 : vector<16xi1>
      %broadcast_in_dim3A_504 = arith.constant 0.000000e+00 : f32
      %broadcast_in_dim3A_505 = vector.broadcast %broadcast_in_dim3A_504 : f32 to vector<16xf32>
      %select_n3A_506 = arith.select %and3A_503, %abs3A_497, %broadcast_in_dim3A_505 : vector<16xi1>, vector<16xf32>
      %add3A_507 = arith.addf %scan3A_438, %select_n3A_506 : vector<16xf32>
      %add3A_508 = arith.constant 48 : i32
      %add3A_509 = arith.addi %multiple_of3A_442, %add3A_508 : i32
      %get3A_510 = arith.index_cast %add3A_509 : i32 to index
      %get3A_511 = tpu.vector_load %arg6[%get3A_510] {strides = array<i32>} : memref<32768xf32, #tpu.memory_space<vmem>>, vector<16xf32>,
      %get3A_512 = vector.shape_cast %get3A_511 : vector<16xf32> to vector<16xf32>
      %add3A_513 = arith.constant 48 : i32
      %add3A_514 = arith.addi %multiple_of3A_442, %add3A_513 : i32
      %get3A_515 = arith.index_cast %add3A_514 : i32 to index
      %get3A_516 = tpu.vector_load %arg5[%get3A_515] {strides = array<i32>} : memref<32768xf32, #tpu.memory_space<vmem>>, vector<16xf32>,
      %get3A_517 = vector.shape_cast %get3A_516 : vector<16xf32> to vector<16xf32>
      %sub3A_518 = arith.subf %get3A_512, %get3A_517 : vector<16xf32>
      %abs3A_519 = math.absf %sub3A_518 : vector<16xf32>
      %gt3A_520 = arith.constant 0.000000e+00 : f32
      %gt3A_521 = vector.broadcast %gt3A_520 : f32 to vector<16xf32>
      %gt3A_522 = arith.cmpf ogt, %get3A_517, %gt3A_521 : vector<16xf32>
      %le3A_523 = vector.broadcast %add3A_228 : f32 to vector<16xf32>
      %le3A_524 = arith.cmpf ole, %abs3A_519, %le3A_523 : vector<16xf32>
      %and3A_525 = arith.andi %gt3A_522, %le3A_524 : vector<16xi1>
      %broadcast_in_dim3A_526 = arith.constant 0.000000e+00 : f32
      %broadcast_in_dim3A_527 = vector.broadcast %broadcast_in_dim3A_526 : f32 to vector<16xf32>
      %select_n3A_528 = arith.select %and3A_525, %abs3A_519, %broadcast_in_dim3A_527 : vector<16xi1>, vector<16xf32>
      %add3A_529 = arith.addf %scan3A_439, %select_n3A_528 : vector<16xf32>
      scf.yield %add3A_463, %add3A_485, %add3A_507, %add3A_529 : vector<16xf32>, vector<16xf32>, vector<16xf32>, vector<16xf32>
    }
    %scan3A_242 = arith.constant 512 : i32
    %add3A_243 = arith.addf %scan3A_241#0, %scan3A_241#1 : vector<16xf32>
    %add3A_244 = arith.addf %add3A_243, %scan3A_241#2 : vector<16xf32>
    %add3A_245 = arith.addf %add3A_244, %scan3A_241#3 : vector<16xf32>
    %add3A_246 = arith.addf %broadcast_in_dim3A_230, %add3A_245 : vector<16xf32>
    %add3A_247 = arith.constant 32768 : i32
    %add3A_248 = arith.addi %mul3A_4, %add3A_247 : i32
    "tpu.region"() ({
      %run_scoped3A = tpu.sem_alloc : memref<!tpu.dma_semaphore, #tpu.memory_space<semaphore_mem>>
      %dma_start3A = tpu.memref_slice %arg2[%add3A_248] : memref<16777216xf32, #tpu.memory_space<hbm>> -> memref<32768xf32, #tpu.memory_space<hbm>>
      %dma_start3A_435 = tpu.memref_slice %arg2[%add3A_248] : memref<16777216xf32, #tpu.memory_space<hbm>> -> memref<32768xf32, #tpu.memory_space<hbm>>
      tpu.enqueue_dma source(%dma_start3A_435 : memref<32768xf32, #tpu.memory_space<hbm>>) target(%arg6 : memref<32768xf32, #tpu.memory_space<vmem>>) target_semaphore(%run_scoped3A : memref<!tpu.dma_semaphore, #tpu.memory_space<semaphore_mem>>)
      %dma_wait3A = tpu.memref_slice %arg2[%add3A_248] : memref<16777216xf32, #tpu.memory_space<hbm>> -> memref<32768xf32, #tpu.memory_space<hbm>>
      %dma_wait3A_436 = tpu.memref_slice %arg2[%add3A_248] : memref<16777216xf32, #tpu.memory_space<hbm>> -> memref<32768xf32, #tpu.memory_space<hbm>>
      tpu.wait_dma2 semaphore(%run_scoped3A : memref<!tpu.dma_semaphore, #tpu.memory_space<semaphore_mem>>) src(%dma_wait3A_436 : memref<32768xf32, #tpu.memory_space<hbm>>) dst(%arg6 : memref<32768xf32, #tpu.memory_space<vmem>>)
      tpu.yield
    }) : () -> ()
    %add3A_249 = arith.constant 32768 : i32
    %add3A_250 = arith.addi %mul3A_4, %add3A_249 : i32
    "tpu.region"() ({
      %run_scoped3A = tpu.sem_alloc : memref<!tpu.dma_semaphore, #tpu.memory_space<semaphore_mem>>
      %dma_start3A = tpu.memref_slice %arg3[%add3A_250] : memref<16777216xf32, #tpu.memory_space<hbm>> -> memref<32768xf32, #tpu.memory_space<hbm>>
      %dma_start3A_435 = tpu.memref_slice %arg3[%add3A_250] : memref<16777216xf32, #tpu.memory_space<hbm>> -> memref<32768xf32, #tpu.memory_space<hbm>>
      tpu.enqueue_dma source(%dma_start3A_435 : memref<32768xf32, #tpu.memory_space<hbm>>) target(%arg5 : memref<32768xf32, #tpu.memory_space<vmem>>) target_semaphore(%run_scoped3A : memref<!tpu.dma_semaphore, #tpu.memory_space<semaphore_mem>>)
      %dma_wait3A = tpu.memref_slice %arg3[%add3A_250] : memref<16777216xf32, #tpu.memory_space<hbm>> -> memref<32768xf32, #tpu.memory_space<hbm>>
      %dma_wait3A_436 = tpu.memref_slice %arg3[%add3A_250] : memref<16777216xf32, #tpu.memory_space<hbm>> -> memref<32768xf32, #tpu.memory_space<hbm>>
      tpu.wait_dma2 semaphore(%run_scoped3A : memref<!tpu.dma_semaphore, #tpu.memory_space<semaphore_mem>>) src(%dma_wait3A_436 : memref<32768xf32, #tpu.memory_space<hbm>>) dst(%arg5 : memref<32768xf32, #tpu.memory_space<vmem>>)
      tpu.yield
    }) : () -> ()
    %broadcast_in_dim3A_251 = arith.constant 0.000000e+00 : f32
    %broadcast_in_dim3A_252 = vector.broadcast %broadcast_in_dim3A_251 : f32 to vector<16xf32>
    %scan3A_253 = arith.constant 0 : i32
    %scan3A_254 = arith.constant 512 : i32
    %scan3A_255 = arith.addi %scan3A_253, %scan3A_254 : i32
    %scan3A_256 = arith.constant 1 : i32
    %scan3A_257:4 = scf.for %scan3A_435 = %scan3A_253 to %scan3A_255 step %scan3A_256 iter_args(%scan3A_436 = %broadcast_in_dim3A_252, %scan3A_437 = %broadcast_in_dim3A_252, %scan3A_438 = %broadcast_in_dim3A_252, %scan3A_439 = %broadcast_in_dim3A_252) -> (vector<16xf32>, vector<16xf32>, vector<16xf32>, vector<16xf32>)  : i32 {
      %mul3A_440 = arith.constant 64 : i32
      %mul3A_441 = arith.muli %scan3A_435, %mul3A_440 : i32
      %multiple_of3A_442 = tpu.assume_multiple %mul3A_441, 64 : i32
      %add3A_443 = arith.constant 0 : i32
      %add3A_444 = arith.addi %multiple_of3A_442, %add3A_443 : i32
      %get3A_445 = arith.index_cast %add3A_444 : i32 to index
      %get3A_446 = tpu.vector_load %arg6[%get3A_445] {strides = array<i32>} : memref<32768xf32, #tpu.memory_space<vmem>>, vector<16xf32>,
      %get3A_447 = vector.shape_cast %get3A_446 : vector<16xf32> to vector<16xf32>
      %add3A_448 = arith.constant 0 : i32
      %add3A_449 = arith.addi %multiple_of3A_442, %add3A_448 : i32
      %get3A_450 = arith.index_cast %add3A_449 : i32 to index
      %get3A_451 = tpu.vector_load %arg5[%get3A_450] {strides = array<i32>} : memref<32768xf32, #tpu.memory_space<vmem>>, vector<16xf32>,
      %get3A_452 = vector.shape_cast %get3A_451 : vector<16xf32> to vector<16xf32>
      %sub3A_453 = arith.subf %get3A_447, %get3A_452 : vector<16xf32>
      %abs3A_454 = math.absf %sub3A_453 : vector<16xf32>
      %gt3A_455 = arith.constant 0.000000e+00 : f32
      %gt3A_456 = vector.broadcast %gt3A_455 : f32 to vector<16xf32>
      %gt3A_457 = arith.cmpf ogt, %get3A_452, %gt3A_456 : vector<16xf32>
      %le3A = vector.broadcast %add3A_228 : f32 to vector<16xf32>
      %le3A_458 = arith.cmpf ole, %abs3A_454, %le3A : vector<16xf32>
      %and3A_459 = arith.andi %gt3A_457, %le3A_458 : vector<16xi1>
      %broadcast_in_dim3A_460 = arith.constant 0.000000e+00 : f32
      %broadcast_in_dim3A_461 = vector.broadcast %broadcast_in_dim3A_460 : f32 to vector<16xf32>
      %select_n3A_462 = arith.select %and3A_459, %abs3A_454, %broadcast_in_dim3A_461 : vector<16xi1>, vector<16xf32>
      %add3A_463 = arith.addf %scan3A_436, %select_n3A_462 : vector<16xf32>
      %add3A_464 = arith.constant 16 : i32
      %add3A_465 = arith.addi %multiple_of3A_442, %add3A_464 : i32
      %get3A_466 = arith.index_cast %add3A_465 : i32 to index
      %get3A_467 = tpu.vector_load %arg6[%get3A_466] {strides = array<i32>} : memref<32768xf32, #tpu.memory_space<vmem>>, vector<16xf32>,
      %get3A_468 = vector.shape_cast %get3A_467 : vector<16xf32> to vector<16xf32>
      %add3A_469 = arith.constant 16 : i32
      %add3A_470 = arith.addi %multiple_of3A_442, %add3A_469 : i32
      %get3A_471 = arith.index_cast %add3A_470 : i32 to index
      %get3A_472 = tpu.vector_load %arg5[%get3A_471] {strides = array<i32>} : memref<32768xf32, #tpu.memory_space<vmem>>, vector<16xf32>,
      %get3A_473 = vector.shape_cast %get3A_472 : vector<16xf32> to vector<16xf32>
      %sub3A_474 = arith.subf %get3A_468, %get3A_473 : vector<16xf32>
      %abs3A_475 = math.absf %sub3A_474 : vector<16xf32>
      %gt3A_476 = arith.constant 0.000000e+00 : f32
      %gt3A_477 = vector.broadcast %gt3A_476 : f32 to vector<16xf32>
      %gt3A_478 = arith.cmpf ogt, %get3A_473, %gt3A_477 : vector<16xf32>
      %le3A_479 = vector.broadcast %add3A_228 : f32 to vector<16xf32>
      %le3A_480 = arith.cmpf ole, %abs3A_475, %le3A_479 : vector<16xf32>
      %and3A_481 = arith.andi %gt3A_478, %le3A_480 : vector<16xi1>
      %broadcast_in_dim3A_482 = arith.constant 0.000000e+00 : f32
      %broadcast_in_dim3A_483 = vector.broadcast %broadcast_in_dim3A_482 : f32 to vector<16xf32>
      %select_n3A_484 = arith.select %and3A_481, %abs3A_475, %broadcast_in_dim3A_483 : vector<16xi1>, vector<16xf32>
      %add3A_485 = arith.addf %scan3A_437, %select_n3A_484 : vector<16xf32>
      %add3A_486 = arith.constant 32 : i32
      %add3A_487 = arith.addi %multiple_of3A_442, %add3A_486 : i32
      %get3A_488 = arith.index_cast %add3A_487 : i32 to index
      %get3A_489 = tpu.vector_load %arg6[%get3A_488] {strides = array<i32>} : memref<32768xf32, #tpu.memory_space<vmem>>, vector<16xf32>,
      %get3A_490 = vector.shape_cast %get3A_489 : vector<16xf32> to vector<16xf32>
      %add3A_491 = arith.constant 32 : i32
      %add3A_492 = arith.addi %multiple_of3A_442, %add3A_491 : i32
      %get3A_493 = arith.index_cast %add3A_492 : i32 to index
      %get3A_494 = tpu.vector_load %arg5[%get3A_493] {strides = array<i32>} : memref<32768xf32, #tpu.memory_space<vmem>>, vector<16xf32>,
      %get3A_495 = vector.shape_cast %get3A_494 : vector<16xf32> to vector<16xf32>
      %sub3A_496 = arith.subf %get3A_490, %get3A_495 : vector<16xf32>
      %abs3A_497 = math.absf %sub3A_496 : vector<16xf32>
      %gt3A_498 = arith.constant 0.000000e+00 : f32
      %gt3A_499 = vector.broadcast %gt3A_498 : f32 to vector<16xf32>
      %gt3A_500 = arith.cmpf ogt, %get3A_495, %gt3A_499 : vector<16xf32>
      %le3A_501 = vector.broadcast %add3A_228 : f32 to vector<16xf32>
      %le3A_502 = arith.cmpf ole, %abs3A_497, %le3A_501 : vector<16xf32>
      %and3A_503 = arith.andi %gt3A_500, %le3A_502 : vector<16xi1>
      %broadcast_in_dim3A_504 = arith.constant 0.000000e+00 : f32
      %broadcast_in_dim3A_505 = vector.broadcast %broadcast_in_dim3A_504 : f32 to vector<16xf32>
      %select_n3A_506 = arith.select %and3A_503, %abs3A_497, %broadcast_in_dim3A_505 : vector<16xi1>, vector<16xf32>
      %add3A_507 = arith.addf %scan3A_438, %select_n3A_506 : vector<16xf32>
      %add3A_508 = arith.constant 48 : i32
      %add3A_509 = arith.addi %multiple_of3A_442, %add3A_508 : i32
      %get3A_510 = arith.index_cast %add3A_509 : i32 to index
      %get3A_511 = tpu.vector_load %arg6[%get3A_510] {strides = array<i32>} : memref<32768xf32, #tpu.memory_space<vmem>>, vector<16xf32>,
      %get3A_512 = vector.shape_cast %get3A_511 : vector<16xf32> to vector<16xf32>
      %add3A_513 = arith.constant 48 : i32
      %add3A_514 = arith.addi %multiple_of3A_442, %add3A_513 : i32
      %get3A_515 = arith.index_cast %add3A_514 : i32 to index
      %get3A_516 = tpu.vector_load %arg5[%get3A_515] {strides = array<i32>} : memref<32768xf32, #tpu.memory_space<vmem>>, vector<16xf32>,
      %get3A_517 = vector.shape_cast %get3A_516 : vector<16xf32> to vector<16xf32>
      %sub3A_518 = arith.subf %get3A_512, %get3A_517 : vector<16xf32>
      %abs3A_519 = math.absf %sub3A_518 : vector<16xf32>
      %gt3A_520 = arith.constant 0.000000e+00 : f32
      %gt3A_521 = vector.broadcast %gt3A_520 : f32 to vector<16xf32>
      %gt3A_522 = arith.cmpf ogt, %get3A_517, %gt3A_521 : vector<16xf32>
      %le3A_523 = vector.broadcast %add3A_228 : f32 to vector<16xf32>
      %le3A_524 = arith.cmpf ole, %abs3A_519, %le3A_523 : vector<16xf32>
      %and3A_525 = arith.andi %gt3A_522, %le3A_524 : vector<16xi1>
      %broadcast_in_dim3A_526 = arith.constant 0.000000e+00 : f32
      %broadcast_in_dim3A_527 = vector.broadcast %broadcast_in_dim3A_526 : f32 to vector<16xf32>
      %select_n3A_528 = arith.select %and3A_525, %abs3A_519, %broadcast_in_dim3A_527 : vector<16xi1>, vector<16xf32>
      %add3A_529 = arith.addf %scan3A_439, %select_n3A_528 : vector<16xf32>
      scf.yield %add3A_463, %add3A_485, %add3A_507, %add3A_529 : vector<16xf32>, vector<16xf32>, vector<16xf32>, vector<16xf32>
    }
    %scan3A_258 = arith.constant 512 : i32
    %add3A_259 = arith.addf %scan3A_257#0, %scan3A_257#1 : vector<16xf32>
    %add3A_260 = arith.addf %add3A_259, %scan3A_257#2 : vector<16xf32>
    %add3A_261 = arith.addf %add3A_260, %scan3A_257#3 : vector<16xf32>
    %add3A_262 = arith.addf %add3A_246, %add3A_261 : vector<16xf32>
    %add3A_263 = arith.constant 65536 : i32
    %add3A_264 = arith.addi %mul3A_4, %add3A_263 : i32
    "tpu.region"() ({
      %run_scoped3A = tpu.sem_alloc : memref<!tpu.dma_semaphore, #tpu.memory_space<semaphore_mem>>
      %dma_start3A = tpu.memref_slice %arg2[%add3A_264] : memref<16777216xf32, #tpu.memory_space<hbm>> -> memref<32768xf32, #tpu.memory_space<hbm>>
      %dma_start3A_435 = tpu.memref_slice %arg2[%add3A_264] : memref<16777216xf32, #tpu.memory_space<hbm>> -> memref<32768xf32, #tpu.memory_space<hbm>>
      tpu.enqueue_dma source(%dma_start3A_435 : memref<32768xf32, #tpu.memory_space<hbm>>) target(%arg6 : memref<32768xf32, #tpu.memory_space<vmem>>) target_semaphore(%run_scoped3A : memref<!tpu.dma_semaphore, #tpu.memory_space<semaphore_mem>>)
      %dma_wait3A = tpu.memref_slice %arg2[%add3A_264] : memref<16777216xf32, #tpu.memory_space<hbm>> -> memref<32768xf32, #tpu.memory_space<hbm>>
      %dma_wait3A_436 = tpu.memref_slice %arg2[%add3A_264] : memref<16777216xf32, #tpu.memory_space<hbm>> -> memref<32768xf32, #tpu.memory_space<hbm>>
      tpu.wait_dma2 semaphore(%run_scoped3A : memref<!tpu.dma_semaphore, #tpu.memory_space<semaphore_mem>>) src(%dma_wait3A_436 : memref<32768xf32, #tpu.memory_space<hbm>>) dst(%arg6 : memref<32768xf32, #tpu.memory_space<vmem>>)
      tpu.yield
    }) : () -> ()
    %add3A_265 = arith.constant 65536 : i32
    %add3A_266 = arith.addi %mul3A_4, %add3A_265 : i32
    "tpu.region"() ({
      %run_scoped3A = tpu.sem_alloc : memref<!tpu.dma_semaphore, #tpu.memory_space<semaphore_mem>>
      %dma_start3A = tpu.memref_slice %arg3[%add3A_266] : memref<16777216xf32, #tpu.memory_space<hbm>> -> memref<32768xf32, #tpu.memory_space<hbm>>
      %dma_start3A_435 = tpu.memref_slice %arg3[%add3A_266] : memref<16777216xf32, #tpu.memory_space<hbm>> -> memref<32768xf32, #tpu.memory_space<hbm>>
      tpu.enqueue_dma source(%dma_start3A_435 : memref<32768xf32, #tpu.memory_space<hbm>>) target(%arg5 : memref<32768xf32, #tpu.memory_space<vmem>>) target_semaphore(%run_scoped3A : memref<!tpu.dma_semaphore, #tpu.memory_space<semaphore_mem>>)
      %dma_wait3A = tpu.memref_slice %arg3[%add3A_266] : memref<16777216xf32, #tpu.memory_space<hbm>> -> memref<32768xf32, #tpu.memory_space<hbm>>
      %dma_wait3A_436 = tpu.memref_slice %arg3[%add3A_266] : memref<16777216xf32, #tpu.memory_space<hbm>> -> memref<32768xf32, #tpu.memory_space<hbm>>
      tpu.wait_dma2 semaphore(%run_scoped3A : memref<!tpu.dma_semaphore, #tpu.memory_space<semaphore_mem>>) src(%dma_wait3A_436 : memref<32768xf32, #tpu.memory_space<hbm>>) dst(%arg5 : memref<32768xf32, #tpu.memory_space<vmem>>)
      tpu.yield
    }) : () -> ()
    %broadcast_in_dim3A_267 = arith.constant 0.000000e+00 : f32
    %broadcast_in_dim3A_268 = vector.broadcast %broadcast_in_dim3A_267 : f32 to vector<16xf32>
    %scan3A_269 = arith.constant 0 : i32
    %scan3A_270 = arith.constant 512 : i32
    %scan3A_271 = arith.addi %scan3A_269, %scan3A_270 : i32
    %scan3A_272 = arith.constant 1 : i32
    %scan3A_273:4 = scf.for %scan3A_435 = %scan3A_269 to %scan3A_271 step %scan3A_272 iter_args(%scan3A_436 = %broadcast_in_dim3A_268, %scan3A_437 = %broadcast_in_dim3A_268, %scan3A_438 = %broadcast_in_dim3A_268, %scan3A_439 = %broadcast_in_dim3A_268) -> (vector<16xf32>, vector<16xf32>, vector<16xf32>, vector<16xf32>)  : i32 {
      %mul3A_440 = arith.constant 64 : i32
      %mul3A_441 = arith.muli %scan3A_435, %mul3A_440 : i32
      %multiple_of3A_442 = tpu.assume_multiple %mul3A_441, 64 : i32
      %add3A_443 = arith.constant 0 : i32
      %add3A_444 = arith.addi %multiple_of3A_442, %add3A_443 : i32
      %get3A_445 = arith.index_cast %add3A_444 : i32 to index
      %get3A_446 = tpu.vector_load %arg6[%get3A_445] {strides = array<i32>} : memref<32768xf32, #tpu.memory_space<vmem>>, vector<16xf32>,
      %get3A_447 = vector.shape_cast %get3A_446 : vector<16xf32> to vector<16xf32>
      %add3A_448 = arith.constant 0 : i32
      %add3A_449 = arith.addi %multiple_of3A_442, %add3A_448 : i32
      %get3A_450 = arith.index_cast %add3A_449 : i32 to index
      %get3A_451 = tpu.vector_load %arg5[%get3A_450] {strides = array<i32>} : memref<32768xf32, #tpu.memory_space<vmem>>, vector<16xf32>,
      %get3A_452 = vector.shape_cast %get3A_451 : vector<16xf32> to vector<16xf32>
      %sub3A_453 = arith.subf %get3A_447, %get3A_452 : vector<16xf32>
      %abs3A_454 = math.absf %sub3A_453 : vector<16xf32>
      %gt3A_455 = arith.constant 0.000000e+00 : f32
      %gt3A_456 = vector.broadcast %gt3A_455 : f32 to vector<16xf32>
      %gt3A_457 = arith.cmpf ogt, %get3A_452, %gt3A_456 : vector<16xf32>
      %le3A = vector.broadcast %add3A_228 : f32 to vector<16xf32>
      %le3A_458 = arith.cmpf ole, %abs3A_454, %le3A : vector<16xf32>
      %and3A_459 = arith.andi %gt3A_457, %le3A_458 : vector<16xi1>
      %broadcast_in_dim3A_460 = arith.constant 0.000000e+00 : f32
      %broadcast_in_dim3A_461 = vector.broadcast %broadcast_in_dim3A_460 : f32 to vector<16xf32>
      %select_n3A_462 = arith.select %and3A_459, %abs3A_454, %broadcast_in_dim3A_461 : vector<16xi1>, vector<16xf32>
      %add3A_463 = arith.addf %scan3A_436, %select_n3A_462 : vector<16xf32>
      %add3A_464 = arith.constant 16 : i32
      %add3A_465 = arith.addi %multiple_of3A_442, %add3A_464 : i32
      %get3A_466 = arith.index_cast %add3A_465 : i32 to index
      %get3A_467 = tpu.vector_load %arg6[%get3A_466] {strides = array<i32>} : memref<32768xf32, #tpu.memory_space<vmem>>, vector<16xf32>,
      %get3A_468 = vector.shape_cast %get3A_467 : vector<16xf32> to vector<16xf32>
      %add3A_469 = arith.constant 16 : i32
      %add3A_470 = arith.addi %multiple_of3A_442, %add3A_469 : i32
      %get3A_471 = arith.index_cast %add3A_470 : i32 to index
      %get3A_472 = tpu.vector_load %arg5[%get3A_471] {strides = array<i32>} : memref<32768xf32, #tpu.memory_space<vmem>>, vector<16xf32>,
      %get3A_473 = vector.shape_cast %get3A_472 : vector<16xf32> to vector<16xf32>
      %sub3A_474 = arith.subf %get3A_468, %get3A_473 : vector<16xf32>
      %abs3A_475 = math.absf %sub3A_474 : vector<16xf32>
      %gt3A_476 = arith.constant 0.000000e+00 : f32
      %gt3A_477 = vector.broadcast %gt3A_476 : f32 to vector<16xf32>
      %gt3A_478 = arith.cmpf ogt, %get3A_473, %gt3A_477 : vector<16xf32>
      %le3A_479 = vector.broadcast %add3A_228 : f32 to vector<16xf32>
      %le3A_480 = arith.cmpf ole, %abs3A_475, %le3A_479 : vector<16xf32>
      %and3A_481 = arith.andi %gt3A_478, %le3A_480 : vector<16xi1>
      %broadcast_in_dim3A_482 = arith.constant 0.000000e+00 : f32
      %broadcast_in_dim3A_483 = vector.broadcast %broadcast_in_dim3A_482 : f32 to vector<16xf32>
      %select_n3A_484 = arith.select %and3A_481, %abs3A_475, %broadcast_in_dim3A_483 : vector<16xi1>, vector<16xf32>
      %add3A_485 = arith.addf %scan3A_437, %select_n3A_484 : vector<16xf32>
      %add3A_486 = arith.constant 32 : i32
      %add3A_487 = arith.addi %multiple_of3A_442, %add3A_486 : i32
      %get3A_488 = arith.index_cast %add3A_487 : i32 to index
      %get3A_489 = tpu.vector_load %arg6[%get3A_488] {strides = array<i32>} : memref<32768xf32, #tpu.memory_space<vmem>>, vector<16xf32>,
      %get3A_490 = vector.shape_cast %get3A_489 : vector<16xf32> to vector<16xf32>
      %add3A_491 = arith.constant 32 : i32
      %add3A_492 = arith.addi %multiple_of3A_442, %add3A_491 : i32
      %get3A_493 = arith.index_cast %add3A_492 : i32 to index
      %get3A_494 = tpu.vector_load %arg5[%get3A_493] {strides = array<i32>} : memref<32768xf32, #tpu.memory_space<vmem>>, vector<16xf32>,
      %get3A_495 = vector.shape_cast %get3A_494 : vector<16xf32> to vector<16xf32>
      %sub3A_496 = arith.subf %get3A_490, %get3A_495 : vector<16xf32>
      %abs3A_497 = math.absf %sub3A_496 : vector<16xf32>
      %gt3A_498 = arith.constant 0.000000e+00 : f32
      %gt3A_499 = vector.broadcast %gt3A_498 : f32 to vector<16xf32>
      %gt3A_500 = arith.cmpf ogt, %get3A_495, %gt3A_499 : vector<16xf32>
      %le3A_501 = vector.broadcast %add3A_228 : f32 to vector<16xf32>
      %le3A_502 = arith.cmpf ole, %abs3A_497, %le3A_501 : vector<16xf32>
      %and3A_503 = arith.andi %gt3A_500, %le3A_502 : vector<16xi1>
      %broadcast_in_dim3A_504 = arith.constant 0.000000e+00 : f32
      %broadcast_in_dim3A_505 = vector.broadcast %broadcast_in_dim3A_504 : f32 to vector<16xf32>
      %select_n3A_506 = arith.select %and3A_503, %abs3A_497, %broadcast_in_dim3A_505 : vector<16xi1>, vector<16xf32>
      %add3A_507 = arith.addf %scan3A_438, %select_n3A_506 : vector<16xf32>
      %add3A_508 = arith.constant 48 : i32
      %add3A_509 = arith.addi %multiple_of3A_442, %add3A_508 : i32
      %get3A_510 = arith.index_cast %add3A_509 : i32 to index
      %get3A_511 = tpu.vector_load %arg6[%get3A_510] {strides = array<i32>} : memref<32768xf32, #tpu.memory_space<vmem>>, vector<16xf32>,
      %get3A_512 = vector.shape_cast %get3A_511 : vector<16xf32> to vector<16xf32>
      %add3A_513 = arith.constant 48 : i32
      %add3A_514 = arith.addi %multiple_of3A_442, %add3A_513 : i32
      %get3A_515 = arith.index_cast %add3A_514 : i32 to index
      %get3A_516 = tpu.vector_load %arg5[%get3A_515] {strides = array<i32>} : memref<32768xf32, #tpu.memory_space<vmem>>, vector<16xf32>,
      %get3A_517 = vector.shape_cast %get3A_516 : vector<16xf32> to vector<16xf32>
      %sub3A_518 = arith.subf %get3A_512, %get3A_517 : vector<16xf32>
      %abs3A_519 = math.absf %sub3A_518 : vector<16xf32>
      %gt3A_520 = arith.constant 0.000000e+00 : f32
      %gt3A_521 = vector.broadcast %gt3A_520 : f32 to vector<16xf32>
      %gt3A_522 = arith.cmpf ogt, %get3A_517, %gt3A_521 : vector<16xf32>
      %le3A_523 = vector.broadcast %add3A_228 : f32 to vector<16xf32>
      %le3A_524 = arith.cmpf ole, %abs3A_519, %le3A_523 : vector<16xf32>
      %and3A_525 = arith.andi %gt3A_522, %le3A_524 : vector<16xi1>
      %broadcast_in_dim3A_526 = arith.constant 0.000000e+00 : f32
      %broadcast_in_dim3A_527 = vector.broadcast %broadcast_in_dim3A_526 : f32 to vector<16xf32>
      %select_n3A_528 = arith.select %and3A_525, %abs3A_519, %broadcast_in_dim3A_527 : vector<16xi1>, vector<16xf32>
      %add3A_529 = arith.addf %scan3A_439, %select_n3A_528 : vector<16xf32>
      scf.yield %add3A_463, %add3A_485, %add3A_507, %add3A_529 : vector<16xf32>, vector<16xf32>, vector<16xf32>, vector<16xf32>
    }
    %scan3A_274 = arith.constant 512 : i32
    %add3A_275 = arith.addf %scan3A_273#0, %scan3A_273#1 : vector<16xf32>
    %add3A_276 = arith.addf %add3A_275, %scan3A_273#2 : vector<16xf32>
    %add3A_277 = arith.addf %add3A_276, %scan3A_273#3 : vector<16xf32>
    %add3A_278 = arith.addf %add3A_262, %add3A_277 : vector<16xf32>
    %add3A_279 = arith.constant 98304 : i32
    %add3A_280 = arith.addi %mul3A_4, %add3A_279 : i32
    "tpu.region"() ({
      %run_scoped3A = tpu.sem_alloc : memref<!tpu.dma_semaphore, #tpu.memory_space<semaphore_mem>>
      %dma_start3A = tpu.memref_slice %arg2[%add3A_280] : memref<16777216xf32, #tpu.memory_space<hbm>> -> memref<32768xf32, #tpu.memory_space<hbm>>
      %dma_start3A_435 = tpu.memref_slice %arg2[%add3A_280] : memref<16777216xf32, #tpu.memory_space<hbm>> -> memref<32768xf32, #tpu.memory_space<hbm>>
      tpu.enqueue_dma source(%dma_start3A_435 : memref<32768xf32, #tpu.memory_space<hbm>>) target(%arg6 : memref<32768xf32, #tpu.memory_space<vmem>>) target_semaphore(%run_scoped3A : memref<!tpu.dma_semaphore, #tpu.memory_space<semaphore_mem>>)
      %dma_wait3A = tpu.memref_slice %arg2[%add3A_280] : memref<16777216xf32, #tpu.memory_space<hbm>> -> memref<32768xf32, #tpu.memory_space<hbm>>
      %dma_wait3A_436 = tpu.memref_slice %arg2[%add3A_280] : memref<16777216xf32, #tpu.memory_space<hbm>> -> memref<32768xf32, #tpu.memory_space<hbm>>
      tpu.wait_dma2 semaphore(%run_scoped3A : memref<!tpu.dma_semaphore, #tpu.memory_space<semaphore_mem>>) src(%dma_wait3A_436 : memref<32768xf32, #tpu.memory_space<hbm>>) dst(%arg6 : memref<32768xf32, #tpu.memory_space<vmem>>)
      tpu.yield
    }) : () -> ()
    %add3A_281 = arith.constant 98304 : i32
    %add3A_282 = arith.addi %mul3A_4, %add3A_281 : i32
    "tpu.region"() ({
      %run_scoped3A = tpu.sem_alloc : memref<!tpu.dma_semaphore, #tpu.memory_space<semaphore_mem>>
      %dma_start3A = tpu.memref_slice %arg3[%add3A_282] : memref<16777216xf32, #tpu.memory_space<hbm>> -> memref<32768xf32, #tpu.memory_space<hbm>>
      %dma_start3A_435 = tpu.memref_slice %arg3[%add3A_282] : memref<16777216xf32, #tpu.memory_space<hbm>> -> memref<32768xf32, #tpu.memory_space<hbm>>
      tpu.enqueue_dma source(%dma_start3A_435 : memref<32768xf32, #tpu.memory_space<hbm>>) target(%arg5 : memref<32768xf32, #tpu.memory_space<vmem>>) target_semaphore(%run_scoped3A : memref<!tpu.dma_semaphore, #tpu.memory_space<semaphore_mem>>)
      %dma_wait3A = tpu.memref_slice %arg3[%add3A_282] : memref<16777216xf32, #tpu.memory_space<hbm>> -> memref<32768xf32, #tpu.memory_space<hbm>>
      %dma_wait3A_436 = tpu.memref_slice %arg3[%add3A_282] : memref<16777216xf32, #tpu.memory_space<hbm>> -> memref<32768xf32, #tpu.memory_space<hbm>>
      tpu.wait_dma2 semaphore(%run_scoped3A : memref<!tpu.dma_semaphore, #tpu.memory_space<semaphore_mem>>) src(%dma_wait3A_436 : memref<32768xf32, #tpu.memory_space<hbm>>) dst(%arg5 : memref<32768xf32, #tpu.memory_space<vmem>>)
      tpu.yield
    }) : () -> ()
    %broadcast_in_dim3A_283 = arith.constant 0.000000e+00 : f32
    %broadcast_in_dim3A_284 = vector.broadcast %broadcast_in_dim3A_283 : f32 to vector<16xf32>
    %scan3A_285 = arith.constant 0 : i32
    %scan3A_286 = arith.constant 512 : i32
    %scan3A_287 = arith.addi %scan3A_285, %scan3A_286 : i32
    %scan3A_288 = arith.constant 1 : i32
    %scan3A_289:4 = scf.for %scan3A_435 = %scan3A_285 to %scan3A_287 step %scan3A_288 iter_args(%scan3A_436 = %broadcast_in_dim3A_284, %scan3A_437 = %broadcast_in_dim3A_284, %scan3A_438 = %broadcast_in_dim3A_284, %scan3A_439 = %broadcast_in_dim3A_284) -> (vector<16xf32>, vector<16xf32>, vector<16xf32>, vector<16xf32>)  : i32 {
      %mul3A_440 = arith.constant 64 : i32
      %mul3A_441 = arith.muli %scan3A_435, %mul3A_440 : i32
      %multiple_of3A_442 = tpu.assume_multiple %mul3A_441, 64 : i32
      %add3A_443 = arith.constant 0 : i32
      %add3A_444 = arith.addi %multiple_of3A_442, %add3A_443 : i32
      %get3A_445 = arith.index_cast %add3A_444 : i32 to index
      %get3A_446 = tpu.vector_load %arg6[%get3A_445] {strides = array<i32>} : memref<32768xf32, #tpu.memory_space<vmem>>, vector<16xf32>,
      %get3A_447 = vector.shape_cast %get3A_446 : vector<16xf32> to vector<16xf32>
      %add3A_448 = arith.constant 0 : i32
      %add3A_449 = arith.addi %multiple_of3A_442, %add3A_448 : i32
      %get3A_450 = arith.index_cast %add3A_449 : i32 to index
      %get3A_451 = tpu.vector_load %arg5[%get3A_450] {strides = array<i32>} : memref<32768xf32, #tpu.memory_space<vmem>>, vector<16xf32>,
      %get3A_452 = vector.shape_cast %get3A_451 : vector<16xf32> to vector<16xf32>
      %sub3A_453 = arith.subf %get3A_447, %get3A_452 : vector<16xf32>
      %abs3A_454 = math.absf %sub3A_453 : vector<16xf32>
      %gt3A_455 = arith.constant 0.000000e+00 : f32
      %gt3A_456 = vector.broadcast %gt3A_455 : f32 to vector<16xf32>
      %gt3A_457 = arith.cmpf ogt, %get3A_452, %gt3A_456 : vector<16xf32>
      %le3A = vector.broadcast %add3A_228 : f32 to vector<16xf32>
      %le3A_458 = arith.cmpf ole, %abs3A_454, %le3A : vector<16xf32>
      %and3A_459 = arith.andi %gt3A_457, %le3A_458 : vector<16xi1>
      %broadcast_in_dim3A_460 = arith.constant 0.000000e+00 : f32
      %broadcast_in_dim3A_461 = vector.broadcast %broadcast_in_dim3A_460 : f32 to vector<16xf32>
      %select_n3A_462 = arith.select %and3A_459, %abs3A_454, %broadcast_in_dim3A_461 : vector<16xi1>, vector<16xf32>
      %add3A_463 = arith.addf %scan3A_436, %select_n3A_462 : vector<16xf32>
      %add3A_464 = arith.constant 16 : i32
      %add3A_465 = arith.addi %multiple_of3A_442, %add3A_464 : i32
      %get3A_466 = arith.index_cast %add3A_465 : i32 to index
      %get3A_467 = tpu.vector_load %arg6[%get3A_466] {strides = array<i32>} : memref<32768xf32, #tpu.memory_space<vmem>>, vector<16xf32>,
      %get3A_468 = vector.shape_cast %get3A_467 : vector<16xf32> to vector<16xf32>
      %add3A_469 = arith.constant 16 : i32
      %add3A_470 = arith.addi %multiple_of3A_442, %add3A_469 : i32
      %get3A_471 = arith.index_cast %add3A_470 : i32 to index
      %get3A_472 = tpu.vector_load %arg5[%get3A_471] {strides = array<i32>} : memref<32768xf32, #tpu.memory_space<vmem>>, vector<16xf32>,
      %get3A_473 = vector.shape_cast %get3A_472 : vector<16xf32> to vector<16xf32>
      %sub3A_474 = arith.subf %get3A_468, %get3A_473 : vector<16xf32>
      %abs3A_475 = math.absf %sub3A_474 : vector<16xf32>
      %gt3A_476 = arith.constant 0.000000e+00 : f32
      %gt3A_477 = vector.broadcast %gt3A_476 : f32 to vector<16xf32>
      %gt3A_478 = arith.cmpf ogt, %get3A_473, %gt3A_477 : vector<16xf32>
      %le3A_479 = vector.broadcast %add3A_228 : f32 to vector<16xf32>
      %le3A_480 = arith.cmpf ole, %abs3A_475, %le3A_479 : vector<16xf32>
      %and3A_481 = arith.andi %gt3A_478, %le3A_480 : vector<16xi1>
      %broadcast_in_dim3A_482 = arith.constant 0.000000e+00 : f32
      %broadcast_in_dim3A_483 = vector.broadcast %broadcast_in_dim3A_482 : f32 to vector<16xf32>
      %select_n3A_484 = arith.select %and3A_481, %abs3A_475, %broadcast_in_dim3A_483 : vector<16xi1>, vector<16xf32>
      %add3A_485 = arith.addf %scan3A_437, %select_n3A_484 : vector<16xf32>
      %add3A_486 = arith.constant 32 : i32
      %add3A_487 = arith.addi %multiple_of3A_442, %add3A_486 : i32
      %get3A_488 = arith.index_cast %add3A_487 : i32 to index
      %get3A_489 = tpu.vector_load %arg6[%get3A_488] {strides = array<i32>} : memref<32768xf32, #tpu.memory_space<vmem>>, vector<16xf32>,
      %get3A_490 = vector.shape_cast %get3A_489 : vector<16xf32> to vector<16xf32>
      %add3A_491 = arith.constant 32 : i32
      %add3A_492 = arith.addi %multiple_of3A_442, %add3A_491 : i32
      %get3A_493 = arith.index_cast %add3A_492 : i32 to index
      %get3A_494 = tpu.vector_load %arg5[%get3A_493] {strides = array<i32>} : memref<32768xf32, #tpu.memory_space<vmem>>, vector<16xf32>,
      %get3A_495 = vector.shape_cast %get3A_494 : vector<16xf32> to vector<16xf32>
      %sub3A_496 = arith.subf %get3A_490, %get3A_495 : vector<16xf32>
      %abs3A_497 = math.absf %sub3A_496 : vector<16xf32>
      %gt3A_498 = arith.constant 0.000000e+00 : f32
      %gt3A_499 = vector.broadcast %gt3A_498 : f32 to vector<16xf32>
      %gt3A_500 = arith.cmpf ogt, %get3A_495, %gt3A_499 : vector<16xf32>
      %le3A_501 = vector.broadcast %add3A_228 : f32 to vector<16xf32>
      %le3A_502 = arith.cmpf ole, %abs3A_497, %le3A_501 : vector<16xf32>
      %and3A_503 = arith.andi %gt3A_500, %le3A_502 : vector<16xi1>
      %broadcast_in_dim3A_504 = arith.constant 0.000000e+00 : f32
      %broadcast_in_dim3A_505 = vector.broadcast %broadcast_in_dim3A_504 : f32 to vector<16xf32>
      %select_n3A_506 = arith.select %and3A_503, %abs3A_497, %broadcast_in_dim3A_505 : vector<16xi1>, vector<16xf32>
      %add3A_507 = arith.addf %scan3A_438, %select_n3A_506 : vector<16xf32>
      %add3A_508 = arith.constant 48 : i32
      %add3A_509 = arith.addi %multiple_of3A_442, %add3A_508 : i32
      %get3A_510 = arith.index_cast %add3A_509 : i32 to index
      %get3A_511 = tpu.vector_load %arg6[%get3A_510] {strides = array<i32>} : memref<32768xf32, #tpu.memory_space<vmem>>, vector<16xf32>,
      %get3A_512 = vector.shape_cast %get3A_511 : vector<16xf32> to vector<16xf32>
      %add3A_513 = arith.constant 48 : i32
      %add3A_514 = arith.addi %multiple_of3A_442, %add3A_513 : i32
      %get3A_515 = arith.index_cast %add3A_514 : i32 to index
      %get3A_516 = tpu.vector_load %arg5[%get3A_515] {strides = array<i32>} : memref<32768xf32, #tpu.memory_space<vmem>>, vector<16xf32>,
      %get3A_517 = vector.shape_cast %get3A_516 : vector<16xf32> to vector<16xf32>
      %sub3A_518 = arith.subf %get3A_512, %get3A_517 : vector<16xf32>
      %abs3A_519 = math.absf %sub3A_518 : vector<16xf32>
      %gt3A_520 = arith.constant 0.000000e+00 : f32
      %gt3A_521 = vector.broadcast %gt3A_520 : f32 to vector<16xf32>
      %gt3A_522 = arith.cmpf ogt, %get3A_517, %gt3A_521 : vector<16xf32>
      %le3A_523 = vector.broadcast %add3A_228 : f32 to vector<16xf32>
      %le3A_524 = arith.cmpf ole, %abs3A_519, %le3A_523 : vector<16xf32>
      %and3A_525 = arith.andi %gt3A_522, %le3A_524 : vector<16xi1>
      %broadcast_in_dim3A_526 = arith.constant 0.000000e+00 : f32
      %broadcast_in_dim3A_527 = vector.broadcast %broadcast_in_dim3A_526 : f32 to vector<16xf32>
      %select_n3A_528 = arith.select %and3A_525, %abs3A_519, %broadcast_in_dim3A_527 : vector<16xi1>, vector<16xf32>
      %add3A_529 = arith.addf %scan3A_439, %select_n3A_528 : vector<16xf32>
      scf.yield %add3A_463, %add3A_485, %add3A_507, %add3A_529 : vector<16xf32>, vector<16xf32>, vector<16xf32>, vector<16xf32>
    }
    %scan3A_290 = arith.constant 512 : i32
    %add3A_291 = arith.addf %scan3A_289#0, %scan3A_289#1 : vector<16xf32>
    %add3A_292 = arith.addf %add3A_291, %scan3A_289#2 : vector<16xf32>
    %add3A_293 = arith.addf %add3A_292, %scan3A_289#3 : vector<16xf32>
    %add3A_294 = arith.addf %add3A_278, %add3A_293 : vector<16xf32>
    %add3A_295 = arith.constant 131072 : i32
    %add3A_296 = arith.addi %mul3A_4, %add3A_295 : i32
    "tpu.region"() ({
      %run_scoped3A = tpu.sem_alloc : memref<!tpu.dma_semaphore, #tpu.memory_space<semaphore_mem>>
      %dma_start3A = tpu.memref_slice %arg2[%add3A_296] : memref<16777216xf32, #tpu.memory_space<hbm>> -> memref<32768xf32, #tpu.memory_space<hbm>>
      %dma_start3A_435 = tpu.memref_slice %arg2[%add3A_296] : memref<16777216xf32, #tpu.memory_space<hbm>> -> memref<32768xf32, #tpu.memory_space<hbm>>
      tpu.enqueue_dma source(%dma_start3A_435 : memref<32768xf32, #tpu.memory_space<hbm>>) target(%arg6 : memref<32768xf32, #tpu.memory_space<vmem>>) target_semaphore(%run_scoped3A : memref<!tpu.dma_semaphore, #tpu.memory_space<semaphore_mem>>)
      %dma_wait3A = tpu.memref_slice %arg2[%add3A_296] : memref<16777216xf32, #tpu.memory_space<hbm>> -> memref<32768xf32, #tpu.memory_space<hbm>>
      %dma_wait3A_436 = tpu.memref_slice %arg2[%add3A_296] : memref<16777216xf32, #tpu.memory_space<hbm>> -> memref<32768xf32, #tpu.memory_space<hbm>>
      tpu.wait_dma2 semaphore(%run_scoped3A : memref<!tpu.dma_semaphore, #tpu.memory_space<semaphore_mem>>) src(%dma_wait3A_436 : memref<32768xf32, #tpu.memory_space<hbm>>) dst(%arg6 : memref<32768xf32, #tpu.memory_space<vmem>>)
      tpu.yield
    }) : () -> ()
    %add3A_297 = arith.constant 131072 : i32
    %add3A_298 = arith.addi %mul3A_4, %add3A_297 : i32
    "tpu.region"() ({
      %run_scoped3A = tpu.sem_alloc : memref<!tpu.dma_semaphore, #tpu.memory_space<semaphore_mem>>
      %dma_start3A = tpu.memref_slice %arg3[%add3A_298] : memref<16777216xf32, #tpu.memory_space<hbm>> -> memref<32768xf32, #tpu.memory_space<hbm>>
      %dma_start3A_435 = tpu.memref_slice %arg3[%add3A_298] : memref<16777216xf32, #tpu.memory_space<hbm>> -> memref<32768xf32, #tpu.memory_space<hbm>>
      tpu.enqueue_dma source(%dma_start3A_435 : memref<32768xf32, #tpu.memory_space<hbm>>) target(%arg5 : memref<32768xf32, #tpu.memory_space<vmem>>) target_semaphore(%run_scoped3A : memref<!tpu.dma_semaphore, #tpu.memory_space<semaphore_mem>>)
      %dma_wait3A = tpu.memref_slice %arg3[%add3A_298] : memref<16777216xf32, #tpu.memory_space<hbm>> -> memref<32768xf32, #tpu.memory_space<hbm>>
      %dma_wait3A_436 = tpu.memref_slice %arg3[%add3A_298] : memref<16777216xf32, #tpu.memory_space<hbm>> -> memref<32768xf32, #tpu.memory_space<hbm>>
      tpu.wait_dma2 semaphore(%run_scoped3A : memref<!tpu.dma_semaphore, #tpu.memory_space<semaphore_mem>>) src(%dma_wait3A_436 : memref<32768xf32, #tpu.memory_space<hbm>>) dst(%arg5 : memref<32768xf32, #tpu.memory_space<vmem>>)
      tpu.yield
    }) : () -> ()
    %broadcast_in_dim3A_299 = arith.constant 0.000000e+00 : f32
    %broadcast_in_dim3A_300 = vector.broadcast %broadcast_in_dim3A_299 : f32 to vector<16xf32>
    %scan3A_301 = arith.constant 0 : i32
    %scan3A_302 = arith.constant 512 : i32
    %scan3A_303 = arith.addi %scan3A_301, %scan3A_302 : i32
    %scan3A_304 = arith.constant 1 : i32
    %scan3A_305:4 = scf.for %scan3A_435 = %scan3A_301 to %scan3A_303 step %scan3A_304 iter_args(%scan3A_436 = %broadcast_in_dim3A_300, %scan3A_437 = %broadcast_in_dim3A_300, %scan3A_438 = %broadcast_in_dim3A_300, %scan3A_439 = %broadcast_in_dim3A_300) -> (vector<16xf32>, vector<16xf32>, vector<16xf32>, vector<16xf32>)  : i32 {
      %mul3A_440 = arith.constant 64 : i32
      %mul3A_441 = arith.muli %scan3A_435, %mul3A_440 : i32
      %multiple_of3A_442 = tpu.assume_multiple %mul3A_441, 64 : i32
      %add3A_443 = arith.constant 0 : i32
      %add3A_444 = arith.addi %multiple_of3A_442, %add3A_443 : i32
      %get3A_445 = arith.index_cast %add3A_444 : i32 to index
      %get3A_446 = tpu.vector_load %arg6[%get3A_445] {strides = array<i32>} : memref<32768xf32, #tpu.memory_space<vmem>>, vector<16xf32>,
      %get3A_447 = vector.shape_cast %get3A_446 : vector<16xf32> to vector<16xf32>
      %add3A_448 = arith.constant 0 : i32
      %add3A_449 = arith.addi %multiple_of3A_442, %add3A_448 : i32
      %get3A_450 = arith.index_cast %add3A_449 : i32 to index
      %get3A_451 = tpu.vector_load %arg5[%get3A_450] {strides = array<i32>} : memref<32768xf32, #tpu.memory_space<vmem>>, vector<16xf32>,
      %get3A_452 = vector.shape_cast %get3A_451 : vector<16xf32> to vector<16xf32>
      %sub3A_453 = arith.subf %get3A_447, %get3A_452 : vector<16xf32>
      %abs3A_454 = math.absf %sub3A_453 : vector<16xf32>
      %gt3A_455 = arith.constant 0.000000e+00 : f32
      %gt3A_456 = vector.broadcast %gt3A_455 : f32 to vector<16xf32>
      %gt3A_457 = arith.cmpf ogt, %get3A_452, %gt3A_456 : vector<16xf32>
      %le3A = vector.broadcast %add3A_228 : f32 to vector<16xf32>
      %le3A_458 = arith.cmpf ole, %abs3A_454, %le3A : vector<16xf32>
      %and3A_459 = arith.andi %gt3A_457, %le3A_458 : vector<16xi1>
      %broadcast_in_dim3A_460 = arith.constant 0.000000e+00 : f32
      %broadcast_in_dim3A_461 = vector.broadcast %broadcast_in_dim3A_460 : f32 to vector<16xf32>
      %select_n3A_462 = arith.select %and3A_459, %abs3A_454, %broadcast_in_dim3A_461 : vector<16xi1>, vector<16xf32>
      %add3A_463 = arith.addf %scan3A_436, %select_n3A_462 : vector<16xf32>
      %add3A_464 = arith.constant 16 : i32
      %add3A_465 = arith.addi %multiple_of3A_442, %add3A_464 : i32
      %get3A_466 = arith.index_cast %add3A_465 : i32 to index
      %get3A_467 = tpu.vector_load %arg6[%get3A_466] {strides = array<i32>} : memref<32768xf32, #tpu.memory_space<vmem>>, vector<16xf32>,
      %get3A_468 = vector.shape_cast %get3A_467 : vector<16xf32> to vector<16xf32>
      %add3A_469 = arith.constant 16 : i32
      %add3A_470 = arith.addi %multiple_of3A_442, %add3A_469 : i32
      %get3A_471 = arith.index_cast %add3A_470 : i32 to index
      %get3A_472 = tpu.vector_load %arg5[%get3A_471] {strides = array<i32>} : memref<32768xf32, #tpu.memory_space<vmem>>, vector<16xf32>,
      %get3A_473 = vector.shape_cast %get3A_472 : vector<16xf32> to vector<16xf32>
      %sub3A_474 = arith.subf %get3A_468, %get3A_473 : vector<16xf32>
      %abs3A_475 = math.absf %sub3A_474 : vector<16xf32>
      %gt3A_476 = arith.constant 0.000000e+00 : f32
      %gt3A_477 = vector.broadcast %gt3A_476 : f32 to vector<16xf32>
      %gt3A_478 = arith.cmpf ogt, %get3A_473, %gt3A_477 : vector<16xf32>
      %le3A_479 = vector.broadcast %add3A_228 : f32 to vector<16xf32>
      %le3A_480 = arith.cmpf ole, %abs3A_475, %le3A_479 : vector<16xf32>
      %and3A_481 = arith.andi %gt3A_478, %le3A_480 : vector<16xi1>
      %broadcast_in_dim3A_482 = arith.constant 0.000000e+00 : f32
      %broadcast_in_dim3A_483 = vector.broadcast %broadcast_in_dim3A_482 : f32 to vector<16xf32>
      %select_n3A_484 = arith.select %and3A_481, %abs3A_475, %broadcast_in_dim3A_483 : vector<16xi1>, vector<16xf32>
      %add3A_485 = arith.addf %scan3A_437, %select_n3A_484 : vector<16xf32>
      %add3A_486 = arith.constant 32 : i32
      %add3A_487 = arith.addi %multiple_of3A_442, %add3A_486 : i32
      %get3A_488 = arith.index_cast %add3A_487 : i32 to index
      %get3A_489 = tpu.vector_load %arg6[%get3A_488] {strides = array<i32>} : memref<32768xf32, #tpu.memory_space<vmem>>, vector<16xf32>,
      %get3A_490 = vector.shape_cast %get3A_489 : vector<16xf32> to vector<16xf32>
      %add3A_491 = arith.constant 32 : i32
      %add3A_492 = arith.addi %multiple_of3A_442, %add3A_491 : i32
      %get3A_493 = arith.index_cast %add3A_492 : i32 to index
      %get3A_494 = tpu.vector_load %arg5[%get3A_493] {strides = array<i32>} : memref<32768xf32, #tpu.memory_space<vmem>>, vector<16xf32>,
      %get3A_495 = vector.shape_cast %get3A_494 : vector<16xf32> to vector<16xf32>
      %sub3A_496 = arith.subf %get3A_490, %get3A_495 : vector<16xf32>
      %abs3A_497 = math.absf %sub3A_496 : vector<16xf32>
      %gt3A_498 = arith.constant 0.000000e+00 : f32
      %gt3A_499 = vector.broadcast %gt3A_498 : f32 to vector<16xf32>
      %gt3A_500 = arith.cmpf ogt, %get3A_495, %gt3A_499 : vector<16xf32>
      %le3A_501 = vector.broadcast %add3A_228 : f32 to vector<16xf32>
      %le3A_502 = arith.cmpf ole, %abs3A_497, %le3A_501 : vector<16xf32>
      %and3A_503 = arith.andi %gt3A_500, %le3A_502 : vector<16xi1>
      %broadcast_in_dim3A_504 = arith.constant 0.000000e+00 : f32
      %broadcast_in_dim3A_505 = vector.broadcast %broadcast_in_dim3A_504 : f32 to vector<16xf32>
      %select_n3A_506 = arith.select %and3A_503, %abs3A_497, %broadcast_in_dim3A_505 : vector<16xi1>, vector<16xf32>
      %add3A_507 = arith.addf %scan3A_438, %select_n3A_506 : vector<16xf32>
      %add3A_508 = arith.constant 48 : i32
      %add3A_509 = arith.addi %multiple_of3A_442, %add3A_508 : i32
      %get3A_510 = arith.index_cast %add3A_509 : i32 to index
      %get3A_511 = tpu.vector_load %arg6[%get3A_510] {strides = array<i32>} : memref<32768xf32, #tpu.memory_space<vmem>>, vector<16xf32>,
      %get3A_512 = vector.shape_cast %get3A_511 : vector<16xf32> to vector<16xf32>
      %add3A_513 = arith.constant 48 : i32
      %add3A_514 = arith.addi %multiple_of3A_442, %add3A_513 : i32
      %get3A_515 = arith.index_cast %add3A_514 : i32 to index
      %get3A_516 = tpu.vector_load %arg5[%get3A_515] {strides = array<i32>} : memref<32768xf32, #tpu.memory_space<vmem>>, vector<16xf32>,
      %get3A_517 = vector.shape_cast %get3A_516 : vector<16xf32> to vector<16xf32>
      %sub3A_518 = arith.subf %get3A_512, %get3A_517 : vector<16xf32>
      %abs3A_519 = math.absf %sub3A_518 : vector<16xf32>
      %gt3A_520 = arith.constant 0.000000e+00 : f32
      %gt3A_521 = vector.broadcast %gt3A_520 : f32 to vector<16xf32>
      %gt3A_522 = arith.cmpf ogt, %get3A_517, %gt3A_521 : vector<16xf32>
      %le3A_523 = vector.broadcast %add3A_228 : f32 to vector<16xf32>
      %le3A_524 = arith.cmpf ole, %abs3A_519, %le3A_523 : vector<16xf32>
      %and3A_525 = arith.andi %gt3A_522, %le3A_524 : vector<16xi1>
      %broadcast_in_dim3A_526 = arith.constant 0.000000e+00 : f32
      %broadcast_in_dim3A_527 = vector.broadcast %broadcast_in_dim3A_526 : f32 to vector<16xf32>
      %select_n3A_528 = arith.select %and3A_525, %abs3A_519, %broadcast_in_dim3A_527 : vector<16xi1>, vector<16xf32>
      %add3A_529 = arith.addf %scan3A_439, %select_n3A_528 : vector<16xf32>
      scf.yield %add3A_463, %add3A_485, %add3A_507, %add3A_529 : vector<16xf32>, vector<16xf32>, vector<16xf32>, vector<16xf32>
    }
    %scan3A_306 = arith.constant 512 : i32
    %add3A_307 = arith.addf %scan3A_305#0, %scan3A_305#1 : vector<16xf32>
    %add3A_308 = arith.addf %add3A_307, %scan3A_305#2 : vector<16xf32>
    %add3A_309 = arith.addf %add3A_308, %scan3A_305#3 : vector<16xf32>
    %add3A_310 = arith.addf %add3A_294, %add3A_309 : vector<16xf32>
    %add3A_311 = arith.constant 163840 : i32
    %add3A_312 = arith.addi %mul3A_4, %add3A_311 : i32
    "tpu.region"() ({
      %run_scoped3A = tpu.sem_alloc : memref<!tpu.dma_semaphore, #tpu.memory_space<semaphore_mem>>
      %dma_start3A = tpu.memref_slice %arg2[%add3A_312] : memref<16777216xf32, #tpu.memory_space<hbm>> -> memref<32768xf32, #tpu.memory_space<hbm>>
      %dma_start3A_435 = tpu.memref_slice %arg2[%add3A_312] : memref<16777216xf32, #tpu.memory_space<hbm>> -> memref<32768xf32, #tpu.memory_space<hbm>>
      tpu.enqueue_dma source(%dma_start3A_435 : memref<32768xf32, #tpu.memory_space<hbm>>) target(%arg6 : memref<32768xf32, #tpu.memory_space<vmem>>) target_semaphore(%run_scoped3A : memref<!tpu.dma_semaphore, #tpu.memory_space<semaphore_mem>>)
      %dma_wait3A = tpu.memref_slice %arg2[%add3A_312] : memref<16777216xf32, #tpu.memory_space<hbm>> -> memref<32768xf32, #tpu.memory_space<hbm>>
      %dma_wait3A_436 = tpu.memref_slice %arg2[%add3A_312] : memref<16777216xf32, #tpu.memory_space<hbm>> -> memref<32768xf32, #tpu.memory_space<hbm>>
      tpu.wait_dma2 semaphore(%run_scoped3A : memref<!tpu.dma_semaphore, #tpu.memory_space<semaphore_mem>>) src(%dma_wait3A_436 : memref<32768xf32, #tpu.memory_space<hbm>>) dst(%arg6 : memref<32768xf32, #tpu.memory_space<vmem>>)
      tpu.yield
    }) : () -> ()
    %add3A_313 = arith.constant 163840 : i32
    %add3A_314 = arith.addi %mul3A_4, %add3A_313 : i32
    "tpu.region"() ({
      %run_scoped3A = tpu.sem_alloc : memref<!tpu.dma_semaphore, #tpu.memory_space<semaphore_mem>>
      %dma_start3A = tpu.memref_slice %arg3[%add3A_314] : memref<16777216xf32, #tpu.memory_space<hbm>> -> memref<32768xf32, #tpu.memory_space<hbm>>
      %dma_start3A_435 = tpu.memref_slice %arg3[%add3A_314] : memref<16777216xf32, #tpu.memory_space<hbm>> -> memref<32768xf32, #tpu.memory_space<hbm>>
      tpu.enqueue_dma source(%dma_start3A_435 : memref<32768xf32, #tpu.memory_space<hbm>>) target(%arg5 : memref<32768xf32, #tpu.memory_space<vmem>>) target_semaphore(%run_scoped3A : memref<!tpu.dma_semaphore, #tpu.memory_space<semaphore_mem>>)
      %dma_wait3A = tpu.memref_slice %arg3[%add3A_314] : memref<16777216xf32, #tpu.memory_space<hbm>> -> memref<32768xf32, #tpu.memory_space<hbm>>
      %dma_wait3A_436 = tpu.memref_slice %arg3[%add3A_314] : memref<16777216xf32, #tpu.memory_space<hbm>> -> memref<32768xf32, #tpu.memory_space<hbm>>
      tpu.wait_dma2 semaphore(%run_scoped3A : memref<!tpu.dma_semaphore, #tpu.memory_space<semaphore_mem>>) src(%dma_wait3A_436 : memref<32768xf32, #tpu.memory_space<hbm>>) dst(%arg5 : memref<32768xf32, #tpu.memory_space<vmem>>)
      tpu.yield
    }) : () -> ()
    %broadcast_in_dim3A_315 = arith.constant 0.000000e+00 : f32
    %broadcast_in_dim3A_316 = vector.broadcast %broadcast_in_dim3A_315 : f32 to vector<16xf32>
    %scan3A_317 = arith.constant 0 : i32
    %scan3A_318 = arith.constant 512 : i32
    %scan3A_319 = arith.addi %scan3A_317, %scan3A_318 : i32
    %scan3A_320 = arith.constant 1 : i32
    %scan3A_321:4 = scf.for %scan3A_435 = %scan3A_317 to %scan3A_319 step %scan3A_320 iter_args(%scan3A_436 = %broadcast_in_dim3A_316, %scan3A_437 = %broadcast_in_dim3A_316, %scan3A_438 = %broadcast_in_dim3A_316, %scan3A_439 = %broadcast_in_dim3A_316) -> (vector<16xf32>, vector<16xf32>, vector<16xf32>, vector<16xf32>)  : i32 {
      %mul3A_440 = arith.constant 64 : i32
      %mul3A_441 = arith.muli %scan3A_435, %mul3A_440 : i32
      %multiple_of3A_442 = tpu.assume_multiple %mul3A_441, 64 : i32
      %add3A_443 = arith.constant 0 : i32
      %add3A_444 = arith.addi %multiple_of3A_442, %add3A_443 : i32
      %get3A_445 = arith.index_cast %add3A_444 : i32 to index
      %get3A_446 = tpu.vector_load %arg6[%get3A_445] {strides = array<i32>} : memref<32768xf32, #tpu.memory_space<vmem>>, vector<16xf32>,
      %get3A_447 = vector.shape_cast %get3A_446 : vector<16xf32> to vector<16xf32>
      %add3A_448 = arith.constant 0 : i32
      %add3A_449 = arith.addi %multiple_of3A_442, %add3A_448 : i32
      %get3A_450 = arith.index_cast %add3A_449 : i32 to index
      %get3A_451 = tpu.vector_load %arg5[%get3A_450] {strides = array<i32>} : memref<32768xf32, #tpu.memory_space<vmem>>, vector<16xf32>,
      %get3A_452 = vector.shape_cast %get3A_451 : vector<16xf32> to vector<16xf32>
      %sub3A_453 = arith.subf %get3A_447, %get3A_452 : vector<16xf32>
      %abs3A_454 = math.absf %sub3A_453 : vector<16xf32>
      %gt3A_455 = arith.constant 0.000000e+00 : f32
      %gt3A_456 = vector.broadcast %gt3A_455 : f32 to vector<16xf32>
      %gt3A_457 = arith.cmpf ogt, %get3A_452, %gt3A_456 : vector<16xf32>
      %le3A = vector.broadcast %add3A_228 : f32 to vector<16xf32>
      %le3A_458 = arith.cmpf ole, %abs3A_454, %le3A : vector<16xf32>
      %and3A_459 = arith.andi %gt3A_457, %le3A_458 : vector<16xi1>
      %broadcast_in_dim3A_460 = arith.constant 0.000000e+00 : f32
      %broadcast_in_dim3A_461 = vector.broadcast %broadcast_in_dim3A_460 : f32 to vector<16xf32>
      %select_n3A_462 = arith.select %and3A_459, %abs3A_454, %broadcast_in_dim3A_461 : vector<16xi1>, vector<16xf32>
      %add3A_463 = arith.addf %scan3A_436, %select_n3A_462 : vector<16xf32>
      %add3A_464 = arith.constant 16 : i32
      %add3A_465 = arith.addi %multiple_of3A_442, %add3A_464 : i32
      %get3A_466 = arith.index_cast %add3A_465 : i32 to index
      %get3A_467 = tpu.vector_load %arg6[%get3A_466] {strides = array<i32>} : memref<32768xf32, #tpu.memory_space<vmem>>, vector<16xf32>,
      %get3A_468 = vector.shape_cast %get3A_467 : vector<16xf32> to vector<16xf32>
      %add3A_469 = arith.constant 16 : i32
      %add3A_470 = arith.addi %multiple_of3A_442, %add3A_469 : i32
      %get3A_471 = arith.index_cast %add3A_470 : i32 to index
      %get3A_472 = tpu.vector_load %arg5[%get3A_471] {strides = array<i32>} : memref<32768xf32, #tpu.memory_space<vmem>>, vector<16xf32>,
      %get3A_473 = vector.shape_cast %get3A_472 : vector<16xf32> to vector<16xf32>
      %sub3A_474 = arith.subf %get3A_468, %get3A_473 : vector<16xf32>
      %abs3A_475 = math.absf %sub3A_474 : vector<16xf32>
      %gt3A_476 = arith.constant 0.000000e+00 : f32
      %gt3A_477 = vector.broadcast %gt3A_476 : f32 to vector<16xf32>
      %gt3A_478 = arith.cmpf ogt, %get3A_473, %gt3A_477 : vector<16xf32>
      %le3A_479 = vector.broadcast %add3A_228 : f32 to vector<16xf32>
      %le3A_480 = arith.cmpf ole, %abs3A_475, %le3A_479 : vector<16xf32>
      %and3A_481 = arith.andi %gt3A_478, %le3A_480 : vector<16xi1>
      %broadcast_in_dim3A_482 = arith.constant 0.000000e+00 : f32
      %broadcast_in_dim3A_483 = vector.broadcast %broadcast_in_dim3A_482 : f32 to vector<16xf32>
      %select_n3A_484 = arith.select %and3A_481, %abs3A_475, %broadcast_in_dim3A_483 : vector<16xi1>, vector<16xf32>
      %add3A_485 = arith.addf %scan3A_437, %select_n3A_484 : vector<16xf32>
      %add3A_486 = arith.constant 32 : i32
      %add3A_487 = arith.addi %multiple_of3A_442, %add3A_486 : i32
      %get3A_488 = arith.index_cast %add3A_487 : i32 to index
      %get3A_489 = tpu.vector_load %arg6[%get3A_488] {strides = array<i32>} : memref<32768xf32, #tpu.memory_space<vmem>>, vector<16xf32>,
      %get3A_490 = vector.shape_cast %get3A_489 : vector<16xf32> to vector<16xf32>
      %add3A_491 = arith.constant 32 : i32
      %add3A_492 = arith.addi %multiple_of3A_442, %add3A_491 : i32
      %get3A_493 = arith.index_cast %add3A_492 : i32 to index
      %get3A_494 = tpu.vector_load %arg5[%get3A_493] {strides = array<i32>} : memref<32768xf32, #tpu.memory_space<vmem>>, vector<16xf32>,
      %get3A_495 = vector.shape_cast %get3A_494 : vector<16xf32> to vector<16xf32>
      %sub3A_496 = arith.subf %get3A_490, %get3A_495 : vector<16xf32>
      %abs3A_497 = math.absf %sub3A_496 : vector<16xf32>
      %gt3A_498 = arith.constant 0.000000e+00 : f32
      %gt3A_499 = vector.broadcast %gt3A_498 : f32 to vector<16xf32>
      %gt3A_500 = arith.cmpf ogt, %get3A_495, %gt3A_499 : vector<16xf32>
      %le3A_501 = vector.broadcast %add3A_228 : f32 to vector<16xf32>
      %le3A_502 = arith.cmpf ole, %abs3A_497, %le3A_501 : vector<16xf32>
      %and3A_503 = arith.andi %gt3A_500, %le3A_502 : vector<16xi1>
      %broadcast_in_dim3A_504 = arith.constant 0.000000e+00 : f32
      %broadcast_in_dim3A_505 = vector.broadcast %broadcast_in_dim3A_504 : f32 to vector<16xf32>
      %select_n3A_506 = arith.select %and3A_503, %abs3A_497, %broadcast_in_dim3A_505 : vector<16xi1>, vector<16xf32>
      %add3A_507 = arith.addf %scan3A_438, %select_n3A_506 : vector<16xf32>
      %add3A_508 = arith.constant 48 : i32
      %add3A_509 = arith.addi %multiple_of3A_442, %add3A_508 : i32
      %get3A_510 = arith.index_cast %add3A_509 : i32 to index
      %get3A_511 = tpu.vector_load %arg6[%get3A_510] {strides = array<i32>} : memref<32768xf32, #tpu.memory_space<vmem>>, vector<16xf32>,
      %get3A_512 = vector.shape_cast %get3A_511 : vector<16xf32> to vector<16xf32>
      %add3A_513 = arith.constant 48 : i32
      %add3A_514 = arith.addi %multiple_of3A_442, %add3A_513 : i32
      %get3A_515 = arith.index_cast %add3A_514 : i32 to index
      %get3A_516 = tpu.vector_load %arg5[%get3A_515] {strides = array<i32>} : memref<32768xf32, #tpu.memory_space<vmem>>, vector<16xf32>,
      %get3A_517 = vector.shape_cast %get3A_516 : vector<16xf32> to vector<16xf32>
      %sub3A_518 = arith.subf %get3A_512, %get3A_517 : vector<16xf32>
      %abs3A_519 = math.absf %sub3A_518 : vector<16xf32>
      %gt3A_520 = arith.constant 0.000000e+00 : f32
      %gt3A_521 = vector.broadcast %gt3A_520 : f32 to vector<16xf32>
      %gt3A_522 = arith.cmpf ogt, %get3A_517, %gt3A_521 : vector<16xf32>
      %le3A_523 = vector.broadcast %add3A_228 : f32 to vector<16xf32>
      %le3A_524 = arith.cmpf ole, %abs3A_519, %le3A_523 : vector<16xf32>
      %and3A_525 = arith.andi %gt3A_522, %le3A_524 : vector<16xi1>
      %broadcast_in_dim3A_526 = arith.constant 0.000000e+00 : f32
      %broadcast_in_dim3A_527 = vector.broadcast %broadcast_in_dim3A_526 : f32 to vector<16xf32>
      %select_n3A_528 = arith.select %and3A_525, %abs3A_519, %broadcast_in_dim3A_527 : vector<16xi1>, vector<16xf32>
      %add3A_529 = arith.addf %scan3A_439, %select_n3A_528 : vector<16xf32>
      scf.yield %add3A_463, %add3A_485, %add3A_507, %add3A_529 : vector<16xf32>, vector<16xf32>, vector<16xf32>, vector<16xf32>
    }
    %scan3A_322 = arith.constant 512 : i32
    %add3A_323 = arith.addf %scan3A_321#0, %scan3A_321#1 : vector<16xf32>
    %add3A_324 = arith.addf %add3A_323, %scan3A_321#2 : vector<16xf32>
    %add3A_325 = arith.addf %add3A_324, %scan3A_321#3 : vector<16xf32>
    %add3A_326 = arith.addf %add3A_310, %add3A_325 : vector<16xf32>
    %add3A_327 = arith.constant 196608 : i32
    %add3A_328 = arith.addi %mul3A_4, %add3A_327 : i32
    "tpu.region"() ({
      %run_scoped3A = tpu.sem_alloc : memref<!tpu.dma_semaphore, #tpu.memory_space<semaphore_mem>>
      %dma_start3A = tpu.memref_slice %arg2[%add3A_328] : memref<16777216xf32, #tpu.memory_space<hbm>> -> memref<32768xf32, #tpu.memory_space<hbm>>
      %dma_start3A_435 = tpu.memref_slice %arg2[%add3A_328] : memref<16777216xf32, #tpu.memory_space<hbm>> -> memref<32768xf32, #tpu.memory_space<hbm>>
      tpu.enqueue_dma source(%dma_start3A_435 : memref<32768xf32, #tpu.memory_space<hbm>>) target(%arg6 : memref<32768xf32, #tpu.memory_space<vmem>>) target_semaphore(%run_scoped3A : memref<!tpu.dma_semaphore, #tpu.memory_space<semaphore_mem>>)
      %dma_wait3A = tpu.memref_slice %arg2[%add3A_328] : memref<16777216xf32, #tpu.memory_space<hbm>> -> memref<32768xf32, #tpu.memory_space<hbm>>
      %dma_wait3A_436 = tpu.memref_slice %arg2[%add3A_328] : memref<16777216xf32, #tpu.memory_space<hbm>> -> memref<32768xf32, #tpu.memory_space<hbm>>
      tpu.wait_dma2 semaphore(%run_scoped3A : memref<!tpu.dma_semaphore, #tpu.memory_space<semaphore_mem>>) src(%dma_wait3A_436 : memref<32768xf32, #tpu.memory_space<hbm>>) dst(%arg6 : memref<32768xf32, #tpu.memory_space<vmem>>)
      tpu.yield
    }) : () -> ()
    %add3A_329 = arith.constant 196608 : i32
    %add3A_330 = arith.addi %mul3A_4, %add3A_329 : i32
    "tpu.region"() ({
      %run_scoped3A = tpu.sem_alloc : memref<!tpu.dma_semaphore, #tpu.memory_space<semaphore_mem>>
      %dma_start3A = tpu.memref_slice %arg3[%add3A_330] : memref<16777216xf32, #tpu.memory_space<hbm>> -> memref<32768xf32, #tpu.memory_space<hbm>>
      %dma_start3A_435 = tpu.memref_slice %arg3[%add3A_330] : memref<16777216xf32, #tpu.memory_space<hbm>> -> memref<32768xf32, #tpu.memory_space<hbm>>
      tpu.enqueue_dma source(%dma_start3A_435 : memref<32768xf32, #tpu.memory_space<hbm>>) target(%arg5 : memref<32768xf32, #tpu.memory_space<vmem>>) target_semaphore(%run_scoped3A : memref<!tpu.dma_semaphore, #tpu.memory_space<semaphore_mem>>)
      %dma_wait3A = tpu.memref_slice %arg3[%add3A_330] : memref<16777216xf32, #tpu.memory_space<hbm>> -> memref<32768xf32, #tpu.memory_space<hbm>>
      %dma_wait3A_436 = tpu.memref_slice %arg3[%add3A_330] : memref<16777216xf32, #tpu.memory_space<hbm>> -> memref<32768xf32, #tpu.memory_space<hbm>>
      tpu.wait_dma2 semaphore(%run_scoped3A : memref<!tpu.dma_semaphore, #tpu.memory_space<semaphore_mem>>) src(%dma_wait3A_436 : memref<32768xf32, #tpu.memory_space<hbm>>) dst(%arg5 : memref<32768xf32, #tpu.memory_space<vmem>>)
      tpu.yield
    }) : () -> ()
    %broadcast_in_dim3A_331 = arith.constant 0.000000e+00 : f32
    %broadcast_in_dim3A_332 = vector.broadcast %broadcast_in_dim3A_331 : f32 to vector<16xf32>
    %scan3A_333 = arith.constant 0 : i32
    %scan3A_334 = arith.constant 512 : i32
    %scan3A_335 = arith.addi %scan3A_333, %scan3A_334 : i32
    %scan3A_336 = arith.constant 1 : i32
    %scan3A_337:4 = scf.for %scan3A_435 = %scan3A_333 to %scan3A_335 step %scan3A_336 iter_args(%scan3A_436 = %broadcast_in_dim3A_332, %scan3A_437 = %broadcast_in_dim3A_332, %scan3A_438 = %broadcast_in_dim3A_332, %scan3A_439 = %broadcast_in_dim3A_332) -> (vector<16xf32>, vector<16xf32>, vector<16xf32>, vector<16xf32>)  : i32 {
      %mul3A_440 = arith.constant 64 : i32
      %mul3A_441 = arith.muli %scan3A_435, %mul3A_440 : i32
      %multiple_of3A_442 = tpu.assume_multiple %mul3A_441, 64 : i32
      %add3A_443 = arith.constant 0 : i32
      %add3A_444 = arith.addi %multiple_of3A_442, %add3A_443 : i32
      %get3A_445 = arith.index_cast %add3A_444 : i32 to index
      %get3A_446 = tpu.vector_load %arg6[%get3A_445] {strides = array<i32>} : memref<32768xf32, #tpu.memory_space<vmem>>, vector<16xf32>,
      %get3A_447 = vector.shape_cast %get3A_446 : vector<16xf32> to vector<16xf32>
      %add3A_448 = arith.constant 0 : i32
      %add3A_449 = arith.addi %multiple_of3A_442, %add3A_448 : i32
      %get3A_450 = arith.index_cast %add3A_449 : i32 to index
      %get3A_451 = tpu.vector_load %arg5[%get3A_450] {strides = array<i32>} : memref<32768xf32, #tpu.memory_space<vmem>>, vector<16xf32>,
      %get3A_452 = vector.shape_cast %get3A_451 : vector<16xf32> to vector<16xf32>
      %sub3A_453 = arith.subf %get3A_447, %get3A_452 : vector<16xf32>
      %abs3A_454 = math.absf %sub3A_453 : vector<16xf32>
      %gt3A_455 = arith.constant 0.000000e+00 : f32
      %gt3A_456 = vector.broadcast %gt3A_455 : f32 to vector<16xf32>
      %gt3A_457 = arith.cmpf ogt, %get3A_452, %gt3A_456 : vector<16xf32>
      %le3A = vector.broadcast %add3A_228 : f32 to vector<16xf32>
      %le3A_458 = arith.cmpf ole, %abs3A_454, %le3A : vector<16xf32>
      %and3A_459 = arith.andi %gt3A_457, %le3A_458 : vector<16xi1>
      %broadcast_in_dim3A_460 = arith.constant 0.000000e+00 : f32
      %broadcast_in_dim3A_461 = vector.broadcast %broadcast_in_dim3A_460 : f32 to vector<16xf32>
      %select_n3A_462 = arith.select %and3A_459, %abs3A_454, %broadcast_in_dim3A_461 : vector<16xi1>, vector<16xf32>
      %add3A_463 = arith.addf %scan3A_436, %select_n3A_462 : vector<16xf32>
      %add3A_464 = arith.constant 16 : i32
      %add3A_465 = arith.addi %multiple_of3A_442, %add3A_464 : i32
      %get3A_466 = arith.index_cast %add3A_465 : i32 to index
      %get3A_467 = tpu.vector_load %arg6[%get3A_466] {strides = array<i32>} : memref<32768xf32, #tpu.memory_space<vmem>>, vector<16xf32>,
      %get3A_468 = vector.shape_cast %get3A_467 : vector<16xf32> to vector<16xf32>
      %add3A_469 = arith.constant 16 : i32
      %add3A_470 = arith.addi %multiple_of3A_442, %add3A_469 : i32
      %get3A_471 = arith.index_cast %add3A_470 : i32 to index
      %get3A_472 = tpu.vector_load %arg5[%get3A_471] {strides = array<i32>} : memref<32768xf32, #tpu.memory_space<vmem>>, vector<16xf32>,
      %get3A_473 = vector.shape_cast %get3A_472 : vector<16xf32> to vector<16xf32>
      %sub3A_474 = arith.subf %get3A_468, %get3A_473 : vector<16xf32>
      %abs3A_475 = math.absf %sub3A_474 : vector<16xf32>
      %gt3A_476 = arith.constant 0.000000e+00 : f32
      %gt3A_477 = vector.broadcast %gt3A_476 : f32 to vector<16xf32>
      %gt3A_478 = arith.cmpf ogt, %get3A_473, %gt3A_477 : vector<16xf32>
      %le3A_479 = vector.broadcast %add3A_228 : f32 to vector<16xf32>
      %le3A_480 = arith.cmpf ole, %abs3A_475, %le3A_479 : vector<16xf32>
      %and3A_481 = arith.andi %gt3A_478, %le3A_480 : vector<16xi1>
      %broadcast_in_dim3A_482 = arith.constant 0.000000e+00 : f32
      %broadcast_in_dim3A_483 = vector.broadcast %broadcast_in_dim3A_482 : f32 to vector<16xf32>
      %select_n3A_484 = arith.select %and3A_481, %abs3A_475, %broadcast_in_dim3A_483 : vector<16xi1>, vector<16xf32>
      %add3A_485 = arith.addf %scan3A_437, %select_n3A_484 : vector<16xf32>
      %add3A_486 = arith.constant 32 : i32
      %add3A_487 = arith.addi %multiple_of3A_442, %add3A_486 : i32
      %get3A_488 = arith.index_cast %add3A_487 : i32 to index
      %get3A_489 = tpu.vector_load %arg6[%get3A_488] {strides = array<i32>} : memref<32768xf32, #tpu.memory_space<vmem>>, vector<16xf32>,
      %get3A_490 = vector.shape_cast %get3A_489 : vector<16xf32> to vector<16xf32>
      %add3A_491 = arith.constant 32 : i32
      %add3A_492 = arith.addi %multiple_of3A_442, %add3A_491 : i32
      %get3A_493 = arith.index_cast %add3A_492 : i32 to index
      %get3A_494 = tpu.vector_load %arg5[%get3A_493] {strides = array<i32>} : memref<32768xf32, #tpu.memory_space<vmem>>, vector<16xf32>,
      %get3A_495 = vector.shape_cast %get3A_494 : vector<16xf32> to vector<16xf32>
      %sub3A_496 = arith.subf %get3A_490, %get3A_495 : vector<16xf32>
      %abs3A_497 = math.absf %sub3A_496 : vector<16xf32>
      %gt3A_498 = arith.constant 0.000000e+00 : f32
      %gt3A_499 = vector.broadcast %gt3A_498 : f32 to vector<16xf32>
      %gt3A_500 = arith.cmpf ogt, %get3A_495, %gt3A_499 : vector<16xf32>
      %le3A_501 = vector.broadcast %add3A_228 : f32 to vector<16xf32>
      %le3A_502 = arith.cmpf ole, %abs3A_497, %le3A_501 : vector<16xf32>
      %and3A_503 = arith.andi %gt3A_500, %le3A_502 : vector<16xi1>
      %broadcast_in_dim3A_504 = arith.constant 0.000000e+00 : f32
      %broadcast_in_dim3A_505 = vector.broadcast %broadcast_in_dim3A_504 : f32 to vector<16xf32>
      %select_n3A_506 = arith.select %and3A_503, %abs3A_497, %broadcast_in_dim3A_505 : vector<16xi1>, vector<16xf32>
      %add3A_507 = arith.addf %scan3A_438, %select_n3A_506 : vector<16xf32>
      %add3A_508 = arith.constant 48 : i32
      %add3A_509 = arith.addi %multiple_of3A_442, %add3A_508 : i32
      %get3A_510 = arith.index_cast %add3A_509 : i32 to index
      %get3A_511 = tpu.vector_load %arg6[%get3A_510] {strides = array<i32>} : memref<32768xf32, #tpu.memory_space<vmem>>, vector<16xf32>,
      %get3A_512 = vector.shape_cast %get3A_511 : vector<16xf32> to vector<16xf32>
      %add3A_513 = arith.constant 48 : i32
      %add3A_514 = arith.addi %multiple_of3A_442, %add3A_513 : i32
      %get3A_515 = arith.index_cast %add3A_514 : i32 to index
      %get3A_516 = tpu.vector_load %arg5[%get3A_515] {strides = array<i32>} : memref<32768xf32, #tpu.memory_space<vmem>>, vector<16xf32>,
      %get3A_517 = vector.shape_cast %get3A_516 : vector<16xf32> to vector<16xf32>
      %sub3A_518 = arith.subf %get3A_512, %get3A_517 : vector<16xf32>
      %abs3A_519 = math.absf %sub3A_518 : vector<16xf32>
      %gt3A_520 = arith.constant 0.000000e+00 : f32
      %gt3A_521 = vector.broadcast %gt3A_520 : f32 to vector<16xf32>
      %gt3A_522 = arith.cmpf ogt, %get3A_517, %gt3A_521 : vector<16xf32>
      %le3A_523 = vector.broadcast %add3A_228 : f32 to vector<16xf32>
      %le3A_524 = arith.cmpf ole, %abs3A_519, %le3A_523 : vector<16xf32>
      %and3A_525 = arith.andi %gt3A_522, %le3A_524 : vector<16xi1>
      %broadcast_in_dim3A_526 = arith.constant 0.000000e+00 : f32
      %broadcast_in_dim3A_527 = vector.broadcast %broadcast_in_dim3A_526 : f32 to vector<16xf32>
      %select_n3A_528 = arith.select %and3A_525, %abs3A_519, %broadcast_in_dim3A_527 : vector<16xi1>, vector<16xf32>
      %add3A_529 = arith.addf %scan3A_439, %select_n3A_528 : vector<16xf32>
      scf.yield %add3A_463, %add3A_485, %add3A_507, %add3A_529 : vector<16xf32>, vector<16xf32>, vector<16xf32>, vector<16xf32>
    }
    %scan3A_338 = arith.constant 512 : i32
    %add3A_339 = arith.addf %scan3A_337#0, %scan3A_337#1 : vector<16xf32>
    %add3A_340 = arith.addf %add3A_339, %scan3A_337#2 : vector<16xf32>
    %add3A_341 = arith.addf %add3A_340, %scan3A_337#3 : vector<16xf32>
    %add3A_342 = arith.addf %add3A_326, %add3A_341 : vector<16xf32>
    %add3A_343 = arith.constant 229376 : i32
    %add3A_344 = arith.addi %mul3A_4, %add3A_343 : i32
    "tpu.region"() ({
      %run_scoped3A = tpu.sem_alloc : memref<!tpu.dma_semaphore, #tpu.memory_space<semaphore_mem>>
      %dma_start3A = tpu.memref_slice %arg2[%add3A_344] : memref<16777216xf32, #tpu.memory_space<hbm>> -> memref<32768xf32, #tpu.memory_space<hbm>>
      %dma_start3A_435 = tpu.memref_slice %arg2[%add3A_344] : memref<16777216xf32, #tpu.memory_space<hbm>> -> memref<32768xf32, #tpu.memory_space<hbm>>
      tpu.enqueue_dma source(%dma_start3A_435 : memref<32768xf32, #tpu.memory_space<hbm>>) target(%arg6 : memref<32768xf32, #tpu.memory_space<vmem>>) target_semaphore(%run_scoped3A : memref<!tpu.dma_semaphore, #tpu.memory_space<semaphore_mem>>)
      %dma_wait3A = tpu.memref_slice %arg2[%add3A_344] : memref<16777216xf32, #tpu.memory_space<hbm>> -> memref<32768xf32, #tpu.memory_space<hbm>>
      %dma_wait3A_436 = tpu.memref_slice %arg2[%add3A_344] : memref<16777216xf32, #tpu.memory_space<hbm>> -> memref<32768xf32, #tpu.memory_space<hbm>>
      tpu.wait_dma2 semaphore(%run_scoped3A : memref<!tpu.dma_semaphore, #tpu.memory_space<semaphore_mem>>) src(%dma_wait3A_436 : memref<32768xf32, #tpu.memory_space<hbm>>) dst(%arg6 : memref<32768xf32, #tpu.memory_space<vmem>>)
      tpu.yield
    }) : () -> ()
    %add3A_345 = arith.constant 229376 : i32
    %add3A_346 = arith.addi %mul3A_4, %add3A_345 : i32
    "tpu.region"() ({
      %run_scoped3A = tpu.sem_alloc : memref<!tpu.dma_semaphore, #tpu.memory_space<semaphore_mem>>
      %dma_start3A = tpu.memref_slice %arg3[%add3A_346] : memref<16777216xf32, #tpu.memory_space<hbm>> -> memref<32768xf32, #tpu.memory_space<hbm>>
      %dma_start3A_435 = tpu.memref_slice %arg3[%add3A_346] : memref<16777216xf32, #tpu.memory_space<hbm>> -> memref<32768xf32, #tpu.memory_space<hbm>>
      tpu.enqueue_dma source(%dma_start3A_435 : memref<32768xf32, #tpu.memory_space<hbm>>) target(%arg5 : memref<32768xf32, #tpu.memory_space<vmem>>) target_semaphore(%run_scoped3A : memref<!tpu.dma_semaphore, #tpu.memory_space<semaphore_mem>>)
      %dma_wait3A = tpu.memref_slice %arg3[%add3A_346] : memref<16777216xf32, #tpu.memory_space<hbm>> -> memref<32768xf32, #tpu.memory_space<hbm>>
      %dma_wait3A_436 = tpu.memref_slice %arg3[%add3A_346] : memref<16777216xf32, #tpu.memory_space<hbm>> -> memref<32768xf32, #tpu.memory_space<hbm>>
      tpu.wait_dma2 semaphore(%run_scoped3A : memref<!tpu.dma_semaphore, #tpu.memory_space<semaphore_mem>>) src(%dma_wait3A_436 : memref<32768xf32, #tpu.memory_space<hbm>>) dst(%arg5 : memref<32768xf32, #tpu.memory_space<vmem>>)
      tpu.yield
    }) : () -> ()
    %broadcast_in_dim3A_347 = arith.constant 0.000000e+00 : f32
    %broadcast_in_dim3A_348 = vector.broadcast %broadcast_in_dim3A_347 : f32 to vector<16xf32>
    %scan3A_349 = arith.constant 0 : i32
    %scan3A_350 = arith.constant 512 : i32
    %scan3A_351 = arith.addi %scan3A_349, %scan3A_350 : i32
    %scan3A_352 = arith.constant 1 : i32
    %scan3A_353:4 = scf.for %scan3A_435 = %scan3A_349 to %scan3A_351 step %scan3A_352 iter_args(%scan3A_436 = %broadcast_in_dim3A_348, %scan3A_437 = %broadcast_in_dim3A_348, %scan3A_438 = %broadcast_in_dim3A_348, %scan3A_439 = %broadcast_in_dim3A_348) -> (vector<16xf32>, vector<16xf32>, vector<16xf32>, vector<16xf32>)  : i32 {
      %mul3A_440 = arith.constant 64 : i32
      %mul3A_441 = arith.muli %scan3A_435, %mul3A_440 : i32
      %multiple_of3A_442 = tpu.assume_multiple %mul3A_441, 64 : i32
      %add3A_443 = arith.constant 0 : i32
      %add3A_444 = arith.addi %multiple_of3A_442, %add3A_443 : i32
      %get3A_445 = arith.index_cast %add3A_444 : i32 to index
      %get3A_446 = tpu.vector_load %arg6[%get3A_445] {strides = array<i32>} : memref<32768xf32, #tpu.memory_space<vmem>>, vector<16xf32>,
      %get3A_447 = vector.shape_cast %get3A_446 : vector<16xf32> to vector<16xf32>
      %add3A_448 = arith.constant 0 : i32
      %add3A_449 = arith.addi %multiple_of3A_442, %add3A_448 : i32
      %get3A_450 = arith.index_cast %add3A_449 : i32 to index
      %get3A_451 = tpu.vector_load %arg5[%get3A_450] {strides = array<i32>} : memref<32768xf32, #tpu.memory_space<vmem>>, vector<16xf32>,
      %get3A_452 = vector.shape_cast %get3A_451 : vector<16xf32> to vector<16xf32>
      %sub3A_453 = arith.subf %get3A_447, %get3A_452 : vector<16xf32>
      %abs3A_454 = math.absf %sub3A_453 : vector<16xf32>
      %gt3A_455 = arith.constant 0.000000e+00 : f32
      %gt3A_456 = vector.broadcast %gt3A_455 : f32 to vector<16xf32>
      %gt3A_457 = arith.cmpf ogt, %get3A_452, %gt3A_456 : vector<16xf32>
      %le3A = vector.broadcast %add3A_228 : f32 to vector<16xf32>
      %le3A_458 = arith.cmpf ole, %abs3A_454, %le3A : vector<16xf32>
      %and3A_459 = arith.andi %gt3A_457, %le3A_458 : vector<16xi1>
      %broadcast_in_dim3A_460 = arith.constant 0.000000e+00 : f32
      %broadcast_in_dim3A_461 = vector.broadcast %broadcast_in_dim3A_460 : f32 to vector<16xf32>
      %select_n3A_462 = arith.select %and3A_459, %abs3A_454, %broadcast_in_dim3A_461 : vector<16xi1>, vector<16xf32>
      %add3A_463 = arith.addf %scan3A_436, %select_n3A_462 : vector<16xf32>
      %add3A_464 = arith.constant 16 : i32
      %add3A_465 = arith.addi %multiple_of3A_442, %add3A_464 : i32
      %get3A_466 = arith.index_cast %add3A_465 : i32 to index
      %get3A_467 = tpu.vector_load %arg6[%get3A_466] {strides = array<i32>} : memref<32768xf32, #tpu.memory_space<vmem>>, vector<16xf32>,
      %get3A_468 = vector.shape_cast %get3A_467 : vector<16xf32> to vector<16xf32>
      %add3A_469 = arith.constant 16 : i32
      %add3A_470 = arith.addi %multiple_of3A_442, %add3A_469 : i32
      %get3A_471 = arith.index_cast %add3A_470 : i32 to index
      %get3A_472 = tpu.vector_load %arg5[%get3A_471] {strides = array<i32>} : memref<32768xf32, #tpu.memory_space<vmem>>, vector<16xf32>,
      %get3A_473 = vector.shape_cast %get3A_472 : vector<16xf32> to vector<16xf32>
      %sub3A_474 = arith.subf %get3A_468, %get3A_473 : vector<16xf32>
      %abs3A_475 = math.absf %sub3A_474 : vector<16xf32>
      %gt3A_476 = arith.constant 0.000000e+00 : f32
      %gt3A_477 = vector.broadcast %gt3A_476 : f32 to vector<16xf32>
      %gt3A_478 = arith.cmpf ogt, %get3A_473, %gt3A_477 : vector<16xf32>
      %le3A_479 = vector.broadcast %add3A_228 : f32 to vector<16xf32>
      %le3A_480 = arith.cmpf ole, %abs3A_475, %le3A_479 : vector<16xf32>
      %and3A_481 = arith.andi %gt3A_478, %le3A_480 : vector<16xi1>
      %broadcast_in_dim3A_482 = arith.constant 0.000000e+00 : f32
      %broadcast_in_dim3A_483 = vector.broadcast %broadcast_in_dim3A_482 : f32 to vector<16xf32>
      %select_n3A_484 = arith.select %and3A_481, %abs3A_475, %broadcast_in_dim3A_483 : vector<16xi1>, vector<16xf32>
      %add3A_485 = arith.addf %scan3A_437, %select_n3A_484 : vector<16xf32>
      %add3A_486 = arith.constant 32 : i32
      %add3A_487 = arith.addi %multiple_of3A_442, %add3A_486 : i32
      %get3A_488 = arith.index_cast %add3A_487 : i32 to index
      %get3A_489 = tpu.vector_load %arg6[%get3A_488] {strides = array<i32>} : memref<32768xf32, #tpu.memory_space<vmem>>, vector<16xf32>,
      %get3A_490 = vector.shape_cast %get3A_489 : vector<16xf32> to vector<16xf32>
      %add3A_491 = arith.constant 32 : i32
      %add3A_492 = arith.addi %multiple_of3A_442, %add3A_491 : i32
      %get3A_493 = arith.index_cast %add3A_492 : i32 to index
      %get3A_494 = tpu.vector_load %arg5[%get3A_493] {strides = array<i32>} : memref<32768xf32, #tpu.memory_space<vmem>>, vector<16xf32>,
      %get3A_495 = vector.shape_cast %get3A_494 : vector<16xf32> to vector<16xf32>
      %sub3A_496 = arith.subf %get3A_490, %get3A_495 : vector<16xf32>
      %abs3A_497 = math.absf %sub3A_496 : vector<16xf32>
      %gt3A_498 = arith.constant 0.000000e+00 : f32
      %gt3A_499 = vector.broadcast %gt3A_498 : f32 to vector<16xf32>
      %gt3A_500 = arith.cmpf ogt, %get3A_495, %gt3A_499 : vector<16xf32>
      %le3A_501 = vector.broadcast %add3A_228 : f32 to vector<16xf32>
      %le3A_502 = arith.cmpf ole, %abs3A_497, %le3A_501 : vector<16xf32>
      %and3A_503 = arith.andi %gt3A_500, %le3A_502 : vector<16xi1>
      %broadcast_in_dim3A_504 = arith.constant 0.000000e+00 : f32
      %broadcast_in_dim3A_505 = vector.broadcast %broadcast_in_dim3A_504 : f32 to vector<16xf32>
      %select_n3A_506 = arith.select %and3A_503, %abs3A_497, %broadcast_in_dim3A_505 : vector<16xi1>, vector<16xf32>
      %add3A_507 = arith.addf %scan3A_438, %select_n3A_506 : vector<16xf32>
      %add3A_508 = arith.constant 48 : i32
      %add3A_509 = arith.addi %multiple_of3A_442, %add3A_508 : i32
      %get3A_510 = arith.index_cast %add3A_509 : i32 to index
      %get3A_511 = tpu.vector_load %arg6[%get3A_510] {strides = array<i32>} : memref<32768xf32, #tpu.memory_space<vmem>>, vector<16xf32>,
      %get3A_512 = vector.shape_cast %get3A_511 : vector<16xf32> to vector<16xf32>
      %add3A_513 = arith.constant 48 : i32
      %add3A_514 = arith.addi %multiple_of3A_442, %add3A_513 : i32
      %get3A_515 = arith.index_cast %add3A_514 : i32 to index
      %get3A_516 = tpu.vector_load %arg5[%get3A_515] {strides = array<i32>} : memref<32768xf32, #tpu.memory_space<vmem>>, vector<16xf32>,
      %get3A_517 = vector.shape_cast %get3A_516 : vector<16xf32> to vector<16xf32>
      %sub3A_518 = arith.subf %get3A_512, %get3A_517 : vector<16xf32>
      %abs3A_519 = math.absf %sub3A_518 : vector<16xf32>
      %gt3A_520 = arith.constant 0.000000e+00 : f32
      %gt3A_521 = vector.broadcast %gt3A_520 : f32 to vector<16xf32>
      %gt3A_522 = arith.cmpf ogt, %get3A_517, %gt3A_521 : vector<16xf32>
      %le3A_523 = vector.broadcast %add3A_228 : f32 to vector<16xf32>
      %le3A_524 = arith.cmpf ole, %abs3A_519, %le3A_523 : vector<16xf32>
      %and3A_525 = arith.andi %gt3A_522, %le3A_524 : vector<16xi1>
      %broadcast_in_dim3A_526 = arith.constant 0.000000e+00 : f32
      %broadcast_in_dim3A_527 = vector.broadcast %broadcast_in_dim3A_526 : f32 to vector<16xf32>
      %select_n3A_528 = arith.select %and3A_525, %abs3A_519, %broadcast_in_dim3A_527 : vector<16xi1>, vector<16xf32>
      %add3A_529 = arith.addf %scan3A_439, %select_n3A_528 : vector<16xf32>
      scf.yield %add3A_463, %add3A_485, %add3A_507, %add3A_529 : vector<16xf32>, vector<16xf32>, vector<16xf32>, vector<16xf32>
    }
    %scan3A_354 = arith.constant 512 : i32
    %add3A_355 = arith.addf %scan3A_353#0, %scan3A_353#1 : vector<16xf32>
    %add3A_356 = arith.addf %add3A_355, %scan3A_353#2 : vector<16xf32>
    %add3A_357 = arith.addf %add3A_356, %scan3A_353#3 : vector<16xf32>
    %add3A_358 = arith.addf %add3A_342, %add3A_357 : vector<16xf32>
    %slice3A_359 = vector.extract_strided_slice %add3A_358 {offsets = [0], sizes = [1], strides = [1]} : vector<16xf32> to vector<1xf32>
    %squeeze3A_360 = vector.extract %slice3A_359[0] : f32 from vector<1xf32>
    %slice3A_361 = vector.extract_strided_slice %add3A_358 {offsets = [1], sizes = [1], strides = [1]} : vector<16xf32> to vector<1xf32>
    %squeeze3A_362 = vector.extract %slice3A_361[0] : f32 from vector<1xf32>
    %add3A_363 = arith.addf %squeeze3A_360, %squeeze3A_362 : f32
    %slice3A_364 = vector.extract_strided_slice %add3A_358 {offsets = [2], sizes = [1], strides = [1]} : vector<16xf32> to vector<1xf32>
    %squeeze3A_365 = vector.extract %slice3A_364[0] : f32 from vector<1xf32>
    %add3A_366 = arith.addf %add3A_363, %squeeze3A_365 : f32
    %slice3A_367 = vector.extract_strided_slice %add3A_358 {offsets = [3], sizes = [1], strides = [1]} : vector<16xf32> to vector<1xf32>
    %squeeze3A_368 = vector.extract %slice3A_367[0] : f32 from vector<1xf32>
    %add3A_369 = arith.addf %add3A_366, %squeeze3A_368 : f32
    %slice3A_370 = vector.extract_strided_slice %add3A_358 {offsets = [4], sizes = [1], strides = [1]} : vector<16xf32> to vector<1xf32>
    %squeeze3A_371 = vector.extract %slice3A_370[0] : f32 from vector<1xf32>
    %add3A_372 = arith.addf %add3A_369, %squeeze3A_371 : f32
    %slice3A_373 = vector.extract_strided_slice %add3A_358 {offsets = [5], sizes = [1], strides = [1]} : vector<16xf32> to vector<1xf32>
    %squeeze3A_374 = vector.extract %slice3A_373[0] : f32 from vector<1xf32>
    %add3A_375 = arith.addf %add3A_372, %squeeze3A_374 : f32
    %slice3A_376 = vector.extract_strided_slice %add3A_358 {offsets = [6], sizes = [1], strides = [1]} : vector<16xf32> to vector<1xf32>
    %squeeze3A_377 = vector.extract %slice3A_376[0] : f32 from vector<1xf32>
    %add3A_378 = arith.addf %add3A_375, %squeeze3A_377 : f32
    %slice3A_379 = vector.extract_strided_slice %add3A_358 {offsets = [7], sizes = [1], strides = [1]} : vector<16xf32> to vector<1xf32>
    %squeeze3A_380 = vector.extract %slice3A_379[0] : f32 from vector<1xf32>
    %add3A_381 = arith.addf %add3A_378, %squeeze3A_380 : f32
    %slice3A_382 = vector.extract_strided_slice %add3A_358 {offsets = [8], sizes = [1], strides = [1]} : vector<16xf32> to vector<1xf32>
    %squeeze3A_383 = vector.extract %slice3A_382[0] : f32 from vector<1xf32>
    %add3A_384 = arith.addf %add3A_381, %squeeze3A_383 : f32
    %slice3A_385 = vector.extract_strided_slice %add3A_358 {offsets = [9], sizes = [1], strides = [1]} : vector<16xf32> to vector<1xf32>
    %squeeze3A_386 = vector.extract %slice3A_385[0] : f32 from vector<1xf32>
    %add3A_387 = arith.addf %add3A_384, %squeeze3A_386 : f32
    %slice3A_388 = vector.extract_strided_slice %add3A_358 {offsets = [10], sizes = [1], strides = [1]} : vector<16xf32> to vector<1xf32>
    %squeeze3A_389 = vector.extract %slice3A_388[0] : f32 from vector<1xf32>
    %add3A_390 = arith.addf %add3A_387, %squeeze3A_389 : f32
    %slice3A_391 = vector.extract_strided_slice %add3A_358 {offsets = [11], sizes = [1], strides = [1]} : vector<16xf32> to vector<1xf32>
    %squeeze3A_392 = vector.extract %slice3A_391[0] : f32 from vector<1xf32>
    %add3A_393 = arith.addf %add3A_390, %squeeze3A_392 : f32
    %slice3A_394 = vector.extract_strided_slice %add3A_358 {offsets = [12], sizes = [1], strides = [1]} : vector<16xf32> to vector<1xf32>
    %squeeze3A_395 = vector.extract %slice3A_394[0] : f32 from vector<1xf32>
    %add3A_396 = arith.addf %add3A_393, %squeeze3A_395 : f32
    %slice3A_397 = vector.extract_strided_slice %add3A_358 {offsets = [13], sizes = [1], strides = [1]} : vector<16xf32> to vector<1xf32>
    %squeeze3A_398 = vector.extract %slice3A_397[0] : f32 from vector<1xf32>
    %add3A_399 = arith.addf %add3A_396, %squeeze3A_398 : f32
    %slice3A_400 = vector.extract_strided_slice %add3A_358 {offsets = [14], sizes = [1], strides = [1]} : vector<16xf32> to vector<1xf32>
    %squeeze3A_401 = vector.extract %slice3A_400[0] : f32 from vector<1xf32>
    %add3A_402 = arith.addf %add3A_399, %squeeze3A_401 : f32
    %slice3A_403 = vector.extract_strided_slice %add3A_358 {offsets = [15], sizes = [1], strides = [1]} : vector<16xf32> to vector<1xf32>
    %squeeze3A_404 = vector.extract %slice3A_403[0] : f32 from vector<1xf32>
    %add3A_405 = arith.addf %add3A_402, %squeeze3A_404 : f32
    %broadcast_in_dim3A_406 = arith.constant 0.000000e+00 : f32
    %broadcast_in_dim3A_407 = vector.broadcast %broadcast_in_dim3A_406 : f32 to vector<16xf32>
    %sub3A_408 = arith.constant 262144 : i32
    %sub3A_409 = arith.subi %sub3A_408, %convert_element_type3A : i32
    %convert_element_type3A_410 = arith.sitofp %sub3A_409 : i32 to f32
    %add3A_411 = vector.broadcast %convert_element_type3A_410 : f32 to vector<16xf32>
    %add3A_412 = arith.addf %broadcast_in_dim3A_407, %add3A_411 : vector<16xf32>
    %broadcast_in_dim3A_413 = arith.constant 0.000000e+00 : f32
    %broadcast_in_dim3A_414 = vector.broadcast %broadcast_in_dim3A_413 : f32 to vector<16xf32>
    %add3A_415 = vector.broadcast %add3A_405 : f32 to vector<16xf32>
    %add3A_416 = arith.addf %broadcast_in_dim3A_414, %add3A_415 : vector<16xf32>
    %mul3A_417 = arith.constant 2.000000e+00 : f32
    %mul3A_418 = vector.broadcast %mul3A_417 : f32 to vector<16xf32>
    %mul3A_419 = arith.mulf %mul3A_418, %add3A_412 : vector<16xf32>
    %max3A = arith.constant 1.000000e+00 : f32
    %max3A_420 = vector.broadcast %max3A : f32 to vector<16xf32>
    %max3A_421 = arith.maximumf %mul3A_419, %max3A_420 : vector<16xf32>
    %gt3A_422 = arith.constant 0.000000e+00 : f32
    %gt3A_423 = vector.broadcast %gt3A_422 : f32 to vector<16xf32>
    %gt3A_424 = arith.cmpf ogt, %add3A_412, %gt3A_423 : vector<16xf32>
    %jit3A = arith.constant 1.000000e+00 : f32
    %jit3A_425 = arith.constant 0.000000e+00 : f32
    %broadcast_in_dim3A_426 = vector.broadcast %jit3A : f32 to vector<16xf32>
    %broadcast_in_dim3A_427 = vector.broadcast %jit3A_425 : f32 to vector<16xf32>
    %select_n3A_428 = arith.select %gt3A_424, %broadcast_in_dim3A_426, %broadcast_in_dim3A_427 : vector<16xi1>, vector<16xf32>
    %div3A = arith.divf %add3A_416, %max3A_421 : vector<16xf32>
    %mul3A_429 = arith.mulf %div3A, %select_n3A_428 : vector<16xf32>
    %swap3A = arith.constant 0 : index
    %swap3A_430 = tpu.vector_load %arg7[%swap3A] {strides = array<i32>} : memref<16xf32, #tpu.memory_space<vmem>>, vector<16xf32>,
    %swap3A_431 = vector.shape_cast %swap3A_430 : vector<16xf32> to vector<16xf32>
    %swap3A_432 = vector.shape_cast %mul3A_429 : vector<16xf32> to vector<16xf32>
    tpu.vector_store %arg7[%swap3A], %swap3A_432 {strides = array<i32>} : memref<16xf32, #tpu.memory_space<vmem>>, vector<16xf32>,
    %mul3A_433 = arith.constant 16 : i32
    %mul3A_434 = arith.muli %add3A, %mul3A_433 : i32
    "tpu.region"() ({
      %run_scoped3A = tpu.sem_alloc : memref<!tpu.dma_semaphore, #tpu.memory_space<semaphore_mem>>
      %dma_start3A = tpu.memref_slice %arg4[%mul3A_434] : memref<512xf32, #tpu.memory_space<hbm>> -> memref<16xf32, #tpu.memory_space<hbm>>
      %dma_start3A_435 = tpu.memref_slice %arg4[%mul3A_434] : memref<512xf32, #tpu.memory_space<hbm>> -> memref<16xf32, #tpu.memory_space<hbm>>
      tpu.enqueue_dma source(%arg7 : memref<16xf32, #tpu.memory_space<vmem>>) target(%dma_start3A_435 : memref<16xf32, #tpu.memory_space<hbm>>) target_semaphore(%run_scoped3A : memref<!tpu.dma_semaphore, #tpu.memory_space<semaphore_mem>>)
      %dma_wait3A = tpu.memref_slice %arg4[%mul3A_434] : memref<512xf32, #tpu.memory_space<hbm>> -> memref<16xf32, #tpu.memory_space<hbm>>
      %dma_wait3A_436 = tpu.memref_slice %arg4[%mul3A_434] : memref<512xf32, #tpu.memory_space<hbm>> -> memref<16xf32, #tpu.memory_space<hbm>>
      tpu.wait_dma2 semaphore(%run_scoped3A : memref<!tpu.dma_semaphore, #tpu.memory_space<semaphore_mem>>) src(%arg7 : memref<16xf32, #tpu.memory_space<vmem>>) dst(%dma_wait3A_436 : memref<16xf32, #tpu.memory_space<hbm>>)
      tpu.yield
    }) : () -> ()
    return
  }
}

module attributes {stable_mosaic.version = 14 : i64} {
  func.func @_row_kernel(%arg0: i32, %arg1: memref<8x512x512xf32, #tpu.memory_space<vmem>>, %arg2: memref<8x512x512xf32, #tpu.memory_space<vmem>>, %arg3: memref<1xf32, #tpu.memory_space<smem>>, %arg4: memref<1xf32, #tpu.memory_space<smem>>) attributes {dimension_semantics = [#tpu.dimension_semantics<arbitrary>], iteration_bounds = array<i64: 4>, scalar_prefetch = 0 : i64, scratch_operands = 1 : i64, tpu.core_type = #tpu.core_type<tc>, window_params = [{transform_indices = @transform_0, window_bounds = array<i64: 8, 512, 512>}, {transform_indices = @transform_1, window_bounds = array<i64: 8, 512, 512>}, {transform_indices = @transform_2, window_bounds = array<i64: 1>}]} {
    %eq3A = arith.constant 0 : i32
    %eq3A_0 = arith.cmpi eq, %arg0, %eq3A : i32
    %convert_element_type3A = arith.extui %eq3A_0 : i1 to i32
    %cond3A = arith.constant 0 : i32
    %cond3A_1 = arith.cmpi ne, %convert_element_type3A, %cond3A : i32
    scf.if %cond3A_1 {
      %swap3A_998 = arith.constant 0.000000e+00 : f32
      %swap3A_999 = arith.constant 0 : index
      %swap3A_1000 = memref.load %arg4[%swap3A_999] : memref<1xf32, #tpu.memory_space<smem>>
      memref.store %swap3A_998, %arg4[%swap3A_999] : memref<1xf32, #tpu.memory_space<smem>>
    } else {
    }
    %get3A = arith.constant 0 : index
    %get3A_2 = memref.load %arg4[%get3A] : memref<1xf32, #tpu.memory_space<smem>>
    %get3A_3 = arith.constant 0 : index
    %get3A_4 = arith.constant 0 : index
    %get3A_5 = arith.constant 0 : index
    %get3A_6 = vector.load %arg2[%get3A_3, %get3A_4, %get3A_5] : memref<8x512x512xf32, #tpu.memory_space<vmem>>, vector<1x512x512xf32>
    %get3A_7 = vector.shape_cast %get3A_6 : vector<1x512x512xf32> to vector<512x512xf32>
    %le3A = arith.constant 0.000000e+00 : f32
    %le3A_8 = vector.broadcast %le3A : f32 to vector<512x512xf32>
    %le3A_9 = arith.cmpf ole, %get3A_7, %le3A_8 : vector<512x512xf32>
    %convert_element_type3A_10 = arith.extui %le3A_9 : vector<512x512xi1> to vector<512x512xi32>
    %convert_element_type3A_11 = arith.sitofp %convert_element_type3A_10 : vector<512x512xi32> to vector<512x512xf32>
    %broadcast_in_dim3A = arith.constant 1.250000e-01 : f32
    %broadcast_in_dim3A_12 = vector.broadcast %broadcast_in_dim3A : f32 to vector<8x512xf32>
    %dot_general3A = arith.constant dense<0.000000e+00> : vector<8x512xf32>
    %dot_general3A_13 = tpu.matmul %broadcast_in_dim3A_12, %convert_element_type3A_11, %dot_general3A {dimension_numbers = #tpu.dot_dimension_numbers<[1], [0], [0], [1], [0, 0, 1, 1], [], []>, transpose_lhs_hint = false} : vector<8x512xf32>, vector<512x512xf32>, vector<8x512xf32> -> vector<8x512xf32>
    %reduce_sum3A = vector.shape_cast %dot_general3A_13 : vector<8x512xf32> to vector<1x8x512xf32>
    %reduce_sum3A_14 = arith.constant dense<0.000000e+00> : vector<1xf32>
    %reduce_sum3A_15 = vector.multi_reduction <add>, %reduce_sum3A, %reduce_sum3A_14 [1, 2] : vector<1x8x512xf32> to vector<1xf32>
    %reduce_sum3A_16 = vector.shape_cast %reduce_sum3A_15 : vector<1xf32> to vector<1x1x1xf32>
    %reduce_sum3A_17 = vector.extract %reduce_sum3A_16[0, 0, 0] : f32 from vector<1x1x1xf32>
    %convert_element_type3A_18 = arith.fptosi %reduce_sum3A_17 : f32 to i32
    %add3A = arith.constant 209715 : i32
    %add3A_19 = arith.addi %convert_element_type3A_18, %add3A : i32
    %min3A = arith.constant 262143 : i32
    %min3A_20 = arith.minsi %add3A_19, %min3A : i32
    %jit3A = arith.constant 512 : i32
    %div3A = arith.divsi %min3A_20, %jit3A : i32
    %sign3A = arith.constant 0 : i32
    %sign3A_21 = arith.cmpi sgt, %min3A_20, %sign3A : i32
    %sign3A_22 = arith.extui %sign3A_21 : i1 to i32
    %sign3A_23 = arith.constant 0 : i32
    %sign3A_24 = arith.cmpi slt, %min3A_20, %sign3A_23 : i32
    %sign3A_25 = arith.extui %sign3A_24 : i1 to i32
    %sign3A_26 = arith.subi %sign3A_22, %sign3A_25 : i32
    %sign3A_27 = arith.constant 0 : i32
    %sign3A_28 = arith.cmpi sgt, %jit3A, %sign3A_27 : i32
    %sign3A_29 = arith.extui %sign3A_28 : i1 to i32
    %sign3A_30 = arith.constant 0 : i32
    %sign3A_31 = arith.cmpi slt, %jit3A, %sign3A_30 : i32
    %sign3A_32 = arith.extui %sign3A_31 : i1 to i32
    %sign3A_33 = arith.subi %sign3A_29, %sign3A_32 : i32
    %ne3A = arith.cmpi ne, %sign3A_26, %sign3A_33 : i32
    %rem3A = arith.remsi %min3A_20, %jit3A : i32
    %ne3A_34 = arith.constant 0 : i32
    %ne3A_35 = arith.cmpi ne, %rem3A, %ne3A_34 : i32
    %and3A = arith.andi %ne3A, %ne3A_35 : i1
    %sub3A = arith.constant 1 : i32
    %sub3A_36 = arith.subi %div3A, %sub3A : i32
    %select_n3A = arith.select %and3A, %sub3A_36, %div3A : i32
    %and3A_37 = arith.constant -8 : i32
    %and3A_38 = arith.andi %select_n3A, %and3A_37 : i32
    %multiple_of3A = tpu.assume_multiple %and3A_38, 8 : i32
    %get3A_39 = arith.constant 0 : index
    %get3A_40 = arith.index_cast %multiple_of3A : i32 to index
    %get3A_41 = arith.constant 0 : index
    %get3A_42 = vector.load %arg1[%get3A_39, %get3A_40, %get3A_41] : memref<8x512x512xf32, #tpu.memory_space<vmem>>, vector<1x8x512xf32>
    %get3A_43 = vector.shape_cast %get3A_42 : vector<1x8x512xf32> to vector<8x512xf32>
    %get3A_44 = arith.constant 0 : index
    %get3A_45 = arith.index_cast %multiple_of3A : i32 to index
    %get3A_46 = arith.constant 0 : index
    %get3A_47 = vector.load %arg2[%get3A_44, %get3A_45, %get3A_46] : memref<8x512x512xf32, #tpu.memory_space<vmem>>, vector<1x8x512xf32>
    %get3A_48 = vector.shape_cast %get3A_47 : vector<1x8x512xf32> to vector<8x512xf32>
    %gt3A = arith.constant 0.000000e+00 : f32
    %gt3A_49 = vector.broadcast %gt3A : f32 to vector<8x512xf32>
    %gt3A_50 = arith.cmpf ogt, %get3A_48, %gt3A_49 : vector<8x512xf32>
    %sub3A_51 = arith.subf %get3A_43, %get3A_48 : vector<8x512xf32>
    %abs3A = math.absf %sub3A_51 : vector<8x512xf32>
    %broadcast_in_dim3A_52 = arith.constant 0.000000e+00 : f32
    %broadcast_in_dim3A_53 = vector.broadcast %broadcast_in_dim3A_52 : f32 to vector<8x512xf32>
    %select_n3A_54 = arith.select %gt3A_50, %abs3A, %broadcast_in_dim3A_53 : vector<8x512xi1>, vector<8x512xf32>
    %iota3A = tpu.iota {dimensions = array<i32: 0>} : vector<8x512xi32>
    %mul3A = arith.constant 512 : i32
    %mul3A_55 = vector.broadcast %mul3A : i32 to vector<8x512xi32>
    %mul3A_56 = arith.muli %iota3A, %mul3A_55 : vector<8x512xi32>
    %iota3A_57 = tpu.iota {dimensions = array<i32: 1>} : vector<8x512xi32>
    %add3A_58 = arith.addi %mul3A_56, %iota3A_57 : vector<8x512xi32>
    %mul3A_59 = arith.constant 512 : i32
    %mul3A_60 = arith.muli %multiple_of3A, %mul3A_59 : i32
    %sub3A_61 = arith.subi %min3A_20, %mul3A_60 : i32
    %eq3A_62 = vector.broadcast %sub3A_61 : i32 to vector<8x512xi32>
    %eq3A_63 = arith.cmpi eq, %add3A_58, %eq3A_62 : vector<8x512xi32>
    %broadcast_in_dim3A_64 = arith.constant 0.000000e+00 : f32
    %broadcast_in_dim3A_65 = vector.broadcast %broadcast_in_dim3A_64 : f32 to vector<8x512xf32>
    %select_n3A_66 = arith.select %eq3A_63, %select_n3A_54, %broadcast_in_dim3A_65 : vector<8x512xi1>, vector<8x512xf32>
    %reduce_sum3A_67 = vector.shape_cast %select_n3A_66 : vector<8x512xf32> to vector<1x8x512xf32>
    %reduce_sum3A_68 = arith.constant dense<0.000000e+00> : vector<1xf32>
    %reduce_sum3A_69 = vector.multi_reduction <add>, %reduce_sum3A_67, %reduce_sum3A_68 [1, 2] : vector<1x8x512xf32> to vector<1xf32>
    %reduce_sum3A_70 = vector.shape_cast %reduce_sum3A_69 : vector<1xf32> to vector<1x1x1xf32>
    %reduce_sum3A_71 = vector.extract %reduce_sum3A_70[0, 0, 0] : f32 from vector<1x1x1xf32>
    %get3A_72 = arith.constant 0 : index
    %get3A_73 = arith.constant 0 : index
    %get3A_74 = arith.constant 0 : index
    %get3A_75 = vector.load %arg1[%get3A_72, %get3A_73, %get3A_74] : memref<8x512x512xf32, #tpu.memory_space<vmem>>, vector<1x512x512xf32>
    %get3A_76 = vector.shape_cast %get3A_75 : vector<1x512x512xf32> to vector<512x512xf32>
    %sub3A_77 = arith.subf %get3A_76, %get3A_7 : vector<512x512xf32>
    %abs3A_78 = math.absf %sub3A_77 : vector<512x512xf32>
    %gt3A_79 = arith.constant 0.000000e+00 : f32
    %gt3A_80 = vector.broadcast %gt3A_79 : f32 to vector<512x512xf32>
    %gt3A_81 = arith.cmpf ogt, %get3A_7, %gt3A_80 : vector<512x512xf32>
    %le3A_82 = vector.broadcast %reduce_sum3A_71 : f32 to vector<512x512xf32>
    %le3A_83 = arith.cmpf ole, %abs3A_78, %le3A_82 : vector<512x512xf32>
    %and3A_84 = arith.andi %gt3A_81, %le3A_83 : vector<512x512xi1>
    %broadcast_in_dim3A_85 = arith.constant 0.000000e+00 : f32
    %broadcast_in_dim3A_86 = vector.broadcast %broadcast_in_dim3A_85 : f32 to vector<512x512xf32>
    %select_n3A_87 = arith.select %and3A_84, %abs3A_78, %broadcast_in_dim3A_86 : vector<512x512xi1>, vector<512x512xf32>
    %broadcast_in_dim3A_88 = arith.constant 1.250000e-01 : f32
    %broadcast_in_dim3A_89 = vector.broadcast %broadcast_in_dim3A_88 : f32 to vector<8x512xf32>
    %dot_general3A_90 = arith.constant dense<0.000000e+00> : vector<8x512xf32>
    %dot_general3A_91 = tpu.matmul %broadcast_in_dim3A_89, %select_n3A_87, %dot_general3A_90 {dimension_numbers = #tpu.dot_dimension_numbers<[1], [0], [0], [1], [0, 0, 1, 1], [], []>, transpose_lhs_hint = false} : vector<8x512xf32>, vector<512x512xf32>, vector<8x512xf32> -> vector<8x512xf32>
    %reduce_sum3A_92 = vector.shape_cast %dot_general3A_91 : vector<8x512xf32> to vector<1x8x512xf32>
    %reduce_sum3A_93 = arith.constant dense<0.000000e+00> : vector<1xf32>
    %reduce_sum3A_94 = vector.multi_reduction <add>, %reduce_sum3A_92, %reduce_sum3A_93 [1, 2] : vector<1x8x512xf32> to vector<1xf32>
    %reduce_sum3A_95 = vector.shape_cast %reduce_sum3A_94 : vector<1xf32> to vector<1x1x1xf32>
    %reduce_sum3A_96 = vector.extract %reduce_sum3A_95[0, 0, 0] : f32 from vector<1x1x1xf32>
    %sub3A_97 = arith.constant 262144 : i32
    %sub3A_98 = arith.subi %sub3A_97, %convert_element_type3A_18 : i32
    %gt3A_99 = arith.constant 0 : i32
    %gt3A_100 = arith.cmpi sgt, %sub3A_98, %gt3A_99 : i32
    %mul3A_101 = arith.constant 2 : i32
    %mul3A_102 = arith.muli %mul3A_101, %sub3A_98 : i32
    %jit3A_103 = arith.constant 1 : i32
    %select_n3A_104 = arith.select %gt3A_100, %mul3A_102, %jit3A_103 : i32
    %convert_element_type3A_105 = arith.sitofp %select_n3A_104 : i32 to f32
    %div3A_106 = arith.divf %reduce_sum3A_96, %convert_element_type3A_105 : f32
    %jit3A_107 = arith.constant 0.000000e+00 : f32
    %select_n3A_108 = arith.select %gt3A_100, %div3A_106, %jit3A_107 : f32
    %add3A_109 = arith.addf %get3A_2, %select_n3A_108 : f32
    %get3A_110 = arith.constant 1 : index
    %get3A_111 = arith.constant 0 : index
    %get3A_112 = arith.constant 0 : index
    %get3A_113 = vector.load %arg2[%get3A_110, %get3A_111, %get3A_112] : memref<8x512x512xf32, #tpu.memory_space<vmem>>, vector<1x512x512xf32>
    %get3A_114 = vector.shape_cast %get3A_113 : vector<1x512x512xf32> to vector<512x512xf32>
    %le3A_115 = arith.constant 0.000000e+00 : f32
    %le3A_116 = vector.broadcast %le3A_115 : f32 to vector<512x512xf32>
    %le3A_117 = arith.cmpf ole, %get3A_114, %le3A_116 : vector<512x512xf32>
    %convert_element_type3A_118 = arith.extui %le3A_117 : vector<512x512xi1> to vector<512x512xi32>
    %convert_element_type3A_119 = arith.sitofp %convert_element_type3A_118 : vector<512x512xi32> to vector<512x512xf32>
    %broadcast_in_dim3A_120 = arith.constant 1.250000e-01 : f32
    %broadcast_in_dim3A_121 = vector.broadcast %broadcast_in_dim3A_120 : f32 to vector<8x512xf32>
    %dot_general3A_122 = arith.constant dense<0.000000e+00> : vector<8x512xf32>
    %dot_general3A_123 = tpu.matmul %broadcast_in_dim3A_121, %convert_element_type3A_119, %dot_general3A_122 {dimension_numbers = #tpu.dot_dimension_numbers<[1], [0], [0], [1], [0, 0, 1, 1], [], []>, transpose_lhs_hint = false} : vector<8x512xf32>, vector<512x512xf32>, vector<8x512xf32> -> vector<8x512xf32>
    %reduce_sum3A_124 = vector.shape_cast %dot_general3A_123 : vector<8x512xf32> to vector<1x8x512xf32>
    %reduce_sum3A_125 = arith.constant dense<0.000000e+00> : vector<1xf32>
    %reduce_sum3A_126 = vector.multi_reduction <add>, %reduce_sum3A_124, %reduce_sum3A_125 [1, 2] : vector<1x8x512xf32> to vector<1xf32>
    %reduce_sum3A_127 = vector.shape_cast %reduce_sum3A_126 : vector<1xf32> to vector<1x1x1xf32>
    %reduce_sum3A_128 = vector.extract %reduce_sum3A_127[0, 0, 0] : f32 from vector<1x1x1xf32>
    %convert_element_type3A_129 = arith.fptosi %reduce_sum3A_128 : f32 to i32
    %add3A_130 = arith.constant 209715 : i32
    %add3A_131 = arith.addi %convert_element_type3A_129, %add3A_130 : i32
    %min3A_132 = arith.constant 262143 : i32
    %min3A_133 = arith.minsi %add3A_131, %min3A_132 : i32
    %jit3A_134 = arith.constant 512 : i32
    %div3A_135 = arith.divsi %min3A_133, %jit3A_134 : i32
    %sign3A_136 = arith.constant 0 : i32
    %sign3A_137 = arith.cmpi sgt, %min3A_133, %sign3A_136 : i32
    %sign3A_138 = arith.extui %sign3A_137 : i1 to i32
    %sign3A_139 = arith.constant 0 : i32
    %sign3A_140 = arith.cmpi slt, %min3A_133, %sign3A_139 : i32
    %sign3A_141 = arith.extui %sign3A_140 : i1 to i32
    %sign3A_142 = arith.subi %sign3A_138, %sign3A_141 : i32
    %sign3A_143 = arith.constant 0 : i32
    %sign3A_144 = arith.cmpi sgt, %jit3A_134, %sign3A_143 : i32
    %sign3A_145 = arith.extui %sign3A_144 : i1 to i32
    %sign3A_146 = arith.constant 0 : i32
    %sign3A_147 = arith.cmpi slt, %jit3A_134, %sign3A_146 : i32
    %sign3A_148 = arith.extui %sign3A_147 : i1 to i32
    %sign3A_149 = arith.subi %sign3A_145, %sign3A_148 : i32
    %ne3A_150 = arith.cmpi ne, %sign3A_142, %sign3A_149 : i32
    %rem3A_151 = arith.remsi %min3A_133, %jit3A_134 : i32
    %ne3A_152 = arith.constant 0 : i32
    %ne3A_153 = arith.cmpi ne, %rem3A_151, %ne3A_152 : i32
    %and3A_154 = arith.andi %ne3A_150, %ne3A_153 : i1
    %sub3A_155 = arith.constant 1 : i32
    %sub3A_156 = arith.subi %div3A_135, %sub3A_155 : i32
    %select_n3A_157 = arith.select %and3A_154, %sub3A_156, %div3A_135 : i32
    %and3A_158 = arith.constant -8 : i32
    %and3A_159 = arith.andi %select_n3A_157, %and3A_158 : i32
    %multiple_of3A_160 = tpu.assume_multiple %and3A_159, 8 : i32
    %get3A_161 = arith.constant 1 : index
    %get3A_162 = arith.index_cast %multiple_of3A_160 : i32 to index
    %get3A_163 = arith.constant 0 : index
    %get3A_164 = vector.load %arg1[%get3A_161, %get3A_162, %get3A_163] : memref<8x512x512xf32, #tpu.memory_space<vmem>>, vector<1x8x512xf32>
    %get3A_165 = vector.shape_cast %get3A_164 : vector<1x8x512xf32> to vector<8x512xf32>
    %get3A_166 = arith.constant 1 : index
    %get3A_167 = arith.index_cast %multiple_of3A_160 : i32 to index
    %get3A_168 = arith.constant 0 : index
    %get3A_169 = vector.load %arg2[%get3A_166, %get3A_167, %get3A_168] : memref<8x512x512xf32, #tpu.memory_space<vmem>>, vector<1x8x512xf32>
    %get3A_170 = vector.shape_cast %get3A_169 : vector<1x8x512xf32> to vector<8x512xf32>
    %gt3A_171 = arith.constant 0.000000e+00 : f32
    %gt3A_172 = vector.broadcast %gt3A_171 : f32 to vector<8x512xf32>
    %gt3A_173 = arith.cmpf ogt, %get3A_170, %gt3A_172 : vector<8x512xf32>
    %sub3A_174 = arith.subf %get3A_165, %get3A_170 : vector<8x512xf32>
    %abs3A_175 = math.absf %sub3A_174 : vector<8x512xf32>
    %broadcast_in_dim3A_176 = arith.constant 0.000000e+00 : f32
    %broadcast_in_dim3A_177 = vector.broadcast %broadcast_in_dim3A_176 : f32 to vector<8x512xf32>
    %select_n3A_178 = arith.select %gt3A_173, %abs3A_175, %broadcast_in_dim3A_177 : vector<8x512xi1>, vector<8x512xf32>
    %iota3A_179 = tpu.iota {dimensions = array<i32: 0>} : vector<8x512xi32>
    %mul3A_180 = arith.constant 512 : i32
    %mul3A_181 = vector.broadcast %mul3A_180 : i32 to vector<8x512xi32>
    %mul3A_182 = arith.muli %iota3A_179, %mul3A_181 : vector<8x512xi32>
    %iota3A_183 = tpu.iota {dimensions = array<i32: 1>} : vector<8x512xi32>
    %add3A_184 = arith.addi %mul3A_182, %iota3A_183 : vector<8x512xi32>
    %mul3A_185 = arith.constant 512 : i32
    %mul3A_186 = arith.muli %multiple_of3A_160, %mul3A_185 : i32
    %sub3A_187 = arith.subi %min3A_133, %mul3A_186 : i32
    %eq3A_188 = vector.broadcast %sub3A_187 : i32 to vector<8x512xi32>
    %eq3A_189 = arith.cmpi eq, %add3A_184, %eq3A_188 : vector<8x512xi32>
    %broadcast_in_dim3A_190 = arith.constant 0.000000e+00 : f32
    %broadcast_in_dim3A_191 = vector.broadcast %broadcast_in_dim3A_190 : f32 to vector<8x512xf32>
    %select_n3A_192 = arith.select %eq3A_189, %select_n3A_178, %broadcast_in_dim3A_191 : vector<8x512xi1>, vector<8x512xf32>
    %reduce_sum3A_193 = vector.shape_cast %select_n3A_192 : vector<8x512xf32> to vector<1x8x512xf32>
    %reduce_sum3A_194 = arith.constant dense<0.000000e+00> : vector<1xf32>
    %reduce_sum3A_195 = vector.multi_reduction <add>, %reduce_sum3A_193, %reduce_sum3A_194 [1, 2] : vector<1x8x512xf32> to vector<1xf32>
    %reduce_sum3A_196 = vector.shape_cast %reduce_sum3A_195 : vector<1xf32> to vector<1x1x1xf32>
    %reduce_sum3A_197 = vector.extract %reduce_sum3A_196[0, 0, 0] : f32 from vector<1x1x1xf32>
    %get3A_198 = arith.constant 1 : index
    %get3A_199 = arith.constant 0 : index
    %get3A_200 = arith.constant 0 : index
    %get3A_201 = vector.load %arg1[%get3A_198, %get3A_199, %get3A_200] : memref<8x512x512xf32, #tpu.memory_space<vmem>>, vector<1x512x512xf32>
    %get3A_202 = vector.shape_cast %get3A_201 : vector<1x512x512xf32> to vector<512x512xf32>
    %sub3A_203 = arith.subf %get3A_202, %get3A_114 : vector<512x512xf32>
    %abs3A_204 = math.absf %sub3A_203 : vector<512x512xf32>
    %gt3A_205 = arith.constant 0.000000e+00 : f32
    %gt3A_206 = vector.broadcast %gt3A_205 : f32 to vector<512x512xf32>
    %gt3A_207 = arith.cmpf ogt, %get3A_114, %gt3A_206 : vector<512x512xf32>
    %le3A_208 = vector.broadcast %reduce_sum3A_197 : f32 to vector<512x512xf32>
    %le3A_209 = arith.cmpf ole, %abs3A_204, %le3A_208 : vector<512x512xf32>
    %and3A_210 = arith.andi %gt3A_207, %le3A_209 : vector<512x512xi1>
    %broadcast_in_dim3A_211 = arith.constant 0.000000e+00 : f32
    %broadcast_in_dim3A_212 = vector.broadcast %broadcast_in_dim3A_211 : f32 to vector<512x512xf32>
    %select_n3A_213 = arith.select %and3A_210, %abs3A_204, %broadcast_in_dim3A_212 : vector<512x512xi1>, vector<512x512xf32>
    %broadcast_in_dim3A_214 = arith.constant 1.250000e-01 : f32
    %broadcast_in_dim3A_215 = vector.broadcast %broadcast_in_dim3A_214 : f32 to vector<8x512xf32>
    %dot_general3A_216 = arith.constant dense<0.000000e+00> : vector<8x512xf32>
    %dot_general3A_217 = tpu.matmul %broadcast_in_dim3A_215, %select_n3A_213, %dot_general3A_216 {dimension_numbers = #tpu.dot_dimension_numbers<[1], [0], [0], [1], [0, 0, 1, 1], [], []>, transpose_lhs_hint = false} : vector<8x512xf32>, vector<512x512xf32>, vector<8x512xf32> -> vector<8x512xf32>
    %reduce_sum3A_218 = vector.shape_cast %dot_general3A_217 : vector<8x512xf32> to vector<1x8x512xf32>
    %reduce_sum3A_219 = arith.constant dense<0.000000e+00> : vector<1xf32>
    %reduce_sum3A_220 = vector.multi_reduction <add>, %reduce_sum3A_218, %reduce_sum3A_219 [1, 2] : vector<1x8x512xf32> to vector<1xf32>
    %reduce_sum3A_221 = vector.shape_cast %reduce_sum3A_220 : vector<1xf32> to vector<1x1x1xf32>
    %reduce_sum3A_222 = vector.extract %reduce_sum3A_221[0, 0, 0] : f32 from vector<1x1x1xf32>
    %sub3A_223 = arith.constant 262144 : i32
    %sub3A_224 = arith.subi %sub3A_223, %convert_element_type3A_129 : i32
    %gt3A_225 = arith.constant 0 : i32
    %gt3A_226 = arith.cmpi sgt, %sub3A_224, %gt3A_225 : i32
    %mul3A_227 = arith.constant 2 : i32
    %mul3A_228 = arith.muli %mul3A_227, %sub3A_224 : i32
    %jit3A_229 = arith.constant 1 : i32
    %select_n3A_230 = arith.select %gt3A_226, %mul3A_228, %jit3A_229 : i32
    %convert_element_type3A_231 = arith.sitofp %select_n3A_230 : i32 to f32
    %div3A_232 = arith.divf %reduce_sum3A_222, %convert_element_type3A_231 : f32
    %jit3A_233 = arith.constant 0.000000e+00 : f32
    %select_n3A_234 = arith.select %gt3A_226, %div3A_232, %jit3A_233 : f32
    %add3A_235 = arith.addf %add3A_109, %select_n3A_234 : f32
    %get3A_236 = arith.constant 2 : index
    %get3A_237 = arith.constant 0 : index
    %get3A_238 = arith.constant 0 : index
    %get3A_239 = vector.load %arg2[%get3A_236, %get3A_237, %get3A_238] : memref<8x512x512xf32, #tpu.memory_space<vmem>>, vector<1x512x512xf32>
    %get3A_240 = vector.shape_cast %get3A_239 : vector<1x512x512xf32> to vector<512x512xf32>
    %le3A_241 = arith.constant 0.000000e+00 : f32
    %le3A_242 = vector.broadcast %le3A_241 : f32 to vector<512x512xf32>
    %le3A_243 = arith.cmpf ole, %get3A_240, %le3A_242 : vector<512x512xf32>
    %convert_element_type3A_244 = arith.extui %le3A_243 : vector<512x512xi1> to vector<512x512xi32>
    %convert_element_type3A_245 = arith.sitofp %convert_element_type3A_244 : vector<512x512xi32> to vector<512x512xf32>
    %broadcast_in_dim3A_246 = arith.constant 1.250000e-01 : f32
    %broadcast_in_dim3A_247 = vector.broadcast %broadcast_in_dim3A_246 : f32 to vector<8x512xf32>
    %dot_general3A_248 = arith.constant dense<0.000000e+00> : vector<8x512xf32>
    %dot_general3A_249 = tpu.matmul %broadcast_in_dim3A_247, %convert_element_type3A_245, %dot_general3A_248 {dimension_numbers = #tpu.dot_dimension_numbers<[1], [0], [0], [1], [0, 0, 1, 1], [], []>, transpose_lhs_hint = false} : vector<8x512xf32>, vector<512x512xf32>, vector<8x512xf32> -> vector<8x512xf32>
    %reduce_sum3A_250 = vector.shape_cast %dot_general3A_249 : vector<8x512xf32> to vector<1x8x512xf32>
    %reduce_sum3A_251 = arith.constant dense<0.000000e+00> : vector<1xf32>
    %reduce_sum3A_252 = vector.multi_reduction <add>, %reduce_sum3A_250, %reduce_sum3A_251 [1, 2] : vector<1x8x512xf32> to vector<1xf32>
    %reduce_sum3A_253 = vector.shape_cast %reduce_sum3A_252 : vector<1xf32> to vector<1x1x1xf32>
    %reduce_sum3A_254 = vector.extract %reduce_sum3A_253[0, 0, 0] : f32 from vector<1x1x1xf32>
    %convert_element_type3A_255 = arith.fptosi %reduce_sum3A_254 : f32 to i32
    %add3A_256 = arith.constant 209715 : i32
    %add3A_257 = arith.addi %convert_element_type3A_255, %add3A_256 : i32
    %min3A_258 = arith.constant 262143 : i32
    %min3A_259 = arith.minsi %add3A_257, %min3A_258 : i32
    %jit3A_260 = arith.constant 512 : i32
    %div3A_261 = arith.divsi %min3A_259, %jit3A_260 : i32
    %sign3A_262 = arith.constant 0 : i32
    %sign3A_263 = arith.cmpi sgt, %min3A_259, %sign3A_262 : i32
    %sign3A_264 = arith.extui %sign3A_263 : i1 to i32
    %sign3A_265 = arith.constant 0 : i32
    %sign3A_266 = arith.cmpi slt, %min3A_259, %sign3A_265 : i32
    %sign3A_267 = arith.extui %sign3A_266 : i1 to i32
    %sign3A_268 = arith.subi %sign3A_264, %sign3A_267 : i32
    %sign3A_269 = arith.constant 0 : i32
    %sign3A_270 = arith.cmpi sgt, %jit3A_260, %sign3A_269 : i32
    %sign3A_271 = arith.extui %sign3A_270 : i1 to i32
    %sign3A_272 = arith.constant 0 : i32
    %sign3A_273 = arith.cmpi slt, %jit3A_260, %sign3A_272 : i32
    %sign3A_274 = arith.extui %sign3A_273 : i1 to i32
    %sign3A_275 = arith.subi %sign3A_271, %sign3A_274 : i32
    %ne3A_276 = arith.cmpi ne, %sign3A_268, %sign3A_275 : i32
    %rem3A_277 = arith.remsi %min3A_259, %jit3A_260 : i32
    %ne3A_278 = arith.constant 0 : i32
    %ne3A_279 = arith.cmpi ne, %rem3A_277, %ne3A_278 : i32
    %and3A_280 = arith.andi %ne3A_276, %ne3A_279 : i1
    %sub3A_281 = arith.constant 1 : i32
    %sub3A_282 = arith.subi %div3A_261, %sub3A_281 : i32
    %select_n3A_283 = arith.select %and3A_280, %sub3A_282, %div3A_261 : i32
    %and3A_284 = arith.constant -8 : i32
    %and3A_285 = arith.andi %select_n3A_283, %and3A_284 : i32
    %multiple_of3A_286 = tpu.assume_multiple %and3A_285, 8 : i32
    %get3A_287 = arith.constant 2 : index
    %get3A_288 = arith.index_cast %multiple_of3A_286 : i32 to index
    %get3A_289 = arith.constant 0 : index
    %get3A_290 = vector.load %arg1[%get3A_287, %get3A_288, %get3A_289] : memref<8x512x512xf32, #tpu.memory_space<vmem>>, vector<1x8x512xf32>
    %get3A_291 = vector.shape_cast %get3A_290 : vector<1x8x512xf32> to vector<8x512xf32>
    %get3A_292 = arith.constant 2 : index
    %get3A_293 = arith.index_cast %multiple_of3A_286 : i32 to index
    %get3A_294 = arith.constant 0 : index
    %get3A_295 = vector.load %arg2[%get3A_292, %get3A_293, %get3A_294] : memref<8x512x512xf32, #tpu.memory_space<vmem>>, vector<1x8x512xf32>
    %get3A_296 = vector.shape_cast %get3A_295 : vector<1x8x512xf32> to vector<8x512xf32>
    %gt3A_297 = arith.constant 0.000000e+00 : f32
    %gt3A_298 = vector.broadcast %gt3A_297 : f32 to vector<8x512xf32>
    %gt3A_299 = arith.cmpf ogt, %get3A_296, %gt3A_298 : vector<8x512xf32>
    %sub3A_300 = arith.subf %get3A_291, %get3A_296 : vector<8x512xf32>
    %abs3A_301 = math.absf %sub3A_300 : vector<8x512xf32>
    %broadcast_in_dim3A_302 = arith.constant 0.000000e+00 : f32
    %broadcast_in_dim3A_303 = vector.broadcast %broadcast_in_dim3A_302 : f32 to vector<8x512xf32>
    %select_n3A_304 = arith.select %gt3A_299, %abs3A_301, %broadcast_in_dim3A_303 : vector<8x512xi1>, vector<8x512xf32>
    %iota3A_305 = tpu.iota {dimensions = array<i32: 0>} : vector<8x512xi32>
    %mul3A_306 = arith.constant 512 : i32
    %mul3A_307 = vector.broadcast %mul3A_306 : i32 to vector<8x512xi32>
    %mul3A_308 = arith.muli %iota3A_305, %mul3A_307 : vector<8x512xi32>
    %iota3A_309 = tpu.iota {dimensions = array<i32: 1>} : vector<8x512xi32>
    %add3A_310 = arith.addi %mul3A_308, %iota3A_309 : vector<8x512xi32>
    %mul3A_311 = arith.constant 512 : i32
    %mul3A_312 = arith.muli %multiple_of3A_286, %mul3A_311 : i32
    %sub3A_313 = arith.subi %min3A_259, %mul3A_312 : i32
    %eq3A_314 = vector.broadcast %sub3A_313 : i32 to vector<8x512xi32>
    %eq3A_315 = arith.cmpi eq, %add3A_310, %eq3A_314 : vector<8x512xi32>
    %broadcast_in_dim3A_316 = arith.constant 0.000000e+00 : f32
    %broadcast_in_dim3A_317 = vector.broadcast %broadcast_in_dim3A_316 : f32 to vector<8x512xf32>
    %select_n3A_318 = arith.select %eq3A_315, %select_n3A_304, %broadcast_in_dim3A_317 : vector<8x512xi1>, vector<8x512xf32>
    %reduce_sum3A_319 = vector.shape_cast %select_n3A_318 : vector<8x512xf32> to vector<1x8x512xf32>
    %reduce_sum3A_320 = arith.constant dense<0.000000e+00> : vector<1xf32>
    %reduce_sum3A_321 = vector.multi_reduction <add>, %reduce_sum3A_319, %reduce_sum3A_320 [1, 2] : vector<1x8x512xf32> to vector<1xf32>
    %reduce_sum3A_322 = vector.shape_cast %reduce_sum3A_321 : vector<1xf32> to vector<1x1x1xf32>
    %reduce_sum3A_323 = vector.extract %reduce_sum3A_322[0, 0, 0] : f32 from vector<1x1x1xf32>
    %get3A_324 = arith.constant 2 : index
    %get3A_325 = arith.constant 0 : index
    %get3A_326 = arith.constant 0 : index
    %get3A_327 = vector.load %arg1[%get3A_324, %get3A_325, %get3A_326] : memref<8x512x512xf32, #tpu.memory_space<vmem>>, vector<1x512x512xf32>
    %get3A_328 = vector.shape_cast %get3A_327 : vector<1x512x512xf32> to vector<512x512xf32>
    %sub3A_329 = arith.subf %get3A_328, %get3A_240 : vector<512x512xf32>
    %abs3A_330 = math.absf %sub3A_329 : vector<512x512xf32>
    %gt3A_331 = arith.constant 0.000000e+00 : f32
    %gt3A_332 = vector.broadcast %gt3A_331 : f32 to vector<512x512xf32>
    %gt3A_333 = arith.cmpf ogt, %get3A_240, %gt3A_332 : vector<512x512xf32>
    %le3A_334 = vector.broadcast %reduce_sum3A_323 : f32 to vector<512x512xf32>
    %le3A_335 = arith.cmpf ole, %abs3A_330, %le3A_334 : vector<512x512xf32>
    %and3A_336 = arith.andi %gt3A_333, %le3A_335 : vector<512x512xi1>
    %broadcast_in_dim3A_337 = arith.constant 0.000000e+00 : f32
    %broadcast_in_dim3A_338 = vector.broadcast %broadcast_in_dim3A_337 : f32 to vector<512x512xf32>
    %select_n3A_339 = arith.select %and3A_336, %abs3A_330, %broadcast_in_dim3A_338 : vector<512x512xi1>, vector<512x512xf32>
    %broadcast_in_dim3A_340 = arith.constant 1.250000e-01 : f32
    %broadcast_in_dim3A_341 = vector.broadcast %broadcast_in_dim3A_340 : f32 to vector<8x512xf32>
    %dot_general3A_342 = arith.constant dense<0.000000e+00> : vector<8x512xf32>
    %dot_general3A_343 = tpu.matmul %broadcast_in_dim3A_341, %select_n3A_339, %dot_general3A_342 {dimension_numbers = #tpu.dot_dimension_numbers<[1], [0], [0], [1], [0, 0, 1, 1], [], []>, transpose_lhs_hint = false} : vector<8x512xf32>, vector<512x512xf32>, vector<8x512xf32> -> vector<8x512xf32>
    %reduce_sum3A_344 = vector.shape_cast %dot_general3A_343 : vector<8x512xf32> to vector<1x8x512xf32>
    %reduce_sum3A_345 = arith.constant dense<0.000000e+00> : vector<1xf32>
    %reduce_sum3A_346 = vector.multi_reduction <add>, %reduce_sum3A_344, %reduce_sum3A_345 [1, 2] : vector<1x8x512xf32> to vector<1xf32>
    %reduce_sum3A_347 = vector.shape_cast %reduce_sum3A_346 : vector<1xf32> to vector<1x1x1xf32>
    %reduce_sum3A_348 = vector.extract %reduce_sum3A_347[0, 0, 0] : f32 from vector<1x1x1xf32>
    %sub3A_349 = arith.constant 262144 : i32
    %sub3A_350 = arith.subi %sub3A_349, %convert_element_type3A_255 : i32
    %gt3A_351 = arith.constant 0 : i32
    %gt3A_352 = arith.cmpi sgt, %sub3A_350, %gt3A_351 : i32
    %mul3A_353 = arith.constant 2 : i32
    %mul3A_354 = arith.muli %mul3A_353, %sub3A_350 : i32
    %jit3A_355 = arith.constant 1 : i32
    %select_n3A_356 = arith.select %gt3A_352, %mul3A_354, %jit3A_355 : i32
    %convert_element_type3A_357 = arith.sitofp %select_n3A_356 : i32 to f32
    %div3A_358 = arith.divf %reduce_sum3A_348, %convert_element_type3A_357 : f32
    %jit3A_359 = arith.constant 0.000000e+00 : f32
    %select_n3A_360 = arith.select %gt3A_352, %div3A_358, %jit3A_359 : f32
    %add3A_361 = arith.addf %add3A_235, %select_n3A_360 : f32
    %get3A_362 = arith.constant 3 : index
    %get3A_363 = arith.constant 0 : index
    %get3A_364 = arith.constant 0 : index
    %get3A_365 = vector.load %arg2[%get3A_362, %get3A_363, %get3A_364] : memref<8x512x512xf32, #tpu.memory_space<vmem>>, vector<1x512x512xf32>
    %get3A_366 = vector.shape_cast %get3A_365 : vector<1x512x512xf32> to vector<512x512xf32>
    %le3A_367 = arith.constant 0.000000e+00 : f32
    %le3A_368 = vector.broadcast %le3A_367 : f32 to vector<512x512xf32>
    %le3A_369 = arith.cmpf ole, %get3A_366, %le3A_368 : vector<512x512xf32>
    %convert_element_type3A_370 = arith.extui %le3A_369 : vector<512x512xi1> to vector<512x512xi32>
    %convert_element_type3A_371 = arith.sitofp %convert_element_type3A_370 : vector<512x512xi32> to vector<512x512xf32>
    %broadcast_in_dim3A_372 = arith.constant 1.250000e-01 : f32
    %broadcast_in_dim3A_373 = vector.broadcast %broadcast_in_dim3A_372 : f32 to vector<8x512xf32>
    %dot_general3A_374 = arith.constant dense<0.000000e+00> : vector<8x512xf32>
    %dot_general3A_375 = tpu.matmul %broadcast_in_dim3A_373, %convert_element_type3A_371, %dot_general3A_374 {dimension_numbers = #tpu.dot_dimension_numbers<[1], [0], [0], [1], [0, 0, 1, 1], [], []>, transpose_lhs_hint = false} : vector<8x512xf32>, vector<512x512xf32>, vector<8x512xf32> -> vector<8x512xf32>
    %reduce_sum3A_376 = vector.shape_cast %dot_general3A_375 : vector<8x512xf32> to vector<1x8x512xf32>
    %reduce_sum3A_377 = arith.constant dense<0.000000e+00> : vector<1xf32>
    %reduce_sum3A_378 = vector.multi_reduction <add>, %reduce_sum3A_376, %reduce_sum3A_377 [1, 2] : vector<1x8x512xf32> to vector<1xf32>
    %reduce_sum3A_379 = vector.shape_cast %reduce_sum3A_378 : vector<1xf32> to vector<1x1x1xf32>
    %reduce_sum3A_380 = vector.extract %reduce_sum3A_379[0, 0, 0] : f32 from vector<1x1x1xf32>
    %convert_element_type3A_381 = arith.fptosi %reduce_sum3A_380 : f32 to i32
    %add3A_382 = arith.constant 209715 : i32
    %add3A_383 = arith.addi %convert_element_type3A_381, %add3A_382 : i32
    %min3A_384 = arith.constant 262143 : i32
    %min3A_385 = arith.minsi %add3A_383, %min3A_384 : i32
    %jit3A_386 = arith.constant 512 : i32
    %div3A_387 = arith.divsi %min3A_385, %jit3A_386 : i32
    %sign3A_388 = arith.constant 0 : i32
    %sign3A_389 = arith.cmpi sgt, %min3A_385, %sign3A_388 : i32
    %sign3A_390 = arith.extui %sign3A_389 : i1 to i32
    %sign3A_391 = arith.constant 0 : i32
    %sign3A_392 = arith.cmpi slt, %min3A_385, %sign3A_391 : i32
    %sign3A_393 = arith.extui %sign3A_392 : i1 to i32
    %sign3A_394 = arith.subi %sign3A_390, %sign3A_393 : i32
    %sign3A_395 = arith.constant 0 : i32
    %sign3A_396 = arith.cmpi sgt, %jit3A_386, %sign3A_395 : i32
    %sign3A_397 = arith.extui %sign3A_396 : i1 to i32
    %sign3A_398 = arith.constant 0 : i32
    %sign3A_399 = arith.cmpi slt, %jit3A_386, %sign3A_398 : i32
    %sign3A_400 = arith.extui %sign3A_399 : i1 to i32
    %sign3A_401 = arith.subi %sign3A_397, %sign3A_400 : i32
    %ne3A_402 = arith.cmpi ne, %sign3A_394, %sign3A_401 : i32
    %rem3A_403 = arith.remsi %min3A_385, %jit3A_386 : i32
    %ne3A_404 = arith.constant 0 : i32
    %ne3A_405 = arith.cmpi ne, %rem3A_403, %ne3A_404 : i32
    %and3A_406 = arith.andi %ne3A_402, %ne3A_405 : i1
    %sub3A_407 = arith.constant 1 : i32
    %sub3A_408 = arith.subi %div3A_387, %sub3A_407 : i32
    %select_n3A_409 = arith.select %and3A_406, %sub3A_408, %div3A_387 : i32
    %and3A_410 = arith.constant -8 : i32
    %and3A_411 = arith.andi %select_n3A_409, %and3A_410 : i32
    %multiple_of3A_412 = tpu.assume_multiple %and3A_411, 8 : i32
    %get3A_413 = arith.constant 3 : index
    %get3A_414 = arith.index_cast %multiple_of3A_412 : i32 to index
    %get3A_415 = arith.constant 0 : index
    %get3A_416 = vector.load %arg1[%get3A_413, %get3A_414, %get3A_415] : memref<8x512x512xf32, #tpu.memory_space<vmem>>, vector<1x8x512xf32>
    %get3A_417 = vector.shape_cast %get3A_416 : vector<1x8x512xf32> to vector<8x512xf32>
    %get3A_418 = arith.constant 3 : index
    %get3A_419 = arith.index_cast %multiple_of3A_412 : i32 to index
    %get3A_420 = arith.constant 0 : index
    %get3A_421 = vector.load %arg2[%get3A_418, %get3A_419, %get3A_420] : memref<8x512x512xf32, #tpu.memory_space<vmem>>, vector<1x8x512xf32>
    %get3A_422 = vector.shape_cast %get3A_421 : vector<1x8x512xf32> to vector<8x512xf32>
    %gt3A_423 = arith.constant 0.000000e+00 : f32
    %gt3A_424 = vector.broadcast %gt3A_423 : f32 to vector<8x512xf32>
    %gt3A_425 = arith.cmpf ogt, %get3A_422, %gt3A_424 : vector<8x512xf32>
    %sub3A_426 = arith.subf %get3A_417, %get3A_422 : vector<8x512xf32>
    %abs3A_427 = math.absf %sub3A_426 : vector<8x512xf32>
    %broadcast_in_dim3A_428 = arith.constant 0.000000e+00 : f32
    %broadcast_in_dim3A_429 = vector.broadcast %broadcast_in_dim3A_428 : f32 to vector<8x512xf32>
    %select_n3A_430 = arith.select %gt3A_425, %abs3A_427, %broadcast_in_dim3A_429 : vector<8x512xi1>, vector<8x512xf32>
    %iota3A_431 = tpu.iota {dimensions = array<i32: 0>} : vector<8x512xi32>
    %mul3A_432 = arith.constant 512 : i32
    %mul3A_433 = vector.broadcast %mul3A_432 : i32 to vector<8x512xi32>
    %mul3A_434 = arith.muli %iota3A_431, %mul3A_433 : vector<8x512xi32>
    %iota3A_435 = tpu.iota {dimensions = array<i32: 1>} : vector<8x512xi32>
    %add3A_436 = arith.addi %mul3A_434, %iota3A_435 : vector<8x512xi32>
    %mul3A_437 = arith.constant 512 : i32
    %mul3A_438 = arith.muli %multiple_of3A_412, %mul3A_437 : i32
    %sub3A_439 = arith.subi %min3A_385, %mul3A_438 : i32
    %eq3A_440 = vector.broadcast %sub3A_439 : i32 to vector<8x512xi32>
    %eq3A_441 = arith.cmpi eq, %add3A_436, %eq3A_440 : vector<8x512xi32>
    %broadcast_in_dim3A_442 = arith.constant 0.000000e+00 : f32
    %broadcast_in_dim3A_443 = vector.broadcast %broadcast_in_dim3A_442 : f32 to vector<8x512xf32>
    %select_n3A_444 = arith.select %eq3A_441, %select_n3A_430, %broadcast_in_dim3A_443 : vector<8x512xi1>, vector<8x512xf32>
    %reduce_sum3A_445 = vector.shape_cast %select_n3A_444 : vector<8x512xf32> to vector<1x8x512xf32>
    %reduce_sum3A_446 = arith.constant dense<0.000000e+00> : vector<1xf32>
    %reduce_sum3A_447 = vector.multi_reduction <add>, %reduce_sum3A_445, %reduce_sum3A_446 [1, 2] : vector<1x8x512xf32> to vector<1xf32>
    %reduce_sum3A_448 = vector.shape_cast %reduce_sum3A_447 : vector<1xf32> to vector<1x1x1xf32>
    %reduce_sum3A_449 = vector.extract %reduce_sum3A_448[0, 0, 0] : f32 from vector<1x1x1xf32>
    %get3A_450 = arith.constant 3 : index
    %get3A_451 = arith.constant 0 : index
    %get3A_452 = arith.constant 0 : index
    %get3A_453 = vector.load %arg1[%get3A_450, %get3A_451, %get3A_452] : memref<8x512x512xf32, #tpu.memory_space<vmem>>, vector<1x512x512xf32>
    %get3A_454 = vector.shape_cast %get3A_453 : vector<1x512x512xf32> to vector<512x512xf32>
    %sub3A_455 = arith.subf %get3A_454, %get3A_366 : vector<512x512xf32>
    %abs3A_456 = math.absf %sub3A_455 : vector<512x512xf32>
    %gt3A_457 = arith.constant 0.000000e+00 : f32
    %gt3A_458 = vector.broadcast %gt3A_457 : f32 to vector<512x512xf32>
    %gt3A_459 = arith.cmpf ogt, %get3A_366, %gt3A_458 : vector<512x512xf32>
    %le3A_460 = vector.broadcast %reduce_sum3A_449 : f32 to vector<512x512xf32>
    %le3A_461 = arith.cmpf ole, %abs3A_456, %le3A_460 : vector<512x512xf32>
    %and3A_462 = arith.andi %gt3A_459, %le3A_461 : vector<512x512xi1>
    %broadcast_in_dim3A_463 = arith.constant 0.000000e+00 : f32
    %broadcast_in_dim3A_464 = vector.broadcast %broadcast_in_dim3A_463 : f32 to vector<512x512xf32>
    %select_n3A_465 = arith.select %and3A_462, %abs3A_456, %broadcast_in_dim3A_464 : vector<512x512xi1>, vector<512x512xf32>
    %broadcast_in_dim3A_466 = arith.constant 1.250000e-01 : f32
    %broadcast_in_dim3A_467 = vector.broadcast %broadcast_in_dim3A_466 : f32 to vector<8x512xf32>
    %dot_general3A_468 = arith.constant dense<0.000000e+00> : vector<8x512xf32>
    %dot_general3A_469 = tpu.matmul %broadcast_in_dim3A_467, %select_n3A_465, %dot_general3A_468 {dimension_numbers = #tpu.dot_dimension_numbers<[1], [0], [0], [1], [0, 0, 1, 1], [], []>, transpose_lhs_hint = false} : vector<8x512xf32>, vector<512x512xf32>, vector<8x512xf32> -> vector<8x512xf32>
    %reduce_sum3A_470 = vector.shape_cast %dot_general3A_469 : vector<8x512xf32> to vector<1x8x512xf32>
    %reduce_sum3A_471 = arith.constant dense<0.000000e+00> : vector<1xf32>
    %reduce_sum3A_472 = vector.multi_reduction <add>, %reduce_sum3A_470, %reduce_sum3A_471 [1, 2] : vector<1x8x512xf32> to vector<1xf32>
    %reduce_sum3A_473 = vector.shape_cast %reduce_sum3A_472 : vector<1xf32> to vector<1x1x1xf32>
    %reduce_sum3A_474 = vector.extract %reduce_sum3A_473[0, 0, 0] : f32 from vector<1x1x1xf32>
    %sub3A_475 = arith.constant 262144 : i32
    %sub3A_476 = arith.subi %sub3A_475, %convert_element_type3A_381 : i32
    %gt3A_477 = arith.constant 0 : i32
    %gt3A_478 = arith.cmpi sgt, %sub3A_476, %gt3A_477 : i32
    %mul3A_479 = arith.constant 2 : i32
    %mul3A_480 = arith.muli %mul3A_479, %sub3A_476 : i32
    %jit3A_481 = arith.constant 1 : i32
    %select_n3A_482 = arith.select %gt3A_478, %mul3A_480, %jit3A_481 : i32
    %convert_element_type3A_483 = arith.sitofp %select_n3A_482 : i32 to f32
    %div3A_484 = arith.divf %reduce_sum3A_474, %convert_element_type3A_483 : f32
    %jit3A_485 = arith.constant 0.000000e+00 : f32
    %select_n3A_486 = arith.select %gt3A_478, %div3A_484, %jit3A_485 : f32
    %add3A_487 = arith.addf %add3A_361, %select_n3A_486 : f32
    %get3A_488 = arith.constant 4 : index
    %get3A_489 = arith.constant 0 : index
    %get3A_490 = arith.constant 0 : index
    %get3A_491 = vector.load %arg2[%get3A_488, %get3A_489, %get3A_490] : memref<8x512x512xf32, #tpu.memory_space<vmem>>, vector<1x512x512xf32>
    %get3A_492 = vector.shape_cast %get3A_491 : vector<1x512x512xf32> to vector<512x512xf32>
    %le3A_493 = arith.constant 0.000000e+00 : f32
    %le3A_494 = vector.broadcast %le3A_493 : f32 to vector<512x512xf32>
    %le3A_495 = arith.cmpf ole, %get3A_492, %le3A_494 : vector<512x512xf32>
    %convert_element_type3A_496 = arith.extui %le3A_495 : vector<512x512xi1> to vector<512x512xi32>
    %convert_element_type3A_497 = arith.sitofp %convert_element_type3A_496 : vector<512x512xi32> to vector<512x512xf32>
    %broadcast_in_dim3A_498 = arith.constant 1.250000e-01 : f32
    %broadcast_in_dim3A_499 = vector.broadcast %broadcast_in_dim3A_498 : f32 to vector<8x512xf32>
    %dot_general3A_500 = arith.constant dense<0.000000e+00> : vector<8x512xf32>
    %dot_general3A_501 = tpu.matmul %broadcast_in_dim3A_499, %convert_element_type3A_497, %dot_general3A_500 {dimension_numbers = #tpu.dot_dimension_numbers<[1], [0], [0], [1], [0, 0, 1, 1], [], []>, transpose_lhs_hint = false} : vector<8x512xf32>, vector<512x512xf32>, vector<8x512xf32> -> vector<8x512xf32>
    %reduce_sum3A_502 = vector.shape_cast %dot_general3A_501 : vector<8x512xf32> to vector<1x8x512xf32>
    %reduce_sum3A_503 = arith.constant dense<0.000000e+00> : vector<1xf32>
    %reduce_sum3A_504 = vector.multi_reduction <add>, %reduce_sum3A_502, %reduce_sum3A_503 [1, 2] : vector<1x8x512xf32> to vector<1xf32>
    %reduce_sum3A_505 = vector.shape_cast %reduce_sum3A_504 : vector<1xf32> to vector<1x1x1xf32>
    %reduce_sum3A_506 = vector.extract %reduce_sum3A_505[0, 0, 0] : f32 from vector<1x1x1xf32>
    %convert_element_type3A_507 = arith.fptosi %reduce_sum3A_506 : f32 to i32
    %add3A_508 = arith.constant 209715 : i32
    %add3A_509 = arith.addi %convert_element_type3A_507, %add3A_508 : i32
    %min3A_510 = arith.constant 262143 : i32
    %min3A_511 = arith.minsi %add3A_509, %min3A_510 : i32
    %jit3A_512 = arith.constant 512 : i32
    %div3A_513 = arith.divsi %min3A_511, %jit3A_512 : i32
    %sign3A_514 = arith.constant 0 : i32
    %sign3A_515 = arith.cmpi sgt, %min3A_511, %sign3A_514 : i32
    %sign3A_516 = arith.extui %sign3A_515 : i1 to i32
    %sign3A_517 = arith.constant 0 : i32
    %sign3A_518 = arith.cmpi slt, %min3A_511, %sign3A_517 : i32
    %sign3A_519 = arith.extui %sign3A_518 : i1 to i32
    %sign3A_520 = arith.subi %sign3A_516, %sign3A_519 : i32
    %sign3A_521 = arith.constant 0 : i32
    %sign3A_522 = arith.cmpi sgt, %jit3A_512, %sign3A_521 : i32
    %sign3A_523 = arith.extui %sign3A_522 : i1 to i32
    %sign3A_524 = arith.constant 0 : i32
    %sign3A_525 = arith.cmpi slt, %jit3A_512, %sign3A_524 : i32
    %sign3A_526 = arith.extui %sign3A_525 : i1 to i32
    %sign3A_527 = arith.subi %sign3A_523, %sign3A_526 : i32
    %ne3A_528 = arith.cmpi ne, %sign3A_520, %sign3A_527 : i32
    %rem3A_529 = arith.remsi %min3A_511, %jit3A_512 : i32
    %ne3A_530 = arith.constant 0 : i32
    %ne3A_531 = arith.cmpi ne, %rem3A_529, %ne3A_530 : i32
    %and3A_532 = arith.andi %ne3A_528, %ne3A_531 : i1
    %sub3A_533 = arith.constant 1 : i32
    %sub3A_534 = arith.subi %div3A_513, %sub3A_533 : i32
    %select_n3A_535 = arith.select %and3A_532, %sub3A_534, %div3A_513 : i32
    %and3A_536 = arith.constant -8 : i32
    %and3A_537 = arith.andi %select_n3A_535, %and3A_536 : i32
    %multiple_of3A_538 = tpu.assume_multiple %and3A_537, 8 : i32
    %get3A_539 = arith.constant 4 : index
    %get3A_540 = arith.index_cast %multiple_of3A_538 : i32 to index
    %get3A_541 = arith.constant 0 : index
    %get3A_542 = vector.load %arg1[%get3A_539, %get3A_540, %get3A_541] : memref<8x512x512xf32, #tpu.memory_space<vmem>>, vector<1x8x512xf32>
    %get3A_543 = vector.shape_cast %get3A_542 : vector<1x8x512xf32> to vector<8x512xf32>
    %get3A_544 = arith.constant 4 : index
    %get3A_545 = arith.index_cast %multiple_of3A_538 : i32 to index
    %get3A_546 = arith.constant 0 : index
    %get3A_547 = vector.load %arg2[%get3A_544, %get3A_545, %get3A_546] : memref<8x512x512xf32, #tpu.memory_space<vmem>>, vector<1x8x512xf32>
    %get3A_548 = vector.shape_cast %get3A_547 : vector<1x8x512xf32> to vector<8x512xf32>
    %gt3A_549 = arith.constant 0.000000e+00 : f32
    %gt3A_550 = vector.broadcast %gt3A_549 : f32 to vector<8x512xf32>
    %gt3A_551 = arith.cmpf ogt, %get3A_548, %gt3A_550 : vector<8x512xf32>
    %sub3A_552 = arith.subf %get3A_543, %get3A_548 : vector<8x512xf32>
    %abs3A_553 = math.absf %sub3A_552 : vector<8x512xf32>
    %broadcast_in_dim3A_554 = arith.constant 0.000000e+00 : f32
    %broadcast_in_dim3A_555 = vector.broadcast %broadcast_in_dim3A_554 : f32 to vector<8x512xf32>
    %select_n3A_556 = arith.select %gt3A_551, %abs3A_553, %broadcast_in_dim3A_555 : vector<8x512xi1>, vector<8x512xf32>
    %iota3A_557 = tpu.iota {dimensions = array<i32: 0>} : vector<8x512xi32>
    %mul3A_558 = arith.constant 512 : i32
    %mul3A_559 = vector.broadcast %mul3A_558 : i32 to vector<8x512xi32>
    %mul3A_560 = arith.muli %iota3A_557, %mul3A_559 : vector<8x512xi32>
    %iota3A_561 = tpu.iota {dimensions = array<i32: 1>} : vector<8x512xi32>
    %add3A_562 = arith.addi %mul3A_560, %iota3A_561 : vector<8x512xi32>
    %mul3A_563 = arith.constant 512 : i32
    %mul3A_564 = arith.muli %multiple_of3A_538, %mul3A_563 : i32
    %sub3A_565 = arith.subi %min3A_511, %mul3A_564 : i32
    %eq3A_566 = vector.broadcast %sub3A_565 : i32 to vector<8x512xi32>
    %eq3A_567 = arith.cmpi eq, %add3A_562, %eq3A_566 : vector<8x512xi32>
    %broadcast_in_dim3A_568 = arith.constant 0.000000e+00 : f32
    %broadcast_in_dim3A_569 = vector.broadcast %broadcast_in_dim3A_568 : f32 to vector<8x512xf32>
    %select_n3A_570 = arith.select %eq3A_567, %select_n3A_556, %broadcast_in_dim3A_569 : vector<8x512xi1>, vector<8x512xf32>
    %reduce_sum3A_571 = vector.shape_cast %select_n3A_570 : vector<8x512xf32> to vector<1x8x512xf32>
    %reduce_sum3A_572 = arith.constant dense<0.000000e+00> : vector<1xf32>
    %reduce_sum3A_573 = vector.multi_reduction <add>, %reduce_sum3A_571, %reduce_sum3A_572 [1, 2] : vector<1x8x512xf32> to vector<1xf32>
    %reduce_sum3A_574 = vector.shape_cast %reduce_sum3A_573 : vector<1xf32> to vector<1x1x1xf32>
    %reduce_sum3A_575 = vector.extract %reduce_sum3A_574[0, 0, 0] : f32 from vector<1x1x1xf32>
    %get3A_576 = arith.constant 4 : index
    %get3A_577 = arith.constant 0 : index
    %get3A_578 = arith.constant 0 : index
    %get3A_579 = vector.load %arg1[%get3A_576, %get3A_577, %get3A_578] : memref<8x512x512xf32, #tpu.memory_space<vmem>>, vector<1x512x512xf32>
    %get3A_580 = vector.shape_cast %get3A_579 : vector<1x512x512xf32> to vector<512x512xf32>
    %sub3A_581 = arith.subf %get3A_580, %get3A_492 : vector<512x512xf32>
    %abs3A_582 = math.absf %sub3A_581 : vector<512x512xf32>
    %gt3A_583 = arith.constant 0.000000e+00 : f32
    %gt3A_584 = vector.broadcast %gt3A_583 : f32 to vector<512x512xf32>
    %gt3A_585 = arith.cmpf ogt, %get3A_492, %gt3A_584 : vector<512x512xf32>
    %le3A_586 = vector.broadcast %reduce_sum3A_575 : f32 to vector<512x512xf32>
    %le3A_587 = arith.cmpf ole, %abs3A_582, %le3A_586 : vector<512x512xf32>
    %and3A_588 = arith.andi %gt3A_585, %le3A_587 : vector<512x512xi1>
    %broadcast_in_dim3A_589 = arith.constant 0.000000e+00 : f32
    %broadcast_in_dim3A_590 = vector.broadcast %broadcast_in_dim3A_589 : f32 to vector<512x512xf32>
    %select_n3A_591 = arith.select %and3A_588, %abs3A_582, %broadcast_in_dim3A_590 : vector<512x512xi1>, vector<512x512xf32>
    %broadcast_in_dim3A_592 = arith.constant 1.250000e-01 : f32
    %broadcast_in_dim3A_593 = vector.broadcast %broadcast_in_dim3A_592 : f32 to vector<8x512xf32>
    %dot_general3A_594 = arith.constant dense<0.000000e+00> : vector<8x512xf32>
    %dot_general3A_595 = tpu.matmul %broadcast_in_dim3A_593, %select_n3A_591, %dot_general3A_594 {dimension_numbers = #tpu.dot_dimension_numbers<[1], [0], [0], [1], [0, 0, 1, 1], [], []>, transpose_lhs_hint = false} : vector<8x512xf32>, vector<512x512xf32>, vector<8x512xf32> -> vector<8x512xf32>
    %reduce_sum3A_596 = vector.shape_cast %dot_general3A_595 : vector<8x512xf32> to vector<1x8x512xf32>
    %reduce_sum3A_597 = arith.constant dense<0.000000e+00> : vector<1xf32>
    %reduce_sum3A_598 = vector.multi_reduction <add>, %reduce_sum3A_596, %reduce_sum3A_597 [1, 2] : vector<1x8x512xf32> to vector<1xf32>
    %reduce_sum3A_599 = vector.shape_cast %reduce_sum3A_598 : vector<1xf32> to vector<1x1x1xf32>
    %reduce_sum3A_600 = vector.extract %reduce_sum3A_599[0, 0, 0] : f32 from vector<1x1x1xf32>
    %sub3A_601 = arith.constant 262144 : i32
    %sub3A_602 = arith.subi %sub3A_601, %convert_element_type3A_507 : i32
    %gt3A_603 = arith.constant 0 : i32
    %gt3A_604 = arith.cmpi sgt, %sub3A_602, %gt3A_603 : i32
    %mul3A_605 = arith.constant 2 : i32
    %mul3A_606 = arith.muli %mul3A_605, %sub3A_602 : i32
    %jit3A_607 = arith.constant 1 : i32
    %select_n3A_608 = arith.select %gt3A_604, %mul3A_606, %jit3A_607 : i32
    %convert_element_type3A_609 = arith.sitofp %select_n3A_608 : i32 to f32
    %div3A_610 = arith.divf %reduce_sum3A_600, %convert_element_type3A_609 : f32
    %jit3A_611 = arith.constant 0.000000e+00 : f32
    %select_n3A_612 = arith.select %gt3A_604, %div3A_610, %jit3A_611 : f32
    %add3A_613 = arith.addf %add3A_487, %select_n3A_612 : f32
    %get3A_614 = arith.constant 5 : index
    %get3A_615 = arith.constant 0 : index
    %get3A_616 = arith.constant 0 : index
    %get3A_617 = vector.load %arg2[%get3A_614, %get3A_615, %get3A_616] : memref<8x512x512xf32, #tpu.memory_space<vmem>>, vector<1x512x512xf32>
    %get3A_618 = vector.shape_cast %get3A_617 : vector<1x512x512xf32> to vector<512x512xf32>
    %le3A_619 = arith.constant 0.000000e+00 : f32
    %le3A_620 = vector.broadcast %le3A_619 : f32 to vector<512x512xf32>
    %le3A_621 = arith.cmpf ole, %get3A_618, %le3A_620 : vector<512x512xf32>
    %convert_element_type3A_622 = arith.extui %le3A_621 : vector<512x512xi1> to vector<512x512xi32>
    %convert_element_type3A_623 = arith.sitofp %convert_element_type3A_622 : vector<512x512xi32> to vector<512x512xf32>
    %broadcast_in_dim3A_624 = arith.constant 1.250000e-01 : f32
    %broadcast_in_dim3A_625 = vector.broadcast %broadcast_in_dim3A_624 : f32 to vector<8x512xf32>
    %dot_general3A_626 = arith.constant dense<0.000000e+00> : vector<8x512xf32>
    %dot_general3A_627 = tpu.matmul %broadcast_in_dim3A_625, %convert_element_type3A_623, %dot_general3A_626 {dimension_numbers = #tpu.dot_dimension_numbers<[1], [0], [0], [1], [0, 0, 1, 1], [], []>, transpose_lhs_hint = false} : vector<8x512xf32>, vector<512x512xf32>, vector<8x512xf32> -> vector<8x512xf32>
    %reduce_sum3A_628 = vector.shape_cast %dot_general3A_627 : vector<8x512xf32> to vector<1x8x512xf32>
    %reduce_sum3A_629 = arith.constant dense<0.000000e+00> : vector<1xf32>
    %reduce_sum3A_630 = vector.multi_reduction <add>, %reduce_sum3A_628, %reduce_sum3A_629 [1, 2] : vector<1x8x512xf32> to vector<1xf32>
    %reduce_sum3A_631 = vector.shape_cast %reduce_sum3A_630 : vector<1xf32> to vector<1x1x1xf32>
    %reduce_sum3A_632 = vector.extract %reduce_sum3A_631[0, 0, 0] : f32 from vector<1x1x1xf32>
    %convert_element_type3A_633 = arith.fptosi %reduce_sum3A_632 : f32 to i32
    %add3A_634 = arith.constant 209715 : i32
    %add3A_635 = arith.addi %convert_element_type3A_633, %add3A_634 : i32
    %min3A_636 = arith.constant 262143 : i32
    %min3A_637 = arith.minsi %add3A_635, %min3A_636 : i32
    %jit3A_638 = arith.constant 512 : i32
    %div3A_639 = arith.divsi %min3A_637, %jit3A_638 : i32
    %sign3A_640 = arith.constant 0 : i32
    %sign3A_641 = arith.cmpi sgt, %min3A_637, %sign3A_640 : i32
    %sign3A_642 = arith.extui %sign3A_641 : i1 to i32
    %sign3A_643 = arith.constant 0 : i32
    %sign3A_644 = arith.cmpi slt, %min3A_637, %sign3A_643 : i32
    %sign3A_645 = arith.extui %sign3A_644 : i1 to i32
    %sign3A_646 = arith.subi %sign3A_642, %sign3A_645 : i32
    %sign3A_647 = arith.constant 0 : i32
    %sign3A_648 = arith.cmpi sgt, %jit3A_638, %sign3A_647 : i32
    %sign3A_649 = arith.extui %sign3A_648 : i1 to i32
    %sign3A_650 = arith.constant 0 : i32
    %sign3A_651 = arith.cmpi slt, %jit3A_638, %sign3A_650 : i32
    %sign3A_652 = arith.extui %sign3A_651 : i1 to i32
    %sign3A_653 = arith.subi %sign3A_649, %sign3A_652 : i32
    %ne3A_654 = arith.cmpi ne, %sign3A_646, %sign3A_653 : i32
    %rem3A_655 = arith.remsi %min3A_637, %jit3A_638 : i32
    %ne3A_656 = arith.constant 0 : i32
    %ne3A_657 = arith.cmpi ne, %rem3A_655, %ne3A_656 : i32
    %and3A_658 = arith.andi %ne3A_654, %ne3A_657 : i1
    %sub3A_659 = arith.constant 1 : i32
    %sub3A_660 = arith.subi %div3A_639, %sub3A_659 : i32
    %select_n3A_661 = arith.select %and3A_658, %sub3A_660, %div3A_639 : i32
    %and3A_662 = arith.constant -8 : i32
    %and3A_663 = arith.andi %select_n3A_661, %and3A_662 : i32
    %multiple_of3A_664 = tpu.assume_multiple %and3A_663, 8 : i32
    %get3A_665 = arith.constant 5 : index
    %get3A_666 = arith.index_cast %multiple_of3A_664 : i32 to index
    %get3A_667 = arith.constant 0 : index
    %get3A_668 = vector.load %arg1[%get3A_665, %get3A_666, %get3A_667] : memref<8x512x512xf32, #tpu.memory_space<vmem>>, vector<1x8x512xf32>
    %get3A_669 = vector.shape_cast %get3A_668 : vector<1x8x512xf32> to vector<8x512xf32>
    %get3A_670 = arith.constant 5 : index
    %get3A_671 = arith.index_cast %multiple_of3A_664 : i32 to index
    %get3A_672 = arith.constant 0 : index
    %get3A_673 = vector.load %arg2[%get3A_670, %get3A_671, %get3A_672] : memref<8x512x512xf32, #tpu.memory_space<vmem>>, vector<1x8x512xf32>
    %get3A_674 = vector.shape_cast %get3A_673 : vector<1x8x512xf32> to vector<8x512xf32>
    %gt3A_675 = arith.constant 0.000000e+00 : f32
    %gt3A_676 = vector.broadcast %gt3A_675 : f32 to vector<8x512xf32>
    %gt3A_677 = arith.cmpf ogt, %get3A_674, %gt3A_676 : vector<8x512xf32>
    %sub3A_678 = arith.subf %get3A_669, %get3A_674 : vector<8x512xf32>
    %abs3A_679 = math.absf %sub3A_678 : vector<8x512xf32>
    %broadcast_in_dim3A_680 = arith.constant 0.000000e+00 : f32
    %broadcast_in_dim3A_681 = vector.broadcast %broadcast_in_dim3A_680 : f32 to vector<8x512xf32>
    %select_n3A_682 = arith.select %gt3A_677, %abs3A_679, %broadcast_in_dim3A_681 : vector<8x512xi1>, vector<8x512xf32>
    %iota3A_683 = tpu.iota {dimensions = array<i32: 0>} : vector<8x512xi32>
    %mul3A_684 = arith.constant 512 : i32
    %mul3A_685 = vector.broadcast %mul3A_684 : i32 to vector<8x512xi32>
    %mul3A_686 = arith.muli %iota3A_683, %mul3A_685 : vector<8x512xi32>
    %iota3A_687 = tpu.iota {dimensions = array<i32: 1>} : vector<8x512xi32>
    %add3A_688 = arith.addi %mul3A_686, %iota3A_687 : vector<8x512xi32>
    %mul3A_689 = arith.constant 512 : i32
    %mul3A_690 = arith.muli %multiple_of3A_664, %mul3A_689 : i32
    %sub3A_691 = arith.subi %min3A_637, %mul3A_690 : i32
    %eq3A_692 = vector.broadcast %sub3A_691 : i32 to vector<8x512xi32>
    %eq3A_693 = arith.cmpi eq, %add3A_688, %eq3A_692 : vector<8x512xi32>
    %broadcast_in_dim3A_694 = arith.constant 0.000000e+00 : f32
    %broadcast_in_dim3A_695 = vector.broadcast %broadcast_in_dim3A_694 : f32 to vector<8x512xf32>
    %select_n3A_696 = arith.select %eq3A_693, %select_n3A_682, %broadcast_in_dim3A_695 : vector<8x512xi1>, vector<8x512xf32>
    %reduce_sum3A_697 = vector.shape_cast %select_n3A_696 : vector<8x512xf32> to vector<1x8x512xf32>
    %reduce_sum3A_698 = arith.constant dense<0.000000e+00> : vector<1xf32>
    %reduce_sum3A_699 = vector.multi_reduction <add>, %reduce_sum3A_697, %reduce_sum3A_698 [1, 2] : vector<1x8x512xf32> to vector<1xf32>
    %reduce_sum3A_700 = vector.shape_cast %reduce_sum3A_699 : vector<1xf32> to vector<1x1x1xf32>
    %reduce_sum3A_701 = vector.extract %reduce_sum3A_700[0, 0, 0] : f32 from vector<1x1x1xf32>
    %get3A_702 = arith.constant 5 : index
    %get3A_703 = arith.constant 0 : index
    %get3A_704 = arith.constant 0 : index
    %get3A_705 = vector.load %arg1[%get3A_702, %get3A_703, %get3A_704] : memref<8x512x512xf32, #tpu.memory_space<vmem>>, vector<1x512x512xf32>
    %get3A_706 = vector.shape_cast %get3A_705 : vector<1x512x512xf32> to vector<512x512xf32>
    %sub3A_707 = arith.subf %get3A_706, %get3A_618 : vector<512x512xf32>
    %abs3A_708 = math.absf %sub3A_707 : vector<512x512xf32>
    %gt3A_709 = arith.constant 0.000000e+00 : f32
    %gt3A_710 = vector.broadcast %gt3A_709 : f32 to vector<512x512xf32>
    %gt3A_711 = arith.cmpf ogt, %get3A_618, %gt3A_710 : vector<512x512xf32>
    %le3A_712 = vector.broadcast %reduce_sum3A_701 : f32 to vector<512x512xf32>
    %le3A_713 = arith.cmpf ole, %abs3A_708, %le3A_712 : vector<512x512xf32>
    %and3A_714 = arith.andi %gt3A_711, %le3A_713 : vector<512x512xi1>
    %broadcast_in_dim3A_715 = arith.constant 0.000000e+00 : f32
    %broadcast_in_dim3A_716 = vector.broadcast %broadcast_in_dim3A_715 : f32 to vector<512x512xf32>
    %select_n3A_717 = arith.select %and3A_714, %abs3A_708, %broadcast_in_dim3A_716 : vector<512x512xi1>, vector<512x512xf32>
    %broadcast_in_dim3A_718 = arith.constant 1.250000e-01 : f32
    %broadcast_in_dim3A_719 = vector.broadcast %broadcast_in_dim3A_718 : f32 to vector<8x512xf32>
    %dot_general3A_720 = arith.constant dense<0.000000e+00> : vector<8x512xf32>
    %dot_general3A_721 = tpu.matmul %broadcast_in_dim3A_719, %select_n3A_717, %dot_general3A_720 {dimension_numbers = #tpu.dot_dimension_numbers<[1], [0], [0], [1], [0, 0, 1, 1], [], []>, transpose_lhs_hint = false} : vector<8x512xf32>, vector<512x512xf32>, vector<8x512xf32> -> vector<8x512xf32>
    %reduce_sum3A_722 = vector.shape_cast %dot_general3A_721 : vector<8x512xf32> to vector<1x8x512xf32>
    %reduce_sum3A_723 = arith.constant dense<0.000000e+00> : vector<1xf32>
    %reduce_sum3A_724 = vector.multi_reduction <add>, %reduce_sum3A_722, %reduce_sum3A_723 [1, 2] : vector<1x8x512xf32> to vector<1xf32>
    %reduce_sum3A_725 = vector.shape_cast %reduce_sum3A_724 : vector<1xf32> to vector<1x1x1xf32>
    %reduce_sum3A_726 = vector.extract %reduce_sum3A_725[0, 0, 0] : f32 from vector<1x1x1xf32>
    %sub3A_727 = arith.constant 262144 : i32
    %sub3A_728 = arith.subi %sub3A_727, %convert_element_type3A_633 : i32
    %gt3A_729 = arith.constant 0 : i32
    %gt3A_730 = arith.cmpi sgt, %sub3A_728, %gt3A_729 : i32
    %mul3A_731 = arith.constant 2 : i32
    %mul3A_732 = arith.muli %mul3A_731, %sub3A_728 : i32
    %jit3A_733 = arith.constant 1 : i32
    %select_n3A_734 = arith.select %gt3A_730, %mul3A_732, %jit3A_733 : i32
    %convert_element_type3A_735 = arith.sitofp %select_n3A_734 : i32 to f32
    %div3A_736 = arith.divf %reduce_sum3A_726, %convert_element_type3A_735 : f32
    %jit3A_737 = arith.constant 0.000000e+00 : f32
    %select_n3A_738 = arith.select %gt3A_730, %div3A_736, %jit3A_737 : f32
    %add3A_739 = arith.addf %add3A_613, %select_n3A_738 : f32
    %get3A_740 = arith.constant 6 : index
    %get3A_741 = arith.constant 0 : index
    %get3A_742 = arith.constant 0 : index
    %get3A_743 = vector.load %arg2[%get3A_740, %get3A_741, %get3A_742] : memref<8x512x512xf32, #tpu.memory_space<vmem>>, vector<1x512x512xf32>
    %get3A_744 = vector.shape_cast %get3A_743 : vector<1x512x512xf32> to vector<512x512xf32>
    %le3A_745 = arith.constant 0.000000e+00 : f32
    %le3A_746 = vector.broadcast %le3A_745 : f32 to vector<512x512xf32>
    %le3A_747 = arith.cmpf ole, %get3A_744, %le3A_746 : vector<512x512xf32>
    %convert_element_type3A_748 = arith.extui %le3A_747 : vector<512x512xi1> to vector<512x512xi32>
    %convert_element_type3A_749 = arith.sitofp %convert_element_type3A_748 : vector<512x512xi32> to vector<512x512xf32>
    %broadcast_in_dim3A_750 = arith.constant 1.250000e-01 : f32
    %broadcast_in_dim3A_751 = vector.broadcast %broadcast_in_dim3A_750 : f32 to vector<8x512xf32>
    %dot_general3A_752 = arith.constant dense<0.000000e+00> : vector<8x512xf32>
    %dot_general3A_753 = tpu.matmul %broadcast_in_dim3A_751, %convert_element_type3A_749, %dot_general3A_752 {dimension_numbers = #tpu.dot_dimension_numbers<[1], [0], [0], [1], [0, 0, 1, 1], [], []>, transpose_lhs_hint = false} : vector<8x512xf32>, vector<512x512xf32>, vector<8x512xf32> -> vector<8x512xf32>
    %reduce_sum3A_754 = vector.shape_cast %dot_general3A_753 : vector<8x512xf32> to vector<1x8x512xf32>
    %reduce_sum3A_755 = arith.constant dense<0.000000e+00> : vector<1xf32>
    %reduce_sum3A_756 = vector.multi_reduction <add>, %reduce_sum3A_754, %reduce_sum3A_755 [1, 2] : vector<1x8x512xf32> to vector<1xf32>
    %reduce_sum3A_757 = vector.shape_cast %reduce_sum3A_756 : vector<1xf32> to vector<1x1x1xf32>
    %reduce_sum3A_758 = vector.extract %reduce_sum3A_757[0, 0, 0] : f32 from vector<1x1x1xf32>
    %convert_element_type3A_759 = arith.fptosi %reduce_sum3A_758 : f32 to i32
    %add3A_760 = arith.constant 209715 : i32
    %add3A_761 = arith.addi %convert_element_type3A_759, %add3A_760 : i32
    %min3A_762 = arith.constant 262143 : i32
    %min3A_763 = arith.minsi %add3A_761, %min3A_762 : i32
    %jit3A_764 = arith.constant 512 : i32
    %div3A_765 = arith.divsi %min3A_763, %jit3A_764 : i32
    %sign3A_766 = arith.constant 0 : i32
    %sign3A_767 = arith.cmpi sgt, %min3A_763, %sign3A_766 : i32
    %sign3A_768 = arith.extui %sign3A_767 : i1 to i32
    %sign3A_769 = arith.constant 0 : i32
    %sign3A_770 = arith.cmpi slt, %min3A_763, %sign3A_769 : i32
    %sign3A_771 = arith.extui %sign3A_770 : i1 to i32
    %sign3A_772 = arith.subi %sign3A_768, %sign3A_771 : i32
    %sign3A_773 = arith.constant 0 : i32
    %sign3A_774 = arith.cmpi sgt, %jit3A_764, %sign3A_773 : i32
    %sign3A_775 = arith.extui %sign3A_774 : i1 to i32
    %sign3A_776 = arith.constant 0 : i32
    %sign3A_777 = arith.cmpi slt, %jit3A_764, %sign3A_776 : i32
    %sign3A_778 = arith.extui %sign3A_777 : i1 to i32
    %sign3A_779 = arith.subi %sign3A_775, %sign3A_778 : i32
    %ne3A_780 = arith.cmpi ne, %sign3A_772, %sign3A_779 : i32
    %rem3A_781 = arith.remsi %min3A_763, %jit3A_764 : i32
    %ne3A_782 = arith.constant 0 : i32
    %ne3A_783 = arith.cmpi ne, %rem3A_781, %ne3A_782 : i32
    %and3A_784 = arith.andi %ne3A_780, %ne3A_783 : i1
    %sub3A_785 = arith.constant 1 : i32
    %sub3A_786 = arith.subi %div3A_765, %sub3A_785 : i32
    %select_n3A_787 = arith.select %and3A_784, %sub3A_786, %div3A_765 : i32
    %and3A_788 = arith.constant -8 : i32
    %and3A_789 = arith.andi %select_n3A_787, %and3A_788 : i32
    %multiple_of3A_790 = tpu.assume_multiple %and3A_789, 8 : i32
    %get3A_791 = arith.constant 6 : index
    %get3A_792 = arith.index_cast %multiple_of3A_790 : i32 to index
    %get3A_793 = arith.constant 0 : index
    %get3A_794 = vector.load %arg1[%get3A_791, %get3A_792, %get3A_793] : memref<8x512x512xf32, #tpu.memory_space<vmem>>, vector<1x8x512xf32>
    %get3A_795 = vector.shape_cast %get3A_794 : vector<1x8x512xf32> to vector<8x512xf32>
    %get3A_796 = arith.constant 6 : index
    %get3A_797 = arith.index_cast %multiple_of3A_790 : i32 to index
    %get3A_798 = arith.constant 0 : index
    %get3A_799 = vector.load %arg2[%get3A_796, %get3A_797, %get3A_798] : memref<8x512x512xf32, #tpu.memory_space<vmem>>, vector<1x8x512xf32>
    %get3A_800 = vector.shape_cast %get3A_799 : vector<1x8x512xf32> to vector<8x512xf32>
    %gt3A_801 = arith.constant 0.000000e+00 : f32
    %gt3A_802 = vector.broadcast %gt3A_801 : f32 to vector<8x512xf32>
    %gt3A_803 = arith.cmpf ogt, %get3A_800, %gt3A_802 : vector<8x512xf32>
    %sub3A_804 = arith.subf %get3A_795, %get3A_800 : vector<8x512xf32>
    %abs3A_805 = math.absf %sub3A_804 : vector<8x512xf32>
    %broadcast_in_dim3A_806 = arith.constant 0.000000e+00 : f32
    %broadcast_in_dim3A_807 = vector.broadcast %broadcast_in_dim3A_806 : f32 to vector<8x512xf32>
    %select_n3A_808 = arith.select %gt3A_803, %abs3A_805, %broadcast_in_dim3A_807 : vector<8x512xi1>, vector<8x512xf32>
    %iota3A_809 = tpu.iota {dimensions = array<i32: 0>} : vector<8x512xi32>
    %mul3A_810 = arith.constant 512 : i32
    %mul3A_811 = vector.broadcast %mul3A_810 : i32 to vector<8x512xi32>
    %mul3A_812 = arith.muli %iota3A_809, %mul3A_811 : vector<8x512xi32>
    %iota3A_813 = tpu.iota {dimensions = array<i32: 1>} : vector<8x512xi32>
    %add3A_814 = arith.addi %mul3A_812, %iota3A_813 : vector<8x512xi32>
    %mul3A_815 = arith.constant 512 : i32
    %mul3A_816 = arith.muli %multiple_of3A_790, %mul3A_815 : i32
    %sub3A_817 = arith.subi %min3A_763, %mul3A_816 : i32
    %eq3A_818 = vector.broadcast %sub3A_817 : i32 to vector<8x512xi32>
    %eq3A_819 = arith.cmpi eq, %add3A_814, %eq3A_818 : vector<8x512xi32>
    %broadcast_in_dim3A_820 = arith.constant 0.000000e+00 : f32
    %broadcast_in_dim3A_821 = vector.broadcast %broadcast_in_dim3A_820 : f32 to vector<8x512xf32>
    %select_n3A_822 = arith.select %eq3A_819, %select_n3A_808, %broadcast_in_dim3A_821 : vector<8x512xi1>, vector<8x512xf32>
    %reduce_sum3A_823 = vector.shape_cast %select_n3A_822 : vector<8x512xf32> to vector<1x8x512xf32>
    %reduce_sum3A_824 = arith.constant dense<0.000000e+00> : vector<1xf32>
    %reduce_sum3A_825 = vector.multi_reduction <add>, %reduce_sum3A_823, %reduce_sum3A_824 [1, 2] : vector<1x8x512xf32> to vector<1xf32>
    %reduce_sum3A_826 = vector.shape_cast %reduce_sum3A_825 : vector<1xf32> to vector<1x1x1xf32>
    %reduce_sum3A_827 = vector.extract %reduce_sum3A_826[0, 0, 0] : f32 from vector<1x1x1xf32>
    %get3A_828 = arith.constant 6 : index
    %get3A_829 = arith.constant 0 : index
    %get3A_830 = arith.constant 0 : index
    %get3A_831 = vector.load %arg1[%get3A_828, %get3A_829, %get3A_830] : memref<8x512x512xf32, #tpu.memory_space<vmem>>, vector<1x512x512xf32>
    %get3A_832 = vector.shape_cast %get3A_831 : vector<1x512x512xf32> to vector<512x512xf32>
    %sub3A_833 = arith.subf %get3A_832, %get3A_744 : vector<512x512xf32>
    %abs3A_834 = math.absf %sub3A_833 : vector<512x512xf32>
    %gt3A_835 = arith.constant 0.000000e+00 : f32
    %gt3A_836 = vector.broadcast %gt3A_835 : f32 to vector<512x512xf32>
    %gt3A_837 = arith.cmpf ogt, %get3A_744, %gt3A_836 : vector<512x512xf32>
    %le3A_838 = vector.broadcast %reduce_sum3A_827 : f32 to vector<512x512xf32>
    %le3A_839 = arith.cmpf ole, %abs3A_834, %le3A_838 : vector<512x512xf32>
    %and3A_840 = arith.andi %gt3A_837, %le3A_839 : vector<512x512xi1>
    %broadcast_in_dim3A_841 = arith.constant 0.000000e+00 : f32
    %broadcast_in_dim3A_842 = vector.broadcast %broadcast_in_dim3A_841 : f32 to vector<512x512xf32>
    %select_n3A_843 = arith.select %and3A_840, %abs3A_834, %broadcast_in_dim3A_842 : vector<512x512xi1>, vector<512x512xf32>
    %broadcast_in_dim3A_844 = arith.constant 1.250000e-01 : f32
    %broadcast_in_dim3A_845 = vector.broadcast %broadcast_in_dim3A_844 : f32 to vector<8x512xf32>
    %dot_general3A_846 = arith.constant dense<0.000000e+00> : vector<8x512xf32>
    %dot_general3A_847 = tpu.matmul %broadcast_in_dim3A_845, %select_n3A_843, %dot_general3A_846 {dimension_numbers = #tpu.dot_dimension_numbers<[1], [0], [0], [1], [0, 0, 1, 1], [], []>, transpose_lhs_hint = false} : vector<8x512xf32>, vector<512x512xf32>, vector<8x512xf32> -> vector<8x512xf32>
    %reduce_sum3A_848 = vector.shape_cast %dot_general3A_847 : vector<8x512xf32> to vector<1x8x512xf32>
    %reduce_sum3A_849 = arith.constant dense<0.000000e+00> : vector<1xf32>
    %reduce_sum3A_850 = vector.multi_reduction <add>, %reduce_sum3A_848, %reduce_sum3A_849 [1, 2] : vector<1x8x512xf32> to vector<1xf32>
    %reduce_sum3A_851 = vector.shape_cast %reduce_sum3A_850 : vector<1xf32> to vector<1x1x1xf32>
    %reduce_sum3A_852 = vector.extract %reduce_sum3A_851[0, 0, 0] : f32 from vector<1x1x1xf32>
    %sub3A_853 = arith.constant 262144 : i32
    %sub3A_854 = arith.subi %sub3A_853, %convert_element_type3A_759 : i32
    %gt3A_855 = arith.constant 0 : i32
    %gt3A_856 = arith.cmpi sgt, %sub3A_854, %gt3A_855 : i32
    %mul3A_857 = arith.constant 2 : i32
    %mul3A_858 = arith.muli %mul3A_857, %sub3A_854 : i32
    %jit3A_859 = arith.constant 1 : i32
    %select_n3A_860 = arith.select %gt3A_856, %mul3A_858, %jit3A_859 : i32
    %convert_element_type3A_861 = arith.sitofp %select_n3A_860 : i32 to f32
    %div3A_862 = arith.divf %reduce_sum3A_852, %convert_element_type3A_861 : f32
    %jit3A_863 = arith.constant 0.000000e+00 : f32
    %select_n3A_864 = arith.select %gt3A_856, %div3A_862, %jit3A_863 : f32
    %add3A_865 = arith.addf %add3A_739, %select_n3A_864 : f32
    %get3A_866 = arith.constant 7 : index
    %get3A_867 = arith.constant 0 : index
    %get3A_868 = arith.constant 0 : index
    %get3A_869 = vector.load %arg2[%get3A_866, %get3A_867, %get3A_868] : memref<8x512x512xf32, #tpu.memory_space<vmem>>, vector<1x512x512xf32>
    %get3A_870 = vector.shape_cast %get3A_869 : vector<1x512x512xf32> to vector<512x512xf32>
    %le3A_871 = arith.constant 0.000000e+00 : f32
    %le3A_872 = vector.broadcast %le3A_871 : f32 to vector<512x512xf32>
    %le3A_873 = arith.cmpf ole, %get3A_870, %le3A_872 : vector<512x512xf32>
    %convert_element_type3A_874 = arith.extui %le3A_873 : vector<512x512xi1> to vector<512x512xi32>
    %convert_element_type3A_875 = arith.sitofp %convert_element_type3A_874 : vector<512x512xi32> to vector<512x512xf32>
    %broadcast_in_dim3A_876 = arith.constant 1.250000e-01 : f32
    %broadcast_in_dim3A_877 = vector.broadcast %broadcast_in_dim3A_876 : f32 to vector<8x512xf32>
    %dot_general3A_878 = arith.constant dense<0.000000e+00> : vector<8x512xf32>
    %dot_general3A_879 = tpu.matmul %broadcast_in_dim3A_877, %convert_element_type3A_875, %dot_general3A_878 {dimension_numbers = #tpu.dot_dimension_numbers<[1], [0], [0], [1], [0, 0, 1, 1], [], []>, transpose_lhs_hint = false} : vector<8x512xf32>, vector<512x512xf32>, vector<8x512xf32> -> vector<8x512xf32>
    %reduce_sum3A_880 = vector.shape_cast %dot_general3A_879 : vector<8x512xf32> to vector<1x8x512xf32>
    %reduce_sum3A_881 = arith.constant dense<0.000000e+00> : vector<1xf32>
    %reduce_sum3A_882 = vector.multi_reduction <add>, %reduce_sum3A_880, %reduce_sum3A_881 [1, 2] : vector<1x8x512xf32> to vector<1xf32>
    %reduce_sum3A_883 = vector.shape_cast %reduce_sum3A_882 : vector<1xf32> to vector<1x1x1xf32>
    %reduce_sum3A_884 = vector.extract %reduce_sum3A_883[0, 0, 0] : f32 from vector<1x1x1xf32>
    %convert_element_type3A_885 = arith.fptosi %reduce_sum3A_884 : f32 to i32
    %add3A_886 = arith.constant 209715 : i32
    %add3A_887 = arith.addi %convert_element_type3A_885, %add3A_886 : i32
    %min3A_888 = arith.constant 262143 : i32
    %min3A_889 = arith.minsi %add3A_887, %min3A_888 : i32
    %jit3A_890 = arith.constant 512 : i32
    %div3A_891 = arith.divsi %min3A_889, %jit3A_890 : i32
    %sign3A_892 = arith.constant 0 : i32
    %sign3A_893 = arith.cmpi sgt, %min3A_889, %sign3A_892 : i32
    %sign3A_894 = arith.extui %sign3A_893 : i1 to i32
    %sign3A_895 = arith.constant 0 : i32
    %sign3A_896 = arith.cmpi slt, %min3A_889, %sign3A_895 : i32
    %sign3A_897 = arith.extui %sign3A_896 : i1 to i32
    %sign3A_898 = arith.subi %sign3A_894, %sign3A_897 : i32
    %sign3A_899 = arith.constant 0 : i32
    %sign3A_900 = arith.cmpi sgt, %jit3A_890, %sign3A_899 : i32
    %sign3A_901 = arith.extui %sign3A_900 : i1 to i32
    %sign3A_902 = arith.constant 0 : i32
    %sign3A_903 = arith.cmpi slt, %jit3A_890, %sign3A_902 : i32
    %sign3A_904 = arith.extui %sign3A_903 : i1 to i32
    %sign3A_905 = arith.subi %sign3A_901, %sign3A_904 : i32
    %ne3A_906 = arith.cmpi ne, %sign3A_898, %sign3A_905 : i32
    %rem3A_907 = arith.remsi %min3A_889, %jit3A_890 : i32
    %ne3A_908 = arith.constant 0 : i32
    %ne3A_909 = arith.cmpi ne, %rem3A_907, %ne3A_908 : i32
    %and3A_910 = arith.andi %ne3A_906, %ne3A_909 : i1
    %sub3A_911 = arith.constant 1 : i32
    %sub3A_912 = arith.subi %div3A_891, %sub3A_911 : i32
    %select_n3A_913 = arith.select %and3A_910, %sub3A_912, %div3A_891 : i32
    %and3A_914 = arith.constant -8 : i32
    %and3A_915 = arith.andi %select_n3A_913, %and3A_914 : i32
    %multiple_of3A_916 = tpu.assume_multiple %and3A_915, 8 : i32
    %get3A_917 = arith.constant 7 : index
    %get3A_918 = arith.index_cast %multiple_of3A_916 : i32 to index
    %get3A_919 = arith.constant 0 : index
    %get3A_920 = vector.load %arg1[%get3A_917, %get3A_918, %get3A_919] : memref<8x512x512xf32, #tpu.memory_space<vmem>>, vector<1x8x512xf32>
    %get3A_921 = vector.shape_cast %get3A_920 : vector<1x8x512xf32> to vector<8x512xf32>
    %get3A_922 = arith.constant 7 : index
    %get3A_923 = arith.index_cast %multiple_of3A_916 : i32 to index
    %get3A_924 = arith.constant 0 : index
    %get3A_925 = vector.load %arg2[%get3A_922, %get3A_923, %get3A_924] : memref<8x512x512xf32, #tpu.memory_space<vmem>>, vector<1x8x512xf32>
    %get3A_926 = vector.shape_cast %get3A_925 : vector<1x8x512xf32> to vector<8x512xf32>
    %gt3A_927 = arith.constant 0.000000e+00 : f32
    %gt3A_928 = vector.broadcast %gt3A_927 : f32 to vector<8x512xf32>
    %gt3A_929 = arith.cmpf ogt, %get3A_926, %gt3A_928 : vector<8x512xf32>
    %sub3A_930 = arith.subf %get3A_921, %get3A_926 : vector<8x512xf32>
    %abs3A_931 = math.absf %sub3A_930 : vector<8x512xf32>
    %broadcast_in_dim3A_932 = arith.constant 0.000000e+00 : f32
    %broadcast_in_dim3A_933 = vector.broadcast %broadcast_in_dim3A_932 : f32 to vector<8x512xf32>
    %select_n3A_934 = arith.select %gt3A_929, %abs3A_931, %broadcast_in_dim3A_933 : vector<8x512xi1>, vector<8x512xf32>
    %iota3A_935 = tpu.iota {dimensions = array<i32: 0>} : vector<8x512xi32>
    %mul3A_936 = arith.constant 512 : i32
    %mul3A_937 = vector.broadcast %mul3A_936 : i32 to vector<8x512xi32>
    %mul3A_938 = arith.muli %iota3A_935, %mul3A_937 : vector<8x512xi32>
    %iota3A_939 = tpu.iota {dimensions = array<i32: 1>} : vector<8x512xi32>
    %add3A_940 = arith.addi %mul3A_938, %iota3A_939 : vector<8x512xi32>
    %mul3A_941 = arith.constant 512 : i32
    %mul3A_942 = arith.muli %multiple_of3A_916, %mul3A_941 : i32
    %sub3A_943 = arith.subi %min3A_889, %mul3A_942 : i32
    %eq3A_944 = vector.broadcast %sub3A_943 : i32 to vector<8x512xi32>
    %eq3A_945 = arith.cmpi eq, %add3A_940, %eq3A_944 : vector<8x512xi32>
    %broadcast_in_dim3A_946 = arith.constant 0.000000e+00 : f32
    %broadcast_in_dim3A_947 = vector.broadcast %broadcast_in_dim3A_946 : f32 to vector<8x512xf32>
    %select_n3A_948 = arith.select %eq3A_945, %select_n3A_934, %broadcast_in_dim3A_947 : vector<8x512xi1>, vector<8x512xf32>
    %reduce_sum3A_949 = vector.shape_cast %select_n3A_948 : vector<8x512xf32> to vector<1x8x512xf32>
    %reduce_sum3A_950 = arith.constant dense<0.000000e+00> : vector<1xf32>
    %reduce_sum3A_951 = vector.multi_reduction <add>, %reduce_sum3A_949, %reduce_sum3A_950 [1, 2] : vector<1x8x512xf32> to vector<1xf32>
    %reduce_sum3A_952 = vector.shape_cast %reduce_sum3A_951 : vector<1xf32> to vector<1x1x1xf32>
    %reduce_sum3A_953 = vector.extract %reduce_sum3A_952[0, 0, 0] : f32 from vector<1x1x1xf32>
    %get3A_954 = arith.constant 7 : index
    %get3A_955 = arith.constant 0 : index
    %get3A_956 = arith.constant 0 : index
    %get3A_957 = vector.load %arg1[%get3A_954, %get3A_955, %get3A_956] : memref<8x512x512xf32, #tpu.memory_space<vmem>>, vector<1x512x512xf32>
    %get3A_958 = vector.shape_cast %get3A_957 : vector<1x512x512xf32> to vector<512x512xf32>
    %sub3A_959 = arith.subf %get3A_958, %get3A_870 : vector<512x512xf32>
    %abs3A_960 = math.absf %sub3A_959 : vector<512x512xf32>
    %gt3A_961 = arith.constant 0.000000e+00 : f32
    %gt3A_962 = vector.broadcast %gt3A_961 : f32 to vector<512x512xf32>
    %gt3A_963 = arith.cmpf ogt, %get3A_870, %gt3A_962 : vector<512x512xf32>
    %le3A_964 = vector.broadcast %reduce_sum3A_953 : f32 to vector<512x512xf32>
    %le3A_965 = arith.cmpf ole, %abs3A_960, %le3A_964 : vector<512x512xf32>
    %and3A_966 = arith.andi %gt3A_963, %le3A_965 : vector<512x512xi1>
    %broadcast_in_dim3A_967 = arith.constant 0.000000e+00 : f32
    %broadcast_in_dim3A_968 = vector.broadcast %broadcast_in_dim3A_967 : f32 to vector<512x512xf32>
    %select_n3A_969 = arith.select %and3A_966, %abs3A_960, %broadcast_in_dim3A_968 : vector<512x512xi1>, vector<512x512xf32>
    %broadcast_in_dim3A_970 = arith.constant 1.250000e-01 : f32
    %broadcast_in_dim3A_971 = vector.broadcast %broadcast_in_dim3A_970 : f32 to vector<8x512xf32>
    %dot_general3A_972 = arith.constant dense<0.000000e+00> : vector<8x512xf32>
    %dot_general3A_973 = tpu.matmul %broadcast_in_dim3A_971, %select_n3A_969, %dot_general3A_972 {dimension_numbers = #tpu.dot_dimension_numbers<[1], [0], [0], [1], [0, 0, 1, 1], [], []>, transpose_lhs_hint = false} : vector<8x512xf32>, vector<512x512xf32>, vector<8x512xf32> -> vector<8x512xf32>
    %reduce_sum3A_974 = vector.shape_cast %dot_general3A_973 : vector<8x512xf32> to vector<1x8x512xf32>
    %reduce_sum3A_975 = arith.constant dense<0.000000e+00> : vector<1xf32>
    %reduce_sum3A_976 = vector.multi_reduction <add>, %reduce_sum3A_974, %reduce_sum3A_975 [1, 2] : vector<1x8x512xf32> to vector<1xf32>
    %reduce_sum3A_977 = vector.shape_cast %reduce_sum3A_976 : vector<1xf32> to vector<1x1x1xf32>
    %reduce_sum3A_978 = vector.extract %reduce_sum3A_977[0, 0, 0] : f32 from vector<1x1x1xf32>
    %sub3A_979 = arith.constant 262144 : i32
    %sub3A_980 = arith.subi %sub3A_979, %convert_element_type3A_885 : i32
    %gt3A_981 = arith.constant 0 : i32
    %gt3A_982 = arith.cmpi sgt, %sub3A_980, %gt3A_981 : i32
    %mul3A_983 = arith.constant 2 : i32
    %mul3A_984 = arith.muli %mul3A_983, %sub3A_980 : i32
    %jit3A_985 = arith.constant 1 : i32
    %select_n3A_986 = arith.select %gt3A_982, %mul3A_984, %jit3A_985 : i32
    %convert_element_type3A_987 = arith.sitofp %select_n3A_986 : i32 to f32
    %div3A_988 = arith.divf %reduce_sum3A_978, %convert_element_type3A_987 : f32
    %jit3A_989 = arith.constant 0.000000e+00 : f32
    %select_n3A_990 = arith.select %gt3A_982, %div3A_988, %jit3A_989 : f32
    %add3A_991 = arith.addf %add3A_865, %select_n3A_990 : f32
    %swap3A = arith.constant 0 : index
    %swap3A_992 = memref.load %arg4[%swap3A] : memref<1xf32, #tpu.memory_space<smem>>
    memref.store %add3A_991, %arg4[%swap3A] : memref<1xf32, #tpu.memory_space<smem>>
    %eq3A_993 = arith.constant 3 : i32
    %eq3A_994 = arith.cmpi eq, %arg0, %eq3A_993 : i32
    %convert_element_type3A_995 = arith.extui %eq3A_994 : i1 to i32
    %cond3A_996 = arith.constant 0 : i32
    %cond3A_997 = arith.cmpi ne, %convert_element_type3A_995, %cond3A_996 : i32
    scf.if %cond3A_997 {
      %swap3A_998 = arith.constant 0 : index
      %swap3A_999 = memref.load %arg3[%swap3A_998] : memref<1xf32, #tpu.memory_space<smem>>
      memref.store %add3A_991, %arg3[%swap3A_998] : memref<1xf32, #tpu.memory_space<smem>>
    } else {
    }
    return
  }
  func.func @transform_0(%arg0: i32) -> (i32, i32, i32) {
    %c0_i32 = arith.constant 0 : i32
    %c0_i32_0 = arith.constant 0 : i32
    %c0_i32_1 = arith.constant 0 : i32
    return %arg0, %c0_i32, %c0_i32_0 : i32, i32, i32
  }
  func.func @transform_1(%arg0: i32) -> (i32, i32, i32) {
    %c0_i32 = arith.constant 0 : i32
    %c0_i32_0 = arith.constant 0 : i32
    %c0_i32_1 = arith.constant 0 : i32
    return %arg0, %c0_i32, %c0_i32_0 : i32, i32, i32
  }
  func.func @transform_2(%arg0: i32) -> i32 {
    %c0_i32 = arith.constant 0 : i32
    %c0_i32_0 = arith.constant 0 : i32
    return %c0_i32 : i32
  }
}

</mosaic_0001>

<sc_bundles>
// kernel: kernel.4.cloned.1.call-start
scs
__scs_entry_jumppad:
0x0: {  	(pc) =	sbr.rel $0x88, $3  }
0x1: {  	(tag) =	ssettag $0x0;
	lr =	simm.s32 $0x1  }
0x2: {  	[smem:$0x3F9F] =	sst lr;
	_ =	strace $0xD0000000  }
0x3: {  	_ = 	snop  }
0x4: {  	_ = 	snop  }
0x5: {  	_ = 	snop  }
0x6: {  	_ = 	snop  }
0x7: {  	_ = 	snop  }
__scs_overlays_trampoline_lowered:
0x8: {  	[smem:$0x3FAE] =	sst s0  }
0x9: {  	[smem:$0x3FAF] =	sst s1  }
0xa: {  	[smem:$0x3FB0] =	sst s2  }
0xb: {  	[smem:$0x3FB1] =	sst s3  }
0xc: {  	[smem:$0x3FB2] =	sst s4  }
0xd: {  	[smem:$0x3FB3] =	sst s5  }
0xe: {  	[smem:$0x3FB4] =	sst s6  }
0xf: {  	[smem:$0x3FB5] =	sst s7  }
0x10: {  	[smem:$0x3FB6] =	sst s8  }
0x11: {  	[smem:$0x3FB7] =	sst s9;
	s0 =	simm.s32 @!p0 $0x0  }
0x12: {  	s1 =	sld [smem:$0x3F9D];
	s0 =	simm.s32 @p0 $0x1  }
0x13: {  	[smem:$0x3FB8] =	sst s0;
	s0 =	simm.s32 @!p1 $0x0  }
0x14: {  	s2 =	sld [smem:$0x3F9C];
	s0 =	simm.s32 @p1 $0x1  }
0x15: {  	[smem:$0x3FB9] =	sst s0;
	s0 =	simm.s32 @!p2 $0x0  }
0x16: {  	s3 =	sld [smem:$0x3FDB];
	s0 =	simm.s32 @p2 $0x1  }
0x17: {  	s4 =	simm.s32 $0x1BF5;
	[smem:$0x3FBB] =	sst s0  }
0x18: {  	s0 =	sld [smem:$0x3F9E];
	_ =	swait.ge [sflag:s4], $0x0  }
0x19: {  	s7 =	sld [smem:$0x3F9F]  }
0x1a: {  	s8 =	sadd.s32 $0xFFFFE003, lr  }
0x1b: {  	s9 =	sadd.s32 $0xFFFFFEF7, lr;
	s5 =	simm.s32 $0xFFFFFFFF;
	p2 =	slt.u32 s8, $0xFFFFF086  }
0x1c: {  	p1 =	slt.u32 s9, $0xF7A;
	s5 =	simm.s32 @!p2 $0x0  }
0x1d: {  	s5 =	simm.s32 @p1 $0x1;
	p0 =	seq.s32 s7, s2  }
0x1e: {  	s7 =	smul.u32 @!p0 $0xF7A, s2;
	p2 =	seq.s32 @!p0 s5, $0x0  }
0x1f: {  	s9 =	smul.u32 $0xF7A, s1;
	s8 =	simm.s32 @!p0 $0x1BF5;
	p2 =	por !p2, p0  }
0x20: {  	[sflag:s8] =	ssyncset.s32 @!p0 $0xFFFFF086;
	s6 =	sadd.s32 @!p0 s3, s7;
	s7 =	simm.s32 @!p0 $0x108  }
0x21: {  	s3 =	sadd.s32 s3, s9;
	s6 =	sadd.s32 @!p0 $0x88, s6;
	s7 =	simm.s32 @p2 $0x1082  }
0x22: {  	[simem:s7], [sflag:s8] =	dma.local @!p0 [hbm:s6], $0xF7A  }
0x23: {  	s9 =	sor.u32 $0xD0000000, s2;
	s6 =	simm.s32 $0x108;
	_ =	swait.ge @!p0 [sflag:s8], $0x0  }
0x24: {  	s3 =	sadd.s32 $0x88, s3;
	s6 =	simm.s32 @!p1 $0x1082;
	[sflag:s4] =	ssyncset.s32 $0xFFFFF086  }
0x25: {  	[simem:s6], [sflag:s4] =	dma.local [hbm:s3], $0xF7A  }
0x26: {  	[smem:$0x3F9F] =	sst s1;
	(tag) =	ssettag s2;
	_ =	strace s9  }
0x27: {  	s1 =	sld [smem:$0x3FAF]  }
0x28: {  	s2 =	sld [smem:$0x3FB0]  }
0x29: {  	s4 =	sld [smem:$0x3FB2]  }
0x2a: {  	p0 =	seq.s32 s5, $0x0;
	s5 =	sld [smem:$0x3FB3]  }
0x2b: {  	s6 =	sld [smem:$0x3FB4]  }
0x2c: {  	s7 =	sld [smem:$0x3FB5]  }
0x2d: {  	s3 =	simm.s32 $0x108;
	s8 =	sld [smem:$0x3FB6]  }
0x2e: {  	s3 =	simm.s32 @!p0 $0x1082;
	s9 =	sld [smem:$0x3FB7]  }
0x2f: {  	lr =	sadd.s32 s0, s3;
	s0 =	sld [smem:$0x3FAE]  }
0x30: {  	s3 =	sld [smem:$0x3FB1]  }
0x31: {  	[smem:$0x3FBA] =	sst s10  }
0x32: {  	s10 =	sld [smem:$0x3FB8];
	_ =	sdelay $0x3  }
0x33: {  	p0 =	seq.s32 s10, $0x1;
	s10 =	sld [smem:$0x3FBA];
	_ =	sdelay $0x3  }
0x34: {  	[smem:$0x3FBA] =	sst s10  }
0x35: {  	s10 =	sld [smem:$0x3FB9];
	_ =	sdelay $0x3  }
0x36: {  	p1 =	seq.s32 s10, $0x1;
	s10 =	sld [smem:$0x3FBA];
	_ =	sdelay $0x3  }
0x37: {  	[smem:$0x3FBA] =	sst s10  }
0x38: {  	s10 =	sld [smem:$0x3FBB]  }
0x39: {  	_ = 	snop;
	(pc) =	sbr.ind lr, $3  }
0x3a: {  	_ = 	snop  }
0x3b: {  	_ = 	snop  }
0x3c: {  	p2 =	seq.s32 s10, $0x1;
	s10 =	sld [smem:$0x3FBA]  }
0x3d: {  	_ =	shalt  }
0x3e: {  	_ =	shalt  }
0x3f: {  	_ =	shalt  }
0x40: {  	_ =	shalt  }
0x41: {  	_ =	shalt  }
0x42: {  	_ =	shalt  }
0x43: {  	_ =	shalt  }
0x44: {  	_ =	shalt  }
0x45: {  	_ =	shalt  }
0x46: {  	_ =	shalt  }
0x47: {  	_ =	shalt  }
0x48: {  	_ =	shalt  }
0x49: {  	_ =	shalt  }
0x4a: {  	_ =	shalt  }
0x4b: {  	_ =	shalt  }
0x4c: {  	_ =	shalt  }
0x4d: {  	_ =	shalt  }
0x4e: {  	_ =	shalt  }
0x4f: {  	_ =	shalt  }
0x50: {  	_ =	shalt  }
0x51: {  	_ =	shalt  }
0x52: {  	_ =	shalt  }
0x53: {  	_ =	shalt  }
0x54: {  	_ =	shalt  }
0x55: {  	_ =	shalt  }
0x56: {  	_ =	shalt  }
0x57: {  	_ =	shalt  }
0x58: {  	_ =	shalt  }
0x59: {  	_ =	shalt  }
0x5a: {  	_ =	shalt  }
0x5b: {  	_ =	shalt  }
0x5c: {  	_ =	shalt  }
0x5d: {  	_ =	shalt  }
0x5e: {  	_ =	shalt  }
0x5f: {  	_ =	shalt  }
0x60: {  	_ =	shalt  }
0x61: {  	_ =	shalt  }
0x62: {  	_ =	shalt  }
0x63: {  	_ =	shalt  }
0x64: {  	_ =	shalt  }
0x65: {  	_ =	shalt  }
0x66: {  	_ =	shalt  }
0x67: {  	_ =	shalt  }
0x68: {  	_ =	shalt  }
0x69: {  	_ =	shalt  }
0x6a: {  	_ =	shalt  }
0x6b: {  	_ =	shalt  }
0x6c: {  	_ =	shalt  }
0x6d: {  	_ =	shalt  }
0x6e: {  	_ =	shalt  }
0x6f: {  	_ =	shalt  }
0x70: {  	_ =	shalt  }
0x71: {  	_ =	shalt  }
0x72: {  	_ =	shalt  }
0x73: {  	_ =	shalt  }
0x74: {  	_ =	shalt  }
0x75: {  	_ =	shalt  }
0x76: {  	_ =	shalt  }
0x77: {  	_ =	shalt  }
0x78: {  	_ =	shalt  }
0x79: {  	_ =	shalt  }
0x7a: {  	_ =	shalt  }
0x7b: {  	_ =	shalt  }
0x7c: {  	_ =	shalt  }
0x7d: {  	_ =	shalt  }
0x7e: {  	_ =	shalt  }
0x7f: {  	_ =	shalt  }
0x80: {  	_ =	shalt  }
0x81: {  	_ =	shalt  }
0x82: {  	_ =	shalt  }
0x83: {  	_ =	shalt  }
0x84: {  	_ =	shalt  }
0x85: {  	_ =	shalt  }
0x86: {  	_ =	shalt  }
0x87: {  	_ =	shalt  }
.Lfunc_end0:
.L_simem_size_0:
called_computation.2_lowered:
.L_overlay_start_0:
0x88: {  	s2 =	sld [smem:$0x3FD9]  }
0x89: {  	s3 =	sld [smem:$0x3FFE];
	_ =	sdelay $0x1  }
0x8a: {  	s1 =	srdreg.scid  }
0x8b: {  	s0 =	sand.u32 $0x1, s1  }
0x8c: {  	s16 =	sshll.u32 s0, $0xA;
	s2 =	sadd.s32 s3, s2  }
0x8d: {  	s2 =	sadd.s32 s2, s16  }
0x8e: {  	[smem:$0x3FC6] =	sst s2  }
0x8f: {  	_ = 	snop  }
0x90: {  	(tm) =	ssettm $0x1  }
0x91: {  	s17 =	sld [smem:$0x3FFB];
	_ =	sdelay $0x3  }
0x92: {  	_ =	strace s17  }
0x93: {  	s2 =	sld [smem:$0x3FFC];
	_ =	sdelay $0x3  }
0x94: {  	_ =	strace s2  }
0x95: {  	s2 =	sld [smem:$0x3FFD];
	_ =	sdelay $0x3  }
0x96: {  	_ =	strace s2  }
0x97: {  	_ =	strace $0x8FFFFFFF  }
0x98: {  	s18 =	sld [smem:$0x3FDB];
	_ =	sdelay $0x1  }
0x99: {  	s19 =	simm.s32 $_scs_section_size  }
0x9a: {  	s4 =	simm.s32 $_size__tile_overlayer_lowered;
	s5 =	simm.s32 $_tile_overlayer_lowered  }
0x9b: {  	s22 =	simm.s32 $0x1BFF;
	s21 =	sshll.u32 s5, $0x1;
	s2 =	sadd.s32 s19, s18  }
0x9c: {  	s6 =	simm.s32 $0x0;
	s20 =	sshll.u32 s4, $0x1;
	s4 =	sadd.s32 s21, s2  }
0x9d: {  	[timem:s6], [sflag:s22] =	dma.local [hbm:s4], s20  }
0x9e: {  	_ =	swait.ge [sflag:s22], s20  }
0x9f: {  	s3 =	ssub.s32 $0x0, s20;
	[sflag:s22] =	ssyncset.done $0x0  }
0xa0: {  	[sflag:s22] =	ssyncadd.s32 s3;
	_ =	sdelay $0x1  }
0xa1: {  	s23 =	simm.s32 $0x1B8B  }
0xa2: {  	_ =	swait.ge [sflag:s23], $0x1  }
0xa3: {  	[sflag:s23] =	ssyncset.done $0x0  }
0xa4: {  	s25 =	simm.s32 $0x1B8E;
	s24 =	sld [smem:$0x3FFE];
	[sflag:s23] =	ssyncadd.s32 $0xFFFFFFFF  }
0xa5: {  	s26 =	simm.s32 $execute0_lowered;
	[smem:$0x3FD2] =	sst s25  }
0xa6: {  	s4 =	sshll.u32 s26, $0x1;
	_ =	strace $0x8000004C;
	[dreg:$0x1] =	wrdreg $0xFFFFFFFF  }
0xa7: {  	s28 =	simm.s32 $_size_execute0_lowered;
	s2 =	sadd.s32 s2, s4;
	[dreg:$0x0] =	wrdreg $0x0  }
0xa8: {  	s4 =	sshll.u32 s28, $0x1;
	[dreg:$0x2] =	wrdreg s2  }
0xa9: {  	[dreg:$0x3] =	wrdreg s4  }
0xaa: {  	[dreg:$0x4] =	wrdreg $0xC0  }
0xab: {  	_ =	task [dreg:s6], $0x5FFFF  }
0xac: {  	[dreg:$0x1] =	wrdreg $0xFFFFFFFF  }
0xad: {  	[dreg:$0x0] =	wrdreg $0x60  }
0xae: {  	[dreg:$0x2] =	wrdreg s24  }
0xaf: {  	[dreg:$0x3] =	wrdreg $0x9  }
0xb0: {  	_ =	task.clear_ibuf [dreg:s6], $0x4FFFF;
	_ =	strace $0x9000004C  }
0xb1: {  	s29 =	simm.s32 $0x9;
	_ =	strace $0x8000004E  }
0xb2: {  	_ =	swait.ge [sflag:s29], $0x1  }
0xb3: {  	[sflag:s29] =	ssyncadd.s32 $0xFFFFFFFF  }
0xb4: {  	_ =	strace $0x9000004E  }
0xb5: {  	_ =	sfence  }
0xb6: {  	s30 =	sld [smem:$0x0];
	_ =	sdelay $0x2  }
0xb7: {  	s31 =	sshll.u32 s1, $0xD;
	s1 =	sshrl.u32 s1, $0x2  }
0xb8: {  	s3 =	sand.u32 $0x4000, s31;
	s1 =	sadd.s32 s1, s30  }
0xb9: {  	s0 =	sor.u32 s3, s0;
	s1 =	sshll.u32 s1, $0x11  }
0xba: {  	s0 =	sor.u32 s1, s0  }
0xbb: {  	s0 =	sadd.s32 $0x8F2B, s0  }
0xbc: {  	[sflag:s0] =	ssyncadd.remote.s32 $0x1  }
0xbd: {  	_ =	sfence.sel $0xFFFF  }
0xbe: {  	[dreg:$0x0] =	wrdreg $0xFFFFFFFF;
	(pc) =	sbr.abs _section_cstart, $3  }
0xbf: {  	[dreg:$0x1] =	wrdreg $0xFFFFFFFF  }
0xc0: {  	_ =	task.clear_ibuf [dreg:s6], $0x2FFFF;
	_ =	strace $0x9FFFFFFF  }
0xc1: {  	(tm) =	ssettm $0x7FFFFFFF  }
tec
execute0_lowered:
.L_overlay_start_1:
0x0: {  	(tag) =	ssettag $0x1  }
0x1: {  	s5 =	rddreg [dreg:$0x0]  }
0x2: {  	s1 =	simm.s32 $0x0;
	s3 =	srdreg.scid;
	s0 =	stileid.u32  }
0x3: {  	s24 =	simm.s32 $0x1;
	s28 =	simm.s32 $0x0;
	[smem:$0x7FF] =	sst s1  }
0x4: {  	s6 =	sand.u32 $0x1, s3;
	s4 =	sshll.u32 s0, $0x1;
	s3 =	sadd.s32 $0x800, s5  }
0x5: {  	_ =	strace $0x8000004D;
	s7 =	sor.u32 s6, s4;
	s4 =	sadd.s32 $0x200800, s5  }
0x6: {  	s6 =	ssub.s32 $0x2, s6;
	s8 =	sshll.u32 s7, $0x1;
	s9 =	sshll.u32 s7, $0x12  }
0x7: {  	s25 =	sshrl.u32 s6, $0x1;
	s13 =	sshll.u32 s7, $0xF;
	s22 =	sadd.s32 s8, s5  }
0x8: {  	s5 =	sor.u32 $0x800000, s9;
	s23 =	ssub.s32 s6, s25;
	s15 =	sor.u32 $0x101000, s13  }
0x9: {  	s16 =	sor.u32 $0x102000, s13;
	s17 =	sor.u32 $0x103000, s13;
	s18 =	sor.u32 $0x104000, s13  }
0xa: {  	s19 =	sor.u32 $0x105000, s13;
	s20 =	sor.u32 $0x106000, s13;
	s21 =	sor.u32 $0x107000, s13  }
0xb: {  	s25 =	simm.s32 $0x8000;
	s14 =	sshrl.u32 s5, $0x3;
	s7 =	sadd.s32 s4, s15  }
0xc: {  	s8 =	sadd.s32 s4, s16;
	s9 =	sadd.s32 s4, s17;
	s10 =	sadd.s32 s4, s18  }
0xd: {  	s11 =	sadd.s32 s4, s19;
	s12 =	sadd.s32 s4, s20;
	s13 =	sadd.s32 s4, s21  }
0xe: {  	s29 =	sadd.s32 s3, s15;
	s30 =	sadd.s32 s3, s16;
	s31 =	sadd.s32 s3, s17  }
0xf: {  	s18 =	sadd.s32 s3, s18;
	s19 =	sadd.s32 s3, s19;
	[dreg:$0x3] =	wrdreg s29  }
0x10: {  	s20 =	sadd.s32 s3, s20;
	s21 =	sadd.s32 s3, s21;
	[dreg:$0x4] =	wrdreg s30  }
0x11: {  	s22 =	sadd.s32 $0x400800, s22;
	s26 =	sadd.s32 s3, s14;
	[dreg:$0x5] =	wrdreg s31  }
0x12: {  	v0 =	vimm.f32 $0.0e+00;
	v1 =	vlaneseq.u32;
	s23 =	smax.u32 s23, $0x1;
	s6 =	sadd.s32 s4, s14;
	[dreg:$0x2] =	wrdreg s26  }
.LBB2_1:
0x13: {  	[tilespmem:s1], [sflag:$0x1] =	stream.linear.gather [hbm4b:s6+s1], $0x8000, $0x38;
	[tilespmem:$0x10080] =	vst v63  }
0x14: {  	_ =	swait.ge [sflag:s24], $0x8000  }
0x15: {  	[sflag:s24] =	ssyncset.done $0x0  }
0x16: {  	s30 =	simm.s32 $0x0;
	[sflag:s24] =	ssyncadd.s32 $0xFFFF8000  }
0x17: {  	v8 =	vld [tilespmem:s30+$0x30]  }
0x18: {  	v9 =	vld [tilespmem:s30+$0x0]  }
0x19: {  	v5 =	vld [tilespmem:s30+$0x10]  }
0x1a: {  	v2 =	vimm.f32 $0.0e+00;
	v7 =	vld [tilespmem:s30+$0x20]  }
0x1b: {  	s29 =	simm.s32 $0x100;
	v3 =	vimm.f32 $0.0e+00;
	v4 =	vimm.f32 $0.0e+00;
	v6 =	vimm.f32 $0.0e+00  }
.LBB2_2:
0x1c: {  	s30 =	sshra.s32 s29, $0x2;
	p0 =	sne.s32 s29, $0x1FF00;
	s29 =	sadd.s32 $0x100, s29;
	vm0 =	vle.f32 v8, $0.0e+00  }
.Ltmp0:
0x1d: {  	v8 =	vld [tilespmem:s30+$0x30];
	vm1 =	vle.f32 v9, $0.0e+00;
	v10 =	vsel vm0, $0x3F800000, v0;
	(pc) =	sbr.rel @p0 .LBB2_2-.Ltmp0, $4  }
0x1e: {  	v9 =	vld [tilespmem:s30+$0x0];
	v11 =	vsel vm1, $0x3F800000, v0;
	vm0 =	vle.f32 v5, $0.0e+00;
	v2 =	vadd.f32 v10, v2  }
0x1f: {  	v5 =	vld [tilespmem:s30+$0x10];
	v3 =	vadd.f32 v11, v3;
	v10 =	vsel vm0, $0x3F800000, v0;
	vm0 =	vle.f32 v7, $0.0e+00  }
0x20: {  	v7 =	vld [tilespmem:s30+$0x20];
	v4 =	vadd.f32 v10, v4;
	v10 =	vsel vm0, $0x3F800000, v0  }
0x21: {  	v6 =	vadd.f32 v10, v6  }
0x22: {  	s29 =	simm.s32 $0x0  }
0x23: {  	[tilespmem:s29], [sflag:$0x1] =	stream.linear.gather [hbm4b:s7+s29], $0x8000, $0x38;
	[tilespmem:$0x10080] =	vst v63  }
0x24: {  	_ =	swait.ge [sflag:s24], $0x8000  }
0x25: {  	[sflag:s24] =	ssyncset.done $0x0  }
0x26: {  	vm0 =	vle.f32 v8, $0.0e+00;
	s30 =	simm.s32 $0x0;
	vm1 =	vle.f32 v9, $0.0e+00;
	[sflag:s24] =	ssyncadd.s32 $0xFFFF8000  }
0x27: {  	v8 =	vsel vm0, $0x3F800000, v0;
	v10 =	vsel vm1, $0x3F800000, v0;
	v9 =	vld [tilespmem:s30+$0x30]  }
0x28: {  	vm14 =	vle.f32 v5, $0.0e+00;
	v2 =	vadd.f32 v8, v2;
	v8 =	vimm.f32 $0.0e+00;
	v13 =	vld [tilespmem:s30+$0x0]  }
0x29: {  	vm15 =	vle.f32 v7, $0.0e+00;
	v3 =	vadd.f32 v10, v3;
	v5 =	vsel vm14, $0x3F800000, v0;
	v12 =	vld [tilespmem:s30+$0x10]  }
0x2a: {  	v10 =	vimm.f32 $0.0e+00;
	v7 =	vsel vm15, $0x3F800000, v0;
	v5 =	vadd.f32 v5, v4;
	v11 =	vld [tilespmem:s30+$0x20]  }
0x2b: {  	s29 =	simm.s32 $0x100;
	v4 =	vadd.f32 v7, v6;
	v6 =	vimm.f32 $0.0e+00;
	v7 =	vimm.f32 $0.0e+00  }
.LBB2_4:
0x2c: {  	s30 =	sshra.s32 s29, $0x2;
	p0 =	sne.s32 s29, $0x1FF00;
	s29 =	sadd.s32 $0x100, s29;
	vm0 =	vle.f32 v9, $0.0e+00  }
.Ltmp1:
0x2d: {  	v9 =	vld [tilespmem:s30+$0x30];
	vm1 =	vle.f32 v13, $0.0e+00;
	v14 =	vsel vm0, $0x3F800000, v0;
	(pc) =	sbr.rel @p0 .LBB2_4-.Ltmp1, $4  }
0x2e: {  	v13 =	vld [tilespmem:s30+$0x0];
	v15 =	vsel vm1, $0x3F800000, v0;
	vm0 =	vle.f32 v12, $0.0e+00;
	v6 =	vadd.f32 v14, v6  }
0x2f: {  	v12 =	vld [tilespmem:s30+$0x10];
	v7 =	vadd.f32 v15, v7;
	v14 =	vsel vm0, $0x3F800000, v0;
	vm0 =	vle.f32 v11, $0.0e+00  }
0x30: {  	v11 =	vld [tilespmem:s30+$0x20];
	v8 =	vadd.f32 v14, v8;
	v14 =	vsel vm0, $0x3F800000, v0  }
0x31: {  	v10 =	vadd.f32 v14, v10  }
0x32: {  	s29 =	simm.s32 $0x0  }
0x33: {  	[tilespmem:s29], [sflag:$0x1] =	stream.linear.gather [hbm4b:s8+s29], $0x8000, $0x38;
	[tilespmem:$0x10080] =	vst v63  }
0x34: {  	_ =	swait.ge [sflag:s24], $0x8000  }
0x35: {  	[sflag:s24] =	ssyncset.done $0x0  }
0x36: {  	vm0 =	vle.f32 v9, $0.0e+00;
	s30 =	simm.s32 $0x0;
	vm1 =	vle.f32 v13, $0.0e+00;
	[sflag:s24] =	ssyncadd.s32 $0xFFFF8000  }
0x37: {  	v9 =	vsel vm0, $0x3F800000, v0;
	v14 =	vsel vm1, $0x3F800000, v0;
	v13 =	vld [tilespmem:s30+$0x30]  }
0x38: {  	vm14 =	vle.f32 v12, $0.0e+00;
	v6 =	vadd.f32 v9, v6;
	v12 =	vimm.f32 $0.0e+00;
	v17 =	vld [tilespmem:s30+$0x0]  }
0x39: {  	vm15 =	vle.f32 v11, $0.0e+00;
	v7 =	vadd.f32 v14, v7;
	v9 =	vsel vm14, $0x3F800000, v0;
	v16 =	vld [tilespmem:s30+$0x10]  }
0x3a: {  	v14 =	vimm.f32 $0.0e+00;
	v11 =	vsel vm15, $0x3F800000, v0;
	v9 =	vadd.f32 v9, v8;
	v15 =	vld [tilespmem:s30+$0x20]  }
0x3b: {  	s29 =	simm.s32 $0x100;
	v8 =	vadd.f32 v11, v10;
	v10 =	vimm.f32 $0.0e+00;
	v11 =	vimm.f32 $0.0e+00  }
.LBB2_6:
0x3c: {  	s30 =	sshra.s32 s29, $0x2;
	p0 =	sne.s32 s29, $0x1FF00;
	s29 =	sadd.s32 $0x100, s29;
	vm0 =	vle.f32 v13, $0.0e+00  }
.Ltmp2:
0x3d: {  	v13 =	vld [tilespmem:s30+$0x30];
	vm1 =	vle.f32 v17, $0.0e+00;
	v18 =	vsel vm0, $0x3F800000, v0;
	(pc) =	sbr.rel @p0 .LBB2_6-.Ltmp2, $4  }
0x3e: {  	v17 =	vld [tilespmem:s30+$0x0];
	v19 =	vsel vm1, $0x3F800000, v0;
	vm0 =	vle.f32 v16, $0.0e+00;
	v10 =	vadd.f32 v18, v10  }
0x3f: {  	v16 =	vld [tilespmem:s30+$0x10];
	v11 =	vadd.f32 v19, v11;
	v18 =	vsel vm0, $0x3F800000, v0;
	vm0 =	vle.f32 v15, $0.0e+00  }
0x40: {  	v15 =	vld [tilespmem:s30+$0x20];
	v12 =	vadd.f32 v18, v12;
	v18 =	vsel vm0, $0x3F800000, v0  }
0x41: {  	v14 =	vadd.f32 v18, v14  }
0x42: {  	s29 =	simm.s32 $0x0  }
0x43: {  	[tilespmem:s29], [sflag:$0x1] =	stream.linear.gather [hbm4b:s9+s29], $0x8000, $0x38;
	[tilespmem:$0x10080] =	vst v63  }
0x44: {  	_ =	swait.ge [sflag:s24], $0x8000  }
0x45: {  	[sflag:s24] =	ssyncset.done $0x0  }
0x46: {  	vm0 =	vle.f32 v13, $0.0e+00;
	s30 =	simm.s32 $0x0;
	vm1 =	vle.f32 v17, $0.0e+00;
	[sflag:s24] =	ssyncadd.s32 $0xFFFF8000  }
0x47: {  	v13 =	vsel vm0, $0x3F800000, v0;
	v18 =	vsel vm1, $0x3F800000, v0;
	v17 =	vld [tilespmem:s30+$0x30]  }
0x48: {  	vm14 =	vle.f32 v16, $0.0e+00;
	v10 =	vadd.f32 v13, v10;
	v16 =	vimm.f32 $0.0e+00;
	v21 =	vld [tilespmem:s30+$0x0]  }
0x49: {  	vm15 =	vle.f32 v15, $0.0e+00;
	v11 =	vadd.f32 v18, v11;
	v13 =	vsel vm14, $0x3F800000, v0;
	v20 =	vld [tilespmem:s30+$0x10]  }
0x4a: {  	v18 =	vimm.f32 $0.0e+00;
	v15 =	vsel vm15, $0x3F800000, v0;
	v13 =	vadd.f32 v13, v12;
	v19 =	vld [tilespmem:s30+$0x20]  }
0x4b: {  	s29 =	simm.s32 $0x100;
	v12 =	vadd.f32 v15, v14;
	v14 =	vimm.f32 $0.0e+00;
	v15 =	vimm.f32 $0.0e+00  }
.LBB2_8:
0x4c: {  	s30 =	sshra.s32 s29, $0x2;
	p0 =	sne.s32 s29, $0x1FF00;
	s29 =	sadd.s32 $0x100, s29;
	vm0 =	vle.f32 v17, $0.0e+00  }
.Ltmp3:
0x4d: {  	v17 =	vld [tilespmem:s30+$0x30];
	vm1 =	vle.f32 v21, $0.0e+00;
	v22 =	vsel vm0, $0x3F800000, v0;
	(pc) =	sbr.rel @p0 .LBB2_8-.Ltmp3, $4  }
0x4e: {  	v21 =	vld [tilespmem:s30+$0x0];
	v23 =	vsel vm1, $0x3F800000, v0;
	vm0 =	vle.f32 v20, $0.0e+00;
	v14 =	vadd.f32 v22, v14  }
0x4f: {  	v20 =	vld [tilespmem:s30+$0x10];
	v15 =	vadd.f32 v23, v15;
	v22 =	vsel vm0, $0x3F800000, v0;
	vm0 =	vle.f32 v19, $0.0e+00  }
0x50: {  	v19 =	vld [tilespmem:s30+$0x20];
	v16 =	vadd.f32 v22, v16;
	v22 =	vsel vm0, $0x3F800000, v0  }
0x51: {  	v18 =	vadd.f32 v22, v18  }
0x52: {  	s29 =	simm.s32 $0x0  }
0x53: {  	[tilespmem:s29], [sflag:$0x1] =	stream.linear.gather [hbm4b:s10+s29], $0x8000, $0x38;
	[tilespmem:$0x10080] =	vst v63  }
0x54: {  	_ =	swait.ge [sflag:s24], $0x8000  }
0x55: {  	[sflag:s24] =	ssyncset.done $0x0  }
0x56: {  	vm0 =	vle.f32 v17, $0.0e+00;
	s30 =	simm.s32 $0x0;
	vm1 =	vle.f32 v21, $0.0e+00;
	[sflag:s24] =	ssyncadd.s32 $0xFFFF8000  }
0x57: {  	v17 =	vsel vm0, $0x3F800000, v0;
	v22 =	vsel vm1, $0x3F800000, v0;
	v21 =	vld [tilespmem:s30+$0x30]  }
0x58: {  	vm14 =	vle.f32 v20, $0.0e+00;
	v14 =	vadd.f32 v17, v14;
	v20 =	vimm.f32 $0.0e+00;
	v25 =	vld [tilespmem:s30+$0x0]  }
0x59: {  	vm15 =	vle.f32 v19, $0.0e+00;
	v15 =	vadd.f32 v22, v15;
	v17 =	vsel vm14, $0x3F800000, v0;
	v24 =	vld [tilespmem:s30+$0x10]  }
0x5a: {  	v22 =	vimm.f32 $0.0e+00;
	v19 =	vsel vm15, $0x3F800000, v0;
	v17 =	vadd.f32 v17, v16;
	v23 =	vld [tilespmem:s30+$0x20]  }
0x5b: {  	s29 =	simm.s32 $0x100;
	v16 =	vadd.f32 v19, v18;
	v18 =	vimm.f32 $0.0e+00;
	v19 =	vimm.f32 $0.0e+00  }
.LBB2_10:
0x5c: {  	s30 =	sshra.s32 s29, $0x2;
	p0 =	sne.s32 s29, $0x1FF00;
	s29 =	sadd.s32 $0x100, s29;
	vm0 =	vle.f32 v21, $0.0e+00  }
.Ltmp4:
0x5d: {  	v21 =	vld [tilespmem:s30+$0x30];
	vm1 =	vle.f32 v25, $0.0e+00;
	v26 =	vsel vm0, $0x3F800000, v0;
	(pc) =	sbr.rel @p0 .LBB2_10-.Ltmp4, $4  }
0x5e: {  	v25 =	vld [tilespmem:s30+$0x0];
	v27 =	vsel vm1, $0x3F800000, v0;
	vm0 =	vle.f32 v24, $0.0e+00;
	v18 =	vadd.f32 v26, v18  }
0x5f: {  	v24 =	vld [tilespmem:s30+$0x10];
	v19 =	vadd.f32 v27, v19;
	v26 =	vsel vm0, $0x3F800000, v0;
	vm0 =	vle.f32 v23, $0.0e+00  }
0x60: {  	v23 =	vld [tilespmem:s30+$0x20];
	v20 =	vadd.f32 v26, v20;
	v26 =	vsel vm0, $0x3F800000, v0  }
0x61: {  	v22 =	vadd.f32 v26, v22  }
0x62: {  	s29 =	simm.s32 $0x0  }
0x63: {  	[tilespmem:s29], [sflag:$0x1] =	stream.linear.gather [hbm4b:s11+s29], $0x8000, $0x38;
	[tilespmem:$0x10080] =	vst v63  }
0x64: {  	_ =	swait.ge [sflag:s24], $0x8000  }
0x65: {  	[sflag:s24] =	ssyncset.done $0x0  }
0x66: {  	vm0 =	vle.f32 v21, $0.0e+00;
	s30 =	simm.s32 $0x0;
	vm1 =	vle.f32 v25, $0.0e+00;
	[sflag:s24] =	ssyncadd.s32 $0xFFFF8000  }
0x67: {  	v21 =	vsel vm0, $0x3F800000, v0;
	v26 =	vsel vm1, $0x3F800000, v0;
	v25 =	vld [tilespmem:s30+$0x30]  }
0x68: {  	vm14 =	vle.f32 v24, $0.0e+00;
	v18 =	vadd.f32 v21, v18;
	v24 =	vimm.f32 $0.0e+00;
	v29 =	vld [tilespmem:s30+$0x0]  }
0x69: {  	vm15 =	vle.f32 v23, $0.0e+00;
	v19 =	vadd.f32 v26, v19;
	v21 =	vsel vm14, $0x3F800000, v0;
	v28 =	vld [tilespmem:s30+$0x10]  }
0x6a: {  	v26 =	vimm.f32 $0.0e+00;
	v23 =	vsel vm15, $0x3F800000, v0;
	v21 =	vadd.f32 v21, v20;
	v27 =	vld [tilespmem:s30+$0x20]  }
0x6b: {  	s29 =	simm.s32 $0x100;
	v20 =	vadd.f32 v23, v22;
	v22 =	vimm.f32 $0.0e+00;
	v23 =	vimm.f32 $0.0e+00  }
.LBB2_12:
0x6c: {  	s30 =	sshra.s32 s29, $0x2;
	p0 =	sne.s32 s29, $0x1FF00;
	s29 =	sadd.s32 $0x100, s29;
	vm0 =	vle.f32 v25, $0.0e+00  }
.Ltmp5:
0x6d: {  	v25 =	vld [tilespmem:s30+$0x30];
	vm1 =	vle.f32 v29, $0.0e+00;
	v30 =	vsel vm0, $0x3F800000, v0;
	(pc) =	sbr.rel @p0 .LBB2_12-.Ltmp5, $4  }
0x6e: {  	v29 =	vld [tilespmem:s30+$0x0];
	v31 =	vsel vm1, $0x3F800000, v0;
	vm0 =	vle.f32 v28, $0.0e+00;
	v22 =	vadd.f32 v30, v22  }
0x6f: {  	v28 =	vld [tilespmem:s30+$0x10];
	v24 =	vadd.f32 v31, v24;
	v30 =	vsel vm0, $0x3F800000, v0;
	vm0 =	vle.f32 v27, $0.0e+00  }
0x70: {  	v27 =	vld [tilespmem:s30+$0x20];
	v23 =	vadd.f32 v30, v23;
	v30 =	vsel vm0, $0x3F800000, v0  }
0x71: {  	v26 =	vadd.f32 v30, v26  }
0x72: {  	s29 =	simm.s32 $0x0  }
0x73: {  	[tilespmem:s29], [sflag:$0x1] =	stream.linear.gather [hbm4b:s12+s29], $0x8000, $0x38;
	[tilespmem:$0x10080] =	vst v63  }
0x74: {  	_ =	swait.ge [sflag:s24], $0x8000  }
0x75: {  	[sflag:s24] =	ssyncset.done $0x0  }
0x76: {  	vm0 =	vle.f32 v25, $0.0e+00;
	s30 =	simm.s32 $0x0;
	vm1 =	vle.f32 v29, $0.0e+00;
	[sflag:s24] =	ssyncadd.s32 $0xFFFF8000  }
0x77: {  	v25 =	vsel vm0, $0x3F800000, v0;
	v29 =	vsel vm1, $0x3F800000, v0;
	v30 =	vld [tilespmem:s30+$0x30]  }
0x78: {  	vm14 =	vle.f32 v28, $0.0e+00;
	v22 =	vadd.f32 v25, v22;
	v28 =	vimm.f32 $0.0e+00;
	v33 =	vld [tilespmem:s30+$0x0]  }
0x79: {  	vm15 =	vle.f32 v27, $0.0e+00;
	v24 =	vadd.f32 v29, v24;
	v25 =	vsel vm14, $0x3F800000, v0;
	v32 =	vld [tilespmem:s30+$0x10]  }
0x7a: {  	v29 =	vimm.f32 $0.0e+00;
	v27 =	vsel vm15, $0x3F800000, v0;
	v25 =	vadd.f32 v25, v23;
	v31 =	vld [tilespmem:s30+$0x20]  }
0x7b: {  	s29 =	simm.s32 $0x100;
	v23 =	vadd.f32 v27, v26;
	v26 =	vimm.f32 $0.0e+00;
	v27 =	vimm.f32 $0.0e+00  }
.LBB2_14:
0x7c: {  	s30 =	sshra.s32 s29, $0x2;
	p0 =	sne.s32 s29, $0x1FF00;
	s29 =	sadd.s32 $0x100, s29;
	vm0 =	vle.f32 v30, $0.0e+00  }
.Ltmp6:
0x7d: {  	v30 =	vld [tilespmem:s30+$0x30];
	vm1 =	vle.f32 v33, $0.0e+00;
	v34 =	vsel vm0, $0x3F800000, v0;
	(pc) =	sbr.rel @p0 .LBB2_14-.Ltmp6, $4  }
0x7e: {  	v33 =	vld [tilespmem:s30+$0x0];
	v35 =	vsel vm1, $0x3F800000, v0;
	vm0 =	vle.f32 v32, $0.0e+00;
	v26 =	vadd.f32 v34, v26  }
0x7f: {  	v32 =	vld [tilespmem:s30+$0x10];
	v28 =	vadd.f32 v35, v28;
	v34 =	vsel vm0, $0x3F800000, v0;
	vm0 =	vle.f32 v31, $0.0e+00  }
0x80: {  	v31 =	vld [tilespmem:s30+$0x20];
	v27 =	vadd.f32 v34, v27;
	v34 =	vsel vm0, $0x3F800000, v0  }
0x81: {  	v29 =	vadd.f32 v34, v29  }
0x82: {  	s29 =	simm.s32 $0x0  }
0x83: {  	[tilespmem:s29], [sflag:$0x1] =	stream.linear.gather [hbm4b:s13+s29], $0x8000, $0x38;
	[tilespmem:$0x10080] =	vst v63  }
0x84: {  	_ =	swait.ge [sflag:s24], $0x8000  }
0x85: {  	vm0 =	vle.f32 v30, $0.0e+00;
	[sflag:s24] =	ssyncset.done $0x0  }
0x86: {  	s30 =	simm.s32 $0x0;
	v30 =	vsel vm0, $0x3F800000, v0;
	[sflag:s24] =	ssyncadd.s32 $0xFFFF8000  }
0x87: {  	vm1 =	vle.f32 v33, $0.0e+00;
	v26 =	vadd.f32 v30, v26;
	v30 =	vld [tilespmem:s30+$0x30]  }
0x88: {  	v36 =	vimm.f32 $0.0e+00;
	v33 =	vsel vm1, $0x3F800000, v0;
	vm14 =	vle.f32 v32, $0.0e+00;
	v37 =	vld [tilespmem:s30+$0x0]  }
0x89: {  	v32 =	vimm.f32 $0.0e+00;
	vm15 =	vle.f32 v31, $0.0e+00;
	v28 =	vadd.f32 v33, v28;
	v35 =	vld [tilespmem:s30+$0x10]  }
0x8a: {  	v31 =	vsel vm14, $0x3F800000, v0;
	v33 =	vimm.f32 $0.0e+00;
	v63 =	vsel vm15, $0x3F800000, v0;
	v34 =	vld [tilespmem:s30+$0x20]  }
0x8b: {  	s29 =	simm.s32 $0x100;
	v31 =	vadd.f32 v31, v27;
	v27 =	vimm.f32 $0.0e+00;
	v29 =	vadd.f32 v63, v29  }
.LBB2_16:
0x8c: {  	s30 =	sshra.s32 s29, $0x2;
	p0 =	sne.s32 s29, $0x1FF00;
	s29 =	sadd.s32 $0x100, s29;
	vm0 =	vle.f32 v30, $0.0e+00  }
.Ltmp7:
0x8d: {  	v30 =	vld [tilespmem:s30+$0x30];
	vm1 =	vle.f32 v37, $0.0e+00;
	v38 =	vsel vm0, $0x3F800000, v0;
	(pc) =	sbr.rel @p0 .LBB2_16-.Ltmp7, $4  }
0x8e: {  	v37 =	vld [tilespmem:s30+$0x0];
	v39 =	vsel vm1, $0x3F800000, v0;
	vm0 =	vle.f32 v35, $0.0e+00;
	v27 =	vadd.f32 v38, v27  }
0x8f: {  	v35 =	vld [tilespmem:s30+$0x10];
	v36 =	vadd.f32 v39, v36;
	v38 =	vsel vm0, $0x3F800000, v0;
	vm0 =	vle.f32 v34, $0.0e+00  }
0x90: {  	v34 =	vld [tilespmem:s30+$0x20];
	v33 =	vadd.f32 v38, v33;
	v38 =	vsel vm0, $0x3F800000, v0  }
0x91: {  	v32 =	vadd.f32 v38, v32  }
0x92: {  	v3 =	vadd.f32 v5, v3;
	v5 =	vadd.f32 v9, v7  }
0x93: {  	v7 =	vadd.f32 v25, v24  }
0x94: {  	v3 =	vadd.f32 v4, v3;
	v4 =	vadd.f32 v8, v5  }
0x95: {  	v5 =	vadd.f32 v13, v11;
	v7 =	vadd.f32 v23, v7  }
0x96: {  	v8 =	vadd.f32 v31, v28;
	v2 =	vadd.f32 v2, v3  }
0x97: {  	v3 =	vadd.f32 v6, v4;
	v4 =	vadd.f32 v12, v5  }
0x98: {  	v5 =	vadd.f32 v17, v15;
	v6 =	vadd.f32 v21, v19  }
0x99: {  	v8 =	vadd.f32 v29, v8;
	v2 =	vadd.f32 v3, v2  }
0x9a: {  	vm0 =	vle.f32 v37, $0.0e+00;
	v4 =	vadd.f32 v10, v4;
	v5 =	vadd.f32 v16, v5  }
0x9b: {  	v3 =	vsel vm0, $0x3F800000, v0;
	vm0 =	vle.f32 v35, $0.0e+00;
	v6 =	vadd.f32 v20, v6  }
0x9c: {  	v2 =	vadd.f32 v4, v2;
	v4 =	vadd.f32 v14, v5;
	v5 =	vsel vm0, $0x3F800000, v0  }
0x9d: {  	v3 =	vadd.f32 v3, v36;
	vm0 =	vle.f32 v34, $0.0e+00;
	v5 =	vadd.f32 v5, v33  }
0x9e: {  	v6 =	vadd.f32 v18, v6;
	v2 =	vadd.f32 v4, v2;
	v4 =	vsel vm0, $0x3F800000, v0  }
0x9f: {  	vm0 =	vle.f32 v30, $0.0e+00;
	v4 =	vadd.f32 v4, v32;
	v3 =	vadd.f32 v5, v3  }
0xa0: {  	v2 =	vadd.f32 v6, v2;
	v6 =	vadd.f32 v22, v7;
	v7 =	vsel vm0, $0x3F800000, v0  }
0xa1: {  	v5 =	vadd.f32 v7, v27;
	v3 =	vadd.f32 v4, v3  }
0xa2: {  	v2 =	vadd.f32 v6, v2;
	v6 =	vadd.f32 v26, v8;
	_ =	sdelay $0x1  }
0xa3: {  	v3 =	vadd.f32 v5, v3;
	v2 =	vadd.f32 v6, v2;
	_ =	sdelay $0x1  }
0xa4: {  	v2 =	vadd.f32 v3, v2;
	_ =	sdelay $0x1  }
0xa5: {  	(v2sf) =	vpush v2, $0x0  }
0xa6: {  	(v2sf) =	vpush v2, $0x1;
	_ =	sdelay $0x1  }
0xa7: {  	(v2sf) =	vpush v2, $0x2;
	_ =	sdelay $0x1  }
0xa8: {  	(v2sf) =	vpush v2, $0x3;
	_ =	sdelay $0x1  }
0xa9: {  	(v2sf) =	vpush v2, $0x4;
	_ =	sdelay $0x1  }
0xaa: {  	(v2sf) =	vpush v2, $0x5;
	_ =	sdelay $0x1  }
0xab: {  	(v2sf) =	vpush v2, $0x6;
	_ =	sdelay $0x1  }
0xac: {  	(v2sf) =	vpush v2, $0x7;
	_ =	sdelay $0x1  }
0xad: {  	s29 =	spop (v2sf);
	(v2sf) =	vpush v2, $0x8  }
0xae: {  	s30 =	spop (v2sf)  }
0xaf: {  	(v2sf) =	vpush v2, $0x9;
	s29 =	sadd.f32 s30, s29  }
0xb0: {  	s30 =	spop (v2sf)  }
0xb1: {  	(v2sf) =	vpush v2, $0xA;
	s29 =	sadd.f32 s29, s30  }
0xb2: {  	s30 =	spop (v2sf)  }
0xb3: {  	(v2sf) =	vpush v2, $0xB;
	s29 =	sadd.f32 s29, s30  }
0xb4: {  	s30 =	spop (v2sf)  }
0xb5: {  	(v2sf) =	vpush v2, $0xC;
	s29 =	sadd.f32 s29, s30  }
0xb6: {  	s30 =	spop (v2sf)  }
0xb7: {  	(v2sf) =	vpush v2, $0xD;
	s29 =	sadd.f32 s29, s30  }
0xb8: {  	s30 =	spop (v2sf)  }
0xb9: {  	(v2sf) =	vpush v2, $0xE;
	s29 =	sadd.f32 s29, s30  }
0xba: {  	s30 =	spop (v2sf)  }
0xbb: {  	(v2sf) =	vpush v2, $0xF;
	s29 =	sadd.f32 s29, s30  }
0xbc: {  	s30 =	spop (v2sf)  }
0xbd: {  	s29 =	sadd.f32 s29, s30  }
0xbe: {  	s30 =	spop (v2sf)  }
0xbf: {  	s29 =	sadd.f32 s29, s30  }
0xc0: {  	s30 =	spop (v2sf)  }
0xc1: {  	s29 =	sadd.f32 s29, s30  }
0xc2: {  	s30 =	spop (v2sf)  }
0xc3: {  	s29 =	sadd.f32 s29, s30  }
0xc4: {  	s30 =	spop (v2sf)  }
0xc5: {  	s29 =	sadd.f32 s29, s30  }
0xc6: {  	s30 =	spop (v2sf)  }
0xc7: {  	s29 =	sadd.f32 s29, s30  }
0xc8: {  	s30 =	spop (v2sf)  }
0xc9: {  	s29 =	sadd.f32 s29, s30  }
0xca: {  	s30 =	spop (v2sf)  }
0xcb: {  	s29 =	sadd.f32 s29, s30;
	_ =	sdelay $0x1  }
0xcc: {  	s29 =	scvt.f32.s32 s29;
	_ =	sdelay $0x1  }
0xcd: {  	s31 =	sadd.s32 $0x33333, s29  }
0xce: {  	p0 =	slt.s32 s31, $0x3FFFF  }
0xcf: {  	s31 =	simm.s32 @!p0 $0x3FFFF  }
0xd0: {  	s30 =	sadd.s32 s5, s31  }
0xd1: {  	s30 =	sshrl.u32 s30, $0x3  }
0xd2: {  	s0 =	sand.u32 $0x1FFFFFFE, s30  }
0xd3: {  	s30 =	simm.s32 $0x0;
	s1 =	sadd.s32 s3, s0  }
0xd4: {  	[tilespmem:s25], [sflag:$0x1] =	stream.linear.gather [hbm4b:s1+s30], $0x10, $0x38;
	[tilespmem:$0x10080] =	vst v63  }
0xd5: {  	_ =	swait.ge [sflag:s24], $0x10  }
0xd6: {  	[sflag:s24] =	ssyncset.done $0x0  }
0xd7: {  	s0 =	sadd.s32 s4, s0;
	[sflag:s24] =	ssyncadd.s32 $0xFFFFFFF0  }
0xd8: {  	[tilespmem:s30], [sflag:$0x1] =	stream.linear.gather [hbm4b:s0+s30], $0x10, $0x38;
	[tilespmem:$0x10080] =	vst v63  }
0xd9: {  	_ =	swait.ge [sflag:s24], $0x10  }
0xda: {  	[sflag:s24] =	ssyncset.done $0x0  }
0xdb: {  	[sflag:s24] =	ssyncadd.s32 $0xFFFFFFF0  }
0xdc: {  	v2 =	vld [tilespmem:$0x8000]  }
0xdd: {  	v3 =	vld [tilespmem:$0x0];
	_ =	sdelay $0x3  }
0xde: {  	s1 =	sand.u32 $0xF, s31  }
0xdf: {  	v4 =	vmov s1;
	v2 =	vsub.f32 v2, v3  }
0xe0: {  	vm1 =	veq.s32 v4, v1;
	vm0 =	vgt.f32 v3, $0.0e+00  }
0xe1: {  	vm0 =	vmand vm1, vm0;
	v2 =	vand.u32 $0x7FFFFFFF, v2  }
0xe2: {  	v2 =	vnsel vm0, $0x0, v2  }
0xe3: {  	(v2sf) =	vpush v2, $0x0  }
0xe4: {  	(v2sf) =	vpush v2, $0x1;
	_ =	sdelay $0x1  }
0xe5: {  	(v2sf) =	vpush v2, $0x2;
	_ =	sdelay $0x1  }
0xe6: {  	(v2sf) =	vpush v2, $0x3  }
0xe7: {  	(v2sf) =	vpush v2, $0x4  }
0xe8: {  	(v2sf) =	vpush v2, $0x5  }
0xe9: {  	(v2sf) =	vpush v2, $0x6  }
0xea: {  	(v2sf) =	vpush v2, $0x7  }
0xeb: {  	(v2sf) =	vpush v2, $0x8  }
0xec: {  	(v2sf) =	vpush v2, $0x9  }
0xed: {  	(v2sf) =	vpush v2, $0xA  }
0xee: {  	(v2sf) =	vpush v2, $0xB  }
0xef: {  	(v2sf) =	vpush v2, $0xC  }
0xf0: {  	(v2sf) =	vpush v2, $0xD;
	s2 =	spop (v2sf)  }
0xf1: {  	(v2sf) =	vpush v2, $0xE;
	s14 =	spop (v2sf)  }
0xf2: {  	(v2sf) =	vpush v2, $0xF;
	s0 =	sadd.f32 s14, s2  }
0xf3: {  	s15 =	spop (v2sf)  }
0xf4: {  	s0 =	sadd.f32 s0, s15  }
0xf5: {  	s31 =	spop (v2sf)  }
0xf6: {  	s16 =	spop (v2sf);
	s0 =	sadd.f32 s0, s31  }
0xf7: {  	s26 =	spop (v2sf)  }
0xf8: {  	s31 =	spop (v2sf);
	s0 =	sadd.f32 s0, s16  }
0xf9: {  	s2 =	spop (v2sf)  }
0xfa: {  	s17 =	spop (v2sf);
	s0 =	sadd.f32 s0, s26  }
0xfb: {  	s14 =	spop (v2sf)  }
0xfc: {  	s26 =	spop (v2sf);
	s0 =	sadd.f32 s0, s31  }
0xfd: {  	s15 =	spop (v2sf)  }
0xfe: {  	s31 =	spop (v2sf);
	s0 =	sadd.f32 s0, s2  }
0xff: {  	s16 =	spop (v2sf)  }
0x100: {  	s2 =	spop (v2sf);
	s0 =	sadd.f32 s0, s17  }
0x101: {  	s1 =	spop (v2sf);
	s17 =	rddreg [dreg:$0x2]  }
0x102: {  	[tilespmem:s25], [sflag:$0x1] =	stream.linear.gather [hbm4b:s17+s30], $0x8000, $0x38;
	[tilespmem:$0x10080] =	vst v63  }
0x103: {  	_ =	swait.ge [sflag:s24], $0x8000  }
0x104: {  	[sflag:s24] =	ssyncset.done $0x0  }
0x105: {  	s0 =	sadd.f32 s0, s14;
	[sflag:s24] =	ssyncadd.s32 $0xFFFF8000  }
0x106: {  	[tilespmem:s30], [sflag:$0x1] =	stream.linear.gather [hbm4b:s6+s30], $0x8000, $0x38;
	[tilespmem:$0x10080] =	vst v63  }
0x107: {  	_ =	swait.ge [sflag:s24], $0x8000  }
0x108: {  	s0 =	sadd.f32 s0, s26;
	[sflag:s24] =	ssyncset.done $0x0  }
0x109: {  	s26 =	simm.s32 $0x0;
	[sflag:s24] =	ssyncadd.s32 $0xFFFF8000  }
0x10a: {  	s0 =	sadd.f32 s0, s15;
	v2 =	vld [tilespmem:s26+$0x8030]  }
0x10b: {  	v3 =	vld [tilespmem:s26+$0x30]  }
0x10c: {  	s0 =	sadd.f32 s0, s31;
	v4 =	vld [tilespmem:s26+$0x8000]  }
0x10d: {  	v5 =	vld [tilespmem:s26+$0x0]  }
0x10e: {  	v7 =	vld [tilespmem:s26+$0x8010];
	s0 =	sadd.f32 s0, s16  }
0x10f: {  	v8 =	vld [tilespmem:s26+$0x10]  }
0x110: {  	s0 =	sadd.f32 s0, s2  }
0x111: {  	v9 =	vsub.f32 v2, v3  }
0x112: {  	v6 =	vimm.f32 $0.0e+00;
	v10 =	vld [tilespmem:s26+$0x20];
	s0 =	sadd.f32 s0, s1  }
0x113: {  	v4 =	vsub.f32 v4, v5;
	vm0 =	vgt.f32 v5, $0.0e+00;
	v12 =	vand.u32 $0x7FFFFFFF, v9;
	v9 =	vld [tilespmem:s26+$0x8020]  }
0x114: {  	vm1 =	vgt.f32 v3, $0.0e+00;
	v13 =	vsub.f32 v7, v8;
	v2 =	vmov s0  }
0x115: {  	s30 =	simm.s32 $0x40;
	v5 =	vimm.f32 $0.0e+00;
	v3 =	vimm.f32 $0.0e+00;
	vm2 =	vle.f32 v12, v2  }
0x116: {  	s31 =	simm.s32 $0x200;
	v7 =	vld [tilespmem:s30+$0x8030];
	v11 =	vand.u32 $0x7FFFFFFF, v4;
	v4 =	vimm.f32 $0.0e+00;
	vm1 =	vmand vm1, vm2  }
.LBB2_18:
0x117: {  	p0 =	sne.s32 s31, $0x1FF00;
	v14 =	vld [tilespmem:s30+$0x30];
	vm2 =	vle.f32 v11, v2;
	vm3 =	vgt.f32 v8, $0.0e+00;
	v8 =	vnsel vm1, $0x0, v12  }
0x118: {  	v12 =	vld [tilespmem:s30+$0x8000];
	v13 =	vand.u32 $0x7FFFFFFF, v13;
	v9 =	vsub.f32 v9, v10;
	v6 =	vadd.f32 v8, v6  }
0x119: {  	vm0 =	vmand vm0, vm2;
	vm2 =	vgt.f32 v10, $0.0e+00;
	v15 =	vld [tilespmem:s30+$0x0];
	vm1 =	vle.f32 v13, v2  }
0x11a: {  	v10 =	vnsel vm0, $0x0, v11;
	v16 =	vld [tilespmem:s30+$0x8010];
	vm0 =	vmand vm3, vm1;
	v11 =	vand.u32 $0x7FFFFFFF, v9  }
0x11b: {  	v4 =	vadd.f32 v10, v4;
	v8 =	vld [tilespmem:s30+$0x10];
	v10 =	vnsel vm0, $0x0, v13;
	vm0 =	vle.f32 v11, v2  }
.Ltmp8:
0x11c: {  	v9 =	vld [tilespmem:s30+$0x8020];
	v7 =	vsub.f32 v7, v14;
	v5 =	vadd.f32 v10, v5;
	vm0 =	vmand vm2, vm0;
	(pc) =	sbr.rel @p0 .LBB2_18-.Ltmp8, $4  }
0x11d: {  	v10 =	vld [tilespmem:s30+$0x20];
	v11 =	vnsel vm0, $0x0, v11  }
0x11e: {  	v13 =	vsub.f32 v12, v15;
	vm0 =	vgt.f32 v15, $0.0e+00;
	v12 =	vand.u32 $0x7FFFFFFF, v7  }
0x11f: {  	vm1 =	vgt.f32 v14, $0.0e+00;
	s30 =	sshra.s32 s31, $0x2;
	v3 =	vadd.f32 v11, v3;
	vm2 =	vle.f32 v12, v2  }
0x120: {  	s31 =	sadd.s32 $0x100, s31;
	v7 =	vld [tilespmem:s30+$0x8030];
	v11 =	vand.u32 $0x7FFFFFFF, v13;
	v13 =	vsub.f32 v16, v8;
	vm1 =	vmand vm1, vm2  }
0x121: {  	v14 =	vld [tilespmem:s30+$0x30]  }
0x122: {  	v15 =	vld [tilespmem:s30+$0x8000]  }
0x123: {  	v16 =	vld [tilespmem:s30+$0x0]  }
0x124: {  	v17 =	vld [tilespmem:s30+$0x8010]  }
0x125: {  	v18 =	vld [tilespmem:s30+$0x10]  }
0x126: {  	v19 =	vld [tilespmem:s30+$0x8020];
	s0 =	simm.s32 $0x0;
	s1 =	rddreg [dreg:$0x3]  }
0x127: {  	v12 =	vnsel vm1, $0x0, v12;
	v20 =	vld [tilespmem:s30+$0x20];
	[tilespmem:s25], [sflag:$0x1] =	stream.linear.gather [hbm4b:s1+s0], $0x8000, $0x38  }
0x128: {  	vm1 =	vgt.f32 v8, $0.0e+00;
	vm3 =	vle.f32 v11, v2;
	v6 =	vadd.f32 v12, v6;
	_ =	swait.ge [sflag:s24], $0x8000  }
0x129: {  	v8 =	vsub.f32 v9, v10;
	v9 =	vand.u32 $0x7FFFFFFF, v13;
	vm0 =	vmand vm0, vm3;
	[sflag:s24] =	ssyncset.done $0x0  }
0x12a: {  	vm2 =	vgt.f32 v10, $0.0e+00;
	vm3 =	vle.f32 v9, v2;
	v10 =	vnsel vm0, $0x0, v11;
	[sflag:s24] =	ssyncadd.s32 $0xFFFF8000  }
0x12b: {  	v8 =	vand.u32 $0x7FFFFFFF, v8;
	vm0 =	vmand vm1, vm3;
	v4 =	vadd.f32 v10, v4;
	[tilespmem:s0], [sflag:$0x1] =	stream.linear.gather [hbm4b:s7+s0], $0x8000, $0x38;
	[tilespmem:$0x10080] =	vst v63  }
0x12c: {  	vm1 =	vle.f32 v8, v2;
	v9 =	vnsel vm0, $0x0, v9;
	v7 =	vsub.f32 v7, v14;
	_ =	swait.ge [sflag:s24], $0x8000  }
0x12d: {  	vm0 =	vmand vm2, vm1;
	v5 =	vadd.f32 v9, v5;
	v9 =	vsub.f32 v15, v16;
	[sflag:s24] =	ssyncset.done $0x0  }
0x12e: {  	s26 =	simm.s32 $0x0;
	vm1 =	vgt.f32 v14, $0.0e+00;
	v11 =	vsub.f32 v19, v20;
	v8 =	vnsel vm0, $0x0, v8;
	[sflag:s24] =	ssyncadd.s32 $0xFFFF8000  }
0x12f: {  	vm3 =	vgt.f32 v20, $0.0e+00;
	v7 =	vand.u32 $0x7FFFFFFF, v7;
	v8 =	vadd.f32 v8, v3;
	v10 =	vld [tilespmem:s26+$0x8030]  }
0x130: {  	v9 =	vand.u32 $0x7FFFFFFF, v9;
	v3 =	vsub.f32 v17, v18;
	vm2 =	vle.f32 v7, v2;
	v14 =	vld [tilespmem:s26+$0x30]  }
0x131: {  	vm0 =	vgt.f32 v16, $0.0e+00;
	vm1 =	vmand vm1, vm2;
	vm2 =	vle.f32 v9, v2;
	v17 =	vld [tilespmem:s26+$0x8010]  }
0x132: {  	v13 =	vand.u32 $0x7FFFFFFF, v3;
	v12 =	vld [tilespmem:s26+$0x10];
	v7 =	vnsel vm1, $0x0, v7;
	vm1 =	vgt.f32 v18, $0.0e+00  }
0x133: {  	vm0 =	vmand vm0, vm2;
	v3 =	vadd.f32 v7, v6;
	v7 =	vld [tilespmem:s26+$0x8000];
	v6 =	vand.u32 $0x7FFFFFFF, v11  }
0x134: {  	vm2 =	vle.f32 v13, v2;
	v11 =	vld [tilespmem:s26+$0x0];
	v9 =	vnsel vm0, $0x0, v9;
	vm0 =	vle.f32 v6, v2  }
0x135: {  	vm1 =	vmand vm1, vm2;
	vm0 =	vmand vm3, vm0  }
0x136: {  	v4 =	vadd.f32 v9, v4;
	v9 =	vnsel vm1, $0x0, v13;
	v13 =	vnsel vm0, $0x0, v6  }
0x137: {  	v15 =	vsub.f32 v10, v14;
	v6 =	vadd.f32 v9, v5;
	vm1 =	vgt.f32 v14, $0.0e+00;
	v14 =	vld [tilespmem:s26+$0x20]  }
0x138: {  	v10 =	vimm.f32 $0.0e+00;
	v17 =	vsub.f32 v17, v12;
	v5 =	vadd.f32 v13, v8;
	v13 =	vld [tilespmem:s26+$0x8020]  }
0x139: {  	v9 =	vimm.f32 $0.0e+00;
	v7 =	vsub.f32 v7, v11;
	v16 =	vand.u32 $0x7FFFFFFF, v15  }
0x13a: {  	s30 =	simm.s32 $0x40;
	v8 =	vimm.f32 $0.0e+00;
	vm0 =	vgt.f32 v11, $0.0e+00;
	vm2 =	vle.f32 v16, v2  }
0x13b: {  	s31 =	simm.s32 $0x200;
	v11 =	vld [tilespmem:s30+$0x8030];
	v15 =	vand.u32 $0x7FFFFFFF, v7;
	vm1 =	vmand vm1, vm2;
	v7 =	vimm.f32 $0.0e+00  }
.LBB2_20:
0x13c: {  	p0 =	sne.s32 s31, $0x1FF00;
	v18 =	vld [tilespmem:s30+$0x30];
	vm2 =	vle.f32 v15, v2;
	vm3 =	vgt.f32 v12, $0.0e+00;
	v12 =	vnsel vm1, $0x0, v16  }
0x13d: {  	v16 =	vld [tilespmem:s30+$0x8000];
	v17 =	vand.u32 $0x7FFFFFFF, v17;
	v13 =	vsub.f32 v13, v14;
	v10 =	vadd.f32 v12, v10  }
0x13e: {  	vm0 =	vmand vm0, vm2;
	vm2 =	vgt.f32 v14, $0.0e+00;
	v19 =	vld [tilespmem:s30+$0x0];
	vm1 =	vle.f32 v17, v2  }
0x13f: {  	v14 =	vnsel vm0, $0x0, v15;
	v20 =	vld [tilespmem:s30+$0x8010];
	vm0 =	vmand vm3, vm1;
	v15 =	vand.u32 $0x7FFFFFFF, v13  }
0x140: {  	v8 =	vadd.f32 v14, v8;
	v12 =	vld [tilespmem:s30+$0x10];
	v14 =	vnsel vm0, $0x0, v17;
	vm0 =	vle.f32 v15, v2  }
.Ltmp9:
0x141: {  	v13 =	vld [tilespmem:s30+$0x8020];
	v11 =	vsub.f32 v11, v18;
	v9 =	vadd.f32 v14, v9;
	vm0 =	vmand vm2, vm0;
	(pc) =	sbr.rel @p0 .LBB2_20-.Ltmp9, $4  }
0x142: {  	v14 =	vld [tilespmem:s30+$0x20];
	v15 =	vnsel vm0, $0x0, v15  }
0x143: {  	v17 =	vsub.f32 v16, v19;
	vm0 =	vgt.f32 v19, $0.0e+00;
	v16 =	vand.u32 $0x7FFFFFFF, v11  }
0x144: {  	vm1 =	vgt.f32 v18, $0.0e+00;
	s30 =	sshra.s32 s31, $0x2;
	v7 =	vadd.f32 v15, v7;
	vm2 =	vle.f32 v16, v2  }
0x145: {  	s31 =	sadd.s32 $0x100, s31;
	v11 =	vld [tilespmem:s30+$0x8030];
	v15 =	vand.u32 $0x7FFFFFFF, v17;
	v17 =	vsub.f32 v20, v12;
	vm1 =	vmand vm1, vm2  }
0x146: {  	v18 =	vld [tilespmem:s30+$0x30]  }
0x147: {  	v19 =	vld [tilespmem:s30+$0x8000]  }
0x148: {  	v20 =	vld [tilespmem:s30+$0x0]  }
0x149: {  	v21 =	vld [tilespmem:s30+$0x8010]  }
0x14a: {  	v22 =	vld [tilespmem:s30+$0x10]  }
0x14b: {  	v23 =	vld [tilespmem:s30+$0x8020];
	s0 =	simm.s32 $0x0;
	s1 =	rddreg [dreg:$0x4]  }
0x14c: {  	v16 =	vnsel vm1, $0x0, v16;
	v24 =	vld [tilespmem:s30+$0x20];
	[tilespmem:s25], [sflag:$0x1] =	stream.linear.gather [hbm4b:s1+s0], $0x8000, $0x38  }
0x14d: {  	vm1 =	vgt.f32 v12, $0.0e+00;
	vm3 =	vle.f32 v15, v2;
	v10 =	vadd.f32 v16, v10;
	_ =	swait.ge [sflag:s24], $0x8000  }
0x14e: {  	v12 =	vsub.f32 v13, v14;
	v13 =	vand.u32 $0x7FFFFFFF, v17;
	vm0 =	vmand vm0, vm3;
	[sflag:s24] =	ssyncset.done $0x0  }
0x14f: {  	vm2 =	vgt.f32 v14, $0.0e+00;
	vm3 =	vle.f32 v13, v2;
	v14 =	vnsel vm0, $0x0, v15;
	[sflag:s24] =	ssyncadd.s32 $0xFFFF8000  }
0x150: {  	v12 =	vand.u32 $0x7FFFFFFF, v12;
	vm0 =	vmand vm1, vm3;
	v8 =	vadd.f32 v14, v8;
	[tilespmem:s0], [sflag:$0x1] =	stream.linear.gather [hbm4b:s8+s0], $0x8000, $0x38;
	[tilespmem:$0x10080] =	vst v63  }
0x151: {  	vm1 =	vle.f32 v12, v2;
	v13 =	vnsel vm0, $0x0, v13;
	v11 =	vsub.f32 v11, v18;
	_ =	swait.ge [sflag:s24], $0x8000  }
0x152: {  	vm0 =	vmand vm2, vm1;
	v9 =	vadd.f32 v13, v9;
	v13 =	vsub.f32 v19, v20;
	[sflag:s24] =	ssyncset.done $0x0  }
0x153: {  	s26 =	simm.s32 $0x0;
	vm1 =	vgt.f32 v18, $0.0e+00;
	v15 =	vsub.f32 v23, v24;
	v12 =	vnsel vm0, $0x0, v12;
	[sflag:s24] =	ssyncadd.s32 $0xFFFF8000  }
0x154: {  	vm3 =	vgt.f32 v24, $0.0e+00;
	v11 =	vand.u32 $0x7FFFFFFF, v11;
	v12 =	vadd.f32 v12, v7;
	v14 =	vld [tilespmem:s26+$0x8030]  }
0x155: {  	v13 =	vand.u32 $0x7FFFFFFF, v13;
	v7 =	vsub.f32 v21, v22;
	vm2 =	vle.f32 v11, v2;
	v18 =	vld [tilespmem:s26+$0x30]  }
0x156: {  	vm0 =	vgt.f32 v20, $0.0e+00;
	vm1 =	vmand vm1, vm2;
	vm2 =	vle.f32 v13, v2;
	v21 =	vld [tilespmem:s26+$0x8010]  }
0x157: {  	v17 =	vand.u32 $0x7FFFFFFF, v7;
	v16 =	vld [tilespmem:s26+$0x10];
	v11 =	vnsel vm1, $0x0, v11;
	vm1 =	vgt.f32 v22, $0.0e+00  }
0x158: {  	vm0 =	vmand vm0, vm2;
	v7 =	vadd.f32 v11, v10;
	v11 =	vld [tilespmem:s26+$0x8000];
	v10 =	vand.u32 $0x7FFFFFFF, v15  }
0x159: {  	vm2 =	vle.f32 v17, v2;
	v15 =	vld [tilespmem:s26+$0x0];
	v13 =	vnsel vm0, $0x0, v13;
	vm0 =	vle.f32 v10, v2  }
0x15a: {  	vm1 =	vmand vm1, vm2;
	vm0 =	vmand vm3, vm0  }
0x15b: {  	v8 =	vadd.f32 v13, v8;
	v13 =	vnsel vm1, $0x0, v17;
	v17 =	vnsel vm0, $0x0, v10  }
0x15c: {  	v19 =	vsub.f32 v14, v18;
	v10 =	vadd.f32 v13, v9;
	vm1 =	vgt.f32 v18, $0.0e+00;
	v18 =	vld [tilespmem:s26+$0x20]  }
0x15d: {  	v14 =	vimm.f32 $0.0e+00;
	v21 =	vsub.f32 v21, v16;
	v9 =	vadd.f32 v17, v12;
	v17 =	vld [tilespmem:s26+$0x8020]  }
0x15e: {  	v13 =	vimm.f32 $0.0e+00;
	v11 =	vsub.f32 v11, v15;
	v20 =	vand.u32 $0x7FFFFFFF, v19  }
0x15f: {  	s30 =	simm.s32 $0x40;
	v12 =	vimm.f32 $0.0e+00;
	vm0 =	vgt.f32 v15, $0.0e+00;
	vm2 =	vle.f32 v20, v2  }
0x160: {  	s31 =	simm.s32 $0x200;
	v15 =	vld [tilespmem:s30+$0x8030];
	v19 =	vand.u32 $0x7FFFFFFF, v11;
	vm1 =	vmand vm1, vm2;
	v11 =	vimm.f32 $0.0e+00  }
.LBB2_22:
0x161: {  	p0 =	sne.s32 s31, $0x1FF00;
	v22 =	vld [tilespmem:s30+$0x30];
	vm2 =	vle.f32 v19, v2;
	vm3 =	vgt.f32 v16, $0.0e+00;
	v16 =	vnsel vm1, $0x0, v20  }
0x162: {  	v20 =	vld [tilespmem:s30+$0x8000];
	v21 =	vand.u32 $0x7FFFFFFF, v21;
	v17 =	vsub.f32 v17, v18;
	v14 =	vadd.f32 v16, v14  }
0x163: {  	vm0 =	vmand vm0, vm2;
	vm2 =	vgt.f32 v18, $0.0e+00;
	v23 =	vld [tilespmem:s30+$0x0];
	vm1 =	vle.f32 v21, v2  }
0x164: {  	v18 =	vnsel vm0, $0x0, v19;
	v24 =	vld [tilespmem:s30+$0x8010];
	vm0 =	vmand vm3, vm1;
	v19 =	vand.u32 $0x7FFFFFFF, v17  }
0x165: {  	v12 =	vadd.f32 v18, v12;
	v16 =	vld [tilespmem:s30+$0x10];
	v18 =	vnsel vm0, $0x0, v21;
	vm0 =	vle.f32 v19, v2  }
.Ltmp10:
0x166: {  	v17 =	vld [tilespmem:s30+$0x8020];
	v15 =	vsub.f32 v15, v22;
	v13 =	vadd.f32 v18, v13;
	vm0 =	vmand vm2, vm0;
	(pc) =	sbr.rel @p0 .LBB2_22-.Ltmp10, $4  }
0x167: {  	v18 =	vld [tilespmem:s30+$0x20];
	v19 =	vnsel vm0, $0x0, v19  }
0x168: {  	v21 =	vsub.f32 v20, v23;
	vm0 =	vgt.f32 v23, $0.0e+00;
	v20 =	vand.u32 $0x7FFFFFFF, v15  }
0x169: {  	vm1 =	vgt.f32 v22, $0.0e+00;
	s30 =	sshra.s32 s31, $0x2;
	v11 =	vadd.f32 v19, v11;
	vm2 =	vle.f32 v20, v2  }
0x16a: {  	s31 =	sadd.s32 $0x100, s31;
	v15 =	vld [tilespmem:s30+$0x8030];
	v19 =	vand.u32 $0x7FFFFFFF, v21;
	v21 =	vsub.f32 v24, v16;
	vm1 =	vmand vm1, vm2  }
0x16b: {  	v22 =	vld [tilespmem:s30+$0x30]  }
0x16c: {  	v23 =	vld [tilespmem:s30+$0x8000]  }
0x16d: {  	v24 =	vld [tilespmem:s30+$0x0]  }
0x16e: {  	v25 =	vld [tilespmem:s30+$0x8010]  }
0x16f: {  	v26 =	vld [tilespmem:s30+$0x10]  }
0x170: {  	v27 =	vld [tilespmem:s30+$0x8020];
	s0 =	simm.s32 $0x0;
	s1 =	rddreg [dreg:$0x5]  }
0x171: {  	v20 =	vnsel vm1, $0x0, v20;
	v28 =	vld [tilespmem:s30+$0x20];
	[tilespmem:s25], [sflag:$0x1] =	stream.linear.gather [hbm4b:s1+s0], $0x8000, $0x38  }
0x172: {  	vm1 =	vgt.f32 v16, $0.0e+00;
	vm3 =	vle.f32 v19, v2;
	v14 =	vadd.f32 v20, v14;
	_ =	swait.ge [sflag:s24], $0x8000  }
0x173: {  	v16 =	vsub.f32 v17, v18;
	v17 =	vand.u32 $0x7FFFFFFF, v21;
	vm0 =	vmand vm0, vm3;
	[sflag:s24] =	ssyncset.done $0x0  }
0x174: {  	vm2 =	vgt.f32 v18, $0.0e+00;
	vm3 =	vle.f32 v17, v2;
	v18 =	vnsel vm0, $0x0, v19;
	[sflag:s24] =	ssyncadd.s32 $0xFFFF8000  }
0x175: {  	v16 =	vand.u32 $0x7FFFFFFF, v16;
	vm0 =	vmand vm1, vm3;
	v12 =	vadd.f32 v18, v12;
	[tilespmem:s0], [sflag:$0x1] =	stream.linear.gather [hbm4b:s9+s0], $0x8000, $0x38;
	[tilespmem:$0x10080] =	vst v63  }
0x176: {  	vm1 =	vle.f32 v16, v2;
	v17 =	vnsel vm0, $0x0, v17;
	v15 =	vsub.f32 v15, v22;
	_ =	swait.ge [sflag:s24], $0x8000  }
0x177: {  	vm0 =	vmand vm2, vm1;
	v13 =	vadd.f32 v17, v13;
	v17 =	vsub.f32 v23, v24;
	[sflag:s24] =	ssyncset.done $0x0  }
0x178: {  	s26 =	simm.s32 $0x0;
	vm1 =	vgt.f32 v22, $0.0e+00;
	v19 =	vsub.f32 v27, v28;
	v16 =	vnsel vm0, $0x0, v16;
	[sflag:s24] =	ssyncadd.s32 $0xFFFF8000  }
0x179: {  	vm3 =	vgt.f32 v28, $0.0e+00;
	v15 =	vand.u32 $0x7FFFFFFF, v15;
	v16 =	vadd.f32 v16, v11;
	v18 =	vld [tilespmem:s26+$0x8030]  }
0x17a: {  	v17 =	vand.u32 $0x7FFFFFFF, v17;
	v11 =	vsub.f32 v25, v26;
	vm2 =	vle.f32 v15, v2;
	v22 =	vld [tilespmem:s26+$0x30]  }
0x17b: {  	vm0 =	vgt.f32 v24, $0.0e+00;
	vm1 =	vmand vm1, vm2;
	vm2 =	vle.f32 v17, v2;
	v25 =	vld [tilespmem:s26+$0x8010]  }
0x17c: {  	v21 =	vand.u32 $0x7FFFFFFF, v11;
	v20 =	vld [tilespmem:s26+$0x10];
	v15 =	vnsel vm1, $0x0, v15;
	vm1 =	vgt.f32 v26, $0.0e+00  }
0x17d: {  	vm0 =	vmand vm0, vm2;
	v11 =	vadd.f32 v15, v14;
	v15 =	vld [tilespmem:s26+$0x8000];
	v14 =	vand.u32 $0x7FFFFFFF, v19  }
0x17e: {  	vm2 =	vle.f32 v21, v2;
	v19 =	vld [tilespmem:s26+$0x0];
	v17 =	vnsel vm0, $0x0, v17;
	vm0 =	vle.f32 v14, v2  }
0x17f: {  	vm1 =	vmand vm1, vm2;
	vm0 =	vmand vm3, vm0  }
0x180: {  	v12 =	vadd.f32 v17, v12;
	v17 =	vnsel vm1, $0x0, v21;
	v21 =	vnsel vm0, $0x0, v14  }
0x181: {  	v23 =	vsub.f32 v18, v22;
	v14 =	vadd.f32 v17, v13;
	vm1 =	vgt.f32 v22, $0.0e+00;
	v22 =	vld [tilespmem:s26+$0x20]  }
0x182: {  	v18 =	vimm.f32 $0.0e+00;
	v25 =	vsub.f32 v25, v20;
	v13 =	vadd.f32 v21, v16;
	v21 =	vld [tilespmem:s26+$0x8020]  }
0x183: {  	v17 =	vimm.f32 $0.0e+00;
	v15 =	vsub.f32 v15, v19;
	v24 =	vand.u32 $0x7FFFFFFF, v23  }
0x184: {  	s30 =	simm.s32 $0x40;
	v16 =	vimm.f32 $0.0e+00;
	vm0 =	vgt.f32 v19, $0.0e+00;
	vm2 =	vle.f32 v24, v2  }
0x185: {  	s31 =	simm.s32 $0x200;
	v19 =	vld [tilespmem:s30+$0x8030];
	v23 =	vand.u32 $0x7FFFFFFF, v15;
	vm1 =	vmand vm1, vm2;
	v15 =	vimm.f32 $0.0e+00  }
.LBB2_24:
0x186: {  	p0 =	sne.s32 s31, $0x1FF00;
	v26 =	vld [tilespmem:s30+$0x30];
	vm2 =	vle.f32 v23, v2;
	vm3 =	vgt.f32 v20, $0.0e+00;
	v20 =	vnsel vm1, $0x0, v24  }
0x187: {  	v24 =	vld [tilespmem:s30+$0x8000];
	v25 =	vand.u32 $0x7FFFFFFF, v25;
	v21 =	vsub.f32 v21, v22;
	v18 =	vadd.f32 v20, v18  }
0x188: {  	vm0 =	vmand vm0, vm2;
	vm2 =	vgt.f32 v22, $0.0e+00;
	v27 =	vld [tilespmem:s30+$0x0];
	vm1 =	vle.f32 v25, v2  }
0x189: {  	v22 =	vnsel vm0, $0x0, v23;
	v28 =	vld [tilespmem:s30+$0x8010];
	vm0 =	vmand vm3, vm1;
	v23 =	vand.u32 $0x7FFFFFFF, v21  }
0x18a: {  	v16 =	vadd.f32 v22, v16;
	v20 =	vld [tilespmem:s30+$0x10];
	v22 =	vnsel vm0, $0x0, v25;
	vm0 =	vle.f32 v23, v2  }
.Ltmp11:
0x18b: {  	v21 =	vld [tilespmem:s30+$0x8020];
	v19 =	vsub.f32 v19, v26;
	v17 =	vadd.f32 v22, v17;
	vm0 =	vmand vm2, vm0;
	(pc) =	sbr.rel @p0 .LBB2_24-.Ltmp11, $4  }
0x18c: {  	v22 =	vld [tilespmem:s30+$0x20];
	v23 =	vnsel vm0, $0x0, v23  }
0x18d: {  	v25 =	vsub.f32 v24, v27;
	vm0 =	vgt.f32 v27, $0.0e+00;
	v24 =	vand.u32 $0x7FFFFFFF, v19  }
0x18e: {  	vm1 =	vgt.f32 v26, $0.0e+00;
	s30 =	sshra.s32 s31, $0x2;
	v15 =	vadd.f32 v23, v15;
	vm2 =	vle.f32 v24, v2  }
0x18f: {  	s31 =	sadd.s32 $0x100, s31;
	v19 =	vld [tilespmem:s30+$0x8030];
	v23 =	vand.u32 $0x7FFFFFFF, v25;
	v25 =	vsub.f32 v28, v20;
	vm1 =	vmand vm1, vm2  }
0x190: {  	v26 =	vld [tilespmem:s30+$0x30]  }
0x191: {  	v27 =	vld [tilespmem:s30+$0x8000]  }
0x192: {  	v28 =	vld [tilespmem:s30+$0x0]  }
0x193: {  	v29 =	vld [tilespmem:s30+$0x8010]  }
0x194: {  	v30 =	vld [tilespmem:s30+$0x10]  }
0x195: {  	v31 =	vld [tilespmem:s30+$0x8020];
	s0 =	simm.s32 $0x0  }
0x196: {  	v24 =	vnsel vm1, $0x0, v24;
	v32 =	vld [tilespmem:s30+$0x20];
	[tilespmem:s25], [sflag:$0x1] =	stream.linear.gather [hbm4b:s18+s0], $0x8000, $0x38  }
0x197: {  	vm1 =	vgt.f32 v20, $0.0e+00;
	vm3 =	vle.f32 v23, v2;
	v18 =	vadd.f32 v24, v18;
	_ =	swait.ge [sflag:s24], $0x8000  }
0x198: {  	v20 =	vsub.f32 v21, v22;
	v21 =	vand.u32 $0x7FFFFFFF, v25;
	vm0 =	vmand vm0, vm3;
	[sflag:s24] =	ssyncset.done $0x0  }
0x199: {  	vm2 =	vgt.f32 v22, $0.0e+00;
	vm3 =	vle.f32 v21, v2;
	v22 =	vnsel vm0, $0x0, v23;
	[sflag:s24] =	ssyncadd.s32 $0xFFFF8000  }
0x19a: {  	v20 =	vand.u32 $0x7FFFFFFF, v20;
	vm0 =	vmand vm1, vm3;
	v16 =	vadd.f32 v22, v16;
	[tilespmem:s0], [sflag:$0x1] =	stream.linear.gather [hbm4b:s10+s0], $0x8000, $0x38;
	[tilespmem:$0x10080] =	vst v63  }
0x19b: {  	vm1 =	vle.f32 v20, v2;
	v21 =	vnsel vm0, $0x0, v21;
	v19 =	vsub.f32 v19, v26;
	_ =	swait.ge [sflag:s24], $0x8000  }
0x19c: {  	vm0 =	vmand vm2, vm1;
	v17 =	vadd.f32 v21, v17;
	v21 =	vsub.f32 v27, v28;
	[sflag:s24] =	ssyncset.done $0x0  }
0x19d: {  	s26 =	simm.s32 $0x0;
	vm1 =	vgt.f32 v26, $0.0e+00;
	v23 =	vsub.f32 v31, v32;
	v20 =	vnsel vm0, $0x0, v20;
	[sflag:s24] =	ssyncadd.s32 $0xFFFF8000  }
0x19e: {  	vm3 =	vgt.f32 v32, $0.0e+00;
	v19 =	vand.u32 $0x7FFFFFFF, v19;
	v20 =	vadd.f32 v20, v15;
	v22 =	vld [tilespmem:s26+$0x8030]  }
0x19f: {  	v21 =	vand.u32 $0x7FFFFFFF, v21;
	v15 =	vsub.f32 v29, v30;
	vm2 =	vle.f32 v19, v2;
	v26 =	vld [tilespmem:s26+$0x30]  }
0x1a0: {  	vm0 =	vgt.f32 v28, $0.0e+00;
	vm1 =	vmand vm1, vm2;
	vm2 =	vle.f32 v21, v2;
	v29 =	vld [tilespmem:s26+$0x8010]  }
0x1a1: {  	v25 =	vand.u32 $0x7FFFFFFF, v15;
	v24 =	vld [tilespmem:s26+$0x10];
	v19 =	vnsel vm1, $0x0, v19;
	vm1 =	vgt.f32 v30, $0.0e+00  }
0x1a2: {  	vm0 =	vmand vm0, vm2;
	v15 =	vadd.f32 v19, v18;
	v19 =	vld [tilespmem:s26+$0x8000];
	v18 =	vand.u32 $0x7FFFFFFF, v23  }
0x1a3: {  	vm2 =	vle.f32 v25, v2;
	v23 =	vld [tilespmem:s26+$0x0];
	v21 =	vnsel vm0, $0x0, v21;
	vm0 =	vle.f32 v18, v2  }
0x1a4: {  	vm1 =	vmand vm1, vm2;
	vm0 =	vmand vm3, vm0  }
0x1a5: {  	v16 =	vadd.f32 v21, v16;
	v21 =	vnsel vm1, $0x0, v25;
	v25 =	vnsel vm0, $0x0, v18  }
0x1a6: {  	v27 =	vsub.f32 v22, v26;
	v18 =	vadd.f32 v21, v17;
	vm1 =	vgt.f32 v26, $0.0e+00;
	v26 =	vld [tilespmem:s26+$0x20]  }
0x1a7: {  	v22 =	vimm.f32 $0.0e+00;
	v29 =	vsub.f32 v29, v24;
	v17 =	vadd.f32 v25, v20;
	v25 =	vld [tilespmem:s26+$0x8020]  }
0x1a8: {  	v21 =	vimm.f32 $0.0e+00;
	v19 =	vsub.f32 v19, v23;
	v28 =	vand.u32 $0x7FFFFFFF, v27  }
0x1a9: {  	s30 =	simm.s32 $0x40;
	v20 =	vimm.f32 $0.0e+00;
	vm0 =	vgt.f32 v23, $0.0e+00;
	vm2 =	vle.f32 v28, v2  }
0x1aa: {  	s31 =	simm.s32 $0x200;
	v23 =	vld [tilespmem:s30+$0x8030];
	v27 =	vand.u32 $0x7FFFFFFF, v19;
	vm1 =	vmand vm1, vm2;
	v19 =	vimm.f32 $0.0e+00  }
.LBB2_26:
0x1ab: {  	p0 =	sne.s32 s31, $0x1FF00;
	v30 =	vld [tilespmem:s30+$0x30];
	vm2 =	vle.f32 v27, v2;
	vm3 =	vgt.f32 v24, $0.0e+00;
	v24 =	vnsel vm1, $0x0, v28  }
0x1ac: {  	v28 =	vld [tilespmem:s30+$0x8000];
	v29 =	vand.u32 $0x7FFFFFFF, v29;
	v25 =	vsub.f32 v25, v26;
	v22 =	vadd.f32 v24, v22  }
0x1ad: {  	vm0 =	vmand vm0, vm2;
	vm2 =	vgt.f32 v26, $0.0e+00;
	v31 =	vld [tilespmem:s30+$0x0];
	vm1 =	vle.f32 v29, v2  }
0x1ae: {  	v26 =	vnsel vm0, $0x0, v27;
	v32 =	vld [tilespmem:s30+$0x8010];
	vm0 =	vmand vm3, vm1;
	v27 =	vand.u32 $0x7FFFFFFF, v25  }
0x1af: {  	v20 =	vadd.f32 v26, v20;
	v24 =	vld [tilespmem:s30+$0x10];
	v26 =	vnsel vm0, $0x0, v29;
	vm0 =	vle.f32 v27, v2  }
.Ltmp12:
0x1b0: {  	v25 =	vld [tilespmem:s30+$0x8020];
	v23 =	vsub.f32 v23, v30;
	v21 =	vadd.f32 v26, v21;
	vm0 =	vmand vm2, vm0;
	(pc) =	sbr.rel @p0 .LBB2_26-.Ltmp12, $4  }
0x1b1: {  	v26 =	vld [tilespmem:s30+$0x20];
	v27 =	vnsel vm0, $0x0, v27  }
0x1b2: {  	v29 =	vsub.f32 v28, v31;
	vm0 =	vgt.f32 v31, $0.0e+00;
	v28 =	vand.u32 $0x7FFFFFFF, v23  }
0x1b3: {  	vm1 =	vgt.f32 v30, $0.0e+00;
	s30 =	sshra.s32 s31, $0x2;
	v19 =	vadd.f32 v27, v19;
	vm2 =	vle.f32 v28, v2  }
0x1b4: {  	s31 =	sadd.s32 $0x100, s31;
	v23 =	vld [tilespmem:s30+$0x8030];
	v27 =	vand.u32 $0x7FFFFFFF, v29;
	v29 =	vsub.f32 v32, v24;
	vm1 =	vmand vm1, vm2  }
0x1b5: {  	v30 =	vld [tilespmem:s30+$0x30]  }
0x1b6: {  	v31 =	vld [tilespmem:s30+$0x8000]  }
0x1b7: {  	v32 =	vld [tilespmem:s30+$0x0]  }
0x1b8: {  	v33 =	vld [tilespmem:s30+$0x8010]  }
0x1b9: {  	v34 =	vld [tilespmem:s30+$0x10]  }
0x1ba: {  	v35 =	vld [tilespmem:s30+$0x8020];
	s0 =	simm.s32 $0x0  }
0x1bb: {  	v28 =	vnsel vm1, $0x0, v28;
	v36 =	vld [tilespmem:s30+$0x20];
	[tilespmem:s25], [sflag:$0x1] =	stream.linear.gather [hbm4b:s19+s0], $0x8000, $0x38  }
0x1bc: {  	vm1 =	vgt.f32 v24, $0.0e+00;
	vm3 =	vle.f32 v27, v2;
	v22 =	vadd.f32 v28, v22;
	_ =	swait.ge [sflag:s24], $0x8000  }
0x1bd: {  	v24 =	vsub.f32 v25, v26;
	v25 =	vand.u32 $0x7FFFFFFF, v29;
	vm0 =	vmand vm0, vm3;
	[sflag:s24] =	ssyncset.done $0x0  }
0x1be: {  	vm2 =	vgt.f32 v26, $0.0e+00;
	vm3 =	vle.f32 v25, v2;
	v26 =	vnsel vm0, $0x0, v27;
	[sflag:s24] =	ssyncadd.s32 $0xFFFF8000  }
0x1bf: {  	v24 =	vand.u32 $0x7FFFFFFF, v24;
	vm0 =	vmand vm1, vm3;
	v20 =	vadd.f32 v26, v20;
	[tilespmem:s0], [sflag:$0x1] =	stream.linear.gather [hbm4b:s11+s0], $0x8000, $0x38;
	[tilespmem:$0x10080] =	vst v63  }
0x1c0: {  	vm1 =	vle.f32 v24, v2;
	v25 =	vnsel vm0, $0x0, v25;
	v23 =	vsub.f32 v23, v30;
	_ =	swait.ge [sflag:s24], $0x8000  }
0x1c1: {  	vm0 =	vmand vm2, vm1;
	v21 =	vadd.f32 v25, v21;
	v25 =	vsub.f32 v31, v32;
	[sflag:s24] =	ssyncset.done $0x0  }
0x1c2: {  	s26 =	simm.s32 $0x0;
	vm1 =	vgt.f32 v30, $0.0e+00;
	v27 =	vsub.f32 v35, v36;
	v24 =	vnsel vm0, $0x0, v24;
	[sflag:s24] =	ssyncadd.s32 $0xFFFF8000  }
0x1c3: {  	vm3 =	vgt.f32 v36, $0.0e+00;
	v23 =	vand.u32 $0x7FFFFFFF, v23;
	v24 =	vadd.f32 v24, v19;
	v26 =	vld [tilespmem:s26+$0x8030]  }
0x1c4: {  	v25 =	vand.u32 $0x7FFFFFFF, v25;
	v19 =	vsub.f32 v33, v34;
	vm2 =	vle.f32 v23, v2;
	v30 =	vld [tilespmem:s26+$0x30]  }
0x1c5: {  	vm0 =	vgt.f32 v32, $0.0e+00;
	vm1 =	vmand vm1, vm2;
	vm2 =	vle.f32 v25, v2;
	v63 =	vld [tilespmem:s26+$0x8010]  }
0x1c6: {  	v29 =	vand.u32 $0x7FFFFFFF, v19;
	v28 =	vld [tilespmem:s26+$0x10];
	v23 =	vnsel vm1, $0x0, v23;
	vm1 =	vgt.f32 v34, $0.0e+00  }
0x1c7: {  	vm0 =	vmand vm0, vm2;
	v19 =	vadd.f32 v23, v22;
	v23 =	vld [tilespmem:s26+$0x8000];
	v22 =	vand.u32 $0x7FFFFFFF, v27  }
0x1c8: {  	vm2 =	vle.f32 v29, v2;
	v27 =	vld [tilespmem:s26+$0x0];
	v25 =	vnsel vm0, $0x0, v25;
	vm0 =	vle.f32 v22, v2  }
0x1c9: {  	vm1 =	vmand vm1, vm2;
	vm0 =	vmand vm3, vm0  }
0x1ca: {  	v20 =	vadd.f32 v25, v20;
	v25 =	vnsel vm1, $0x0, v29;
	v29 =	vnsel vm0, $0x0, v22  }
0x1cb: {  	v31 =	vsub.f32 v26, v30;
	v22 =	vadd.f32 v25, v21;
	vm1 =	vgt.f32 v30, $0.0e+00;
	v30 =	vld [tilespmem:s26+$0x20]  }
0x1cc: {  	v26 =	vimm.f32 $0.0e+00;
	v33 =	vsub.f32 v63, v28;
	v21 =	vadd.f32 v29, v24;
	v29 =	vld [tilespmem:s26+$0x8020]  }
0x1cd: {  	v25 =	vimm.f32 $0.0e+00;
	v23 =	vsub.f32 v23, v27;
	v32 =	vand.u32 $0x7FFFFFFF, v31  }
0x1ce: {  	s30 =	simm.s32 $0x40;
	v24 =	vimm.f32 $0.0e+00;
	vm0 =	vgt.f32 v27, $0.0e+00;
	vm2 =	vle.f32 v32, v2  }
0x1cf: {  	s31 =	simm.s32 $0x200;
	v27 =	vld [tilespmem:s30+$0x8030];
	v31 =	vand.u32 $0x7FFFFFFF, v23;
	vm1 =	vmand vm1, vm2;
	v23 =	vimm.f32 $0.0e+00  }
.LBB2_28:
0x1d0: {  	p0 =	sne.s32 s31, $0x1FF00;
	v34 =	vld [tilespmem:s30+$0x30];
	vm2 =	vle.f32 v31, v2;
	vm3 =	vgt.f32 v28, $0.0e+00;
	v28 =	vnsel vm1, $0x0, v32  }
0x1d1: {  	v32 =	vld [tilespmem:s30+$0x8000];
	v33 =	vand.u32 $0x7FFFFFFF, v33;
	v29 =	vsub.f32 v29, v30;
	v26 =	vadd.f32 v28, v26  }
0x1d2: {  	vm0 =	vmand vm0, vm2;
	vm2 =	vgt.f32 v30, $0.0e+00;
	v35 =	vld [tilespmem:s30+$0x0];
	vm1 =	vle.f32 v33, v2  }
0x1d3: {  	v30 =	vnsel vm0, $0x0, v31;
	v36 =	vld [tilespmem:s30+$0x8010];
	vm0 =	vmand vm3, vm1;
	v31 =	vand.u32 $0x7FFFFFFF, v29  }
0x1d4: {  	v24 =	vadd.f32 v30, v24;
	v28 =	vld [tilespmem:s30+$0x10];
	v30 =	vnsel vm0, $0x0, v33;
	vm0 =	vle.f32 v31, v2  }
.Ltmp13:
0x1d5: {  	v29 =	vld [tilespmem:s30+$0x8020];
	v27 =	vsub.f32 v27, v34;
	v25 =	vadd.f32 v30, v25;
	vm0 =	vmand vm2, vm0;
	(pc) =	sbr.rel @p0 .LBB2_28-.Ltmp13, $4  }
0x1d6: {  	v30 =	vld [tilespmem:s30+$0x20];
	v31 =	vnsel vm0, $0x0, v31  }
0x1d7: {  	v33 =	vsub.f32 v32, v35;
	vm0 =	vgt.f32 v35, $0.0e+00;
	v32 =	vand.u32 $0x7FFFFFFF, v27  }
0x1d8: {  	vm1 =	vgt.f32 v34, $0.0e+00;
	s30 =	sshra.s32 s31, $0x2;
	v23 =	vadd.f32 v31, v23;
	vm2 =	vle.f32 v32, v2  }
0x1d9: {  	s31 =	sadd.s32 $0x100, s31;
	v27 =	vld [tilespmem:s30+$0x8030];
	v31 =	vand.u32 $0x7FFFFFFF, v33;
	v33 =	vsub.f32 v36, v28;
	vm1 =	vmand vm1, vm2  }
0x1da: {  	v34 =	vld [tilespmem:s30+$0x30]  }
0x1db: {  	v35 =	vld [tilespmem:s30+$0x8000]  }
0x1dc: {  	v36 =	vld [tilespmem:s30+$0x0]  }
0x1dd: {  	v37 =	vld [tilespmem:s30+$0x8010]  }
0x1de: {  	v38 =	vld [tilespmem:s30+$0x10]  }
0x1df: {  	v39 =	vld [tilespmem:s30+$0x8020];
	s0 =	simm.s32 $0x0  }
0x1e0: {  	v32 =	vnsel vm1, $0x0, v32;
	v40 =	vld [tilespmem:s30+$0x20];
	[tilespmem:s25], [sflag:$0x1] =	stream.linear.gather [hbm4b:s20+s0], $0x8000, $0x38  }
0x1e1: {  	vm1 =	vgt.f32 v28, $0.0e+00;
	vm3 =	vle.f32 v31, v2;
	v26 =	vadd.f32 v32, v26;
	_ =	swait.ge [sflag:s24], $0x8000  }
0x1e2: {  	v28 =	vsub.f32 v29, v30;
	v29 =	vand.u32 $0x7FFFFFFF, v33;
	vm0 =	vmand vm0, vm3;
	[sflag:s24] =	ssyncset.done $0x0  }
0x1e3: {  	vm2 =	vgt.f32 v30, $0.0e+00;
	vm3 =	vle.f32 v29, v2;
	v30 =	vnsel vm0, $0x0, v31;
	[sflag:s24] =	ssyncadd.s32 $0xFFFF8000  }
0x1e4: {  	v28 =	vand.u32 $0x7FFFFFFF, v28;
	vm0 =	vmand vm1, vm3;
	v24 =	vadd.f32 v30, v24;
	[tilespmem:s0], [sflag:$0x1] =	stream.linear.gather [hbm4b:s12+s0], $0x8000, $0x38;
	[tilespmem:$0x10080] =	vst v63  }
0x1e5: {  	vm1 =	vle.f32 v28, v2;
	v29 =	vnsel vm0, $0x0, v29;
	v27 =	vsub.f32 v27, v34;
	_ =	swait.ge [sflag:s24], $0x8000  }
0x1e6: {  	vm0 =	vmand vm2, vm1;
	v25 =	vadd.f32 v29, v25;
	v29 =	vsub.f32 v35, v36;
	[sflag:s24] =	ssyncset.done $0x0  }
0x1e7: {  	s26 =	simm.s32 $0x0;
	vm1 =	vgt.f32 v34, $0.0e+00;
	v31 =	vsub.f32 v39, v40;
	v28 =	vnsel vm0, $0x0, v28;
	[sflag:s24] =	ssyncadd.s32 $0xFFFF8000  }
0x1e8: {  	vm3 =	vgt.f32 v40, $0.0e+00;
	v27 =	vand.u32 $0x7FFFFFFF, v27;
	v28 =	vadd.f32 v28, v23;
	v30 =	vld [tilespmem:s26+$0x8030]  }
0x1e9: {  	v29 =	vand.u32 $0x7FFFFFFF, v29;
	v23 =	vsub.f32 v37, v38;
	vm2 =	vle.f32 v27, v2;
	v59 =	vld [tilespmem:s26+$0x30]  }
0x1ea: {  	vm0 =	vgt.f32 v36, $0.0e+00;
	vm1 =	vmand vm1, vm2;
	vm2 =	vle.f32 v29, v2;
	v61 =	vld [tilespmem:s26+$0x8010]  }
0x1eb: {  	v60 =	vand.u32 $0x7FFFFFFF, v23;
	v32 =	vld [tilespmem:s26+$0x10];
	v27 =	vnsel vm1, $0x0, v27;
	vm1 =	vgt.f32 v38, $0.0e+00  }
0x1ec: {  	vm0 =	vmand vm0, vm2;
	v23 =	vadd.f32 v27, v26;
	v27 =	vld [tilespmem:s26+$0x8000];
	v26 =	vand.u32 $0x7FFFFFFF, v31  }
0x1ed: {  	vm2 =	vle.f32 v60, v2;
	v31 =	vld [tilespmem:s26+$0x0];
	v29 =	vnsel vm0, $0x0, v29;
	vm0 =	vle.f32 v26, v2  }
0x1ee: {  	vm1 =	vmand vm1, vm2;
	vm0 =	vmand vm3, vm0  }
0x1ef: {  	v24 =	vadd.f32 v29, v24;
	v29 =	vnsel vm1, $0x0, v60;
	v62 =	vnsel vm0, $0x0, v26  }
0x1f0: {  	v33 =	vld [tilespmem:s26+$0x8020];
	v63 =	vsub.f32 v30, v59;
	v26 =	vadd.f32 v29, v25;
	v30 =	vimm.f32 $0.0e+00  }
0x1f1: {  	v34 =	vld [tilespmem:s26+$0x20];
	vm1 =	vgt.f32 v59, $0.0e+00;
	v37 =	vsub.f32 v61, v32;
	v29 =	vimm.f32 $0.0e+00  }
0x1f2: {  	v25 =	vadd.f32 v62, v28;
	v27 =	vsub.f32 v27, v31;
	v36 =	vand.u32 $0x7FFFFFFF, v63  }
0x1f3: {  	s30 =	simm.s32 $0x40;
	v28 =	vimm.f32 $0.0e+00;
	vm0 =	vgt.f32 v31, $0.0e+00;
	vm2 =	vle.f32 v36, v2  }
0x1f4: {  	s31 =	simm.s32 $0x200;
	v31 =	vld [tilespmem:s30+$0x8030];
	v35 =	vand.u32 $0x7FFFFFFF, v27;
	vm1 =	vmand vm1, vm2;
	v27 =	vimm.f32 $0.0e+00  }
.LBB2_30:
0x1f5: {  	p0 =	sne.s32 s31, $0x1FF00;
	v38 =	vld [tilespmem:s30+$0x30];
	vm2 =	vle.f32 v35, v2;
	vm3 =	vgt.f32 v32, $0.0e+00;
	v32 =	vnsel vm1, $0x0, v36  }
0x1f6: {  	v36 =	vld [tilespmem:s30+$0x8000];
	v37 =	vand.u32 $0x7FFFFFFF, v37;
	v33 =	vsub.f32 v33, v34;
	v30 =	vadd.f32 v32, v30  }
0x1f7: {  	vm0 =	vmand vm0, vm2;
	vm2 =	vgt.f32 v34, $0.0e+00;
	v39 =	vld [tilespmem:s30+$0x0];
	vm1 =	vle.f32 v37, v2  }
0x1f8: {  	v34 =	vnsel vm0, $0x0, v35;
	v40 =	vld [tilespmem:s30+$0x8010];
	vm0 =	vmand vm3, vm1;
	v35 =	vand.u32 $0x7FFFFFFF, v33  }
0x1f9: {  	v28 =	vadd.f32 v34, v28;
	v32 =	vld [tilespmem:s30+$0x10];
	v34 =	vnsel vm0, $0x0, v37;
	vm0 =	vle.f32 v35, v2  }
.Ltmp14:
0x1fa: {  	v33 =	vld [tilespmem:s30+$0x8020];
	v31 =	vsub.f32 v31, v38;
	v29 =	vadd.f32 v34, v29;
	vm0 =	vmand vm2, vm0;
	(pc) =	sbr.rel @p0 .LBB2_30-.Ltmp14, $4  }
0x1fb: {  	v34 =	vld [tilespmem:s30+$0x20];
	v35 =	vnsel vm0, $0x0, v35  }
0x1fc: {  	v37 =	vsub.f32 v36, v39;
	vm0 =	vgt.f32 v39, $0.0e+00;
	v36 =	vand.u32 $0x7FFFFFFF, v31  }
0x1fd: {  	vm1 =	vgt.f32 v38, $0.0e+00;
	s30 =	sshra.s32 s31, $0x2;
	v27 =	vadd.f32 v35, v27;
	vm2 =	vle.f32 v36, v2  }
0x1fe: {  	s31 =	sadd.s32 $0x100, s31;
	v31 =	vld [tilespmem:s30+$0x8030];
	v35 =	vand.u32 $0x7FFFFFFF, v37;
	v37 =	vsub.f32 v40, v32;
	vm1 =	vmand vm1, vm2  }
0x1ff: {  	v38 =	vld [tilespmem:s30+$0x30]  }
0x200: {  	v39 =	vld [tilespmem:s30+$0x8000]  }
0x201: {  	v40 =	vld [tilespmem:s30+$0x0]  }
0x202: {  	v41 =	vld [tilespmem:s30+$0x8010]  }
0x203: {  	v42 =	vld [tilespmem:s30+$0x10]  }
0x204: {  	v43 =	vld [tilespmem:s30+$0x8020];
	s0 =	simm.s32 $0x0  }
0x205: {  	v44 =	vld [tilespmem:s30+$0x20];
	[tilespmem:s25], [sflag:$0x1] =	stream.linear.gather [hbm4b:s21+s0], $0x8000, $0x38  }
0x206: {  	v36 =	vnsel vm1, $0x0, v36;
	vm1 =	vgt.f32 v32, $0.0e+00;
	vm3 =	vle.f32 v35, v2;
	_ =	swait.ge [sflag:s24], $0x8000  }
0x207: {  	v30 =	vadd.f32 v36, v30;
	v52 =	vsub.f32 v33, v34;
	v53 =	vand.u32 $0x7FFFFFFF, v37;
	[sflag:s24] =	ssyncset.done $0x0  }
0x208: {  	vm2 =	vgt.f32 v34, $0.0e+00;
	vm0 =	vmand vm0, vm3;
	vm3 =	vle.f32 v53, v2;
	[sflag:s24] =	ssyncadd.s32 $0xFFFF8000  }
0x209: {  	v54 =	vnsel vm0, $0x0, v35;
	v32 =	vand.u32 $0x7FFFFFFF, v52;
	vm0 =	vmand vm1, vm3;
	[tilespmem:s0], [sflag:$0x1] =	stream.linear.gather [hbm4b:s13+s0], $0x8000, $0x38;
	[tilespmem:$0x10080] =	vst v63  }
0x20a: {  	v28 =	vadd.f32 v54, v28;
	vm1 =	vle.f32 v32, v2;
	v33 =	vnsel vm0, $0x0, v53;
	_ =	swait.ge [sflag:s24], $0x8000  }
0x20b: {  	v31 =	vsub.f32 v31, v38;
	vm0 =	vmand vm2, vm1;
	v29 =	vadd.f32 v33, v29;
	[sflag:s24] =	ssyncset.done $0x0  }
0x20c: {  	s26 =	simm.s32 $0x0;
	v55 =	vsub.f32 v39, v40;
	vm1 =	vgt.f32 v38, $0.0e+00;
	v57 =	vsub.f32 v43, v44;
	[sflag:s24] =	ssyncadd.s32 $0xFFFF8000  }
0x20d: {  	vm3 =	vgt.f32 v44, $0.0e+00;
	v32 =	vnsel vm0, $0x0, v32;
	v31 =	vand.u32 $0x7FFFFFFF, v31;
	v56 =	vld [tilespmem:s26+$0x8030]  }
0x20e: {  	v32 =	vadd.f32 v32, v27;
	v27 =	vsub.f32 v41, v42;
	vm2 =	vle.f32 v31, v2;
	v58 =	vld [tilespmem:s26+$0x30]  }
0x20f: {  	vm0 =	vgt.f32 v40, $0.0e+00;
	v33 =	vand.u32 $0x7FFFFFFF, v55;
	vm1 =	vmand vm1, vm2;
	v60 =	vld [tilespmem:s26+$0x0]  }
0x210: {  	vm2 =	vle.f32 v33, v2;
	v59 =	vand.u32 $0x7FFFFFFF, v27;
	v61 =	vld [tilespmem:s26+$0x8010];
	v31 =	vnsel vm1, $0x0, v31  }
0x211: {  	v36 =	vld [tilespmem:s26+$0x10];
	vm1 =	vgt.f32 v42, $0.0e+00;
	vm0 =	vmand vm0, vm2;
	vm2 =	vle.f32 v59, v2  }
0x212: {  	v27 =	vadd.f32 v31, v30;
	v31 =	vld [tilespmem:s26+$0x8000];
	v30 =	vand.u32 $0x7FFFFFFF, v57;
	v33 =	vnsel vm0, $0x0, v33  }
0x213: {  	vm1 =	vmand vm1, vm2;
	vm0 =	vle.f32 v30, v2;
	v28 =	vadd.f32 v33, v28  }
0x214: {  	v62 =	vnsel vm1, $0x0, v59;
	v33 =	vimm.f32 $0.0e+00;
	vm0 =	vmand vm3, vm0  }
0x215: {  	v38 =	vld [tilespmem:s26+$0x8020];
	v63 =	vnsel vm0, $0x0, v30;
	v34 =	vsub.f32 v56, v58;
	v30 =	vadd.f32 v62, v29  }
0x216: {  	v37 =	vld [tilespmem:s26+$0x20];
	vm0 =	vgt.f32 v60, $0.0e+00;
	vm1 =	vgt.f32 v58, $0.0e+00;
	v41 =	vsub.f32 v61, v36  }
0x217: {  	v29 =	vadd.f32 v63, v32;
	v31 =	vsub.f32 v31, v60;
	v40 =	vand.u32 $0x7FFFFFFF, v34  }
0x218: {  	s30 =	simm.s32 $0x40;
	v32 =	vimm.f32 $0.0e+00;
	v34 =	vimm.f32 $0.0e+00;
	vm2 =	vle.f32 v40, v2  }
0x219: {  	s31 =	simm.s32 $0x200;
	v35 =	vld [tilespmem:s30+$0x8030];
	v39 =	vand.u32 $0x7FFFFFFF, v31;
	vm1 =	vmand vm1, vm2;
	v31 =	vimm.f32 $0.0e+00  }
.LBB2_32:
0x21a: {  	p0 =	sne.s32 s31, $0x1FF00;
	v42 =	vld [tilespmem:s30+$0x30];
	vm2 =	vle.f32 v39, v2;
	vm3 =	vgt.f32 v36, $0.0e+00;
	v36 =	vnsel vm1, $0x0, v40  }
0x21b: {  	v40 =	vld [tilespmem:s30+$0x8000];
	v41 =	vand.u32 $0x7FFFFFFF, v41;
	v38 =	vsub.f32 v38, v37;
	v32 =	vadd.f32 v36, v32  }
0x21c: {  	vm0 =	vmand vm0, vm2;
	vm2 =	vgt.f32 v37, $0.0e+00;
	v43 =	vld [tilespmem:s30+$0x0];
	vm1 =	vle.f32 v41, v2  }
0x21d: {  	v37 =	vnsel vm0, $0x0, v39;
	v44 =	vld [tilespmem:s30+$0x8010];
	vm0 =	vmand vm3, vm1;
	v39 =	vand.u32 $0x7FFFFFFF, v38  }
0x21e: {  	v34 =	vadd.f32 v37, v34;
	v36 =	vld [tilespmem:s30+$0x10];
	v37 =	vnsel vm0, $0x0, v41;
	vm0 =	vle.f32 v39, v2  }
.Ltmp15:
0x21f: {  	v38 =	vld [tilespmem:s30+$0x8020];
	v35 =	vsub.f32 v35, v42;
	v33 =	vadd.f32 v37, v33;
	vm0 =	vmand vm2, vm0;
	(pc) =	sbr.rel @p0 .LBB2_32-.Ltmp15, $4  }
0x220: {  	v37 =	vld [tilespmem:s30+$0x20];
	v39 =	vnsel vm0, $0x0, v39  }
0x221: {  	v41 =	vsub.f32 v40, v43;
	vm0 =	vgt.f32 v43, $0.0e+00;
	v40 =	vand.u32 $0x7FFFFFFF, v35  }
0x222: {  	vm1 =	vgt.f32 v42, $0.0e+00;
	s30 =	sshra.s32 s31, $0x2;
	v31 =	vadd.f32 v39, v31;
	vm2 =	vle.f32 v40, v2  }
0x223: {  	s31 =	sadd.s32 $0x100, s31;
	v35 =	vld [tilespmem:s30+$0x8030];
	v39 =	vand.u32 $0x7FFFFFFF, v41;
	v41 =	vsub.f32 v44, v36;
	vm1 =	vmand vm1, vm2  }
0x224: {  	vm2 =	vle.f32 v39, v2;
	v4 =	vadd.f32 v6, v4  }
0x225: {  	v42 =	vld [tilespmem:s30+$0x30];
	vm3 =	vgt.f32 v36, $0.0e+00;
	v63 =	vadd.f32 v10, v8;
	v45 =	vadd.f32 v14, v12  }
0x226: {  	v56 =	vld [tilespmem:s30+$0x8000];
	v40 =	vnsel vm1, $0x0, v40;
	v48 =	vadd.f32 v18, v16;
	v54 =	vadd.f32 v22, v20  }
0x227: {  	v43 =	vld [tilespmem:s30+$0x0];
	v41 =	vand.u32 $0x7FFFFFFF, v41;
	v38 =	vsub.f32 v38, v37;
	v32 =	vadd.f32 v40, v32  }
0x228: {  	v59 =	vld [tilespmem:s30+$0x10];
	vm0 =	vmand vm0, vm2;
	vm15 =	vgt.f32 v37, $0.0e+00;
	vm14 =	vle.f32 v41, v2  }
0x229: {  	v61 =	vld [tilespmem:s30+$0x8020];
	v58 =	vnsel vm0, $0x0, v39;
	v4 =	vadd.f32 v5, v4;
	v47 =	vadd.f32 v13, v45  }
0x22a: {  	v62 =	vld [tilespmem:s30+$0x20];
	v51 =	vadd.f32 v17, v48;
	v38 =	vand.u32 $0x7FFFFFFF, v38;
	vm4 =	vmand vm3, vm14  }
0x22b: {  	v34 =	vadd.f32 v58, v34;
	vm5 =	vle.f32 v38, v2;
	v3 =	vadd.f32 v3, v4  }
0x22c: {  	v60 =	vnsel vm4, $0x0, v41;
	v50 =	vadd.f32 v11, v47;
	v55 =	vadd.f32 v15, v51  }
0x22d: {  	v57 =	vld [tilespmem:s30+$0x8010];
	v35 =	vsub.f32 v35, v42;
	vm6 =	vmand vm15, vm5;
	v33 =	vadd.f32 v60, v33  }
0x22e: {  	v36 =	vsub.f32 v56, v43;
	vm7 =	vgt.f32 v43, $0.0e+00;
	vm8 =	vgt.f32 v42, $0.0e+00  }
0x22f: {  	vm10 =	vgt.f32 v59, $0.0e+00;
	v42 =	vadd.f32 v9, v63;
	v44 =	vsub.f32 v61, v62  }
0x230: {  	vm12 =	vgt.f32 v62, $0.0e+00;
	v56 =	vadd.f32 v21, v54;
	v38 =	vnsel vm6, $0x0, v38  }
0x231: {  	v60 =	vadd.f32 v30, v28;
	v35 =	vand.u32 $0x7FFFFFFF, v35;
	v31 =	vadd.f32 v38, v31  }
0x232: {  	v36 =	vand.u32 $0x7FFFFFFF, v36;
	v38 =	vsub.f32 v57, v59;
	v46 =	vadd.f32 v7, v42  }
0x233: {  	v52 =	vand.u32 $0x7FFFFFFF, v44;
	v57 =	vadd.f32 v26, v24;
	v5 =	vadd.f32 v19, v56  }
0x234: {  	v4 =	vadd.f32 v29, v60;
	vm9 =	vle.f32 v36, v2;
	vm13 =	vle.f32 v52, v2  }
0x235: {  	vm14 =	vle.f32 v35, v2;
	v43 =	vand.u32 $0x7FFFFFFF, v38;
	v3 =	vadd.f32 v46, v3  }
0x236: {  	vm1 =	vmand vm7, vm9;
	v59 =	vadd.f32 v25, v57;
	vm11 =	vle.f32 v43, v2  }
0x237: {  	v49 =	vnsel vm1, $0x0, v36;
	vm2 =	vmand vm10, vm11;
	v3 =	vadd.f32 v50, v3  }
0x238: {  	vm1 =	vmand vm12, vm13;
	v53 =	vadd.f32 v49, v34;
	v6 =	vnsel vm2, $0x0, v43  }
0x239: {  	v58 =	vnsel vm1, $0x0, v52;
	v6 =	vadd.f32 v6, v33;
	v3 =	vadd.f32 v55, v3  }
0x23a: {  	vm0 =	vmand vm8, vm14;
	v61 =	vadd.f32 v23, v59;
	v2 =	vadd.f32 v58, v31  }
0x23b: {  	v62 =	vnsel vm0, $0x0, v35;
	v3 =	vadd.f32 v5, v3;
	v6 =	vadd.f32 v6, v53  }
0x23c: {  	v4 =	vadd.f32 v27, v4;
	v7 =	vadd.f32 v62, v32  }
0x23d: {  	v3 =	vadd.f32 v61, v3;
	v2 =	vadd.f32 v2, v6;
	_ =	sdelay $0x1  }
0x23e: {  	v3 =	vadd.f32 v4, v3;
	v2 =	vadd.f32 v7, v2;
	_ =	sdelay $0x1  }
0x23f: {  	v2 =	vadd.f32 v2, v3;
	_ =	sdelay $0x1  }
0x240: {  	(v2sf) =	vpush v2, $0x0  }
0x241: {  	(v2sf) =	vpush v2, $0x1;
	_ =	sdelay $0x1  }
0x242: {  	(v2sf) =	vpush v2, $0x2;
	_ =	sdelay $0x1  }
0x243: {  	(v2sf) =	vpush v2, $0x3;
	_ =	sdelay $0x1  }
0x244: {  	(v2sf) =	vpush v2, $0x4;
	_ =	sdelay $0x1  }
0x245: {  	(v2sf) =	vpush v2, $0x5;
	_ =	sdelay $0x1  }
0x246: {  	(v2sf) =	vpush v2, $0x6;
	_ =	sdelay $0x1  }
0x247: {  	(v2sf) =	vpush v2, $0x7;
	_ =	sdelay $0x1  }
0x248: {  	s0 =	spop (v2sf);
	(v2sf) =	vpush v2, $0x8  }
0x249: {  	s1 =	spop (v2sf)  }
0x24a: {  	(v2sf) =	vpush v2, $0x9;
	s0 =	sadd.f32 s1, s0  }
0x24b: {  	s15 =	spop (v2sf)  }
0x24c: {  	(v2sf) =	vpush v2, $0xA;
	s0 =	sadd.f32 s0, s15  }
0x24d: {  	s16 =	spop (v2sf)  }
0x24e: {  	(v2sf) =	vpush v2, $0xB;
	s0 =	sadd.f32 s0, s16  }
0x24f: {  	s17 =	spop (v2sf)  }
0x250: {  	(v2sf) =	vpush v2, $0xC;
	s0 =	sadd.f32 s0, s17  }
0x251: {  	s26 =	spop (v2sf)  }
0x252: {  	(v2sf) =	vpush v2, $0xD;
	s0 =	sadd.f32 s0, s26  }
0x253: {  	s30 =	spop (v2sf)  }
0x254: {  	(v2sf) =	vpush v2, $0xE;
	s0 =	sadd.f32 s0, s30  }
0x255: {  	s31 =	spop (v2sf)  }
0x256: {  	(v2sf) =	vpush v2, $0xF;
	s0 =	sadd.f32 s0, s31  }
0x257: {  	s2 =	spop (v2sf)  }
0x258: {  	s0 =	sadd.f32 s0, s2  }
0x259: {  	s14 =	spop (v2sf)  }
0x25a: {  	s15 =	ssub.s32 $0x40000, s29;
	s0 =	sadd.f32 s0, s14  }
0x25b: {  	s1 =	scvt.s32.f32 s15;
	s2 =	spop (v2sf)  }
0x25c: {  	s0 =	sadd.f32 s0, s2  }
0x25d: {  	v2 =	vmov s1;
	s16 =	spop (v2sf)  }
0x25e: {  	v3 =	vadd.f32 s1, v2;
	s0 =	sadd.f32 s0, s16  }
0x25f: {  	s17 =	spop (v2sf)  }
0x260: {  	v3 =	vbroadcast v3, $0x0;
	s0 =	sadd.f32 s0, s17  }
0x261: {  	s26 =	spop (v2sf)  }
0x262: {  	v3 =	vmax.f32 v3, $1.000000000e+00;
	s0 =	sadd.f32 s0, s26  }
0x263: {  	(erf) = vrcp.f32 v3;
	s29 =	spop (v2sf)  }
0x264: {  	s0 =	sadd.f32 s0, s29  }
0x265: {  	s30 =	spop (v2sf)  }
0x266: {  	s0 =	sadd.f32 s0, s30;
	_ =	sdelay $0x1  }
0x267: {  	v3 =	vmov s0  }
0x268: {  	v3 =	vadd.f32 $0.0e+00, v3;
	_ =	sdelay $0x1  }
0x269: {  	v3 =	vbroadcast v3, $0x0  }
0x26a: {  	v63 =	vpop (erf)  }
0x26b: {  	vm15 =	vgt.f32 v2, $0.0e+00;
	v2 =	vmul.f32 v3, v63  }
0x26c: {  	v3 =	vsel vm15, $0x3F800000, v0  }
0x26d: {  	s28 =	sadd.s32 $0x1, s28;
	v2 =	vmul.f32 v2, v3  }
0x26e: {  	p0 =	sne.s32 s28, s23  }
.Ltmp16:
0x26f: {  	s1 =	simm.s32 $0x0;
	s31 =	simm.s32 $0x10000;
	[tilespmem:$0x10000] =	vst v2;
	(pc) =	sbr.rel @p0 .LBB2_1-.Ltmp16, $4  }
0x270: {  	[hbm4b:s22+s1] =	stream.linear.scatter [tilespmem:s31], [sflag:$0x1], $0x10, $0x38;
	[tilespmem:$0x10080] =	vst v63  }
0x271: {  	_ =	swait.ge [sflag:s24], $0x10  }
0x272: {  	[sflag:s24] =	ssyncset.done $0x0  }
0x273: {  	[sflag:s24] =	ssyncadd.s32 $0xFFFFFFF0  }
0x274: {  	_ =	sfence.sel $0x180000  }
0x275: {  	[bflag:$0x0] =	sbarrier.arrive $0xFFFF  }
0x276: {  	_ =	strace $0x9000004D  }
0x277: {  	s0 =	stileid.u32;
	[bflag:$0x2] =	sbarrier.arrive $0xFFFF  }
0x278: {  	p0 =	sne.s32 s0, $0x0;
	s0 =	rddreg [dreg:$0x1]  }
0x279: {  	s0 =	sadd.s32 @!p0 $0x100000, s0  }
0x27a: {  	[sflag:s0] =	ssyncadd.tile.s32 @!p0 $0x1;
	_ =	shalt  }
.Lfunc_end2:
_tile_overlayer_lowered:
.L_overlay_start_2:
0x27b: {  	(tag) =	ssettag $0x2  }
0x27c: {  	s0 =	rddreg [dreg:$0x0];
	s2 =	stileid.u32  }
0x27d: {  	s1 =	rddreg [dreg:$0x1];
	p0 =	sne.s32 s2, $0x0  }
0x27e: {  	s3 =	rddreg [dreg:$0x2];
	[bflag:$0x3] =	sbarrier.arrive $0xFFFF;
	s2 =	simm.s32 @!p0 $0x1C01  }
0x27f: {  	[timem:s3], [sflag:s2] =	dma.local @!p0 [hbm:s0], s1  }
0x280: {  	s0 =	simm.s32 @!p0 $0x1  }
0x281: {  	_ =	swait.ge @!p0 [sflag:s0], s1  }
0x282: {  	s1 =	ssub.s32 @!p0 $0x0, s1;
	[sflag:s0] =	ssyncset.done @!p0 $0x0  }
0x283: {  	[sflag:s0] =	ssyncadd.s32 @!p0 s1  }
0x284: {  	[bflag:$0x3] =	sbarrier.arrive $0xFFFF  }
0x285: {  	_ =	shalt  }

// kernel: sparse-core-data-format-call.1.cloned.1.call-start
scs
called_computation.1_lowered:
.L_overlay_start_0:
0x0: {  	s2 =	sld [smem:$0x3FD9]  }
0x1: {  	s3 =	sld [smem:$0x3FFE];
	_ =	sdelay $0x1  }
0x2: {  	s1 =	srdreg.scid  }
0x3: {  	s0 =	sand.u32 $0x1, s1  }
0x4: {  	s18 =	sshll.u32 s0, $0xA;
	s2 =	sadd.s32 s3, s2  }
0x5: {  	s2 =	sadd.s32 s2, s18  }
0x6: {  	[smem:$0x3FC6] =	sst s2  }
0x7: {  	_ = 	snop  }
0x8: {  	s2 =	sld [smem:$0x3FC9];
	(tm) =	ssettm $0x1  }
0x9: {  	s19 =	sld [smem:$0x3FFB];
	_ =	sdelay $0x3  }
0xa: {  	_ =	strace s19  }
0xb: {  	s3 =	sld [smem:$0x3FFC];
	_ =	sdelay $0x3  }
0xc: {  	_ =	strace s3  }
0xd: {  	s3 =	sld [smem:$0x3FFD];
	_ =	sdelay $0x3  }
0xe: {  	_ =	strace s3  }
0xf: {  	_ =	strace $0x8FFFFFFF  }
0x10: {  	s20 =	sld [smem:$0x3FDB];
	_ =	sdelay $0x1  }
0x11: {  	s4 =	simm.s32 $_scs_section_size  }
0x12: {  	s5 =	simm.s32 $_size__tile_overlayer_lowered;
	s6 =	simm.s32 $_tile_overlayer_lowered  }
0x13: {  	s23 =	simm.s32 $0x1BFF;
	s22 =	sshll.u32 s6, $0x1;
	s3 =	sadd.s32 s4, s20  }
0x14: {  	s7 =	simm.s32 $0x0;
	s21 =	sshll.u32 s5, $0x1;
	s5 =	sadd.s32 s22, s3  }
0x15: {  	[timem:s7], [sflag:s23] =	dma.local [hbm:s5], s21  }
0x16: {  	_ =	swait.ge [sflag:s23], s21  }
0x17: {  	s4 =	ssub.s32 $0x0, s21;
	[sflag:s23] =	ssyncset.done $0x0  }
0x18: {  	[sflag:s23] =	ssyncadd.s32 s4;
	_ =	sdelay $0x1  }
0x19: {  	s24 =	simm.s32 $0x1B8B  }
0x1a: {  	_ =	swait.ge [sflag:s24], $0x1  }
0x1b: {  	[sflag:s24] =	ssyncset.done $0x0  }
0x1c: {  	s26 =	simm.s32 $0x1B8E;
	s25 =	sld [smem:$0x3FFE];
	[sflag:s24] =	ssyncadd.s32 $0xFFFFFFFF  }
0x1d: {  	s27 =	simm.s32 $execute0_lowered;
	[smem:$0x3FD2] =	sst s26  }
0x1e: {  	s5 =	sshll.u32 s27, $0x1;
	_ =	strace $0x80000046;
	[dreg:$0x1] =	wrdreg $0xFFFFFFFF  }
0x1f: {  	s28 =	simm.s32 $_size_execute0_lowered;
	s3 =	sadd.s32 s3, s5;
	[dreg:$0x0] =	wrdreg $0x0  }
0x20: {  	s5 =	sshll.u32 s28, $0x1;
	[dreg:$0x2] =	wrdreg s3  }
0x21: {  	[dreg:$0x3] =	wrdreg s5  }
0x22: {  	[dreg:$0x4] =	wrdreg $0xC0  }
0x23: {  	_ =	task [dreg:s7], $0x5FFFF  }
0x24: {  	[dreg:$0x1] =	wrdreg $0xFFFFFFFF  }
0x25: {  	[dreg:$0x0] =	wrdreg $0x60  }
0x26: {  	[dreg:$0x2] =	wrdreg s2  }
0x27: {  	[dreg:$0x3] =	wrdreg s25  }
0x28: {  	[dreg:$0x4] =	wrdreg $0xA  }
0x29: {  	_ =	task.clear_ibuf [dreg:s7], $0x5FFFF;
	_ =	strace $0x90000046  }
0x2a: {  	s29 =	simm.s32 $0xA;
	_ =	strace $0x80000048  }
0x2b: {  	_ =	swait.ge [sflag:s29], $0x1  }
0x2c: {  	[sflag:s29] =	ssyncadd.s32 $0xFFFFFFFF  }
0x2d: {  	_ =	strace $0x90000048  }
0x2e: {  	_ =	sfence  }
0x2f: {  	s30 =	sld [smem:$0x0];
	_ =	sdelay $0x2  }
0x30: {  	s31 =	sshll.u32 s1, $0xD;
	s1 =	sshrl.u32 s1, $0x2  }
0x31: {  	s3 =	sand.u32 $0x4000, s31;
	s1 =	sadd.s32 s1, s30  }
0x32: {  	s0 =	sor.u32 s3, s0;
	s1 =	sshll.u32 s1, $0x11  }
0x33: {  	s0 =	sor.u32 s1, s0  }
0x34: {  	s0 =	sadd.s32 $0x8F2B, s0  }
0x35: {  	[sflag:s0] =	ssyncadd.remote.s32 $0x1  }
0x36: {  	_ =	sfence.sel $0xFFFF  }
0x37: {  	[dreg:$0x0] =	wrdreg $0xFFFFFFFF;
	(pc) =	sbr.abs _section_cstart, $3  }
0x38: {  	[dreg:$0x1] =	wrdreg $0xFFFFFFFF  }
0x39: {  	_ =	task.clear_ibuf [dreg:s7], $0x2FFFF;
	_ =	strace $0x9FFFFFFF  }
0x3a: {  	(tm) =	ssettm $0x7FFFFFFF  }
0x3b: {  	_ =	shalt  }
tec
execute0_lowered:
.L_overlay_start_1:
0x0: {  	(tag) =	ssettag $0x1  }
0x1: {  	s0 =	srdreg.scid  }
0x2: {  	s1 =	sshll.u32 s0, $0x4  }
0x3: {  	s2 =	rddreg [dreg:$0x0];
	s0 =	stileid.u32;
	s1 =	sand.u32 $0x10, s1  }
0x4: {  	s4 =	rddreg [dreg:$0x1];
	s7 =	simm.s32 $0x1;
	s1 =	sor.u32 s0, s1  }
0x5: {  	s8 =	simm.s32 $0x2;
	s9 =	simm.s32 $0x0;
	s3 =	sshll.u32 s1, $0x2  }
0x6: {  	s12 =	simm.s32 $0x0;
	s11 =	simm.s32 $0x0;
	s6 =	ssub.s32 $0x1000, s3  }
.Ltmp0:
0x7: {  	s4 =	sadd.s32 $0x800, s4;
	s5 =	sand.u32 $0x7C, s6;
	(pc) =	sbr.rel .LBB1_1-.Ltmp0, $4  }
0x8: {  	s1 =	rddreg [dreg:$0x2];
	_ =	strace $0x80000047;
	p0 =	sne.s32 s5, $0x0  }
0x9: {  	s6 =	sshrl.u32 s6, $0x7;
	s5 =	simm.s32 $0x1;
	s7 =	simm.s32 @!p0 $0x0  }
0xa: {  	s10 =	smov.u32 s3;
	[sflag:s5] =	ssyncpa.u1 $0x0;
	s6 =	sadd.s32 s7, s6  }
0xb: {  	[sflag:s8] =	ssyncpa.u1 $0x0;
	s8 =	simm.s32 $0x0;
	s7 =	sadd.s32 $0x1, s6  }
.LBB1_9:
0xc: {  	s14 =	sadd.s32 $0x80, s10  }
0xd: {  	p1 =	sgt.s32 s14, $0xFFF  }
0xe: {  	s14 =	smov.u32 @p1 s3;
	p1 =	sne.s32 s11, s7  }
.Ltmp1:
0xf: {  	p0 =	slt.u32 s11, $0x2;
	(pc) =	sbr.rel @!p1 .LBB1_10-.Ltmp1, $4  }
0x10: {  	s13 =	simm.s32 @!p0 $0x2  }
0x11: {  	s15 =	sadd.s32 $0x1, s11;
	_ =	swait.ge @!p0 [sflag:s13], $0x4000  }
0x12: {  	s12 =	smov.u32 s10;
	s9 =	sadd.s32 $0x4000, s9;
	[sflag:s13] =	ssyncset.done @!p0 $0x0  }
0x13: {  	s11 =	smov.u32 s15;
	s10 =	smov.u32 s14;
	[sflag:s13] =	ssyncadd.s32 @!p0 $0xFFFFC000  }
.LBB1_1:
0x14: {  	p0 =	sge.u32 s11, s6  }
0x15: {  	s13 =	sxor.u32 @!p0 $0xFFFFFFFF, s11  }
0x16: {  	s31 =	sadd.s32 $0xFFFFFFFF, s11;
	s14 =	sshll.u32 @!p0 s10, $0x9;
	s13 =	sshll.u32 @!p0 s13, $0xE  }
0x17: {  	s15 =	simm.s32 @!p0 $0x0;
	s14 =	sadd.s32 @!p0 s2, s14;
	s13 =	sand.u32 @!p0 $0x4000, s13  }
0x18: {  	[tilespmem:s13], [sflag:$0x1] =	stream.linear.gather @!p0 [hbm4b:s14+s15], $0x4000, $0x38;
	[tilespmem:$0x10000] =	vst v63  }
0x19: {  	p0 =	sge.u32 s31, s6  }
.Ltmp2:
0x1a: {  	_ = 	snop;
	(pc) =	sbr.rel @p0 .LBB1_9-.Ltmp2, $1  }
0x1b: {  	_ =	sdelay $0x3  }
0x1c: {  	s14 =	sand.u32 $0x4000, s9  }
0x1d: {  	_ =	swait.ge [sflag:s5], $0x4000;
	s15 =	sshll.u32 s11, $0xE;
	s16 =	simm.s32 $0x0  }
0x1e: {  	s13 =	sor.u32 $0x40, s14;
	[sflag:s5] =	ssyncset.done $0x0;
	s15 =	sand.u32 $0x4000, s15  }
0x1f: {  	s14 =	sor.u32 $0x8040, s14;
	[sflag:s5] =	ssyncadd.s32 $0xFFFFC000;
	s15 =	sor.u32 $0x8000, s15  }
.LBB1_3:
0x20: {  	s17 =	smov.u32 s14;
	s18 =	smov.u32 s13;
	s19 =	simm.s32 $0x0  }
.LBB1_4:
0x21: {  	v0 =	vmov s17;
	v2 =	vld [tilespmem:s18+$0x30]  }
0x22: {  	v4 =	vld [tilespmem:s18+$0xFFFFFFD0]  }
0x23: {  	v6 =	vld [tilespmem:s18+$0xFFFFFFE0]  }
0x24: {  	v7 =	vld [tilespmem:s18+$0xFFFFFFF0]  }
0x25: {  	s20 =	simm.s32 $0x0;
	v1 =	vld [tilespmem:s18+$0x0]  }
0x26: {  	v3 =	vld [tilespmem:s18+$0x10];
	[tilespmem:v0+s20+$0x30 ss:$0x1] =	vst.idx.msk $0xffff, v2  }
0x27: {  	v5 =	vld [tilespmem:s18+$0x20];
	[tilespmem:v0+s20+$0xFFFFFFD0 ss:$0x1] =	vst.idx.msk $0xffff, v4  }
0x28: {  	s21 =	sadd.s32 $0x80, s18;
	v2 =	vld [tilespmem:s18+$0xFFFFFFC0];
	[tilespmem:v0+s20+$0xFFFFFFE0 ss:$0x1] =	vst.idx.msk $0xffff, v6  }
0x29: {  	s22 =	simm.s32 $0x800;
	s23 =	simm.s32 $0x1000;
	v4 =	vld [tilespmem:s21+$0x30];
	[tilespmem:v0+s20+$0xFFFFFFF0 ss:$0x1] =	vst.idx.msk $0xffff, v7  }
.LBB1_5:
0x2a: {  	p0 =	sne.s32 s23, $0x3800;
	v6 =	vld [tilespmem:s21+$0xFFFFFFD0];
	[tilespmem:v0+s20+$0x0 ss:$0x1] =	vst.idx.msk $0xffff, v1  }
0x2b: {  	v7 =	vld [tilespmem:s21+$0xFFFFFFE0];
	[tilespmem:v0+s20+$0x10 ss:$0x1] =	vst.idx.msk $0xffff, v3  }
0x2c: {  	v8 =	vld [tilespmem:s21+$0xFFFFFFF0];
	[tilespmem:v0+s20+$0x20 ss:$0x1] =	vst.idx.msk $0xffff, v5  }
.Ltmp3:
0x2d: {  	v1 =	vld [tilespmem:s21+$0x0];
	[tilespmem:v0+s20+$0xFFFFFFC0 ss:$0x1] =	vst.idx.msk $0xffff, v2;
	s20 =	sshra.s32 s22, $0x2;
	s22 =	smov.u32 s23;
	(pc) =	sbr.rel @p0 .LBB1_5-.Ltmp3, $4  }
0x2e: {  	v3 =	vld [tilespmem:s21+$0x10];
	[tilespmem:v0+s20+$0x30 ss:$0x1] =	vst.idx.msk $0xffff, v4  }
0x2f: {  	[tilespmem:v0+s20+$0xFFFFFFD0 ss:$0x1] =	vst.idx.msk $0xffff, v6;
	v5 =	vld [tilespmem:s21+$0x20]  }
0x30: {  	v2 =	vld [tilespmem:s21+$0xFFFFFFC0];
	[tilespmem:v0+s20+$0xFFFFFFE0 ss:$0x1] =	vst.idx.msk $0xffff, v7;
	s21 =	sadd.s32 $0x80, s21  }
0x31: {  	s23 =	sadd.s32 $0x800, s23;
	v4 =	vld [tilespmem:s21+$0x30];
	[tilespmem:v0+s20+$0xFFFFFFF0 ss:$0x1] =	vst.idx.msk $0xffff, v8  }
0x32: {  	_ =	sdelay $0x3  }
0x33: {  	v6 =	vld [tilespmem:s21+$0xFFFFFFD0];
	[tilespmem:v0+s20+$0x0 ss:$0x1] =	vst.idx.msk $0xffff, v1  }
0x34: {  	v58 =	vld [tilespmem:s21+$0xFFFFFFE0];
	[tilespmem:v0+s20+$0x10 ss:$0x1] =	vst.idx.msk $0xffff, v3  }
0x35: {  	v59 =	vld [tilespmem:s21+$0xFFFFFFF0];
	[tilespmem:v0+s20+$0x20 ss:$0x1] =	vst.idx.msk $0xffff, v5  }
0x36: {  	s22 =	sshra.s32 s22, $0x2;
	v60 =	vld [tilespmem:s21+$0x0];
	[tilespmem:v0+s20+$0xFFFFFFC0 ss:$0x1] =	vst.idx.msk $0xffff, v2  }
0x37: {  	v61 =	vld [tilespmem:s21+$0x10];
	[tilespmem:v0+s22+$0x30 ss:$0x1] =	vst.idx.msk $0xffff, v4  }
0x38: {  	v62 =	vld [tilespmem:s21+$0x20];
	s19 =	sadd.s32 $0x1, s19;
	[tilespmem:v0+s22+$0xFFFFFFD0 ss:$0x1] =	vst.idx.msk $0xffff, v6  }
0x39: {  	v63 =	vld [tilespmem:s21+$0xFFFFFFC0];
	p0 =	sne.s32 s19, $0x4;
	[tilespmem:v0+s22+$0xFFFFFFE0 ss:$0x1] =	vst.idx.msk $0xffff, v58  }
.Ltmp4:
0x3a: {  	[tilespmem:v0+s22+$0xFFFFFFF0 ss:$0x1] =	vst.idx.msk $0xffff, v59;
	(pc) =	sbr.rel @p0 .LBB1_4-.Ltmp4, $4  }
0x3b: {  	[tilespmem:v0+s22+$0x0 ss:$0x1] =	vst.idx.msk $0xffff, v60  }
0x3c: {  	[tilespmem:v0+s22+$0x10 ss:$0x1] =	vst.idx.msk $0xffff, v61  }
0x3d: {  	[tilespmem:v0+s22+$0x20 ss:$0x1] =	vst.idx.msk $0xffff, v62  }
0x3e: {  	s18 =	sadd.s32 $0x400, s18;
	s17 =	sadd.s32 $0x80, s17;
	[tilespmem:v0+s22+$0xFFFFFFC0 ss:$0x1] =	vst.idx.msk $0xffff, v63  }
0x3f: {  	s16 =	sadd.s32 $0x1, s16  }
0x40: {  	p0 =	sne.s32 s16, $0x4  }
.Ltmp5:
0x41: {  	_ = 	snop;
	(pc) =	sbr.rel @p0 .LBB1_3-.Ltmp5, $2  }
0x42: {  	_ =	sdelay $0x2  }
0x43: {  	s13 =	sadd.s32 $0x1000, s13;
	s14 =	sadd.s32 $0x1000, s14  }
.Ltmp6:
0x44: {  	(pc) =	sbr.rel .LBB1_9-.Ltmp6, $4  }
0x45: {  	_ = 	snop  }
0x46: {  	s12 =	sshll.u32 s12, $0x9  }
0x47: {  	s12 =	sadd.s32 s4, s12  }
0x48: {  	[hbm4b:s12+s8] =	stream.linear.scatter [tilespmem:s15], [sflag:$0x2], $0x4000, $0x38;
	[tilespmem:$0x10000] =	vst v63  }
.LBB1_10:
0x49: {  	_ =	sfence.sel $0x180000  }
0x4a: {  	s2 =	simm.s32 $0x1;
	[bflag:$0x0] =	sbarrier.arrive $0xFFFF  }
0x4b: {  	s31 =	simm.s32 $0x2;
	[sflag:s2] =	ssyncpa.u1 $0x1  }
0x4c: {  	[sflag:s31] =	ssyncpa.u1 $0x1  }
0x4d: {  	p0 =	sne.s32 s0, $0x0;
	_ =	strace $0x90000047  }
0x4e: {  	s0 =	sadd.s32 @!p0 $0x100000, s1;
	[bflag:$0x2] =	sbarrier.arrive $0xFFFF  }
0x4f: {  	[sflag:s0] =	ssyncadd.tile.s32 @!p0 $0x1;
	_ =	shalt  }
.Lfunc_end1:
_tile_overlayer_lowered:
.L_overlay_start_2:
0x50: {  	(tag) =	ssettag $0x2  }
0x51: {  	s0 =	rddreg [dreg:$0x0];
	s2 =	stileid.u32  }
0x52: {  	s1 =	rddreg [dreg:$0x1];
	p0 =	sne.s32 s2, $0x0  }
0x53: {  	s3 =	rddreg [dreg:$0x2];
	[bflag:$0x3] =	sbarrier.arrive $0xFFFF;
	s2 =	simm.s32 @!p0 $0x1C01  }
0x54: {  	[timem:s3], [sflag:s2] =	dma.local @!p0 [hbm:s0], s1  }
0x55: {  	s0 =	simm.s32 @!p0 $0x1  }
0x56: {  	_ =	swait.ge @!p0 [sflag:s0], s1  }
0x57: {  	s1 =	ssub.s32 @!p0 $0x0, s1;
	[sflag:s0] =	ssyncset.done @!p0 $0x0  }
0x58: {  	[sflag:s0] =	ssyncadd.s32 @!p0 s1  }
0x59: {  	[bflag:$0x3] =	sbarrier.arrive $0xFFFF  }
0x5a: {  	_ =	shalt  }

// kernel: sparse-core-data-format-call.cloned.1.call-start
scs
called_computation_lowered:
.L_overlay_start_0:
0x0: {  	s2 =	sld [smem:$0x3FD9]  }
0x1: {  	s3 =	sld [smem:$0x3FFE];
	_ =	sdelay $0x1  }
0x2: {  	s1 =	srdreg.scid  }
0x3: {  	s0 =	sand.u32 $0x1, s1  }
0x4: {  	s18 =	sshll.u32 s0, $0xA;
	s2 =	sadd.s32 s3, s2  }
0x5: {  	s2 =	sadd.s32 s2, s18  }
0x6: {  	[smem:$0x3FC6] =	sst s2  }
0x7: {  	_ = 	snop  }
0x8: {  	s19 =	sld [smem:$0x3FC8];
	(tm) =	ssettm $0x1  }
0x9: {  	s20 =	sld [smem:$0x3FFB];
	_ =	sdelay $0x3  }
0xa: {  	_ =	strace s20  }
0xb: {  	s2 =	sld [smem:$0x3FFC];
	_ =	sdelay $0x3  }
0xc: {  	_ =	strace s2  }
0xd: {  	s2 =	sld [smem:$0x3FFD];
	_ =	sdelay $0x3  }
0xe: {  	_ =	strace s2  }
0xf: {  	_ =	strace $0x8FFFFFFF  }
0x10: {  	s21 =	sld [smem:$0x3FDB];
	_ =	sdelay $0x1  }
0x11: {  	s4 =	simm.s32 $_scs_section_size  }
0x12: {  	s5 =	simm.s32 $_size__tile_overlayer_lowered;
	s6 =	simm.s32 $_tile_overlayer_lowered  }
0x13: {  	s7 =	simm.s32 $0x1BFF;
	s22 =	sshll.u32 s6, $0x1;
	s4 =	sadd.s32 s4, s21  }
0x14: {  	s23 =	simm.s32 $0x0;
	s5 =	sshll.u32 s5, $0x1;
	s6 =	sadd.s32 s22, s4  }
0x15: {  	[timem:s23], [sflag:s7] =	dma.local [hbm:s6], s5  }
0x16: {  	_ =	swait.ge [sflag:s7], s5  }
0x17: {  	s5 =	ssub.s32 $0x0, s5;
	[sflag:s7] =	ssyncset.done $0x0  }
0x18: {  	[sflag:s7] =	ssyncadd.s32 s5;
	_ =	sdelay $0x1  }
0x19: {  	s24 =	simm.s32 $0x1B8B  }
0x1a: {  	_ =	swait.ge [sflag:s24], $0x1  }
0x1b: {  	[sflag:s24] =	ssyncset.done $0x0  }
0x1c: {  	[sflag:s24] =	ssyncadd.s32 $0xFFFFFFFF  }
0x1d: {  	s5 =	sld [smem:$0x0]  }
0x1e: {  	s6 =	sand.u32 $0xFFFFFFFE, s1  }
0x1f: {  	p0 =	sne.s32 s1, s6  }
0x20: {  	s6 =	sshll.u32 @p0 s6, $0xE  }
0x21: {  	s6 =	sadd.s32 @p0 $0x11B8D, s6;
	s7 =	sshll.u32 @p0 s5, $0x11  }
0x22: {  	s6 =	sor.u32 @p0 s7, s6  }
0x23: {  	[sflag:s6] =	ssyncadd.remote.s32 @p0 $0x1;
	_ =	sdelay $0x1  }
0x24: {  	s6 =	simm.s32 @p0 $0x1B8D  }
0x25: {  	_ =	swait.eq @p0 [sflag:s6], $0x1  }
0x26: {  	[sflag:s6] =	ssyncadd.s32 @p0 $0xFFFFFFFF  }
0x27: {  	s7 =	sshll.u32 @!p0 s1, $0xE  }
0x28: {  	s7 =	sor.u32 @!p0 $0x4000, s7;
	s6 =	simm.s32 @!p0 $0x1B8D  }
0x29: {  	s5 =	sshll.u32 @!p0 s5, $0x11;
	s7 =	sadd.s32 @!p0 $0x11B8D, s7;
	_ =	swait.eq @!p0 [sflag:s6], $0x1  }
0x2a: {  	s5 =	sor.u32 @!p0 s5, s7;
	[sflag:s6] =	ssyncadd.s32 @!p0 $0xFFFFFFFF  }
0x2b: {  	s26 =	simm.s32 $0x1B8E;
	s25 =	sld [smem:$0x3FFE];
	[sflag:s5] =	ssyncadd.remote.s32 @!p0 $0x1  }
0x2c: {  	s27 =	simm.s32 $execute0_lowered;
	[smem:$0x3FD2] =	sst s26  }
0x2d: {  	s6 =	sshll.u32 s27, $0x1;
	_ =	strace $0x80000049;
	[dreg:$0x1] =	wrdreg $0xFFFFFFFF  }
0x2e: {  	s28 =	simm.s32 $_size_execute0_lowered;
	s4 =	sadd.s32 s4, s6;
	[dreg:$0x0] =	wrdreg $0x0  }
0x2f: {  	s6 =	sshll.u32 s28, $0x1;
	[dreg:$0x2] =	wrdreg s4  }
0x30: {  	[dreg:$0x3] =	wrdreg s6  }
0x31: {  	[dreg:$0x4] =	wrdreg $0xC0  }
0x32: {  	_ =	task [dreg:s23], $0x5FFFF  }
0x33: {  	[dreg:$0x1] =	wrdreg $0xFFFFFFFF  }
0x34: {  	[dreg:$0x0] =	wrdreg $0x60  }
0x35: {  	[dreg:$0x2] =	wrdreg s19  }
0x36: {  	[dreg:$0x3] =	wrdreg s25  }
0x37: {  	[dreg:$0x4] =	wrdreg $0x9  }
0x38: {  	_ =	task.clear_ibuf [dreg:s23], $0x5FFFF;
	_ =	strace $0x90000049  }
0x39: {  	s29 =	simm.s32 $0x9;
	_ =	strace $0x8000004B  }
0x3a: {  	_ =	swait.ge [sflag:s29], $0x1  }
0x3b: {  	[sflag:s29] =	ssyncadd.s32 $0xFFFFFFFF  }
0x3c: {  	_ =	strace $0x9000004B  }
0x3d: {  	_ =	sfence  }
0x3e: {  	s30 =	sld [smem:$0x0];
	_ =	sdelay $0x2  }
0x3f: {  	s31 =	sshll.u32 s1, $0xD;
	s1 =	sshrl.u32 s1, $0x2  }
0x40: {  	s4 =	sand.u32 $0x4000, s31;
	s1 =	sadd.s32 s1, s30  }
0x41: {  	s0 =	sor.u32 s4, s0;
	s1 =	sshll.u32 s1, $0x11  }
0x42: {  	s0 =	sor.u32 s1, s0  }
0x43: {  	s0 =	sadd.s32 $0x8F2B, s0  }
0x44: {  	[sflag:s0] =	ssyncadd.remote.s32 $0x1  }
0x45: {  	_ =	sfence.sel $0xFFFF  }
0x46: {  	[dreg:$0x0] =	wrdreg $0xFFFFFFFF;
	(pc) =	sbr.abs _section_cstart, $3  }
0x47: {  	[dreg:$0x1] =	wrdreg $0xFFFFFFFF  }
0x48: {  	_ =	task.clear_ibuf [dreg:s23], $0x2FFFF;
	_ =	strace $0x9FFFFFFF  }
0x49: {  	(tm) =	ssettm $0x7FFFFFFF  }
tec
execute0_lowered:
.L_overlay_start_1:
0x0: {  	(tag) =	ssettag $0x1  }
0x1: {  	s0 =	srdreg.scid  }
0x2: {  	s1 =	sshll.u32 s0, $0x4  }
0x3: {  	s2 =	rddreg [dreg:$0x0];
	s0 =	stileid.u32;
	s1 =	sand.u32 $0x10, s1  }
0x4: {  	s4 =	rddreg [dreg:$0x1];
	s7 =	simm.s32 $0x1;
	s1 =	sor.u32 s0, s1  }
0x5: {  	s8 =	simm.s32 $0x2;
	s9 =	simm.s32 $0x0;
	s3 =	sshll.u32 s1, $0x2  }
0x6: {  	s12 =	simm.s32 $0x0;
	s11 =	simm.s32 $0x0;
	s6 =	ssub.s32 $0x1000, s3  }
.Ltmp0:
0x7: {  	s4 =	sadd.s32 $0x200800, s4;
	s5 =	sand.u32 $0x7C, s6;
	(pc) =	sbr.rel .LBB1_1-.Ltmp0, $4  }
0x8: {  	s1 =	rddreg [dreg:$0x2];
	_ =	strace $0x8000004A;
	p0 =	sne.s32 s5, $0x0  }
0x9: {  	s6 =	sshrl.u32 s6, $0x7;
	s5 =	simm.s32 $0x1;
	s7 =	simm.s32 @!p0 $0x0  }
0xa: {  	s10 =	smov.u32 s3;
	[sflag:s5] =	ssyncpa.u1 $0x0;
	s6 =	sadd.s32 s7, s6  }
0xb: {  	[sflag:s8] =	ssyncpa.u1 $0x0;
	s8 =	simm.s32 $0x0;
	s7 =	sadd.s32 $0x1, s6  }
.LBB1_9:
0xc: {  	s14 =	sadd.s32 $0x80, s10  }
0xd: {  	p1 =	sgt.s32 s14, $0xFFF  }
0xe: {  	s14 =	smov.u32 @p1 s3;
	p1 =	sne.s32 s11, s7  }
.Ltmp1:
0xf: {  	p0 =	slt.u32 s11, $0x2;
	(pc) =	sbr.rel @!p1 .LBB1_10-.Ltmp1, $4  }
0x10: {  	s13 =	simm.s32 @!p0 $0x2  }
0x11: {  	s15 =	sadd.s32 $0x1, s11;
	_ =	swait.ge @!p0 [sflag:s13], $0x4000  }
0x12: {  	s12 =	smov.u32 s10;
	s9 =	sadd.s32 $0x4000, s9;
	[sflag:s13] =	ssyncset.done @!p0 $0x0  }
0x13: {  	s11 =	smov.u32 s15;
	s10 =	smov.u32 s14;
	[sflag:s13] =	ssyncadd.s32 @!p0 $0xFFFFC000  }
.LBB1_1:
0x14: {  	p0 =	sge.u32 s11, s6  }
0x15: {  	s13 =	sxor.u32 @!p0 $0xFFFFFFFF, s11  }
0x16: {  	s31 =	sadd.s32 $0xFFFFFFFF, s11;
	s14 =	sshll.u32 @!p0 s10, $0x9;
	s13 =	sshll.u32 @!p0 s13, $0xE  }
0x17: {  	s15 =	simm.s32 @!p0 $0x0;
	s14 =	sadd.s32 @!p0 s2, s14;
	s13 =	sand.u32 @!p0 $0x4000, s13  }
0x18: {  	[tilespmem:s13], [sflag:$0x1] =	stream.linear.gather @!p0 [hbm4b:s14+s15], $0x4000, $0x38;
	[tilespmem:$0x10000] =	vst v63  }
0x19: {  	p0 =	sge.u32 s31, s6  }
.Ltmp2:
0x1a: {  	_ = 	snop;
	(pc) =	sbr.rel @p0 .LBB1_9-.Ltmp2, $1  }
0x1b: {  	_ =	sdelay $0x3  }
0x1c: {  	s14 =	sand.u32 $0x4000, s9  }
0x1d: {  	_ =	swait.ge [sflag:s5], $0x4000;
	s15 =	sshll.u32 s11, $0xE;
	s16 =	simm.s32 $0x0  }
0x1e: {  	s13 =	sor.u32 $0x40, s14;
	[sflag:s5] =	ssyncset.done $0x0;
	s15 =	sand.u32 $0x4000, s15  }
0x1f: {  	s14 =	sor.u32 $0x8040, s14;
	[sflag:s5] =	ssyncadd.s32 $0xFFFFC000;
	s15 =	sor.u32 $0x8000, s15  }
.LBB1_3:
0x20: {  	s17 =	smov.u32 s14;
	s18 =	smov.u32 s13;
	s19 =	simm.s32 $0x0  }
.LBB1_4:
0x21: {  	v0 =	vmov s17;
	v2 =	vld [tilespmem:s18+$0x30]  }
0x22: {  	v4 =	vld [tilespmem:s18+$0xFFFFFFD0]  }
0x23: {  	v6 =	vld [tilespmem:s18+$0xFFFFFFE0]  }
0x24: {  	v7 =	vld [tilespmem:s18+$0xFFFFFFF0]  }
0x25: {  	s20 =	simm.s32 $0x0;
	v1 =	vld [tilespmem:s18+$0x0]  }
0x26: {  	v3 =	vld [tilespmem:s18+$0x10];
	[tilespmem:v0+s20+$0x30 ss:$0x1] =	vst.idx.msk $0xffff, v2  }
0x27: {  	v5 =	vld [tilespmem:s18+$0x20];
	[tilespmem:v0+s20+$0xFFFFFFD0 ss:$0x1] =	vst.idx.msk $0xffff, v4  }
0x28: {  	s21 =	sadd.s32 $0x80, s18;
	v2 =	vld [tilespmem:s18+$0xFFFFFFC0];
	[tilespmem:v0+s20+$0xFFFFFFE0 ss:$0x1] =	vst.idx.msk $0xffff, v6  }
0x29: {  	s22 =	simm.s32 $0x800;
	s23 =	simm.s32 $0x1000;
	v4 =	vld [tilespmem:s21+$0x30];
	[tilespmem:v0+s20+$0xFFFFFFF0 ss:$0x1] =	vst.idx.msk $0xffff, v7  }
.LBB1_5:
0x2a: {  	p0 =	sne.s32 s23, $0x3800;
	v6 =	vld [tilespmem:s21+$0xFFFFFFD0];
	[tilespmem:v0+s20+$0x0 ss:$0x1] =	vst.idx.msk $0xffff, v1  }
0x2b: {  	v7 =	vld [tilespmem:s21+$0xFFFFFFE0];
	[tilespmem:v0+s20+$0x10 ss:$0x1] =	vst.idx.msk $0xffff, v3  }
0x2c: {  	v8 =	vld [tilespmem:s21+$0xFFFFFFF0];
	[tilespmem:v0+s20+$0x20 ss:$0x1] =	vst.idx.msk $0xffff, v5  }
.Ltmp3:
0x2d: {  	v1 =	vld [tilespmem:s21+$0x0];
	[tilespmem:v0+s20+$0xFFFFFFC0 ss:$0x1] =	vst.idx.msk $0xffff, v2;
	s20 =	sshra.s32 s22, $0x2;
	s22 =	smov.u32 s23;
	(pc) =	sbr.rel @p0 .LBB1_5-.Ltmp3, $4  }
0x2e: {  	v3 =	vld [tilespmem:s21+$0x10];
	[tilespmem:v0+s20+$0x30 ss:$0x1] =	vst.idx.msk $0xffff, v4  }
0x2f: {  	[tilespmem:v0+s20+$0xFFFFFFD0 ss:$0x1] =	vst.idx.msk $0xffff, v6;
	v5 =	vld [tilespmem:s21+$0x20]  }
0x30: {  	v2 =	vld [tilespmem:s21+$0xFFFFFFC0];
	[tilespmem:v0+s20+$0xFFFFFFE0 ss:$0x1] =	vst.idx.msk $0xffff, v7;
	s21 =	sadd.s32 $0x80, s21  }
0x31: {  	s23 =	sadd.s32 $0x800, s23;
	v4 =	vld [tilespmem:s21+$0x30];
	[tilespmem:v0+s20+$0xFFFFFFF0 ss:$0x1] =	vst.idx.msk $0xffff, v8  }
0x32: {  	_ =	sdelay $0x3  }
0x33: {  	v6 =	vld [tilespmem:s21+$0xFFFFFFD0];
	[tilespmem:v0+s20+$0x0 ss:$0x1] =	vst.idx.msk $0xffff, v1  }
0x34: {  	v58 =	vld [tilespmem:s21+$0xFFFFFFE0];
	[tilespmem:v0+s20+$0x10 ss:$0x1] =	vst.idx.msk $0xffff, v3  }
0x35: {  	v59 =	vld [tilespmem:s21+$0xFFFFFFF0];
	[tilespmem:v0+s20+$0x20 ss:$0x1] =	vst.idx.msk $0xffff, v5  }
0x36: {  	s22 =	sshra.s32 s22, $0x2;
	v60 =	vld [tilespmem:s21+$0x0];
	[tilespmem:v0+s20+$0xFFFFFFC0 ss:$0x1] =	vst.idx.msk $0xffff, v2  }
0x37: {  	v61 =	vld [tilespmem:s21+$0x10];
	[tilespmem:v0+s22+$0x30 ss:$0x1] =	vst.idx.msk $0xffff, v4  }
0x38: {  	v62 =	vld [tilespmem:s21+$0x20];
	s19 =	sadd.s32 $0x1, s19;
	[tilespmem:v0+s22+$0xFFFFFFD0 ss:$0x1] =	vst.idx.msk $0xffff, v6  }
0x39: {  	v63 =	vld [tilespmem:s21+$0xFFFFFFC0];
	p0 =	sne.s32 s19, $0x4;
	[tilespmem:v0+s22+$0xFFFFFFE0 ss:$0x1] =	vst.idx.msk $0xffff, v58  }
.Ltmp4:
0x3a: {  	[tilespmem:v0+s22+$0xFFFFFFF0 ss:$0x1] =	vst.idx.msk $0xffff, v59;
	(pc) =	sbr.rel @p0 .LBB1_4-.Ltmp4, $4  }
0x3b: {  	[tilespmem:v0+s22+$0x0 ss:$0x1] =	vst.idx.msk $0xffff, v60  }
0x3c: {  	[tilespmem:v0+s22+$0x10 ss:$0x1] =	vst.idx.msk $0xffff, v61  }
0x3d: {  	[tilespmem:v0+s22+$0x20 ss:$0x1] =	vst.idx.msk $0xffff, v62  }
0x3e: {  	s18 =	sadd.s32 $0x400, s18;
	s17 =	sadd.s32 $0x80, s17;
	[tilespmem:v0+s22+$0xFFFFFFC0 ss:$0x1] =	vst.idx.msk $0xffff, v63  }
0x3f: {  	s16 =	sadd.s32 $0x1, s16  }
0x40: {  	p0 =	sne.s32 s16, $0x4  }
.Ltmp5:
0x41: {  	_ = 	snop;
	(pc) =	sbr.rel @p0 .LBB1_3-.Ltmp5, $2  }
0x42: {  	_ =	sdelay $0x2  }
0x43: {  	s13 =	sadd.s32 $0x1000, s13;
	s14 =	sadd.s32 $0x1000, s14  }
.Ltmp6:
0x44: {  	(pc) =	sbr.rel .LBB1_9-.Ltmp6, $4  }
0x45: {  	_ = 	snop  }
0x46: {  	s12 =	sshll.u32 s12, $0x9  }
0x47: {  	s12 =	sadd.s32 s4, s12  }
0x48: {  	[hbm4b:s12+s8] =	stream.linear.scatter [tilespmem:s15], [sflag:$0x2], $0x4000, $0x38;
	[tilespmem:$0x10000] =	vst v63  }
.LBB1_10:
0x49: {  	_ =	sfence.sel $0x180000  }
0x4a: {  	s2 =	simm.s32 $0x1;
	[bflag:$0x0] =	sbarrier.arrive $0xFFFF  }
0x4b: {  	s31 =	simm.s32 $0x2;
	[sflag:s2] =	ssyncpa.u1 $0x1  }
0x4c: {  	[sflag:s31] =	ssyncpa.u1 $0x1  }
0x4d: {  	p0 =	sne.s32 s0, $0x0;
	_ =	strace $0x9000004A  }
0x4e: {  	s0 =	sadd.s32 @!p0 $0x100000, s1;
	[bflag:$0x2] =	sbarrier.arrive $0xFFFF  }
0x4f: {  	[sflag:s0] =	ssyncadd.tile.s32 @!p0 $0x1;
	_ =	shalt  }
.Lfunc_end1:
_tile_overlayer_lowered:
.L_overlay_start_2:
0x50: {  	(tag) =	ssettag $0x2  }
0x51: {  	s0 =	rddreg [dreg:$0x0];
	s2 =	stileid.u32  }
0x52: {  	s1 =	rddreg [dreg:$0x1];
	p0 =	sne.s32 s2, $0x0  }
0x53: {  	s3 =	rddreg [dreg:$0x2];
	[bflag:$0x3] =	sbarrier.arrive $0xFFFF;
	s2 =	simm.s32 @!p0 $0x1C01  }
0x54: {  	[timem:s3], [sflag:s2] =	dma.local @!p0 [hbm:s0], s1  }
0x55: {  	s0 =	simm.s32 @!p0 $0x1  }
0x56: {  	_ =	swait.ge @!p0 [sflag:s0], s1  }
0x57: {  	s1 =	ssub.s32 @!p0 $0x0, s1;
	[sflag:s0] =	ssyncset.done @!p0 $0x0  }
0x58: {  	[sflag:s0] =	ssyncadd.s32 @!p0 s1  }
0x59: {  	[bflag:$0x3] =	sbarrier.arrive $0xFFFF  }
0x5a: {  	_ =	shalt  }

</sc_bundles>
